<compile_context>
chip_gen: v7x
topology: tpu7x:2x2x1
jax: 0.10.2.dev20260603
libtpu: 0.0.44.dev20260713+nightly
codegen_flags: <defaults>
</compile_context>

<pallas_src>
import functools

import jax
import jax.numpy as jnp
from jax import lax
from jax.experimental import pallas as pl
from jax.experimental.pallas import tpu as pltpu
from jax.experimental.pallas import tpu_sc as plsc

N_NODES = 10000
N_EDGES = 160000
D = 256
H = 128
NC = 2
NS = 16
CHUNK = 128
ACC_ROWS = 10240
ROWS_PER_TILE = ACC_ROWS // NS
E_PAD = NS * 80 * CHUNK
CPT = E_PAD // NS // CHUNK
CPW = E_PAD // (NC * NS) // CHUNK

_mesh = plsc.VectorSubcoreMesh(core_axis_name="c", subcore_axis_name="s",
                               num_cores=NC, num_subcores=NS)


def _deg_body(dst_h, ones_h, zz_h, deg_h, dacc, dstv, onesv, rows):
    c = lax.axis_index("c")
    s = lax.axis_index("s")
    w = c * NS + s
    pltpu.sync_copy(dst_h.at[w], dstv)
    pltpu.sync_copy(ones_h, onesv)
    pltpu.sync_copy(zz_h, rows)
    base = s * ROWS_PER_TILE
    for k in range(ROWS_PER_TILE // CHUNK):
        pltpu.sync_copy(rows, dacc.at[pl.ds(base + k * CHUNK, CHUNK)])
    plsc.subcore_barrier()

    def chunk(j, carry):
        pltpu.sync_copy(onesv, dacc.at[dstv.at[j]], add=True)
        return carry

    lax.fori_loop(0, CPW, chunk, 0)
    plsc.subcore_barrier()
    for k in range(ROWS_PER_TILE // CHUNK):
        pltpu.sync_copy(dacc.at[pl.ds(base + k * CHUNK, CHUNK)], rows)
        pltpu.sync_copy(rows, deg_h.at[c].at[pl.ds(base + k * CHUNK, CHUNK)])


_deg_kernel = functools.partial(
    pl.kernel,
    out_type=jax.ShapeDtypeStruct((NC, ACC_ROWS, H), jnp.float32),
    mesh=_mesh,
    scratch_types=[
        pltpu.VMEM_SHARED((ACC_ROWS, H), jnp.float32),
        pltpu.VMEM((CPW, CHUNK), jnp.int32),
        pltpu.VMEM((CHUNK, H), jnp.float32),
        pltpu.VMEM((CHUNK, H), jnp.float32),
    ],
)(_deg_body)


NBUF = 2
IBLK = 40


def _scat_body(src_h, dst_h, ylo_h, yhi_h, zz_h, alo_h, ahi_h,
               acc, sidx, didx, r0, r1, g0, g1, s0, s1):
    rows = (r0, r1)
    gsem = (g0, g1)
    ssem = (s0, s1)
    c = lax.axis_index("c")
    s = lax.axis_index("s")
    pltpu.sync_copy(zz_h, r0)
    base = s * ROWS_PER_TILE
    for k in range(ROWS_PER_TILE // CHUNK):
        pltpu.sync_copy(r0, acc.at[pl.ds(base + k * CHUNK, CHUNK)])
    plsc.subcore_barrier()

    def run(table_h, out_h):
        for blk in range(CPT // IBLK):
            pltpu.sync_copy(src_h.at[s].at[blk], sidx)
            pltpu.sync_copy(dst_h.at[s].at[blk], didx)
            for b in range(NBUF):
                pltpu.async_copy(table_h.at[sidx.at[b]], rows[b], gsem[b])

            def body(t, carry):
                j0 = t * NBUF
                for b in range(NBUF):
                    j = j0 + b
                    pltpu.make_async_copy(table_h.at[sidx.at[j]], rows[b],
                                          gsem[b]).wait()
                    pltpu.async_copy(rows[b], acc.at[didx.at[j]], ssem[b],
                                     add=True)
                for b in range(NBUF):
                    j = j0 + b

                    @pl.when(j + NBUF < IBLK)
                    def _():
                        pltpu.make_async_copy(rows[b], acc.at[didx.at[j]],
                                              ssem[b]).wait()
                        pltpu.async_copy(table_h.at[sidx.at[j + NBUF]],
                                         rows[b], gsem[b])

                return carry

            lax.fori_loop(0, IBLK // NBUF, body, 0)
            for b in range(NBUF):
                j = IBLK - NBUF + b
                pltpu.make_async_copy(rows[b], acc.at[didx.at[j]],
                                      ssem[b]).wait()
        plsc.subcore_barrier()
        for k in range(ROWS_PER_TILE // CHUNK):
            rb = rows[k % 2]
            sb = gsem[k % 2]
            if k >= 2:
                pltpu.make_async_copy(
                    rb, out_h.at[pl.ds(base + (k - 2) * CHUNK, CHUNK)],
                    sb).wait()
            pltpu.sync_copy(acc.at[pl.ds(base + k * CHUNK, CHUNK)], rb)
            pltpu.async_copy(rb, out_h.at[pl.ds(base + k * CHUNK, CHUNK)], sb)
        for k in (3, 4):
            pltpu.make_async_copy(
                rows[k % 2], out_h.at[pl.ds(base + k * CHUNK, CHUNK)],
                gsem[k % 2]).wait()

    @pl.when(c == 0)
    def _():
        run(ylo_h, alo_h)

    @pl.when(c == 1)
    def _():
        run(yhi_h, ahi_h)


_scat_kernel = functools.partial(
    pl.kernel,
    out_type=(jax.ShapeDtypeStruct((ACC_ROWS, H), jnp.float32),
              jax.ShapeDtypeStruct((ACC_ROWS, H), jnp.float32)),
    mesh=_mesh,
    scratch_types=[
        pltpu.VMEM_SHARED((ACC_ROWS, H), jnp.float32),
        pltpu.VMEM((IBLK, CHUNK), jnp.int32),
        pltpu.VMEM((IBLK, CHUNK), jnp.int32),
        pltpu.VMEM((CHUNK, H), jnp.float32),
        pltpu.VMEM((CHUNK, H), jnp.float32),
        pltpu.SemaphoreType.DMA,
        pltpu.SemaphoreType.DMA,
        pltpu.SemaphoreType.DMA,
        pltpu.SemaphoreType.DMA,
    ],
)(_scat_body)


RM = 1000
GRID = N_NODES // RM


def _dis_from(d0, d1):
    deg = d0[:, :1] + d1[:, :1] + 1.0
    return lax.rsqrt(deg)


def _mmT(a, w):
    return lax.dot_general(a, w, (((1,), (1,)), ((), ())),
                           preferred_element_type=jnp.float32)


def _tc0_body(x_ref, w0_ref, b0_ref, h_ref):
    h_ref[...] = jnp.maximum(_mmT(x_ref[...], w0_ref[...]) + b0_ref[...], 0.0)


def _tc1_body(h_ref, wc_ref, d0_ref, d1_ref, ylo_ref, yhi_ref):
    dis = _dis_from(d0_ref[...], d1_ref[...])
    y = _mmT(h_ref[...], wc_ref[...]) * dis
    ylo_ref[...] = y[:, :H]
    yhi_ref[...] = y[:, H:]


def _tc2_body(alo_ref, ahi_ref, ylo_ref, yhi_ref, b_ref, wc_ref,
              d0_ref, d1_ref, olo_ref, ohi_ref):
    dis = _dis_from(d0_ref[...], d1_ref[...])
    a = jnp.concatenate([alo_ref[...], ahi_ref[...]], axis=1)
    y = jnp.concatenate([ylo_ref[...], yhi_ref[...]], axis=1)
    h = jnp.maximum(dis * (a + y) + b_ref[...], 0.0)
    y2 = _mmT(h, wc_ref[...]) * dis
    olo_ref[...] = y2[:, :H]
    ohi_ref[...] = y2[:, H:]


def _tc3_body(alo_ref, ahi_ref, ylo_ref, yhi_ref, b_ref, w1_ref, b1_ref,
              d0_ref, d1_ref, out_ref):
    dis = _dis_from(d0_ref[...], d1_ref[...])
    a = jnp.concatenate([alo_ref[...], ahi_ref[...]], axis=1)
    y = jnp.concatenate([ylo_ref[...], yhi_ref[...]], axis=1)
    h = jnp.maximum(dis * (a + y) + b_ref[...], 0.0)
    out_ref[...] = _mmT(h, w1_ref[...]) + b1_ref[0, 0]


def _rows_spec(w):
    return pl.BlockSpec((RM, w), lambda i: (i, 0))


def _full_spec(shape):
    return pl.BlockSpec(shape, lambda i: tuple(0 for _ in shape))


_tc0 = pl.pallas_call(
    _tc0_body,
    grid=(GRID,),
    in_specs=[_rows_spec(D), _full_spec((D, D)), _full_spec((1, D))],
    out_specs=_rows_spec(D),
    out_shape=jax.ShapeDtypeStruct((N_NODES, D), jnp.float32),
)

_tc1 = pl.pallas_call(
    _tc1_body,
    grid=(GRID,),
    in_specs=[_rows_spec(D), _full_spec((D, D)),
              _rows_spec(H), _rows_spec(H)],
    out_specs=(_rows_spec(H), _rows_spec(H)),
    out_shape=(jax.ShapeDtypeStruct((N_NODES, H), jnp.float32),
               jax.ShapeDtypeStruct((N_NODES, H), jnp.float32)),
)

_tc2 = pl.pallas_call(
    _tc2_body,
    grid=(GRID,),
    in_specs=[_rows_spec(H), _rows_spec(H), _rows_spec(H), _rows_spec(H),
              _full_spec((1, D)), _full_spec((D, D)),
              _rows_spec(H), _rows_spec(H)],
    out_specs=(_rows_spec(H), _rows_spec(H)),
    out_shape=(jax.ShapeDtypeStruct((N_NODES, H), jnp.float32),
               jax.ShapeDtypeStruct((N_NODES, H), jnp.float32)),
)

_tc3 = pl.pallas_call(
    _tc3_body,
    grid=(GRID,),
    in_specs=[_rows_spec(H), _rows_spec(H), _rows_spec(H), _rows_spec(H),
              _full_spec((1, D)), _full_spec((H, D)), _full_spec((1, 1)),
              _rows_spec(H), _rows_spec(H)],
    out_specs=pl.BlockSpec((RM, H), lambda i: (i, 0)),
    out_shape=jax.ShapeDtypeStruct((N_NODES, H), jnp.float32),
)


@jax.jit
def kernel(x, edge_index, W0, b0, Wc1, bc1, Wc2, bc2, W1, b1):
    src = edge_index[0].astype(jnp.int32)
    dst = edge_index[1].astype(jnp.int32)
    pad = E_PAD - N_EDGES
    srcp = jnp.concatenate([src, jnp.zeros((pad,), jnp.int32)])
    dstp = jnp.concatenate([dst, jnp.full((pad,), N_NODES, jnp.int32)])
    src3 = srcp.reshape(NS, CPT // IBLK, IBLK, CHUNK)
    dst3 = dstp.reshape(NS, CPT // IBLK, IBLK, CHUNK)
    dst3w = dstp.reshape(NC * NS, CPW, CHUNK)
    ones_h = jnp.ones((CHUNK, H), jnp.float32)
    zz_h = jnp.zeros((CHUNK, H), jnp.float32)

    deg2 = _deg_kernel(dst3w, ones_h, zz_h)
    d0, d1 = deg2[0], deg2[1]

    b0r = b0.reshape(1, D)
    bc1r = bc1.reshape(1, D)
    bc2r = bc2.reshape(1, D)
    b1r = b1.reshape(1, 1)

    h1 = _tc0(x, W0, b0r)
    y1lo, y1hi = _tc1(h1, Wc1, d0[:N_NODES], d1[:N_NODES])
    a1lo, a1hi = _scat_kernel(src3, dst3, y1lo, y1hi, zz_h)
    W1p = jnp.zeros((H, D), jnp.float32).at[0].set(W1[0])
    y2lo, y2hi = _tc2(a1lo[:N_NODES], a1hi[:N_NODES], y1lo, y1hi,
                      bc1r, Wc2, d0[:N_NODES], d1[:N_NODES])
    a2lo, a2hi = _scat_kernel(src3, dst3, y2lo, y2hi, zz_h)
    outp = _tc3(a2lo[:N_NODES], a2hi[:N_NODES], y2lo, y2hi,
                bc2r, W1p, b1r, d0[:N_NODES], d1[:N_NODES])
    return outp[:, :1]

# --- scband reference (transcript-rebuilt; emitter-appended) ---
"""Pipeline reference for scband-gcn-16716012716349 (READ-ONLY COPY).

The authoritative reference and input builder live on the scoring server;
editing this copy changes nothing except your own understanding.
"""

import jax, jax.numpy as jnp
import numpy as np

N_NODES = 10000
N_EDGES = 160000
D = 256


def setup_inputs(seed: int = 0) -> dict:
    key = jax.random.key(seed)
    ks = jax.random.split(key, 12)
    x = jax.random.normal(ks[0], (N_NODES, D), dtype=jnp.float32)
    edge_index = jax.random.randint(ks[1], (2, N_EDGES), 0, N_NODES, dtype=jnp.int64)
    W0 = jax.random.normal(ks[2], (D, D), dtype=jnp.float32) * 0.05
    b0 = jax.random.normal(ks[3], (D,), dtype=jnp.float32) * 0.05
    Wc1 = jax.random.normal(ks[4], (D, D), dtype=jnp.float32) * 0.05
    bc1 = jax.random.normal(ks[5], (D,), dtype=jnp.float32) * 0.05
    Wc2 = jax.random.normal(ks[6], (D, D), dtype=jnp.float32) * 0.05
    bc2 = jax.random.normal(ks[7], (D,), dtype=jnp.float32) * 0.05
    W1 = jax.random.normal(ks[8], (1, D), dtype=jnp.float32) * 0.05
    b1 = jax.random.normal(ks[9], (1,), dtype=jnp.float32) * 0.05
    return {"x": x, "edge_index": edge_index, "W0": W0, "b0": b0,
            "Wc1": Wc1, "bc1": bc1, "Wc2": Wc2, "bc2": bc2,
            "W1": W1, "b1": b1}


def gcn_conv(x, src, dst, W, b, n_nodes):
    # PyG GCNConv: add self loops, symmetric normalization, linear (no bias in lin), then bias
    loop = jnp.arange(n_nodes, dtype=src.dtype)
    s = jnp.concatenate([src, loop])
    d = jnp.concatenate([dst, loop])
    ew = jnp.ones(s.shape[0], dtype=x.dtype)
    deg = jax.ops.segment_sum(ew, d, num_segments=n_nodes)
    dis = jnp.where(deg > 0, jax.lax.rsqrt(jnp.maximum(deg, 1e-12)), 0.0)
    norm = dis[s] * ew * dis[d]
    xw = x @ W.T
    msg = xw[s] * norm[:, None]
    out = jax.ops.segment_sum(msg, d, num_segments=n_nodes)
    return out + b


def reference(x, edge_index, W0, b0, Wc1, bc1, Wc2, bc2, W1, b1):
    # dropout p=0.0 in eval mode -> identity
    src, dst = edge_index[0], edge_index[1]
    h = jax.nn.relu(x @ W0.T + b0)
    h = jax.nn.relu(gcn_conv(h, src, dst, Wc1, bc1, N_NODES))
    h = jax.nn.relu(gcn_conv(h, src, dst, Wc2, bc2, N_NODES))
    out = h @ W1.T + b1
    return out

if __name__ == "__main__":
    import jax
    _d = setup_inputs()
    print(jax.jit(kernel)(*tuple(_d.values())))

</pallas_src>

<mosaic_0001>
#map = affine_map<(d0, d1) -> (0, 0, 0)>
#map1 = affine_map<(d0, d1) -> (0, 0)>
module attributes {stable_mosaic.version = 14 : i64} {
  func.func @_deg_body(%arg0: i32, %arg1: i32, %arg2: memref<32x40x128xi32, #tpu.memory_space<hbm>>, %arg3: memref<128x128xf32, #tpu.memory_space<hbm>>, %arg4: memref<128x128xf32, #tpu.memory_space<hbm>>, %arg5: memref<2x10240x128xf32, #tpu.memory_space<hbm>>, %arg6: memref<10240x128xf32, #tpu.memory_space<vmem_shared>>, %arg7: memref<40x128xi32, #tpu.memory_space<vmem>>, %arg8: memref<128x128xf32, #tpu.memory_space<vmem>>, %arg9: memref<128x128xf32, #tpu.memory_space<vmem>>) attributes {dimension_semantics = [#tpu.dimension_semantics<core_parallel>, #tpu.dimension_semantics<subcore_parallel>], iteration_bounds = array<i64: 2, 16>, scalar_prefetch = 0 : i64, scratch_operands = 4 : i64, tpu.core_type = #tpu.core_type<sc_vector_subcore>, window_params = [{transform_indices = #map}, {transform_indices = #map1}, {transform_indices = #map1}, {transform_indices = #map}]} {
    %mul3A = arith.constant 16 : i32
    %mul3A_0 = arith.muli %arg0, %mul3A : i32
    %add3A = arith.addi %mul3A_0, %arg1 : i32
    "tpu.region"() ({
      %run_scoped3A = tpu.sem_alloc : memref<!tpu.dma_semaphore, #tpu.memory_space<semaphore_mem>>
      %dma_start3A = arith.constant 0 : i32
      %dma_start3A_39 = arith.constant 0 : i32
      %dma_start3A_40 = tpu.memref_slice %arg2[%add3A, %dma_start3A, %dma_start3A_39] : memref<32x40x128xi32, #tpu.memory_space<hbm>> -> memref<1x40x128xi32, #tpu.memory_space<hbm>>
      %dma_start3A_41 = tpu.memref_squeeze %dma_start3A_40 : memref<1x40x128xi32, #tpu.memory_space<hbm>> -> memref<40x128xi32, #tpu.memory_space<hbm>>
      %dma_start3A_42 = arith.constant 0 : i32
      %dma_start3A_43 = arith.constant 0 : i32
      %dma_start3A_44 = tpu.memref_slice %arg2[%add3A, %dma_start3A_42, %dma_start3A_43] : memref<32x40x128xi32, #tpu.memory_space<hbm>> -> memref<1x40x128xi32, #tpu.memory_space<hbm>>
      %dma_start3A_45 = tpu.memref_squeeze %dma_start3A_44 : memref<1x40x128xi32, #tpu.memory_space<hbm>> -> memref<40x128xi32, #tpu.memory_space<hbm>>
      tpu.enqueue_dma source(%dma_start3A_45 : memref<40x128xi32, #tpu.memory_space<hbm>>) target(%arg7 : memref<40x128xi32, #tpu.memory_space<vmem>>) target_semaphore(%run_scoped3A : memref<!tpu.dma_semaphore, #tpu.memory_space<semaphore_mem>>)
      %dma_wait3A = arith.constant 0 : i32
      %dma_wait3A_46 = arith.constant 0 : i32
      %dma_wait3A_47 = tpu.memref_slice %arg2[%add3A, %dma_wait3A, %dma_wait3A_46] : memref<32x40x128xi32, #tpu.memory_space<hbm>> -> memref<1x40x128xi32, #tpu.memory_space<hbm>>
      %dma_wait3A_48 = tpu.memref_squeeze %dma_wait3A_47 : memref<1x40x128xi32, #tpu.memory_space<hbm>> -> memref<40x128xi32, #tpu.memory_space<hbm>>
      %dma_wait3A_49 = arith.constant 0 : i32
      %dma_wait3A_50 = arith.constant 0 : i32
      %dma_wait3A_51 = tpu.memref_slice %arg2[%add3A, %dma_wait3A_49, %dma_wait3A_50] : memref<32x40x128xi32, #tpu.memory_space<hbm>> -> memref<1x40x128xi32, #tpu.memory_space<hbm>>
      %dma_wait3A_52 = tpu.memref_squeeze %dma_wait3A_51 : memref<1x40x128xi32, #tpu.memory_space<hbm>> -> memref<40x128xi32, #tpu.memory_space<hbm>>
      tpu.wait_dma2 semaphore(%run_scoped3A : memref<!tpu.dma_semaphore, #tpu.memory_space<semaphore_mem>>) src(%dma_wait3A_52 : memref<40x128xi32, #tpu.memory_space<hbm>>) dst(%arg7 : memref<40x128xi32, #tpu.memory_space<vmem>>)
      tpu.yield
    }) : () -> ()
    "tpu.region"() ({
      %run_scoped3A = tpu.sem_alloc : memref<!tpu.dma_semaphore, #tpu.memory_space<semaphore_mem>>
      tpu.enqueue_dma source(%arg3 : memref<128x128xf32, #tpu.memory_space<hbm>>) target(%arg8 : memref<128x128xf32, #tpu.memory_space<vmem>>) target_semaphore(%run_scoped3A : memref<!tpu.dma_semaphore, #tpu.memory_space<semaphore_mem>>)
      tpu.wait_dma2 semaphore(%run_scoped3A : memref<!tpu.dma_semaphore, #tpu.memory_space<semaphore_mem>>) src(%arg3 : memref<128x128xf32, #tpu.memory_space<hbm>>) dst(%arg8 : memref<128x128xf32, #tpu.memory_space<vmem>>)
      tpu.yield
    }) : () -> ()
    "tpu.region"() ({
      %run_scoped3A = tpu.sem_alloc : memref<!tpu.dma_semaphore, #tpu.memory_space<semaphore_mem>>
      tpu.enqueue_dma source(%arg4 : memref<128x128xf32, #tpu.memory_space<hbm>>) target(%arg9 : memref<128x128xf32, #tpu.memory_space<vmem>>) target_semaphore(%run_scoped3A : memref<!tpu.dma_semaphore, #tpu.memory_space<semaphore_mem>>)
      tpu.wait_dma2 semaphore(%run_scoped3A : memref<!tpu.dma_semaphore, #tpu.memory_space<semaphore_mem>>) src(%arg4 : memref<128x128xf32, #tpu.memory_space<hbm>>) dst(%arg9 : memref<128x128xf32, #tpu.memory_space<vmem>>)
      tpu.yield
    }) : () -> ()
    %mul3A_1 = arith.constant 640 : i32
    %mul3A_2 = arith.muli %arg1, %mul3A_1 : i32
    %add3A_3 = arith.constant 0 : i32
    %add3A_4 = arith.addi %mul3A_2, %add3A_3 : i32
    "tpu.region"() ({
      %run_scoped3A = tpu.sem_alloc : memref<!tpu.dma_semaphore, #tpu.memory_space<semaphore_mem>>
      %dma_start3A = arith.constant 0 : i32
      %dma_start3A_39 = tpu.memref_slice %arg6[%add3A_4, %dma_start3A] : memref<10240x128xf32, #tpu.memory_space<vmem_shared>> -> memref<128x128xf32, #tpu.memory_space<vmem_shared>>
      %dma_start3A_40 = arith.constant 0 : i32
      %dma_start3A_41 = tpu.memref_slice %arg6[%add3A_4, %dma_start3A_40] : memref<10240x128xf32, #tpu.memory_space<vmem_shared>> -> memref<128x128xf32, #tpu.memory_space<vmem_shared>>
      tpu.enqueue_dma source(%arg9 : memref<128x128xf32, #tpu.memory_space<vmem>>) target(%dma_start3A_41 : memref<128x128xf32, #tpu.memory_space<vmem_shared>>) target_semaphore(%run_scoped3A : memref<!tpu.dma_semaphore, #tpu.memory_space<semaphore_mem>>)
      %dma_wait3A = arith.constant 0 : i32
      %dma_wait3A_42 = tpu.memref_slice %arg6[%add3A_4, %dma_wait3A] : memref<10240x128xf32, #tpu.memory_space<vmem_shared>> -> memref<128x128xf32, #tpu.memory_space<vmem_shared>>
      %dma_wait3A_43 = arith.constant 0 : i32
      %dma_wait3A_44 = tpu.memref_slice %arg6[%add3A_4, %dma_wait3A_43] : memref<10240x128xf32, #tpu.memory_space<vmem_shared>> -> memref<128x128xf32, #tpu.memory_space<vmem_shared>>
      tpu.wait_dma2 semaphore(%run_scoped3A : memref<!tpu.dma_semaphore, #tpu.memory_space<semaphore_mem>>) src(%arg9 : memref<128x128xf32, #tpu.memory_space<vmem>>) dst(%dma_wait3A_44 : memref<128x128xf32, #tpu.memory_space<vmem_shared>>)
      tpu.yield
    }) : () -> ()
    %add3A_5 = arith.constant 128 : i32
    %add3A_6 = arith.addi %mul3A_2, %add3A_5 : i32
    "tpu.region"() ({
      %run_scoped3A = tpu.sem_alloc : memref<!tpu.dma_semaphore, #tpu.memory_space<semaphore_mem>>
      %dma_start3A = arith.constant 0 : i32
      %dma_start3A_39 = tpu.memref_slice %arg6[%add3A_6, %dma_start3A] : memref<10240x128xf32, #tpu.memory_space<vmem_shared>> -> memref<128x128xf32, #tpu.memory_space<vmem_shared>>
      %dma_start3A_40 = arith.constant 0 : i32
      %dma_start3A_41 = tpu.memref_slice %arg6[%add3A_6, %dma_start3A_40] : memref<10240x128xf32, #tpu.memory_space<vmem_shared>> -> memref<128x128xf32, #tpu.memory_space<vmem_shared>>
      tpu.enqueue_dma source(%arg9 : memref<128x128xf32, #tpu.memory_space<vmem>>) target(%dma_start3A_41 : memref<128x128xf32, #tpu.memory_space<vmem_shared>>) target_semaphore(%run_scoped3A : memref<!tpu.dma_semaphore, #tpu.memory_space<semaphore_mem>>)
      %dma_wait3A = arith.constant 0 : i32
      %dma_wait3A_42 = tpu.memref_slice %arg6[%add3A_6, %dma_wait3A] : memref<10240x128xf32, #tpu.memory_space<vmem_shared>> -> memref<128x128xf32, #tpu.memory_space<vmem_shared>>
      %dma_wait3A_43 = arith.constant 0 : i32
      %dma_wait3A_44 = tpu.memref_slice %arg6[%add3A_6, %dma_wait3A_43] : memref<10240x128xf32, #tpu.memory_space<vmem_shared>> -> memref<128x128xf32, #tpu.memory_space<vmem_shared>>
      tpu.wait_dma2 semaphore(%run_scoped3A : memref<!tpu.dma_semaphore, #tpu.memory_space<semaphore_mem>>) src(%arg9 : memref<128x128xf32, #tpu.memory_space<vmem>>) dst(%dma_wait3A_44 : memref<128x128xf32, #tpu.memory_space<vmem_shared>>)
      tpu.yield
    }) : () -> ()
    %add3A_7 = arith.constant 256 : i32
    %add3A_8 = arith.addi %mul3A_2, %add3A_7 : i32
    "tpu.region"() ({
      %run_scoped3A = tpu.sem_alloc : memref<!tpu.dma_semaphore, #tpu.memory_space<semaphore_mem>>
      %dma_start3A = arith.constant 0 : i32
      %dma_start3A_39 = tpu.memref_slice %arg6[%add3A_8, %dma_start3A] : memref<10240x128xf32, #tpu.memory_space<vmem_shared>> -> memref<128x128xf32, #tpu.memory_space<vmem_shared>>
      %dma_start3A_40 = arith.constant 0 : i32
      %dma_start3A_41 = tpu.memref_slice %arg6[%add3A_8, %dma_start3A_40] : memref<10240x128xf32, #tpu.memory_space<vmem_shared>> -> memref<128x128xf32, #tpu.memory_space<vmem_shared>>
      tpu.enqueue_dma source(%arg9 : memref<128x128xf32, #tpu.memory_space<vmem>>) target(%dma_start3A_41 : memref<128x128xf32, #tpu.memory_space<vmem_shared>>) target_semaphore(%run_scoped3A : memref<!tpu.dma_semaphore, #tpu.memory_space<semaphore_mem>>)
      %dma_wait3A = arith.constant 0 : i32
      %dma_wait3A_42 = tpu.memref_slice %arg6[%add3A_8, %dma_wait3A] : memref<10240x128xf32, #tpu.memory_space<vmem_shared>> -> memref<128x128xf32, #tpu.memory_space<vmem_shared>>
      %dma_wait3A_43 = arith.constant 0 : i32
      %dma_wait3A_44 = tpu.memref_slice %arg6[%add3A_8, %dma_wait3A_43] : memref<10240x128xf32, #tpu.memory_space<vmem_shared>> -> memref<128x128xf32, #tpu.memory_space<vmem_shared>>
      tpu.wait_dma2 semaphore(%run_scoped3A : memref<!tpu.dma_semaphore, #tpu.memory_space<semaphore_mem>>) src(%arg9 : memref<128x128xf32, #tpu.memory_space<vmem>>) dst(%dma_wait3A_44 : memref<128x128xf32, #tpu.memory_space<vmem_shared>>)
      tpu.yield
    }) : () -> ()
    %add3A_9 = arith.constant 384 : i32
    %add3A_10 = arith.addi %mul3A_2, %add3A_9 : i32
    "tpu.region"() ({
      %run_scoped3A = tpu.sem_alloc : memref<!tpu.dma_semaphore, #tpu.memory_space<semaphore_mem>>
      %dma_start3A = arith.constant 0 : i32
      %dma_start3A_39 = tpu.memref_slice %arg6[%add3A_10, %dma_start3A] : memref<10240x128xf32, #tpu.memory_space<vmem_shared>> -> memref<128x128xf32, #tpu.memory_space<vmem_shared>>
      %dma_start3A_40 = arith.constant 0 : i32
      %dma_start3A_41 = tpu.memref_slice %arg6[%add3A_10, %dma_start3A_40] : memref<10240x128xf32, #tpu.memory_space<vmem_shared>> -> memref<128x128xf32, #tpu.memory_space<vmem_shared>>
      tpu.enqueue_dma source(%arg9 : memref<128x128xf32, #tpu.memory_space<vmem>>) target(%dma_start3A_41 : memref<128x128xf32, #tpu.memory_space<vmem_shared>>) target_semaphore(%run_scoped3A : memref<!tpu.dma_semaphore, #tpu.memory_space<semaphore_mem>>)
      %dma_wait3A = arith.constant 0 : i32
      %dma_wait3A_42 = tpu.memref_slice %arg6[%add3A_10, %dma_wait3A] : memref<10240x128xf32, #tpu.memory_space<vmem_shared>> -> memref<128x128xf32, #tpu.memory_space<vmem_shared>>
      %dma_wait3A_43 = arith.constant 0 : i32
      %dma_wait3A_44 = tpu.memref_slice %arg6[%add3A_10, %dma_wait3A_43] : memref<10240x128xf32, #tpu.memory_space<vmem_shared>> -> memref<128x128xf32, #tpu.memory_space<vmem_shared>>
      tpu.wait_dma2 semaphore(%run_scoped3A : memref<!tpu.dma_semaphore, #tpu.memory_space<semaphore_mem>>) src(%arg9 : memref<128x128xf32, #tpu.memory_space<vmem>>) dst(%dma_wait3A_44 : memref<128x128xf32, #tpu.memory_space<vmem_shared>>)
      tpu.yield
    }) : () -> ()
    %add3A_11 = arith.constant 512 : i32
    %add3A_12 = arith.addi %mul3A_2, %add3A_11 : i32
    "tpu.region"() ({
      %run_scoped3A = tpu.sem_alloc : memref<!tpu.dma_semaphore, #tpu.memory_space<semaphore_mem>>
      %dma_start3A = arith.constant 0 : i32
      %dma_start3A_39 = tpu.memref_slice %arg6[%add3A_12, %dma_start3A] : memref<10240x128xf32, #tpu.memory_space<vmem_shared>> -> memref<128x128xf32, #tpu.memory_space<vmem_shared>>
      %dma_start3A_40 = arith.constant 0 : i32
      %dma_start3A_41 = tpu.memref_slice %arg6[%add3A_12, %dma_start3A_40] : memref<10240x128xf32, #tpu.memory_space<vmem_shared>> -> memref<128x128xf32, #tpu.memory_space<vmem_shared>>
      tpu.enqueue_dma source(%arg9 : memref<128x128xf32, #tpu.memory_space<vmem>>) target(%dma_start3A_41 : memref<128x128xf32, #tpu.memory_space<vmem_shared>>) target_semaphore(%run_scoped3A : memref<!tpu.dma_semaphore, #tpu.memory_space<semaphore_mem>>)
      %dma_wait3A = arith.constant 0 : i32
      %dma_wait3A_42 = tpu.memref_slice %arg6[%add3A_12, %dma_wait3A] : memref<10240x128xf32, #tpu.memory_space<vmem_shared>> -> memref<128x128xf32, #tpu.memory_space<vmem_shared>>
      %dma_wait3A_43 = arith.constant 0 : i32
      %dma_wait3A_44 = tpu.memref_slice %arg6[%add3A_12, %dma_wait3A_43] : memref<10240x128xf32, #tpu.memory_space<vmem_shared>> -> memref<128x128xf32, #tpu.memory_space<vmem_shared>>
      tpu.wait_dma2 semaphore(%run_scoped3A : memref<!tpu.dma_semaphore, #tpu.memory_space<semaphore_mem>>) src(%arg9 : memref<128x128xf32, #tpu.memory_space<vmem>>) dst(%dma_wait3A_44 : memref<128x128xf32, #tpu.memory_space<vmem_shared>>)
      tpu.yield
    }) : () -> ()
    %barrier3A = arith.constant 0 : index
    tpu.barrier barrier_id(%barrier3A)
    %scan3A = arith.constant 0 : i32
    %scan3A_13 = arith.constant 0 : i32
    %scan3A_14 = arith.constant 40 : i32
    %scan3A_15 = arith.addi %scan3A_13, %scan3A_14 : i32
    %scan3A_16 = arith.constant 1 : i32
    scf.for %scan3A_39 = %scan3A_13 to %scan3A_15 step %scan3A_16  : i32 {
      "tpu.region"() ({
        %run_scoped3A = tpu.sem_alloc : memref<!tpu.dma_semaphore, #tpu.memory_space<semaphore_mem>>
        %dma_start3A = arith.constant 0 : i32
        %dma_start3A_40 = tpu.memref_slice %arg7[%scan3A_39, %dma_start3A] : memref<40x128xi32, #tpu.memory_space<vmem>> -> memref<1x128xi32, #tpu.memory_space<vmem>>
        %dma_start3A_41 = tpu.memref_squeeze %dma_start3A_40 : memref<1x128xi32, #tpu.memory_space<vmem>> -> memref<128xi32, #tpu.memory_space<vmem>>
        %dma_start3A_42 = arith.constant 0 : i32
        %dma_start3A_43 = arith.constant 0 : i32
        %dma_start3A_44 = tpu.memref_slice %arg6[%dma_start3A_42, %dma_start3A_43] : memref<10240x128xf32, #tpu.memory_space<vmem_shared>> -> memref<10240x128xf32, #tpu.memory_space<vmem_shared>>
        tpu.enqueue_indirect_dma source(%arg8 : memref<128x128xf32, #tpu.memory_space<vmem>>) target(%dma_start3A_44 : memref<10240x128xf32, #tpu.memory_space<vmem_shared>>) offsets(%dma_start3A_41 : memref<128xi32, #tpu.memory_space<vmem>>) semaphore(%run_scoped3A : memref<!tpu.dma_semaphore, #tpu.memory_space<semaphore_mem>>) {add = true}
        %dma_wait3A = arith.constant 0 : i32
        %dma_wait3A_45 = tpu.memref_slice %arg7[%scan3A_39, %dma_wait3A] : memref<40x128xi32, #tpu.memory_space<vmem>> -> memref<1x128xi32, #tpu.memory_space<vmem>>
        %dma_wait3A_46 = tpu.memref_squeeze %dma_wait3A_45 : memref<1x128xi32, #tpu.memory_space<vmem>> -> memref<128xi32, #tpu.memory_space<vmem>>
        %dma_wait3A_47 = arith.constant 0 : i32
        %dma_wait3A_48 = arith.constant 0 : i32
        %dma_wait3A_49 = tpu.memref_slice %arg6[%dma_wait3A_47, %dma_wait3A_48] : memref<10240x128xf32, #tpu.memory_space<vmem_shared>> -> memref<10240x128xf32, #tpu.memory_space<vmem_shared>>
        tpu.wait_indirect_dma semaphore(%run_scoped3A : memref<!tpu.dma_semaphore, #tpu.memory_space<semaphore_mem>>) src(%arg8 : memref<128x128xf32, #tpu.memory_space<vmem>>) dst(%dma_wait3A_49 : memref<10240x128xf32, #tpu.memory_space<vmem_shared>>)
        tpu.yield
      }) : () -> ()
    }
    %scan3A_17 = arith.constant 40 : i32
    %barrier3A_18 = arith.constant 0 : index
    tpu.barrier barrier_id(%barrier3A_18)
    %add3A_19 = arith.constant 0 : i32
    %add3A_20 = arith.addi %mul3A_2, %add3A_19 : i32
    "tpu.region"() ({
      %run_scoped3A = tpu.sem_alloc : memref<!tpu.dma_semaphore, #tpu.memory_space<semaphore_mem>>
      %dma_start3A = arith.constant 0 : i32
      %dma_start3A_39 = tpu.memref_slice %arg6[%add3A_20, %dma_start3A] : memref<10240x128xf32, #tpu.memory_space<vmem_shared>> -> memref<128x128xf32, #tpu.memory_space<vmem_shared>>
      %dma_start3A_40 = arith.constant 0 : i32
      %dma_start3A_41 = tpu.memref_slice %arg6[%add3A_20, %dma_start3A_40] : memref<10240x128xf32, #tpu.memory_space<vmem_shared>> -> memref<128x128xf32, #tpu.memory_space<vmem_shared>>
      tpu.enqueue_dma source(%dma_start3A_41 : memref<128x128xf32, #tpu.memory_space<vmem_shared>>) target(%arg9 : memref<128x128xf32, #tpu.memory_space<vmem>>) target_semaphore(%run_scoped3A : memref<!tpu.dma_semaphore, #tpu.memory_space<semaphore_mem>>)
      %dma_wait3A = arith.constant 0 : i32
      %dma_wait3A_42 = tpu.memref_slice %arg6[%add3A_20, %dma_wait3A] : memref<10240x128xf32, #tpu.memory_space<vmem_shared>> -> memref<128x128xf32, #tpu.memory_space<vmem_shared>>
      %dma_wait3A_43 = arith.constant 0 : i32
      %dma_wait3A_44 = tpu.memref_slice %arg6[%add3A_20, %dma_wait3A_43] : memref<10240x128xf32, #tpu.memory_space<vmem_shared>> -> memref<128x128xf32, #tpu.memory_space<vmem_shared>>
      tpu.wait_dma2 semaphore(%run_scoped3A : memref<!tpu.dma_semaphore, #tpu.memory_space<semaphore_mem>>) src(%dma_wait3A_44 : memref<128x128xf32, #tpu.memory_space<vmem_shared>>) dst(%arg9 : memref<128x128xf32, #tpu.memory_space<vmem>>)
      tpu.yield
    }) : () -> ()
    %add3A_21 = arith.constant 0 : i32
    %add3A_22 = arith.addi %mul3A_2, %add3A_21 : i32
    "tpu.region"() ({
      %run_scoped3A = tpu.sem_alloc : memref<!tpu.dma_semaphore, #tpu.memory_space<semaphore_mem>>
      %dma_start3A = arith.constant 0 : i32
      %dma_start3A_39 = arith.constant 0 : i32
      %dma_start3A_40 = tpu.memref_slice %arg5[%arg0, %dma_start3A, %dma_start3A_39] : memref<2x10240x128xf32, #tpu.memory_space<hbm>> -> memref<1x10240x128xf32, #tpu.memory_space<hbm>>
      %dma_start3A_41 = tpu.memref_squeeze %dma_start3A_40 : memref<1x10240x128xf32, #tpu.memory_space<hbm>> -> memref<10240x128xf32, #tpu.memory_space<hbm>>
      %dma_start3A_42 = arith.constant 0 : i32
      %dma_start3A_43 = tpu.memref_slice %dma_start3A_41[%add3A_22, %dma_start3A_42] : memref<10240x128xf32, #tpu.memory_space<hbm>> -> memref<128x128xf32, #tpu.memory_space<hbm>>
      %dma_start3A_44 = arith.constant 0 : i32
      %dma_start3A_45 = arith.constant 0 : i32
      %dma_start3A_46 = tpu.memref_slice %arg5[%arg0, %dma_start3A_44, %dma_start3A_45] : memref<2x10240x128xf32, #tpu.memory_space<hbm>> -> memref<1x10240x128xf32, #tpu.memory_space<hbm>>
      %dma_start3A_47 = tpu.memref_squeeze %dma_start3A_46 : memref<1x10240x128xf32, #tpu.memory_space<hbm>> -> memref<10240x128xf32, #tpu.memory_space<hbm>>
      %dma_start3A_48 = arith.constant 0 : i32
      %dma_start3A_49 = tpu.memref_slice %dma_start3A_47[%add3A_22, %dma_start3A_48] : memref<10240x128xf32, #tpu.memory_space<hbm>> -> memref<128x128xf32, #tpu.memory_space<hbm>>
      tpu.enqueue_dma source(%arg9 : memref<128x128xf32, #tpu.memory_space<vmem>>) target(%dma_start3A_49 : memref<128x128xf32, #tpu.memory_space<hbm>>) target_semaphore(%run_scoped3A : memref<!tpu.dma_semaphore, #tpu.memory_space<semaphore_mem>>)
      %dma_wait3A = arith.constant 0 : i32
      %dma_wait3A_50 = arith.constant 0 : i32
      %dma_wait3A_51 = tpu.memref_slice %arg5[%arg0, %dma_wait3A, %dma_wait3A_50] : memref<2x10240x128xf32, #tpu.memory_space<hbm>> -> memref<1x10240x128xf32, #tpu.memory_space<hbm>>
      %dma_wait3A_52 = tpu.memref_squeeze %dma_wait3A_51 : memref<1x10240x128xf32, #tpu.memory_space<hbm>> -> memref<10240x128xf32, #tpu.memory_space<hbm>>
      %dma_wait3A_53 = arith.constant 0 : i32
      %dma_wait3A_54 = tpu.memref_slice %dma_wait3A_52[%add3A_22, %dma_wait3A_53] : memref<10240x128xf32, #tpu.memory_space<hbm>> -> memref<128x128xf32, #tpu.memory_space<hbm>>
      %dma_wait3A_55 = arith.constant 0 : i32
      %dma_wait3A_56 = arith.constant 0 : i32
      %dma_wait3A_57 = tpu.memref_slice %arg5[%arg0, %dma_wait3A_55, %dma_wait3A_56] : memref<2x10240x128xf32, #tpu.memory_space<hbm>> -> memref<1x10240x128xf32, #tpu.memory_space<hbm>>
      %dma_wait3A_58 = tpu.memref_squeeze %dma_wait3A_57 : memref<1x10240x128xf32, #tpu.memory_space<hbm>> -> memref<10240x128xf32, #tpu.memory_space<hbm>>
      %dma_wait3A_59 = arith.constant 0 : i32
      %dma_wait3A_60 = tpu.memref_slice %dma_wait3A_58[%add3A_22, %dma_wait3A_59] : memref<10240x128xf32, #tpu.memory_space<hbm>> -> memref<128x128xf32, #tpu.memory_space<hbm>>
      tpu.wait_dma2 semaphore(%run_scoped3A : memref<!tpu.dma_semaphore, #tpu.memory_space<semaphore_mem>>) src(%arg9 : memref<128x128xf32, #tpu.memory_space<vmem>>) dst(%dma_wait3A_60 : memref<128x128xf32, #tpu.memory_space<hbm>>)
      tpu.yield
    }) : () -> ()
    %add3A_23 = arith.constant 128 : i32
    %add3A_24 = arith.addi %mul3A_2, %add3A_23 : i32
    "tpu.region"() ({
      %run_scoped3A = tpu.sem_alloc : memref<!tpu.dma_semaphore, #tpu.memory_space<semaphore_mem>>
      %dma_start3A = arith.constant 0 : i32
      %dma_start3A_39 = tpu.memref_slice %arg6[%add3A_24, %dma_start3A] : memref<10240x128xf32, #tpu.memory_space<vmem_shared>> -> memref<128x128xf32, #tpu.memory_space<vmem_shared>>
      %dma_start3A_40 = arith.constant 0 : i32
      %dma_start3A_41 = tpu.memref_slice %arg6[%add3A_24, %dma_start3A_40] : memref<10240x128xf32, #tpu.memory_space<vmem_shared>> -> memref<128x128xf32, #tpu.memory_space<vmem_shared>>
      tpu.enqueue_dma source(%dma_start3A_41 : memref<128x128xf32, #tpu.memory_space<vmem_shared>>) target(%arg9 : memref<128x128xf32, #tpu.memory_space<vmem>>) target_semaphore(%run_scoped3A : memref<!tpu.dma_semaphore, #tpu.memory_space<semaphore_mem>>)
      %dma_wait3A = arith.constant 0 : i32
      %dma_wait3A_42 = tpu.memref_slice %arg6[%add3A_24, %dma_wait3A] : memref<10240x128xf32, #tpu.memory_space<vmem_shared>> -> memref<128x128xf32, #tpu.memory_space<vmem_shared>>
      %dma_wait3A_43 = arith.constant 0 : i32
      %dma_wait3A_44 = tpu.memref_slice %arg6[%add3A_24, %dma_wait3A_43] : memref<10240x128xf32, #tpu.memory_space<vmem_shared>> -> memref<128x128xf32, #tpu.memory_space<vmem_shared>>
      tpu.wait_dma2 semaphore(%run_scoped3A : memref<!tpu.dma_semaphore, #tpu.memory_space<semaphore_mem>>) src(%dma_wait3A_44 : memref<128x128xf32, #tpu.memory_space<vmem_shared>>) dst(%arg9 : memref<128x128xf32, #tpu.memory_space<vmem>>)
      tpu.yield
    }) : () -> ()
    %add3A_25 = arith.constant 128 : i32
    %add3A_26 = arith.addi %mul3A_2, %add3A_25 : i32
    "tpu.region"() ({
      %run_scoped3A = tpu.sem_alloc : memref<!tpu.dma_semaphore, #tpu.memory_space<semaphore_mem>>
      %dma_start3A = arith.constant 0 : i32
      %dma_start3A_39 = arith.constant 0 : i32
      %dma_start3A_40 = tpu.memref_slice %arg5[%arg0, %dma_start3A, %dma_start3A_39] : memref<2x10240x128xf32, #tpu.memory_space<hbm>> -> memref<1x10240x128xf32, #tpu.memory_space<hbm>>
      %dma_start3A_41 = tpu.memref_squeeze %dma_start3A_40 : memref<1x10240x128xf32, #tpu.memory_space<hbm>> -> memref<10240x128xf32, #tpu.memory_space<hbm>>
      %dma_start3A_42 = arith.constant 0 : i32
      %dma_start3A_43 = tpu.memref_slice %dma_start3A_41[%add3A_26, %dma_start3A_42] : memref<10240x128xf32, #tpu.memory_space<hbm>> -> memref<128x128xf32, #tpu.memory_space<hbm>>
      %dma_start3A_44 = arith.constant 0 : i32
      %dma_start3A_45 = arith.constant 0 : i32
      %dma_start3A_46 = tpu.memref_slice %arg5[%arg0, %dma_start3A_44, %dma_start3A_45] : memref<2x10240x128xf32, #tpu.memory_space<hbm>> -> memref<1x10240x128xf32, #tpu.memory_space<hbm>>
      %dma_start3A_47 = tpu.memref_squeeze %dma_start3A_46 : memref<1x10240x128xf32, #tpu.memory_space<hbm>> -> memref<10240x128xf32, #tpu.memory_space<hbm>>
      %dma_start3A_48 = arith.constant 0 : i32
      %dma_start3A_49 = tpu.memref_slice %dma_start3A_47[%add3A_26, %dma_start3A_48] : memref<10240x128xf32, #tpu.memory_space<hbm>> -> memref<128x128xf32, #tpu.memory_space<hbm>>
      tpu.enqueue_dma source(%arg9 : memref<128x128xf32, #tpu.memory_space<vmem>>) target(%dma_start3A_49 : memref<128x128xf32, #tpu.memory_space<hbm>>) target_semaphore(%run_scoped3A : memref<!tpu.dma_semaphore, #tpu.memory_space<semaphore_mem>>)
      %dma_wait3A = arith.constant 0 : i32
      %dma_wait3A_50 = arith.constant 0 : i32
      %dma_wait3A_51 = tpu.memref_slice %arg5[%arg0, %dma_wait3A, %dma_wait3A_50] : memref<2x10240x128xf32, #tpu.memory_space<hbm>> -> memref<1x10240x128xf32, #tpu.memory_space<hbm>>
      %dma_wait3A_52 = tpu.memref_squeeze %dma_wait3A_51 : memref<1x10240x128xf32, #tpu.memory_space<hbm>> -> memref<10240x128xf32, #tpu.memory_space<hbm>>
      %dma_wait3A_53 = arith.constant 0 : i32
      %dma_wait3A_54 = tpu.memref_slice %dma_wait3A_52[%add3A_26, %dma_wait3A_53] : memref<10240x128xf32, #tpu.memory_space<hbm>> -> memref<128x128xf32, #tpu.memory_space<hbm>>
      %dma_wait3A_55 = arith.constant 0 : i32
      %dma_wait3A_56 = arith.constant 0 : i32
      %dma_wait3A_57 = tpu.memref_slice %arg5[%arg0, %dma_wait3A_55, %dma_wait3A_56] : memref<2x10240x128xf32, #tpu.memory_space<hbm>> -> memref<1x10240x128xf32, #tpu.memory_space<hbm>>
      %dma_wait3A_58 = tpu.memref_squeeze %dma_wait3A_57 : memref<1x10240x128xf32, #tpu.memory_space<hbm>> -> memref<10240x128xf32, #tpu.memory_space<hbm>>
      %dma_wait3A_59 = arith.constant 0 : i32
      %dma_wait3A_60 = tpu.memref_slice %dma_wait3A_58[%add3A_26, %dma_wait3A_59] : memref<10240x128xf32, #tpu.memory_space<hbm>> -> memref<128x128xf32, #tpu.memory_space<hbm>>
      tpu.wait_dma2 semaphore(%run_scoped3A : memref<!tpu.dma_semaphore, #tpu.memory_space<semaphore_mem>>) src(%arg9 : memref<128x128xf32, #tpu.memory_space<vmem>>) dst(%dma_wait3A_60 : memref<128x128xf32, #tpu.memory_space<hbm>>)
      tpu.yield
    }) : () -> ()
    %add3A_27 = arith.constant 256 : i32
    %add3A_28 = arith.addi %mul3A_2, %add3A_27 : i32
    "tpu.region"() ({
      %run_scoped3A = tpu.sem_alloc : memref<!tpu.dma_semaphore, #tpu.memory_space<semaphore_mem>>
      %dma_start3A = arith.constant 0 : i32
      %dma_start3A_39 = tpu.memref_slice %arg6[%add3A_28, %dma_start3A] : memref<10240x128xf32, #tpu.memory_space<vmem_shared>> -> memref<128x128xf32, #tpu.memory_space<vmem_shared>>
      %dma_start3A_40 = arith.constant 0 : i32
      %dma_start3A_41 = tpu.memref_slice %arg6[%add3A_28, %dma_start3A_40] : memref<10240x128xf32, #tpu.memory_space<vmem_shared>> -> memref<128x128xf32, #tpu.memory_space<vmem_shared>>
      tpu.enqueue_dma source(%dma_start3A_41 : memref<128x128xf32, #tpu.memory_space<vmem_shared>>) target(%arg9 : memref<128x128xf32, #tpu.memory_space<vmem>>) target_semaphore(%run_scoped3A : memref<!tpu.dma_semaphore, #tpu.memory_space<semaphore_mem>>)
      %dma_wait3A = arith.constant 0 : i32
      %dma_wait3A_42 = tpu.memref_slice %arg6[%add3A_28, %dma_wait3A] : memref<10240x128xf32, #tpu.memory_space<vmem_shared>> -> memref<128x128xf32, #tpu.memory_space<vmem_shared>>
      %dma_wait3A_43 = arith.constant 0 : i32
      %dma_wait3A_44 = tpu.memref_slice %arg6[%add3A_28, %dma_wait3A_43] : memref<10240x128xf32, #tpu.memory_space<vmem_shared>> -> memref<128x128xf32, #tpu.memory_space<vmem_shared>>
      tpu.wait_dma2 semaphore(%run_scoped3A : memref<!tpu.dma_semaphore, #tpu.memory_space<semaphore_mem>>) src(%dma_wait3A_44 : memref<128x128xf32, #tpu.memory_space<vmem_shared>>) dst(%arg9 : memref<128x128xf32, #tpu.memory_space<vmem>>)
      tpu.yield
    }) : () -> ()
    %add3A_29 = arith.constant 256 : i32
    %add3A_30 = arith.addi %mul3A_2, %add3A_29 : i32
    "tpu.region"() ({
      %run_scoped3A = tpu.sem_alloc : memref<!tpu.dma_semaphore, #tpu.memory_space<semaphore_mem>>
      %dma_start3A = arith.constant 0 : i32
      %dma_start3A_39 = arith.constant 0 : i32
      %dma_start3A_40 = tpu.memref_slice %arg5[%arg0, %dma_start3A, %dma_start3A_39] : memref<2x10240x128xf32, #tpu.memory_space<hbm>> -> memref<1x10240x128xf32, #tpu.memory_space<hbm>>
      %dma_start3A_41 = tpu.memref_squeeze %dma_start3A_40 : memref<1x10240x128xf32, #tpu.memory_space<hbm>> -> memref<10240x128xf32, #tpu.memory_space<hbm>>
      %dma_start3A_42 = arith.constant 0 : i32
      %dma_start3A_43 = tpu.memref_slice %dma_start3A_41[%add3A_30, %dma_start3A_42] : memref<10240x128xf32, #tpu.memory_space<hbm>> -> memref<128x128xf32, #tpu.memory_space<hbm>>
      %dma_start3A_44 = arith.constant 0 : i32
      %dma_start3A_45 = arith.constant 0 : i32
      %dma_start3A_46 = tpu.memref_slice %arg5[%arg0, %dma_start3A_44, %dma_start3A_45] : memref<2x10240x128xf32, #tpu.memory_space<hbm>> -> memref<1x10240x128xf32, #tpu.memory_space<hbm>>
      %dma_start3A_47 = tpu.memref_squeeze %dma_start3A_46 : memref<1x10240x128xf32, #tpu.memory_space<hbm>> -> memref<10240x128xf32, #tpu.memory_space<hbm>>
      %dma_start3A_48 = arith.constant 0 : i32
      %dma_start3A_49 = tpu.memref_slice %dma_start3A_47[%add3A_30, %dma_start3A_48] : memref<10240x128xf32, #tpu.memory_space<hbm>> -> memref<128x128xf32, #tpu.memory_space<hbm>>
      tpu.enqueue_dma source(%arg9 : memref<128x128xf32, #tpu.memory_space<vmem>>) target(%dma_start3A_49 : memref<128x128xf32, #tpu.memory_space<hbm>>) target_semaphore(%run_scoped3A : memref<!tpu.dma_semaphore, #tpu.memory_space<semaphore_mem>>)
      %dma_wait3A = arith.constant 0 : i32
      %dma_wait3A_50 = arith.constant 0 : i32
      %dma_wait3A_51 = tpu.memref_slice %arg5[%arg0, %dma_wait3A, %dma_wait3A_50] : memref<2x10240x128xf32, #tpu.memory_space<hbm>> -> memref<1x10240x128xf32, #tpu.memory_space<hbm>>
      %dma_wait3A_52 = tpu.memref_squeeze %dma_wait3A_51 : memref<1x10240x128xf32, #tpu.memory_space<hbm>> -> memref<10240x128xf32, #tpu.memory_space<hbm>>
      %dma_wait3A_53 = arith.constant 0 : i32
      %dma_wait3A_54 = tpu.memref_slice %dma_wait3A_52[%add3A_30, %dma_wait3A_53] : memref<10240x128xf32, #tpu.memory_space<hbm>> -> memref<128x128xf32, #tpu.memory_space<hbm>>
      %dma_wait3A_55 = arith.constant 0 : i32
      %dma_wait3A_56 = arith.constant 0 : i32
      %dma_wait3A_57 = tpu.memref_slice %arg5[%arg0, %dma_wait3A_55, %dma_wait3A_56] : memref<2x10240x128xf32, #tpu.memory_space<hbm>> -> memref<1x10240x128xf32, #tpu.memory_space<hbm>>
      %dma_wait3A_58 = tpu.memref_squeeze %dma_wait3A_57 : memref<1x10240x128xf32, #tpu.memory_space<hbm>> -> memref<10240x128xf32, #tpu.memory_space<hbm>>
      %dma_wait3A_59 = arith.constant 0 : i32
      %dma_wait3A_60 = tpu.memref_slice %dma_wait3A_58[%add3A_30, %dma_wait3A_59] : memref<10240x128xf32, #tpu.memory_space<hbm>> -> memref<128x128xf32, #tpu.memory_space<hbm>>
      tpu.wait_dma2 semaphore(%run_scoped3A : memref<!tpu.dma_semaphore, #tpu.memory_space<semaphore_mem>>) src(%arg9 : memref<128x128xf32, #tpu.memory_space<vmem>>) dst(%dma_wait3A_60 : memref<128x128xf32, #tpu.memory_space<hbm>>)
      tpu.yield
    }) : () -> ()
    %add3A_31 = arith.constant 384 : i32
    %add3A_32 = arith.addi %mul3A_2, %add3A_31 : i32
    "tpu.region"() ({
      %run_scoped3A = tpu.sem_alloc : memref<!tpu.dma_semaphore, #tpu.memory_space<semaphore_mem>>
      %dma_start3A = arith.constant 0 : i32
      %dma_start3A_39 = tpu.memref_slice %arg6[%add3A_32, %dma_start3A] : memref<10240x128xf32, #tpu.memory_space<vmem_shared>> -> memref<128x128xf32, #tpu.memory_space<vmem_shared>>
      %dma_start3A_40 = arith.constant 0 : i32
      %dma_start3A_41 = tpu.memref_slice %arg6[%add3A_32, %dma_start3A_40] : memref<10240x128xf32, #tpu.memory_space<vmem_shared>> -> memref<128x128xf32, #tpu.memory_space<vmem_shared>>
      tpu.enqueue_dma source(%dma_start3A_41 : memref<128x128xf32, #tpu.memory_space<vmem_shared>>) target(%arg9 : memref<128x128xf32, #tpu.memory_space<vmem>>) target_semaphore(%run_scoped3A : memref<!tpu.dma_semaphore, #tpu.memory_space<semaphore_mem>>)
      %dma_wait3A = arith.constant 0 : i32
      %dma_wait3A_42 = tpu.memref_slice %arg6[%add3A_32, %dma_wait3A] : memref<10240x128xf32, #tpu.memory_space<vmem_shared>> -> memref<128x128xf32, #tpu.memory_space<vmem_shared>>
      %dma_wait3A_43 = arith.constant 0 : i32
      %dma_wait3A_44 = tpu.memref_slice %arg6[%add3A_32, %dma_wait3A_43] : memref<10240x128xf32, #tpu.memory_space<vmem_shared>> -> memref<128x128xf32, #tpu.memory_space<vmem_shared>>
      tpu.wait_dma2 semaphore(%run_scoped3A : memref<!tpu.dma_semaphore, #tpu.memory_space<semaphore_mem>>) src(%dma_wait3A_44 : memref<128x128xf32, #tpu.memory_space<vmem_shared>>) dst(%arg9 : memref<128x128xf32, #tpu.memory_space<vmem>>)
      tpu.yield
    }) : () -> ()
    %add3A_33 = arith.constant 384 : i32
    %add3A_34 = arith.addi %mul3A_2, %add3A_33 : i32
    "tpu.region"() ({
      %run_scoped3A = tpu.sem_alloc : memref<!tpu.dma_semaphore, #tpu.memory_space<semaphore_mem>>
      %dma_start3A = arith.constant 0 : i32
      %dma_start3A_39 = arith.constant 0 : i32
      %dma_start3A_40 = tpu.memref_slice %arg5[%arg0, %dma_start3A, %dma_start3A_39] : memref<2x10240x128xf32, #tpu.memory_space<hbm>> -> memref<1x10240x128xf32, #tpu.memory_space<hbm>>
      %dma_start3A_41 = tpu.memref_squeeze %dma_start3A_40 : memref<1x10240x128xf32, #tpu.memory_space<hbm>> -> memref<10240x128xf32, #tpu.memory_space<hbm>>
      %dma_start3A_42 = arith.constant 0 : i32
      %dma_start3A_43 = tpu.memref_slice %dma_start3A_41[%add3A_34, %dma_start3A_42] : memref<10240x128xf32, #tpu.memory_space<hbm>> -> memref<128x128xf32, #tpu.memory_space<hbm>>
      %dma_start3A_44 = arith.constant 0 : i32
      %dma_start3A_45 = arith.constant 0 : i32
      %dma_start3A_46 = tpu.memref_slice %arg5[%arg0, %dma_start3A_44, %dma_start3A_45] : memref<2x10240x128xf32, #tpu.memory_space<hbm>> -> memref<1x10240x128xf32, #tpu.memory_space<hbm>>
      %dma_start3A_47 = tpu.memref_squeeze %dma_start3A_46 : memref<1x10240x128xf32, #tpu.memory_space<hbm>> -> memref<10240x128xf32, #tpu.memory_space<hbm>>
      %dma_start3A_48 = arith.constant 0 : i32
      %dma_start3A_49 = tpu.memref_slice %dma_start3A_47[%add3A_34, %dma_start3A_48] : memref<10240x128xf32, #tpu.memory_space<hbm>> -> memref<128x128xf32, #tpu.memory_space<hbm>>
      tpu.enqueue_dma source(%arg9 : memref<128x128xf32, #tpu.memory_space<vmem>>) target(%dma_start3A_49 : memref<128x128xf32, #tpu.memory_space<hbm>>) target_semaphore(%run_scoped3A : memref<!tpu.dma_semaphore, #tpu.memory_space<semaphore_mem>>)
      %dma_wait3A = arith.constant 0 : i32
      %dma_wait3A_50 = arith.constant 0 : i32
      %dma_wait3A_51 = tpu.memref_slice %arg5[%arg0, %dma_wait3A, %dma_wait3A_50] : memref<2x10240x128xf32, #tpu.memory_space<hbm>> -> memref<1x10240x128xf32, #tpu.memory_space<hbm>>
      %dma_wait3A_52 = tpu.memref_squeeze %dma_wait3A_51 : memref<1x10240x128xf32, #tpu.memory_space<hbm>> -> memref<10240x128xf32, #tpu.memory_space<hbm>>
      %dma_wait3A_53 = arith.constant 0 : i32
      %dma_wait3A_54 = tpu.memref_slice %dma_wait3A_52[%add3A_34, %dma_wait3A_53] : memref<10240x128xf32, #tpu.memory_space<hbm>> -> memref<128x128xf32, #tpu.memory_space<hbm>>
      %dma_wait3A_55 = arith.constant 0 : i32
      %dma_wait3A_56 = arith.constant 0 : i32
      %dma_wait3A_57 = tpu.memref_slice %arg5[%arg0, %dma_wait3A_55, %dma_wait3A_56] : memref<2x10240x128xf32, #tpu.memory_space<hbm>> -> memref<1x10240x128xf32, #tpu.memory_space<hbm>>
      %dma_wait3A_58 = tpu.memref_squeeze %dma_wait3A_57 : memref<1x10240x128xf32, #tpu.memory_space<hbm>> -> memref<10240x128xf32, #tpu.memory_space<hbm>>
      %dma_wait3A_59 = arith.constant 0 : i32
      %dma_wait3A_60 = tpu.memref_slice %dma_wait3A_58[%add3A_34, %dma_wait3A_59] : memref<10240x128xf32, #tpu.memory_space<hbm>> -> memref<128x128xf32, #tpu.memory_space<hbm>>
      tpu.wait_dma2 semaphore(%run_scoped3A : memref<!tpu.dma_semaphore, #tpu.memory_space<semaphore_mem>>) src(%arg9 : memref<128x128xf32, #tpu.memory_space<vmem>>) dst(%dma_wait3A_60 : memref<128x128xf32, #tpu.memory_space<hbm>>)
      tpu.yield
    }) : () -> ()
    %add3A_35 = arith.constant 512 : i32
    %add3A_36 = arith.addi %mul3A_2, %add3A_35 : i32
    "tpu.region"() ({
      %run_scoped3A = tpu.sem_alloc : memref<!tpu.dma_semaphore, #tpu.memory_space<semaphore_mem>>
      %dma_start3A = arith.constant 0 : i32
      %dma_start3A_39 = tpu.memref_slice %arg6[%add3A_36, %dma_start3A] : memref<10240x128xf32, #tpu.memory_space<vmem_shared>> -> memref<128x128xf32, #tpu.memory_space<vmem_shared>>
      %dma_start3A_40 = arith.constant 0 : i32
      %dma_start3A_41 = tpu.memref_slice %arg6[%add3A_36, %dma_start3A_40] : memref<10240x128xf32, #tpu.memory_space<vmem_shared>> -> memref<128x128xf32, #tpu.memory_space<vmem_shared>>
      tpu.enqueue_dma source(%dma_start3A_41 : memref<128x128xf32, #tpu.memory_space<vmem_shared>>) target(%arg9 : memref<128x128xf32, #tpu.memory_space<vmem>>) target_semaphore(%run_scoped3A : memref<!tpu.dma_semaphore, #tpu.memory_space<semaphore_mem>>)
      %dma_wait3A = arith.constant 0 : i32
      %dma_wait3A_42 = tpu.memref_slice %arg6[%add3A_36, %dma_wait3A] : memref<10240x128xf32, #tpu.memory_space<vmem_shared>> -> memref<128x128xf32, #tpu.memory_space<vmem_shared>>
      %dma_wait3A_43 = arith.constant 0 : i32
      %dma_wait3A_44 = tpu.memref_slice %arg6[%add3A_36, %dma_wait3A_43] : memref<10240x128xf32, #tpu.memory_space<vmem_shared>> -> memref<128x128xf32, #tpu.memory_space<vmem_shared>>
      tpu.wait_dma2 semaphore(%run_scoped3A : memref<!tpu.dma_semaphore, #tpu.memory_space<semaphore_mem>>) src(%dma_wait3A_44 : memref<128x128xf32, #tpu.memory_space<vmem_shared>>) dst(%arg9 : memref<128x128xf32, #tpu.memory_space<vmem>>)
      tpu.yield
    }) : () -> ()
    %add3A_37 = arith.constant 512 : i32
    %add3A_38 = arith.addi %mul3A_2, %add3A_37 : i32
    "tpu.region"() ({
      %run_scoped3A = tpu.sem_alloc : memref<!tpu.dma_semaphore, #tpu.memory_space<semaphore_mem>>
      %dma_start3A = arith.constant 0 : i32
      %dma_start3A_39 = arith.constant 0 : i32
      %dma_start3A_40 = tpu.memref_slice %arg5[%arg0, %dma_start3A, %dma_start3A_39] : memref<2x10240x128xf32, #tpu.memory_space<hbm>> -> memref<1x10240x128xf32, #tpu.memory_space<hbm>>
      %dma_start3A_41 = tpu.memref_squeeze %dma_start3A_40 : memref<1x10240x128xf32, #tpu.memory_space<hbm>> -> memref<10240x128xf32, #tpu.memory_space<hbm>>
      %dma_start3A_42 = arith.constant 0 : i32
      %dma_start3A_43 = tpu.memref_slice %dma_start3A_41[%add3A_38, %dma_start3A_42] : memref<10240x128xf32, #tpu.memory_space<hbm>> -> memref<128x128xf32, #tpu.memory_space<hbm>>
      %dma_start3A_44 = arith.constant 0 : i32
      %dma_start3A_45 = arith.constant 0 : i32
      %dma_start3A_46 = tpu.memref_slice %arg5[%arg0, %dma_start3A_44, %dma_start3A_45] : memref<2x10240x128xf32, #tpu.memory_space<hbm>> -> memref<1x10240x128xf32, #tpu.memory_space<hbm>>
      %dma_start3A_47 = tpu.memref_squeeze %dma_start3A_46 : memref<1x10240x128xf32, #tpu.memory_space<hbm>> -> memref<10240x128xf32, #tpu.memory_space<hbm>>
      %dma_start3A_48 = arith.constant 0 : i32
      %dma_start3A_49 = tpu.memref_slice %dma_start3A_47[%add3A_38, %dma_start3A_48] : memref<10240x128xf32, #tpu.memory_space<hbm>> -> memref<128x128xf32, #tpu.memory_space<hbm>>
      tpu.enqueue_dma source(%arg9 : memref<128x128xf32, #tpu.memory_space<vmem>>) target(%dma_start3A_49 : memref<128x128xf32, #tpu.memory_space<hbm>>) target_semaphore(%run_scoped3A : memref<!tpu.dma_semaphore, #tpu.memory_space<semaphore_mem>>)
      %dma_wait3A = arith.constant 0 : i32
      %dma_wait3A_50 = arith.constant 0 : i32
      %dma_wait3A_51 = tpu.memref_slice %arg5[%arg0, %dma_wait3A, %dma_wait3A_50] : memref<2x10240x128xf32, #tpu.memory_space<hbm>> -> memref<1x10240x128xf32, #tpu.memory_space<hbm>>
      %dma_wait3A_52 = tpu.memref_squeeze %dma_wait3A_51 : memref<1x10240x128xf32, #tpu.memory_space<hbm>> -> memref<10240x128xf32, #tpu.memory_space<hbm>>
      %dma_wait3A_53 = arith.constant 0 : i32
      %dma_wait3A_54 = tpu.memref_slice %dma_wait3A_52[%add3A_38, %dma_wait3A_53] : memref<10240x128xf32, #tpu.memory_space<hbm>> -> memref<128x128xf32, #tpu.memory_space<hbm>>
      %dma_wait3A_55 = arith.constant 0 : i32
      %dma_wait3A_56 = arith.constant 0 : i32
      %dma_wait3A_57 = tpu.memref_slice %arg5[%arg0, %dma_wait3A_55, %dma_wait3A_56] : memref<2x10240x128xf32, #tpu.memory_space<hbm>> -> memref<1x10240x128xf32, #tpu.memory_space<hbm>>
      %dma_wait3A_58 = tpu.memref_squeeze %dma_wait3A_57 : memref<1x10240x128xf32, #tpu.memory_space<hbm>> -> memref<10240x128xf32, #tpu.memory_space<hbm>>
      %dma_wait3A_59 = arith.constant 0 : i32
      %dma_wait3A_60 = tpu.memref_slice %dma_wait3A_58[%add3A_38, %dma_wait3A_59] : memref<10240x128xf32, #tpu.memory_space<hbm>> -> memref<128x128xf32, #tpu.memory_space<hbm>>
      tpu.wait_dma2 semaphore(%run_scoped3A : memref<!tpu.dma_semaphore, #tpu.memory_space<semaphore_mem>>) src(%arg9 : memref<128x128xf32, #tpu.memory_space<vmem>>) dst(%dma_wait3A_60 : memref<128x128xf32, #tpu.memory_space<hbm>>)
      tpu.yield
    }) : () -> ()
    return
  }
}

#map = affine_map<(d0, d1) -> (0, 0, 0, 0)>
#map1 = affine_map<(d0, d1) -> (0, 0)>
module attributes {stable_mosaic.version = 14 : i64} {
  func.func @_scat_body(%arg0: i32, %arg1: i32, %arg2: memref<16x2x40x128xi32, #tpu.memory_space<hbm>>, %arg3: memref<16x2x40x128xi32, #tpu.memory_space<hbm>>, %arg4: memref<10000x128xf32, #tpu.memory_space<hbm>>, %arg5: memref<10000x128xf32, #tpu.memory_space<hbm>>, %arg6: memref<128x128xf32, #tpu.memory_space<hbm>>, %arg7: memref<10240x128xf32, #tpu.memory_space<hbm>>, %arg8: memref<10240x128xf32, #tpu.memory_space<hbm>>, %arg9: memref<10240x128xf32, #tpu.memory_space<vmem_shared>>, %arg10: memref<40x128xi32, #tpu.memory_space<vmem>>, %arg11: memref<40x128xi32, #tpu.memory_space<vmem>>, %arg12: memref<128x128xf32, #tpu.memory_space<vmem>>, %arg13: memref<128x128xf32, #tpu.memory_space<vmem>>, %arg14: memref<!tpu.dma_semaphore, #tpu.memory_space<semaphore_mem>>, %arg15: memref<!tpu.dma_semaphore, #tpu.memory_space<semaphore_mem>>, %arg16: memref<!tpu.dma_semaphore, #tpu.memory_space<semaphore_mem>>, %arg17: memref<!tpu.dma_semaphore, #tpu.memory_space<semaphore_mem>>) attributes {dimension_semantics = [#tpu.dimension_semantics<core_parallel>, #tpu.dimension_semantics<subcore_parallel>], iteration_bounds = array<i64: 2, 16>, scalar_prefetch = 0 : i64, scratch_operands = 9 : i64, tpu.core_type = #tpu.core_type<sc_vector_subcore>, window_params = [{transform_indices = #map}, {transform_indices = #map}, {transform_indices = #map1}, {transform_indices = #map1}, {transform_indices = #map1}, {transform_indices = #map1}, {transform_indices = #map1}]} {
    "tpu.region"() ({
      %run_scoped3A = tpu.sem_alloc : memref<!tpu.dma_semaphore, #tpu.memory_space<semaphore_mem>>
      tpu.enqueue_dma source(%arg6 : memref<128x128xf32, #tpu.memory_space<hbm>>) target(%arg12 : memref<128x128xf32, #tpu.memory_space<vmem>>) target_semaphore(%run_scoped3A : memref<!tpu.dma_semaphore, #tpu.memory_space<semaphore_mem>>)
      tpu.wait_dma2 semaphore(%run_scoped3A : memref<!tpu.dma_semaphore, #tpu.memory_space<semaphore_mem>>) src(%arg6 : memref<128x128xf32, #tpu.memory_space<hbm>>) dst(%arg12 : memref<128x128xf32, #tpu.memory_space<vmem>>)
      tpu.yield
    }) : () -> ()
    %mul3A = arith.constant 640 : i32
    %mul3A_0 = arith.muli %arg1, %mul3A : i32
    %add3A = arith.constant 0 : i32
    %add3A_1 = arith.addi %mul3A_0, %add3A : i32
    "tpu.region"() ({
      %run_scoped3A = tpu.sem_alloc : memref<!tpu.dma_semaphore, #tpu.memory_space<semaphore_mem>>
      %dma_start3A = arith.constant 0 : i32
      %dma_start3A_17 = tpu.memref_slice %arg9[%add3A_1, %dma_start3A] : memref<10240x128xf32, #tpu.memory_space<vmem_shared>> -> memref<128x128xf32, #tpu.memory_space<vmem_shared>>
      %dma_start3A_18 = arith.constant 0 : i32
      %dma_start3A_19 = tpu.memref_slice %arg9[%add3A_1, %dma_start3A_18] : memref<10240x128xf32, #tpu.memory_space<vmem_shared>> -> memref<128x128xf32, #tpu.memory_space<vmem_shared>>
      tpu.enqueue_dma source(%arg12 : memref<128x128xf32, #tpu.memory_space<vmem>>) target(%dma_start3A_19 : memref<128x128xf32, #tpu.memory_space<vmem_shared>>) target_semaphore(%run_scoped3A : memref<!tpu.dma_semaphore, #tpu.memory_space<semaphore_mem>>)
      %dma_wait3A = arith.constant 0 : i32
      %dma_wait3A_20 = tpu.memref_slice %arg9[%add3A_1, %dma_wait3A] : memref<10240x128xf32, #tpu.memory_space<vmem_shared>> -> memref<128x128xf32, #tpu.memory_space<vmem_shared>>
      %dma_wait3A_21 = arith.constant 0 : i32
      %dma_wait3A_22 = tpu.memref_slice %arg9[%add3A_1, %dma_wait3A_21] : memref<10240x128xf32, #tpu.memory_space<vmem_shared>> -> memref<128x128xf32, #tpu.memory_space<vmem_shared>>
      tpu.wait_dma2 semaphore(%run_scoped3A : memref<!tpu.dma_semaphore, #tpu.memory_space<semaphore_mem>>) src(%arg12 : memref<128x128xf32, #tpu.memory_space<vmem>>) dst(%dma_wait3A_22 : memref<128x128xf32, #tpu.memory_space<vmem_shared>>)
      tpu.yield
    }) : () -> ()
    %add3A_2 = arith.constant 128 : i32
    %add3A_3 = arith.addi %mul3A_0, %add3A_2 : i32
    "tpu.region"() ({
      %run_scoped3A = tpu.sem_alloc : memref<!tpu.dma_semaphore, #tpu.memory_space<semaphore_mem>>
      %dma_start3A = arith.constant 0 : i32
      %dma_start3A_17 = tpu.memref_slice %arg9[%add3A_3, %dma_start3A] : memref<10240x128xf32, #tpu.memory_space<vmem_shared>> -> memref<128x128xf32, #tpu.memory_space<vmem_shared>>
      %dma_start3A_18 = arith.constant 0 : i32
      %dma_start3A_19 = tpu.memref_slice %arg9[%add3A_3, %dma_start3A_18] : memref<10240x128xf32, #tpu.memory_space<vmem_shared>> -> memref<128x128xf32, #tpu.memory_space<vmem_shared>>
      tpu.enqueue_dma source(%arg12 : memref<128x128xf32, #tpu.memory_space<vmem>>) target(%dma_start3A_19 : memref<128x128xf32, #tpu.memory_space<vmem_shared>>) target_semaphore(%run_scoped3A : memref<!tpu.dma_semaphore, #tpu.memory_space<semaphore_mem>>)
      %dma_wait3A = arith.constant 0 : i32
      %dma_wait3A_20 = tpu.memref_slice %arg9[%add3A_3, %dma_wait3A] : memref<10240x128xf32, #tpu.memory_space<vmem_shared>> -> memref<128x128xf32, #tpu.memory_space<vmem_shared>>
      %dma_wait3A_21 = arith.constant 0 : i32
      %dma_wait3A_22 = tpu.memref_slice %arg9[%add3A_3, %dma_wait3A_21] : memref<10240x128xf32, #tpu.memory_space<vmem_shared>> -> memref<128x128xf32, #tpu.memory_space<vmem_shared>>
      tpu.wait_dma2 semaphore(%run_scoped3A : memref<!tpu.dma_semaphore, #tpu.memory_space<semaphore_mem>>) src(%arg12 : memref<128x128xf32, #tpu.memory_space<vmem>>) dst(%dma_wait3A_22 : memref<128x128xf32, #tpu.memory_space<vmem_shared>>)
      tpu.yield
    }) : () -> ()
    %add3A_4 = arith.constant 256 : i32
    %add3A_5 = arith.addi %mul3A_0, %add3A_4 : i32
    "tpu.region"() ({
      %run_scoped3A = tpu.sem_alloc : memref<!tpu.dma_semaphore, #tpu.memory_space<semaphore_mem>>
      %dma_start3A = arith.constant 0 : i32
      %dma_start3A_17 = tpu.memref_slice %arg9[%add3A_5, %dma_start3A] : memref<10240x128xf32, #tpu.memory_space<vmem_shared>> -> memref<128x128xf32, #tpu.memory_space<vmem_shared>>
      %dma_start3A_18 = arith.constant 0 : i32
      %dma_start3A_19 = tpu.memref_slice %arg9[%add3A_5, %dma_start3A_18] : memref<10240x128xf32, #tpu.memory_space<vmem_shared>> -> memref<128x128xf32, #tpu.memory_space<vmem_shared>>
      tpu.enqueue_dma source(%arg12 : memref<128x128xf32, #tpu.memory_space<vmem>>) target(%dma_start3A_19 : memref<128x128xf32, #tpu.memory_space<vmem_shared>>) target_semaphore(%run_scoped3A : memref<!tpu.dma_semaphore, #tpu.memory_space<semaphore_mem>>)
      %dma_wait3A = arith.constant 0 : i32
      %dma_wait3A_20 = tpu.memref_slice %arg9[%add3A_5, %dma_wait3A] : memref<10240x128xf32, #tpu.memory_space<vmem_shared>> -> memref<128x128xf32, #tpu.memory_space<vmem_shared>>
      %dma_wait3A_21 = arith.constant 0 : i32
      %dma_wait3A_22 = tpu.memref_slice %arg9[%add3A_5, %dma_wait3A_21] : memref<10240x128xf32, #tpu.memory_space<vmem_shared>> -> memref<128x128xf32, #tpu.memory_space<vmem_shared>>
      tpu.wait_dma2 semaphore(%run_scoped3A : memref<!tpu.dma_semaphore, #tpu.memory_space<semaphore_mem>>) src(%arg12 : memref<128x128xf32, #tpu.memory_space<vmem>>) dst(%dma_wait3A_22 : memref<128x128xf32, #tpu.memory_space<vmem_shared>>)
      tpu.yield
    }) : () -> ()
    %add3A_6 = arith.constant 384 : i32
    %add3A_7 = arith.addi %mul3A_0, %add3A_6 : i32
    "tpu.region"() ({
      %run_scoped3A = tpu.sem_alloc : memref<!tpu.dma_semaphore, #tpu.memory_space<semaphore_mem>>
      %dma_start3A = arith.constant 0 : i32
      %dma_start3A_17 = tpu.memref_slice %arg9[%add3A_7, %dma_start3A] : memref<10240x128xf32, #tpu.memory_space<vmem_shared>> -> memref<128x128xf32, #tpu.memory_space<vmem_shared>>
      %dma_start3A_18 = arith.constant 0 : i32
      %dma_start3A_19 = tpu.memref_slice %arg9[%add3A_7, %dma_start3A_18] : memref<10240x128xf32, #tpu.memory_space<vmem_shared>> -> memref<128x128xf32, #tpu.memory_space<vmem_shared>>
      tpu.enqueue_dma source(%arg12 : memref<128x128xf32, #tpu.memory_space<vmem>>) target(%dma_start3A_19 : memref<128x128xf32, #tpu.memory_space<vmem_shared>>) target_semaphore(%run_scoped3A : memref<!tpu.dma_semaphore, #tpu.memory_space<semaphore_mem>>)
      %dma_wait3A = arith.constant 0 : i32
      %dma_wait3A_20 = tpu.memref_slice %arg9[%add3A_7, %dma_wait3A] : memref<10240x128xf32, #tpu.memory_space<vmem_shared>> -> memref<128x128xf32, #tpu.memory_space<vmem_shared>>
      %dma_wait3A_21 = arith.constant 0 : i32
      %dma_wait3A_22 = tpu.memref_slice %arg9[%add3A_7, %dma_wait3A_21] : memref<10240x128xf32, #tpu.memory_space<vmem_shared>> -> memref<128x128xf32, #tpu.memory_space<vmem_shared>>
      tpu.wait_dma2 semaphore(%run_scoped3A : memref<!tpu.dma_semaphore, #tpu.memory_space<semaphore_mem>>) src(%arg12 : memref<128x128xf32, #tpu.memory_space<vmem>>) dst(%dma_wait3A_22 : memref<128x128xf32, #tpu.memory_space<vmem_shared>>)
      tpu.yield
    }) : () -> ()
    %add3A_8 = arith.constant 512 : i32
    %add3A_9 = arith.addi %mul3A_0, %add3A_8 : i32
    "tpu.region"() ({
      %run_scoped3A = tpu.sem_alloc : memref<!tpu.dma_semaphore, #tpu.memory_space<semaphore_mem>>
      %dma_start3A = arith.constant 0 : i32
      %dma_start3A_17 = tpu.memref_slice %arg9[%add3A_9, %dma_start3A] : memref<10240x128xf32, #tpu.memory_space<vmem_shared>> -> memref<128x128xf32, #tpu.memory_space<vmem_shared>>
      %dma_start3A_18 = arith.constant 0 : i32
      %dma_start3A_19 = tpu.memref_slice %arg9[%add3A_9, %dma_start3A_18] : memref<10240x128xf32, #tpu.memory_space<vmem_shared>> -> memref<128x128xf32, #tpu.memory_space<vmem_shared>>
      tpu.enqueue_dma source(%arg12 : memref<128x128xf32, #tpu.memory_space<vmem>>) target(%dma_start3A_19 : memref<128x128xf32, #tpu.memory_space<vmem_shared>>) target_semaphore(%run_scoped3A : memref<!tpu.dma_semaphore, #tpu.memory_space<semaphore_mem>>)
      %dma_wait3A = arith.constant 0 : i32
      %dma_wait3A_20 = tpu.memref_slice %arg9[%add3A_9, %dma_wait3A] : memref<10240x128xf32, #tpu.memory_space<vmem_shared>> -> memref<128x128xf32, #tpu.memory_space<vmem_shared>>
      %dma_wait3A_21 = arith.constant 0 : i32
      %dma_wait3A_22 = tpu.memref_slice %arg9[%add3A_9, %dma_wait3A_21] : memref<10240x128xf32, #tpu.memory_space<vmem_shared>> -> memref<128x128xf32, #tpu.memory_space<vmem_shared>>
      tpu.wait_dma2 semaphore(%run_scoped3A : memref<!tpu.dma_semaphore, #tpu.memory_space<semaphore_mem>>) src(%arg12 : memref<128x128xf32, #tpu.memory_space<vmem>>) dst(%dma_wait3A_22 : memref<128x128xf32, #tpu.memory_space<vmem_shared>>)
      tpu.yield
    }) : () -> ()
    %barrier3A = arith.constant 0 : index
    tpu.barrier barrier_id(%barrier3A)
    %eq3A = arith.constant 0 : i32
    %eq3A_10 = arith.cmpi eq, %arg0, %eq3A : i32
    %convert_element_type3A = arith.extui %eq3A_10 : i1 to i32
    %cond3A = arith.constant 0 : i32
    %cond3A_11 = arith.cmpi ne, %convert_element_type3A, %cond3A : i32
    scf.if %cond3A_11 {
      %run_scoped3A = arith.constant 0 : i32
      "tpu.region"() ({
        %run_scoped3A_156 = tpu.sem_alloc : memref<!tpu.dma_semaphore, #tpu.memory_space<semaphore_mem>>
        %dma_start3A_157 = arith.constant 0 : i32
        %dma_start3A_158 = arith.constant 0 : i32
        %dma_start3A_159 = arith.constant 0 : i32
        %dma_start3A_160 = tpu.memref_slice %arg2[%arg1, %dma_start3A_157, %dma_start3A_158, %dma_start3A_159] : memref<16x2x40x128xi32, #tpu.memory_space<hbm>> -> memref<1x2x40x128xi32, #tpu.memory_space<hbm>>
        %dma_start3A_161 = tpu.memref_squeeze %dma_start3A_160 : memref<1x2x40x128xi32, #tpu.memory_space<hbm>> -> memref<2x40x128xi32, #tpu.memory_space<hbm>>
        %dma_start3A_162 = arith.constant 0 : i32
        %dma_start3A_163 = arith.constant 0 : i32
        %dma_start3A_164 = tpu.memref_slice %dma_start3A_161[%run_scoped3A, %dma_start3A_162, %dma_start3A_163] : memref<2x40x128xi32, #tpu.memory_space<hbm>> -> memref<1x40x128xi32, #tpu.memory_space<hbm>>
        %dma_start3A_165 = tpu.memref_squeeze %dma_start3A_164 : memref<1x40x128xi32, #tpu.memory_space<hbm>> -> memref<40x128xi32, #tpu.memory_space<hbm>>
        %dma_start3A_166 = arith.constant 0 : i32
        %dma_start3A_167 = arith.constant 0 : i32
        %dma_start3A_168 = arith.constant 0 : i32
        %dma_start3A_169 = tpu.memref_slice %arg2[%arg1, %dma_start3A_166, %dma_start3A_167, %dma_start3A_168] : memref<16x2x40x128xi32, #tpu.memory_space<hbm>> -> memref<1x2x40x128xi32, #tpu.memory_space<hbm>>
        %dma_start3A_170 = tpu.memref_squeeze %dma_start3A_169 : memref<1x2x40x128xi32, #tpu.memory_space<hbm>> -> memref<2x40x128xi32, #tpu.memory_space<hbm>>
        %dma_start3A_171 = arith.constant 0 : i32
        %dma_start3A_172 = arith.constant 0 : i32
        %dma_start3A_173 = tpu.memref_slice %dma_start3A_170[%run_scoped3A, %dma_start3A_171, %dma_start3A_172] : memref<2x40x128xi32, #tpu.memory_space<hbm>> -> memref<1x40x128xi32, #tpu.memory_space<hbm>>
        %dma_start3A_174 = tpu.memref_squeeze %dma_start3A_173 : memref<1x40x128xi32, #tpu.memory_space<hbm>> -> memref<40x128xi32, #tpu.memory_space<hbm>>
        tpu.enqueue_dma source(%dma_start3A_174 : memref<40x128xi32, #tpu.memory_space<hbm>>) target(%arg10 : memref<40x128xi32, #tpu.memory_space<vmem>>) target_semaphore(%run_scoped3A_156 : memref<!tpu.dma_semaphore, #tpu.memory_space<semaphore_mem>>)
        %dma_wait3A_175 = arith.constant 0 : i32
        %dma_wait3A_176 = arith.constant 0 : i32
        %dma_wait3A_177 = arith.constant 0 : i32
        %dma_wait3A_178 = tpu.memref_slice %arg2[%arg1, %dma_wait3A_175, %dma_wait3A_176, %dma_wait3A_177] : memref<16x2x40x128xi32, #tpu.memory_space<hbm>> -> memref<1x2x40x128xi32, #tpu.memory_space<hbm>>
        %dma_wait3A_179 = tpu.memref_squeeze %dma_wait3A_178 : memref<1x2x40x128xi32, #tpu.memory_space<hbm>> -> memref<2x40x128xi32, #tpu.memory_space<hbm>>
        %dma_wait3A_180 = arith.constant 0 : i32
        %dma_wait3A_181 = arith.constant 0 : i32
        %dma_wait3A_182 = tpu.memref_slice %dma_wait3A_179[%run_scoped3A, %dma_wait3A_180, %dma_wait3A_181] : memref<2x40x128xi32, #tpu.memory_space<hbm>> -> memref<1x40x128xi32, #tpu.memory_space<hbm>>
        %dma_wait3A_183 = tpu.memref_squeeze %dma_wait3A_182 : memref<1x40x128xi32, #tpu.memory_space<hbm>> -> memref<40x128xi32, #tpu.memory_space<hbm>>
        %dma_wait3A_184 = arith.constant 0 : i32
        %dma_wait3A_185 = arith.constant 0 : i32
        %dma_wait3A_186 = arith.constant 0 : i32
        %dma_wait3A_187 = tpu.memref_slice %arg2[%arg1, %dma_wait3A_184, %dma_wait3A_185, %dma_wait3A_186] : memref<16x2x40x128xi32, #tpu.memory_space<hbm>> -> memref<1x2x40x128xi32, #tpu.memory_space<hbm>>
        %dma_wait3A_188 = tpu.memref_squeeze %dma_wait3A_187 : memref<1x2x40x128xi32, #tpu.memory_space<hbm>> -> memref<2x40x128xi32, #tpu.memory_space<hbm>>
        %dma_wait3A_189 = arith.constant 0 : i32
        %dma_wait3A_190 = arith.constant 0 : i32
        %dma_wait3A_191 = tpu.memref_slice %dma_wait3A_188[%run_scoped3A, %dma_wait3A_189, %dma_wait3A_190] : memref<2x40x128xi32, #tpu.memory_space<hbm>> -> memref<1x40x128xi32, #tpu.memory_space<hbm>>
        %dma_wait3A_192 = tpu.memref_squeeze %dma_wait3A_191 : memref<1x40x128xi32, #tpu.memory_space<hbm>> -> memref<40x128xi32, #tpu.memory_space<hbm>>
        tpu.wait_dma2 semaphore(%run_scoped3A_156 : memref<!tpu.dma_semaphore, #tpu.memory_space<semaphore_mem>>) src(%dma_wait3A_192 : memref<40x128xi32, #tpu.memory_space<hbm>>) dst(%arg10 : memref<40x128xi32, #tpu.memory_space<vmem>>)
        tpu.yield
      }) : () -> ()
      %run_scoped3A_17 = arith.constant 0 : i32
      "tpu.region"() ({
        %run_scoped3A_156 = tpu.sem_alloc : memref<!tpu.dma_semaphore, #tpu.memory_space<semaphore_mem>>
        %dma_start3A_157 = arith.constant 0 : i32
        %dma_start3A_158 = arith.constant 0 : i32
        %dma_start3A_159 = arith.constant 0 : i32
        %dma_start3A_160 = tpu.memref_slice %arg3[%arg1, %dma_start3A_157, %dma_start3A_158, %dma_start3A_159] : memref<16x2x40x128xi32, #tpu.memory_space<hbm>> -> memref<1x2x40x128xi32, #tpu.memory_space<hbm>>
        %dma_start3A_161 = tpu.memref_squeeze %dma_start3A_160 : memref<1x2x40x128xi32, #tpu.memory_space<hbm>> -> memref<2x40x128xi32, #tpu.memory_space<hbm>>
        %dma_start3A_162 = arith.constant 0 : i32
        %dma_start3A_163 = arith.constant 0 : i32
        %dma_start3A_164 = tpu.memref_slice %dma_start3A_161[%run_scoped3A_17, %dma_start3A_162, %dma_start3A_163] : memref<2x40x128xi32, #tpu.memory_space<hbm>> -> memref<1x40x128xi32, #tpu.memory_space<hbm>>
        %dma_start3A_165 = tpu.memref_squeeze %dma_start3A_164 : memref<1x40x128xi32, #tpu.memory_space<hbm>> -> memref<40x128xi32, #tpu.memory_space<hbm>>
        %dma_start3A_166 = arith.constant 0 : i32
        %dma_start3A_167 = arith.constant 0 : i32
        %dma_start3A_168 = arith.constant 0 : i32
        %dma_start3A_169 = tpu.memref_slice %arg3[%arg1, %dma_start3A_166, %dma_start3A_167, %dma_start3A_168] : memref<16x2x40x128xi32, #tpu.memory_space<hbm>> -> memref<1x2x40x128xi32, #tpu.memory_space<hbm>>
        %dma_start3A_170 = tpu.memref_squeeze %dma_start3A_169 : memref<1x2x40x128xi32, #tpu.memory_space<hbm>> -> memref<2x40x128xi32, #tpu.memory_space<hbm>>
        %dma_start3A_171 = arith.constant 0 : i32
        %dma_start3A_172 = arith.constant 0 : i32
        %dma_start3A_173 = tpu.memref_slice %dma_start3A_170[%run_scoped3A_17, %dma_start3A_171, %dma_start3A_172] : memref<2x40x128xi32, #tpu.memory_space<hbm>> -> memref<1x40x128xi32, #tpu.memory_space<hbm>>
        %dma_start3A_174 = tpu.memref_squeeze %dma_start3A_173 : memref<1x40x128xi32, #tpu.memory_space<hbm>> -> memref<40x128xi32, #tpu.memory_space<hbm>>
        tpu.enqueue_dma source(%dma_start3A_174 : memref<40x128xi32, #tpu.memory_space<hbm>>) target(%arg11 : memref<40x128xi32, #tpu.memory_space<vmem>>) target_semaphore(%run_scoped3A_156 : memref<!tpu.dma_semaphore, #tpu.memory_space<semaphore_mem>>)
        %dma_wait3A_175 = arith.constant 0 : i32
        %dma_wait3A_176 = arith.constant 0 : i32
        %dma_wait3A_177 = arith.constant 0 : i32
        %dma_wait3A_178 = tpu.memref_slice %arg3[%arg1, %dma_wait3A_175, %dma_wait3A_176, %dma_wait3A_177] : memref<16x2x40x128xi32, #tpu.memory_space<hbm>> -> memref<1x2x40x128xi32, #tpu.memory_space<hbm>>
        %dma_wait3A_179 = tpu.memref_squeeze %dma_wait3A_178 : memref<1x2x40x128xi32, #tpu.memory_space<hbm>> -> memref<2x40x128xi32, #tpu.memory_space<hbm>>
        %dma_wait3A_180 = arith.constant 0 : i32
        %dma_wait3A_181 = arith.constant 0 : i32
        %dma_wait3A_182 = tpu.memref_slice %dma_wait3A_179[%run_scoped3A_17, %dma_wait3A_180, %dma_wait3A_181] : memref<2x40x128xi32, #tpu.memory_space<hbm>> -> memref<1x40x128xi32, #tpu.memory_space<hbm>>
        %dma_wait3A_183 = tpu.memref_squeeze %dma_wait3A_182 : memref<1x40x128xi32, #tpu.memory_space<hbm>> -> memref<40x128xi32, #tpu.memory_space<hbm>>
        %dma_wait3A_184 = arith.constant 0 : i32
        %dma_wait3A_185 = arith.constant 0 : i32
        %dma_wait3A_186 = arith.constant 0 : i32
        %dma_wait3A_187 = tpu.memref_slice %arg3[%arg1, %dma_wait3A_184, %dma_wait3A_185, %dma_wait3A_186] : memref<16x2x40x128xi32, #tpu.memory_space<hbm>> -> memref<1x2x40x128xi32, #tpu.memory_space<hbm>>
        %dma_wait3A_188 = tpu.memref_squeeze %dma_wait3A_187 : memref<1x2x40x128xi32, #tpu.memory_space<hbm>> -> memref<2x40x128xi32, #tpu.memory_space<hbm>>
        %dma_wait3A_189 = arith.constant 0 : i32
        %dma_wait3A_190 = arith.constant 0 : i32
        %dma_wait3A_191 = tpu.memref_slice %dma_wait3A_188[%run_scoped3A_17, %dma_wait3A_189, %dma_wait3A_190] : memref<2x40x128xi32, #tpu.memory_space<hbm>> -> memref<1x40x128xi32, #tpu.memory_space<hbm>>
        %dma_wait3A_192 = tpu.memref_squeeze %dma_wait3A_191 : memref<1x40x128xi32, #tpu.memory_space<hbm>> -> memref<40x128xi32, #tpu.memory_space<hbm>>
        tpu.wait_dma2 semaphore(%run_scoped3A_156 : memref<!tpu.dma_semaphore, #tpu.memory_space<semaphore_mem>>) src(%dma_wait3A_192 : memref<40x128xi32, #tpu.memory_space<hbm>>) dst(%arg11 : memref<40x128xi32, #tpu.memory_space<vmem>>)
        tpu.yield
      }) : () -> ()
      %dma_start3A = arith.constant 0 : i32
      %dma_start3A_18 = arith.constant 0 : i32
      %dma_start3A_19 = tpu.memref_slice %arg10[%dma_start3A, %dma_start3A_18] : memref<40x128xi32, #tpu.memory_space<vmem>> -> memref<1x128xi32, #tpu.memory_space<vmem>>
      %dma_start3A_20 = tpu.memref_squeeze %dma_start3A_19 : memref<1x128xi32, #tpu.memory_space<vmem>> -> memref<128xi32, #tpu.memory_space<vmem>>
      %dma_start3A_21 = arith.constant 0 : i32
      %dma_start3A_22 = arith.constant 0 : i32
      %dma_start3A_23 = tpu.memref_slice %arg4[%dma_start3A_21, %dma_start3A_22] : memref<10000x128xf32, #tpu.memory_space<hbm>> -> memref<10000x128xf32, #tpu.memory_space<hbm>>
      tpu.enqueue_indirect_dma source(%dma_start3A_23 : memref<10000x128xf32, #tpu.memory_space<hbm>>) target(%arg12 : memref<128x128xf32, #tpu.memory_space<vmem>>) offsets(%dma_start3A_20 : memref<128xi32, #tpu.memory_space<vmem>>) semaphore(%arg14 : memref<!tpu.dma_semaphore, #tpu.memory_space<semaphore_mem>>)
      %dma_start3A_24 = arith.constant 1 : i32
      %dma_start3A_25 = arith.constant 0 : i32
      %dma_start3A_26 = tpu.memref_slice %arg10[%dma_start3A_24, %dma_start3A_25] : memref<40x128xi32, #tpu.memory_space<vmem>> -> memref<1x128xi32, #tpu.memory_space<vmem>>
      %dma_start3A_27 = tpu.memref_squeeze %dma_start3A_26 : memref<1x128xi32, #tpu.memory_space<vmem>> -> memref<128xi32, #tpu.memory_space<vmem>>
      %dma_start3A_28 = arith.constant 0 : i32
      %dma_start3A_29 = arith.constant 0 : i32
      %dma_start3A_30 = tpu.memref_slice %arg4[%dma_start3A_28, %dma_start3A_29] : memref<10000x128xf32, #tpu.memory_space<hbm>> -> memref<10000x128xf32, #tpu.memory_space<hbm>>
      tpu.enqueue_indirect_dma source(%dma_start3A_30 : memref<10000x128xf32, #tpu.memory_space<hbm>>) target(%arg13 : memref<128x128xf32, #tpu.memory_space<vmem>>) offsets(%dma_start3A_27 : memref<128xi32, #tpu.memory_space<vmem>>) semaphore(%arg15 : memref<!tpu.dma_semaphore, #tpu.memory_space<semaphore_mem>>)
      %scan3A = arith.constant 0 : i32
      %scan3A_31 = arith.constant 0 : i32
      %scan3A_32 = arith.constant 20 : i32
      %scan3A_33 = arith.addi %scan3A_31, %scan3A_32 : i32
      %scan3A_34 = arith.constant 1 : i32
      scf.for %scan3A_156 = %scan3A_31 to %scan3A_33 step %scan3A_34  : i32 {
        %mul3A_157 = arith.constant 2 : i32
        %mul3A_158 = arith.muli %scan3A_156, %mul3A_157 : i32
        %add3A_159 = arith.constant 0 : i32
        %add3A_160 = arith.addi %mul3A_158, %add3A_159 : i32
        %dma_wait3A_161 = arith.constant 0 : i32
        %dma_wait3A_162 = tpu.memref_slice %arg10[%add3A_160, %dma_wait3A_161] : memref<40x128xi32, #tpu.memory_space<vmem>> -> memref<1x128xi32, #tpu.memory_space<vmem>>
        %dma_wait3A_163 = tpu.memref_squeeze %dma_wait3A_162 : memref<1x128xi32, #tpu.memory_space<vmem>> -> memref<128xi32, #tpu.memory_space<vmem>>
        %dma_wait3A_164 = arith.constant 0 : i32
        %dma_wait3A_165 = arith.constant 0 : i32
        %dma_wait3A_166 = tpu.memref_slice %arg4[%dma_wait3A_164, %dma_wait3A_165] : memref<10000x128xf32, #tpu.memory_space<hbm>> -> memref<10000x128xf32, #tpu.memory_space<hbm>>
        tpu.wait_indirect_dma semaphore(%arg14 : memref<!tpu.dma_semaphore, #tpu.memory_space<semaphore_mem>>) src(%dma_wait3A_166 : memref<10000x128xf32, #tpu.memory_space<hbm>>) dst(%arg12 : memref<128x128xf32, #tpu.memory_space<vmem>>)
        %dma_start3A_167 = arith.constant 0 : i32
        %dma_start3A_168 = tpu.memref_slice %arg11[%add3A_160, %dma_start3A_167] : memref<40x128xi32, #tpu.memory_space<vmem>> -> memref<1x128xi32, #tpu.memory_space<vmem>>
        %dma_start3A_169 = tpu.memref_squeeze %dma_start3A_168 : memref<1x128xi32, #tpu.memory_space<vmem>> -> memref<128xi32, #tpu.memory_space<vmem>>
        %dma_start3A_170 = arith.constant 0 : i32
        %dma_start3A_171 = arith.constant 0 : i32
        %dma_start3A_172 = tpu.memref_slice %arg9[%dma_start3A_170, %dma_start3A_171] : memref<10240x128xf32, #tpu.memory_space<vmem_shared>> -> memref<10240x128xf32, #tpu.memory_space<vmem_shared>>
        tpu.enqueue_indirect_dma source(%arg12 : memref<128x128xf32, #tpu.memory_space<vmem>>) target(%dma_start3A_172 : memref<10240x128xf32, #tpu.memory_space<vmem_shared>>) offsets(%dma_start3A_169 : memref<128xi32, #tpu.memory_space<vmem>>) semaphore(%arg16 : memref<!tpu.dma_semaphore, #tpu.memory_space<semaphore_mem>>) {add = true}
        %add3A_173 = arith.constant 1 : i32
        %add3A_174 = arith.addi %mul3A_158, %add3A_173 : i32
        %dma_wait3A_175 = arith.constant 0 : i32
        %dma_wait3A_176 = tpu.memref_slice %arg10[%add3A_174, %dma_wait3A_175] : memref<40x128xi32, #tpu.memory_space<vmem>> -> memref<1x128xi32, #tpu.memory_space<vmem>>
        %dma_wait3A_177 = tpu.memref_squeeze %dma_wait3A_176 : memref<1x128xi32, #tpu.memory_space<vmem>> -> memref<128xi32, #tpu.memory_space<vmem>>
        %dma_wait3A_178 = arith.constant 0 : i32
        %dma_wait3A_179 = arith.constant 0 : i32
        %dma_wait3A_180 = tpu.memref_slice %arg4[%dma_wait3A_178, %dma_wait3A_179] : memref<10000x128xf32, #tpu.memory_space<hbm>> -> memref<10000x128xf32, #tpu.memory_space<hbm>>
        tpu.wait_indirect_dma semaphore(%arg15 : memref<!tpu.dma_semaphore, #tpu.memory_space<semaphore_mem>>) src(%dma_wait3A_180 : memref<10000x128xf32, #tpu.memory_space<hbm>>) dst(%arg13 : memref<128x128xf32, #tpu.memory_space<vmem>>)
        %dma_start3A_181 = arith.constant 0 : i32
        %dma_start3A_182 = tpu.memref_slice %arg11[%add3A_174, %dma_start3A_181] : memref<40x128xi32, #tpu.memory_space<vmem>> -> memref<1x128xi32, #tpu.memory_space<vmem>>
        %dma_start3A_183 = tpu.memref_squeeze %dma_start3A_182 : memref<1x128xi32, #tpu.memory_space<vmem>> -> memref<128xi32, #tpu.memory_space<vmem>>
        %dma_start3A_184 = arith.constant 0 : i32
        %dma_start3A_185 = arith.constant 0 : i32
        %dma_start3A_186 = tpu.memref_slice %arg9[%dma_start3A_184, %dma_start3A_185] : memref<10240x128xf32, #tpu.memory_space<vmem_shared>> -> memref<10240x128xf32, #tpu.memory_space<vmem_shared>>
        tpu.enqueue_indirect_dma source(%arg13 : memref<128x128xf32, #tpu.memory_space<vmem>>) target(%dma_start3A_186 : memref<10240x128xf32, #tpu.memory_space<vmem_shared>>) offsets(%dma_start3A_183 : memref<128xi32, #tpu.memory_space<vmem>>) semaphore(%arg17 : memref<!tpu.dma_semaphore, #tpu.memory_space<semaphore_mem>>) {add = true}
        %add3A_187 = arith.constant 0 : i32
        %add3A_188 = arith.addi %mul3A_158, %add3A_187 : i32
        %add3A_189 = arith.constant 2 : i32
        %add3A_190 = arith.addi %add3A_188, %add3A_189 : i32
        %lt3A = arith.constant 40 : i32
        %lt3A_191 = arith.cmpi slt, %add3A_190, %lt3A : i32
        %convert_element_type3A_192 = arith.extui %lt3A_191 : i1 to i32
        %cond3A_193 = arith.constant 0 : i32
        %cond3A_194 = arith.cmpi ne, %convert_element_type3A_192, %cond3A_193 : i32
        scf.if %cond3A_194 {
          %dma_wait3A_204 = arith.constant 0 : i32
          %dma_wait3A_205 = tpu.memref_slice %arg11[%add3A_188, %dma_wait3A_204] : memref<40x128xi32, #tpu.memory_space<vmem>> -> memref<1x128xi32, #tpu.memory_space<vmem>>
          %dma_wait3A_206 = tpu.memref_squeeze %dma_wait3A_205 : memref<1x128xi32, #tpu.memory_space<vmem>> -> memref<128xi32, #tpu.memory_space<vmem>>
          %dma_wait3A_207 = arith.constant 0 : i32
          %dma_wait3A_208 = arith.constant 0 : i32
          %dma_wait3A_209 = tpu.memref_slice %arg9[%dma_wait3A_207, %dma_wait3A_208] : memref<10240x128xf32, #tpu.memory_space<vmem_shared>> -> memref<10240x128xf32, #tpu.memory_space<vmem_shared>>
          tpu.wait_indirect_dma semaphore(%arg16 : memref<!tpu.dma_semaphore, #tpu.memory_space<semaphore_mem>>) src(%arg12 : memref<128x128xf32, #tpu.memory_space<vmem>>) dst(%dma_wait3A_209 : memref<10240x128xf32, #tpu.memory_space<vmem_shared>>)
          %add3A_210 = arith.constant 2 : i32
          %add3A_211 = arith.addi %add3A_188, %add3A_210 : i32
          %dma_start3A_212 = arith.constant 0 : i32
          %dma_start3A_213 = tpu.memref_slice %arg10[%add3A_211, %dma_start3A_212] : memref<40x128xi32, #tpu.memory_space<vmem>> -> memref<1x128xi32, #tpu.memory_space<vmem>>
          %dma_start3A_214 = tpu.memref_squeeze %dma_start3A_213 : memref<1x128xi32, #tpu.memory_space<vmem>> -> memref<128xi32, #tpu.memory_space<vmem>>
          %dma_start3A_215 = arith.constant 0 : i32
          %dma_start3A_216 = arith.constant 0 : i32
          %dma_start3A_217 = tpu.memref_slice %arg4[%dma_start3A_215, %dma_start3A_216] : memref<10000x128xf32, #tpu.memory_space<hbm>> -> memref<10000x128xf32, #tpu.memory_space<hbm>>
          tpu.enqueue_indirect_dma source(%dma_start3A_217 : memref<10000x128xf32, #tpu.memory_space<hbm>>) target(%arg12 : memref<128x128xf32, #tpu.memory_space<vmem>>) offsets(%dma_start3A_214 : memref<128xi32, #tpu.memory_space<vmem>>) semaphore(%arg14 : memref<!tpu.dma_semaphore, #tpu.memory_space<semaphore_mem>>)
        } else {
        }
        %add3A_195 = arith.constant 1 : i32
        %add3A_196 = arith.addi %mul3A_158, %add3A_195 : i32
        %add3A_197 = arith.constant 2 : i32
        %add3A_198 = arith.addi %add3A_196, %add3A_197 : i32
        %lt3A_199 = arith.constant 40 : i32
        %lt3A_200 = arith.cmpi slt, %add3A_198, %lt3A_199 : i32
        %convert_element_type3A_201 = arith.extui %lt3A_200 : i1 to i32
        %cond3A_202 = arith.constant 0 : i32
        %cond3A_203 = arith.cmpi ne, %convert_element_type3A_201, %cond3A_202 : i32
        scf.if %cond3A_203 {
          %dma_wait3A_204 = arith.constant 0 : i32
          %dma_wait3A_205 = tpu.memref_slice %arg11[%add3A_196, %dma_wait3A_204] : memref<40x128xi32, #tpu.memory_space<vmem>> -> memref<1x128xi32, #tpu.memory_space<vmem>>
          %dma_wait3A_206 = tpu.memref_squeeze %dma_wait3A_205 : memref<1x128xi32, #tpu.memory_space<vmem>> -> memref<128xi32, #tpu.memory_space<vmem>>
          %dma_wait3A_207 = arith.constant 0 : i32
          %dma_wait3A_208 = arith.constant 0 : i32
          %dma_wait3A_209 = tpu.memref_slice %arg9[%dma_wait3A_207, %dma_wait3A_208] : memref<10240x128xf32, #tpu.memory_space<vmem_shared>> -> memref<10240x128xf32, #tpu.memory_space<vmem_shared>>
          tpu.wait_indirect_dma semaphore(%arg17 : memref<!tpu.dma_semaphore, #tpu.memory_space<semaphore_mem>>) src(%arg13 : memref<128x128xf32, #tpu.memory_space<vmem>>) dst(%dma_wait3A_209 : memref<10240x128xf32, #tpu.memory_space<vmem_shared>>)
          %add3A_210 = arith.constant 2 : i32
          %add3A_211 = arith.addi %add3A_196, %add3A_210 : i32
          %dma_start3A_212 = arith.constant 0 : i32
          %dma_start3A_213 = tpu.memref_slice %arg10[%add3A_211, %dma_start3A_212] : memref<40x128xi32, #tpu.memory_space<vmem>> -> memref<1x128xi32, #tpu.memory_space<vmem>>
          %dma_start3A_214 = tpu.memref_squeeze %dma_start3A_213 : memref<1x128xi32, #tpu.memory_space<vmem>> -> memref<128xi32, #tpu.memory_space<vmem>>
          %dma_start3A_215 = arith.constant 0 : i32
          %dma_start3A_216 = arith.constant 0 : i32
          %dma_start3A_217 = tpu.memref_slice %arg4[%dma_start3A_215, %dma_start3A_216] : memref<10000x128xf32, #tpu.memory_space<hbm>> -> memref<10000x128xf32, #tpu.memory_space<hbm>>
          tpu.enqueue_indirect_dma source(%dma_start3A_217 : memref<10000x128xf32, #tpu.memory_space<hbm>>) target(%arg13 : memref<128x128xf32, #tpu.memory_space<vmem>>) offsets(%dma_start3A_214 : memref<128xi32, #tpu.memory_space<vmem>>) semaphore(%arg15 : memref<!tpu.dma_semaphore, #tpu.memory_space<semaphore_mem>>)
        } else {
        }
      }
      %scan3A_35 = arith.constant 20 : i32
      %dma_wait3A = arith.constant 38 : i32
      %dma_wait3A_36 = arith.constant 0 : i32
      %dma_wait3A_37 = tpu.memref_slice %arg11[%dma_wait3A, %dma_wait3A_36] : memref<40x128xi32, #tpu.memory_space<vmem>> -> memref<1x128xi32, #tpu.memory_space<vmem>>
      %dma_wait3A_38 = tpu.memref_squeeze %dma_wait3A_37 : memref<1x128xi32, #tpu.memory_space<vmem>> -> memref<128xi32, #tpu.memory_space<vmem>>
      %dma_wait3A_39 = arith.constant 0 : i32
      %dma_wait3A_40 = arith.constant 0 : i32
      %dma_wait3A_41 = tpu.memref_slice %arg9[%dma_wait3A_39, %dma_wait3A_40] : memref<10240x128xf32, #tpu.memory_space<vmem_shared>> -> memref<10240x128xf32, #tpu.memory_space<vmem_shared>>
      tpu.wait_indirect_dma semaphore(%arg16 : memref<!tpu.dma_semaphore, #tpu.memory_space<semaphore_mem>>) src(%arg12 : memref<128x128xf32, #tpu.memory_space<vmem>>) dst(%dma_wait3A_41 : memref<10240x128xf32, #tpu.memory_space<vmem_shared>>)
      %dma_wait3A_42 = arith.constant 39 : i32
      %dma_wait3A_43 = arith.constant 0 : i32
      %dma_wait3A_44 = tpu.memref_slice %arg11[%dma_wait3A_42, %dma_wait3A_43] : memref<40x128xi32, #tpu.memory_space<vmem>> -> memref<1x128xi32, #tpu.memory_space<vmem>>
      %dma_wait3A_45 = tpu.memref_squeeze %dma_wait3A_44 : memref<1x128xi32, #tpu.memory_space<vmem>> -> memref<128xi32, #tpu.memory_space<vmem>>
      %dma_wait3A_46 = arith.constant 0 : i32
      %dma_wait3A_47 = arith.constant 0 : i32
      %dma_wait3A_48 = tpu.memref_slice %arg9[%dma_wait3A_46, %dma_wait3A_47] : memref<10240x128xf32, #tpu.memory_space<vmem_shared>> -> memref<10240x128xf32, #tpu.memory_space<vmem_shared>>
      tpu.wait_indirect_dma semaphore(%arg17 : memref<!tpu.dma_semaphore, #tpu.memory_space<semaphore_mem>>) src(%arg13 : memref<128x128xf32, #tpu.memory_space<vmem>>) dst(%dma_wait3A_48 : memref<10240x128xf32, #tpu.memory_space<vmem_shared>>)
      %run_scoped3A_49 = arith.constant 1 : i32
      "tpu.region"() ({
        %run_scoped3A_156 = tpu.sem_alloc : memref<!tpu.dma_semaphore, #tpu.memory_space<semaphore_mem>>
        %dma_start3A_157 = arith.constant 0 : i32
        %dma_start3A_158 = arith.constant 0 : i32
        %dma_start3A_159 = arith.constant 0 : i32
        %dma_start3A_160 = tpu.memref_slice %arg2[%arg1, %dma_start3A_157, %dma_start3A_158, %dma_start3A_159] : memref<16x2x40x128xi32, #tpu.memory_space<hbm>> -> memref<1x2x40x128xi32, #tpu.memory_space<hbm>>
        %dma_start3A_161 = tpu.memref_squeeze %dma_start3A_160 : memref<1x2x40x128xi32, #tpu.memory_space<hbm>> -> memref<2x40x128xi32, #tpu.memory_space<hbm>>
        %dma_start3A_162 = arith.constant 0 : i32
        %dma_start3A_163 = arith.constant 0 : i32
        %dma_start3A_164 = tpu.memref_slice %dma_start3A_161[%run_scoped3A_49, %dma_start3A_162, %dma_start3A_163] : memref<2x40x128xi32, #tpu.memory_space<hbm>> -> memref<1x40x128xi32, #tpu.memory_space<hbm>>
        %dma_start3A_165 = tpu.memref_squeeze %dma_start3A_164 : memref<1x40x128xi32, #tpu.memory_space<hbm>> -> memref<40x128xi32, #tpu.memory_space<hbm>>
        %dma_start3A_166 = arith.constant 0 : i32
        %dma_start3A_167 = arith.constant 0 : i32
        %dma_start3A_168 = arith.constant 0 : i32
        %dma_start3A_169 = tpu.memref_slice %arg2[%arg1, %dma_start3A_166, %dma_start3A_167, %dma_start3A_168] : memref<16x2x40x128xi32, #tpu.memory_space<hbm>> -> memref<1x2x40x128xi32, #tpu.memory_space<hbm>>
        %dma_start3A_170 = tpu.memref_squeeze %dma_start3A_169 : memref<1x2x40x128xi32, #tpu.memory_space<hbm>> -> memref<2x40x128xi32, #tpu.memory_space<hbm>>
        %dma_start3A_171 = arith.constant 0 : i32
        %dma_start3A_172 = arith.constant 0 : i32
        %dma_start3A_173 = tpu.memref_slice %dma_start3A_170[%run_scoped3A_49, %dma_start3A_171, %dma_start3A_172] : memref<2x40x128xi32, #tpu.memory_space<hbm>> -> memref<1x40x128xi32, #tpu.memory_space<hbm>>
        %dma_start3A_174 = tpu.memref_squeeze %dma_start3A_173 : memref<1x40x128xi32, #tpu.memory_space<hbm>> -> memref<40x128xi32, #tpu.memory_space<hbm>>
        tpu.enqueue_dma source(%dma_start3A_174 : memref<40x128xi32, #tpu.memory_space<hbm>>) target(%arg10 : memref<40x128xi32, #tpu.memory_space<vmem>>) target_semaphore(%run_scoped3A_156 : memref<!tpu.dma_semaphore, #tpu.memory_space<semaphore_mem>>)
        %dma_wait3A_175 = arith.constant 0 : i32
        %dma_wait3A_176 = arith.constant 0 : i32
        %dma_wait3A_177 = arith.constant 0 : i32
        %dma_wait3A_178 = tpu.memref_slice %arg2[%arg1, %dma_wait3A_175, %dma_wait3A_176, %dma_wait3A_177] : memref<16x2x40x128xi32, #tpu.memory_space<hbm>> -> memref<1x2x40x128xi32, #tpu.memory_space<hbm>>
        %dma_wait3A_179 = tpu.memref_squeeze %dma_wait3A_178 : memref<1x2x40x128xi32, #tpu.memory_space<hbm>> -> memref<2x40x128xi32, #tpu.memory_space<hbm>>
        %dma_wait3A_180 = arith.constant 0 : i32
        %dma_wait3A_181 = arith.constant 0 : i32
        %dma_wait3A_182 = tpu.memref_slice %dma_wait3A_179[%run_scoped3A_49, %dma_wait3A_180, %dma_wait3A_181] : memref<2x40x128xi32, #tpu.memory_space<hbm>> -> memref<1x40x128xi32, #tpu.memory_space<hbm>>
        %dma_wait3A_183 = tpu.memref_squeeze %dma_wait3A_182 : memref<1x40x128xi32, #tpu.memory_space<hbm>> -> memref<40x128xi32, #tpu.memory_space<hbm>>
        %dma_wait3A_184 = arith.constant 0 : i32
        %dma_wait3A_185 = arith.constant 0 : i32
        %dma_wait3A_186 = arith.constant 0 : i32
        %dma_wait3A_187 = tpu.memref_slice %arg2[%arg1, %dma_wait3A_184, %dma_wait3A_185, %dma_wait3A_186] : memref<16x2x40x128xi32, #tpu.memory_space<hbm>> -> memref<1x2x40x128xi32, #tpu.memory_space<hbm>>
        %dma_wait3A_188 = tpu.memref_squeeze %dma_wait3A_187 : memref<1x2x40x128xi32, #tpu.memory_space<hbm>> -> memref<2x40x128xi32, #tpu.memory_space<hbm>>
        %dma_wait3A_189 = arith.constant 0 : i32
        %dma_wait3A_190 = arith.constant 0 : i32
        %dma_wait3A_191 = tpu.memref_slice %dma_wait3A_188[%run_scoped3A_49, %dma_wait3A_189, %dma_wait3A_190] : memref<2x40x128xi32, #tpu.memory_space<hbm>> -> memref<1x40x128xi32, #tpu.memory_space<hbm>>
        %dma_wait3A_192 = tpu.memref_squeeze %dma_wait3A_191 : memref<1x40x128xi32, #tpu.memory_space<hbm>> -> memref<40x128xi32, #tpu.memory_space<hbm>>
        tpu.wait_dma2 semaphore(%run_scoped3A_156 : memref<!tpu.dma_semaphore, #tpu.memory_space<semaphore_mem>>) src(%dma_wait3A_192 : memref<40x128xi32, #tpu.memory_space<hbm>>) dst(%arg10 : memref<40x128xi32, #tpu.memory_space<vmem>>)
        tpu.yield
      }) : () -> ()
      %run_scoped3A_50 = arith.constant 1 : i32
      "tpu.region"() ({
        %run_scoped3A_156 = tpu.sem_alloc : memref<!tpu.dma_semaphore, #tpu.memory_space<semaphore_mem>>
        %dma_start3A_157 = arith.constant 0 : i32
        %dma_start3A_158 = arith.constant 0 : i32
        %dma_start3A_159 = arith.constant 0 : i32
        %dma_start3A_160 = tpu.memref_slice %arg3[%arg1, %dma_start3A_157, %dma_start3A_158, %dma_start3A_159] : memref<16x2x40x128xi32, #tpu.memory_space<hbm>> -> memref<1x2x40x128xi32, #tpu.memory_space<hbm>>
        %dma_start3A_161 = tpu.memref_squeeze %dma_start3A_160 : memref<1x2x40x128xi32, #tpu.memory_space<hbm>> -> memref<2x40x128xi32, #tpu.memory_space<hbm>>
        %dma_start3A_162 = arith.constant 0 : i32
        %dma_start3A_163 = arith.constant 0 : i32
        %dma_start3A_164 = tpu.memref_slice %dma_start3A_161[%run_scoped3A_50, %dma_start3A_162, %dma_start3A_163] : memref<2x40x128xi32, #tpu.memory_space<hbm>> -> memref<1x40x128xi32, #tpu.memory_space<hbm>>
        %dma_start3A_165 = tpu.memref_squeeze %dma_start3A_164 : memref<1x40x128xi32, #tpu.memory_space<hbm>> -> memref<40x128xi32, #tpu.memory_space<hbm>>
        %dma_start3A_166 = arith.constant 0 : i32
        %dma_start3A_167 = arith.constant 0 : i32
        %dma_start3A_168 = arith.constant 0 : i32
        %dma_start3A_169 = tpu.memref_slice %arg3[%arg1, %dma_start3A_166, %dma_start3A_167, %dma_start3A_168] : memref<16x2x40x128xi32, #tpu.memory_space<hbm>> -> memref<1x2x40x128xi32, #tpu.memory_space<hbm>>
        %dma_start3A_170 = tpu.memref_squeeze %dma_start3A_169 : memref<1x2x40x128xi32, #tpu.memory_space<hbm>> -> memref<2x40x128xi32, #tpu.memory_space<hbm>>
        %dma_start3A_171 = arith.constant 0 : i32
        %dma_start3A_172 = arith.constant 0 : i32
        %dma_start3A_173 = tpu.memref_slice %dma_start3A_170[%run_scoped3A_50, %dma_start3A_171, %dma_start3A_172] : memref<2x40x128xi32, #tpu.memory_space<hbm>> -> memref<1x40x128xi32, #tpu.memory_space<hbm>>
        %dma_start3A_174 = tpu.memref_squeeze %dma_start3A_173 : memref<1x40x128xi32, #tpu.memory_space<hbm>> -> memref<40x128xi32, #tpu.memory_space<hbm>>
        tpu.enqueue_dma source(%dma_start3A_174 : memref<40x128xi32, #tpu.memory_space<hbm>>) target(%arg11 : memref<40x128xi32, #tpu.memory_space<vmem>>) target_semaphore(%run_scoped3A_156 : memref<!tpu.dma_semaphore, #tpu.memory_space<semaphore_mem>>)
        %dma_wait3A_175 = arith.constant 0 : i32
        %dma_wait3A_176 = arith.constant 0 : i32
        %dma_wait3A_177 = arith.constant 0 : i32
        %dma_wait3A_178 = tpu.memref_slice %arg3[%arg1, %dma_wait3A_175, %dma_wait3A_176, %dma_wait3A_177] : memref<16x2x40x128xi32, #tpu.memory_space<hbm>> -> memref<1x2x40x128xi32, #tpu.memory_space<hbm>>
        %dma_wait3A_179 = tpu.memref_squeeze %dma_wait3A_178 : memref<1x2x40x128xi32, #tpu.memory_space<hbm>> -> memref<2x40x128xi32, #tpu.memory_space<hbm>>
        %dma_wait3A_180 = arith.constant 0 : i32
        %dma_wait3A_181 = arith.constant 0 : i32
        %dma_wait3A_182 = tpu.memref_slice %dma_wait3A_179[%run_scoped3A_50, %dma_wait3A_180, %dma_wait3A_181] : memref<2x40x128xi32, #tpu.memory_space<hbm>> -> memref<1x40x128xi32, #tpu.memory_space<hbm>>
        %dma_wait3A_183 = tpu.memref_squeeze %dma_wait3A_182 : memref<1x40x128xi32, #tpu.memory_space<hbm>> -> memref<40x128xi32, #tpu.memory_space<hbm>>
        %dma_wait3A_184 = arith.constant 0 : i32
        %dma_wait3A_185 = arith.constant 0 : i32
        %dma_wait3A_186 = arith.constant 0 : i32
        %dma_wait3A_187 = tpu.memref_slice %arg3[%arg1, %dma_wait3A_184, %dma_wait3A_185, %dma_wait3A_186] : memref<16x2x40x128xi32, #tpu.memory_space<hbm>> -> memref<1x2x40x128xi32, #tpu.memory_space<hbm>>
        %dma_wait3A_188 = tpu.memref_squeeze %dma_wait3A_187 : memref<1x2x40x128xi32, #tpu.memory_space<hbm>> -> memref<2x40x128xi32, #tpu.memory_space<hbm>>
        %dma_wait3A_189 = arith.constant 0 : i32
        %dma_wait3A_190 = arith.constant 0 : i32
        %dma_wait3A_191 = tpu.memref_slice %dma_wait3A_188[%run_scoped3A_50, %dma_wait3A_189, %dma_wait3A_190] : memref<2x40x128xi32, #tpu.memory_space<hbm>> -> memref<1x40x128xi32, #tpu.memory_space<hbm>>
        %dma_wait3A_192 = tpu.memref_squeeze %dma_wait3A_191 : memref<1x40x128xi32, #tpu.memory_space<hbm>> -> memref<40x128xi32, #tpu.memory_space<hbm>>
        tpu.wait_dma2 semaphore(%run_scoped3A_156 : memref<!tpu.dma_semaphore, #tpu.memory_space<semaphore_mem>>) src(%dma_wait3A_192 : memref<40x128xi32, #tpu.memory_space<hbm>>) dst(%arg11 : memref<40x128xi32, #tpu.memory_space<vmem>>)
        tpu.yield
      }) : () -> ()
      %dma_start3A_51 = arith.constant 0 : i32
      %dma_start3A_52 = arith.constant 0 : i32
      %dma_start3A_53 = tpu.memref_slice %arg10[%dma_start3A_51, %dma_start3A_52] : memref<40x128xi32, #tpu.memory_space<vmem>> -> memref<1x128xi32, #tpu.memory_space<vmem>>
      %dma_start3A_54 = tpu.memref_squeeze %dma_start3A_53 : memref<1x128xi32, #tpu.memory_space<vmem>> -> memref<128xi32, #tpu.memory_space<vmem>>
      %dma_start3A_55 = arith.constant 0 : i32
      %dma_start3A_56 = arith.constant 0 : i32
      %dma_start3A_57 = tpu.memref_slice %arg4[%dma_start3A_55, %dma_start3A_56] : memref<10000x128xf32, #tpu.memory_space<hbm>> -> memref<10000x128xf32, #tpu.memory_space<hbm>>
      tpu.enqueue_indirect_dma source(%dma_start3A_57 : memref<10000x128xf32, #tpu.memory_space<hbm>>) target(%arg12 : memref<128x128xf32, #tpu.memory_space<vmem>>) offsets(%dma_start3A_54 : memref<128xi32, #tpu.memory_space<vmem>>) semaphore(%arg14 : memref<!tpu.dma_semaphore, #tpu.memory_space<semaphore_mem>>)
      %dma_start3A_58 = arith.constant 1 : i32
      %dma_start3A_59 = arith.constant 0 : i32
      %dma_start3A_60 = tpu.memref_slice %arg10[%dma_start3A_58, %dma_start3A_59] : memref<40x128xi32, #tpu.memory_space<vmem>> -> memref<1x128xi32, #tpu.memory_space<vmem>>
      %dma_start3A_61 = tpu.memref_squeeze %dma_start3A_60 : memref<1x128xi32, #tpu.memory_space<vmem>> -> memref<128xi32, #tpu.memory_space<vmem>>
      %dma_start3A_62 = arith.constant 0 : i32
      %dma_start3A_63 = arith.constant 0 : i32
      %dma_start3A_64 = tpu.memref_slice %arg4[%dma_start3A_62, %dma_start3A_63] : memref<10000x128xf32, #tpu.memory_space<hbm>> -> memref<10000x128xf32, #tpu.memory_space<hbm>>
      tpu.enqueue_indirect_dma source(%dma_start3A_64 : memref<10000x128xf32, #tpu.memory_space<hbm>>) target(%arg13 : memref<128x128xf32, #tpu.memory_space<vmem>>) offsets(%dma_start3A_61 : memref<128xi32, #tpu.memory_space<vmem>>) semaphore(%arg15 : memref<!tpu.dma_semaphore, #tpu.memory_space<semaphore_mem>>)
      %scan3A_65 = arith.constant 0 : i32
      %scan3A_66 = arith.constant 0 : i32
      %scan3A_67 = arith.constant 20 : i32
      %scan3A_68 = arith.addi %scan3A_66, %scan3A_67 : i32
      %scan3A_69 = arith.constant 1 : i32
      scf.for %scan3A_156 = %scan3A_66 to %scan3A_68 step %scan3A_69  : i32 {
        %mul3A_157 = arith.constant 2 : i32
        %mul3A_158 = arith.muli %scan3A_156, %mul3A_157 : i32
        %add3A_159 = arith.constant 0 : i32
        %add3A_160 = arith.addi %mul3A_158, %add3A_159 : i32
        %dma_wait3A_161 = arith.constant 0 : i32
        %dma_wait3A_162 = tpu.memref_slice %arg10[%add3A_160, %dma_wait3A_161] : memref<40x128xi32, #tpu.memory_space<vmem>> -> memref<1x128xi32, #tpu.memory_space<vmem>>
        %dma_wait3A_163 = tpu.memref_squeeze %dma_wait3A_162 : memref<1x128xi32, #tpu.memory_space<vmem>> -> memref<128xi32, #tpu.memory_space<vmem>>
        %dma_wait3A_164 = arith.constant 0 : i32
        %dma_wait3A_165 = arith.constant 0 : i32
        %dma_wait3A_166 = tpu.memref_slice %arg4[%dma_wait3A_164, %dma_wait3A_165] : memref<10000x128xf32, #tpu.memory_space<hbm>> -> memref<10000x128xf32, #tpu.memory_space<hbm>>
        tpu.wait_indirect_dma semaphore(%arg14 : memref<!tpu.dma_semaphore, #tpu.memory_space<semaphore_mem>>) src(%dma_wait3A_166 : memref<10000x128xf32, #tpu.memory_space<hbm>>) dst(%arg12 : memref<128x128xf32, #tpu.memory_space<vmem>>)
        %dma_start3A_167 = arith.constant 0 : i32
        %dma_start3A_168 = tpu.memref_slice %arg11[%add3A_160, %dma_start3A_167] : memref<40x128xi32, #tpu.memory_space<vmem>> -> memref<1x128xi32, #tpu.memory_space<vmem>>
        %dma_start3A_169 = tpu.memref_squeeze %dma_start3A_168 : memref<1x128xi32, #tpu.memory_space<vmem>> -> memref<128xi32, #tpu.memory_space<vmem>>
        %dma_start3A_170 = arith.constant 0 : i32
        %dma_start3A_171 = arith.constant 0 : i32
        %dma_start3A_172 = tpu.memref_slice %arg9[%dma_start3A_170, %dma_start3A_171] : memref<10240x128xf32, #tpu.memory_space<vmem_shared>> -> memref<10240x128xf32, #tpu.memory_space<vmem_shared>>
        tpu.enqueue_indirect_dma source(%arg12 : memref<128x128xf32, #tpu.memory_space<vmem>>) target(%dma_start3A_172 : memref<10240x128xf32, #tpu.memory_space<vmem_shared>>) offsets(%dma_start3A_169 : memref<128xi32, #tpu.memory_space<vmem>>) semaphore(%arg16 : memref<!tpu.dma_semaphore, #tpu.memory_space<semaphore_mem>>) {add = true}
        %add3A_173 = arith.constant 1 : i32
        %add3A_174 = arith.addi %mul3A_158, %add3A_173 : i32
        %dma_wait3A_175 = arith.constant 0 : i32
        %dma_wait3A_176 = tpu.memref_slice %arg10[%add3A_174, %dma_wait3A_175] : memref<40x128xi32, #tpu.memory_space<vmem>> -> memref<1x128xi32, #tpu.memory_space<vmem>>
        %dma_wait3A_177 = tpu.memref_squeeze %dma_wait3A_176 : memref<1x128xi32, #tpu.memory_space<vmem>> -> memref<128xi32, #tpu.memory_space<vmem>>
        %dma_wait3A_178 = arith.constant 0 : i32
        %dma_wait3A_179 = arith.constant 0 : i32
        %dma_wait3A_180 = tpu.memref_slice %arg4[%dma_wait3A_178, %dma_wait3A_179] : memref<10000x128xf32, #tpu.memory_space<hbm>> -> memref<10000x128xf32, #tpu.memory_space<hbm>>
        tpu.wait_indirect_dma semaphore(%arg15 : memref<!tpu.dma_semaphore, #tpu.memory_space<semaphore_mem>>) src(%dma_wait3A_180 : memref<10000x128xf32, #tpu.memory_space<hbm>>) dst(%arg13 : memref<128x128xf32, #tpu.memory_space<vmem>>)
        %dma_start3A_181 = arith.constant 0 : i32
        %dma_start3A_182 = tpu.memref_slice %arg11[%add3A_174, %dma_start3A_181] : memref<40x128xi32, #tpu.memory_space<vmem>> -> memref<1x128xi32, #tpu.memory_space<vmem>>
        %dma_start3A_183 = tpu.memref_squeeze %dma_start3A_182 : memref<1x128xi32, #tpu.memory_space<vmem>> -> memref<128xi32, #tpu.memory_space<vmem>>
        %dma_start3A_184 = arith.constant 0 : i32
        %dma_start3A_185 = arith.constant 0 : i32
        %dma_start3A_186 = tpu.memref_slice %arg9[%dma_start3A_184, %dma_start3A_185] : memref<10240x128xf32, #tpu.memory_space<vmem_shared>> -> memref<10240x128xf32, #tpu.memory_space<vmem_shared>>
        tpu.enqueue_indirect_dma source(%arg13 : memref<128x128xf32, #tpu.memory_space<vmem>>) target(%dma_start3A_186 : memref<10240x128xf32, #tpu.memory_space<vmem_shared>>) offsets(%dma_start3A_183 : memref<128xi32, #tpu.memory_space<vmem>>) semaphore(%arg17 : memref<!tpu.dma_semaphore, #tpu.memory_space<semaphore_mem>>) {add = true}
        %add3A_187 = arith.constant 0 : i32
        %add3A_188 = arith.addi %mul3A_158, %add3A_187 : i32
        %add3A_189 = arith.constant 2 : i32
        %add3A_190 = arith.addi %add3A_188, %add3A_189 : i32
        %lt3A = arith.constant 40 : i32
        %lt3A_191 = arith.cmpi slt, %add3A_190, %lt3A : i32
        %convert_element_type3A_192 = arith.extui %lt3A_191 : i1 to i32
        %cond3A_193 = arith.constant 0 : i32
        %cond3A_194 = arith.cmpi ne, %convert_element_type3A_192, %cond3A_193 : i32
        scf.if %cond3A_194 {
          %dma_wait3A_204 = arith.constant 0 : i32
          %dma_wait3A_205 = tpu.memref_slice %arg11[%add3A_188, %dma_wait3A_204] : memref<40x128xi32, #tpu.memory_space<vmem>> -> memref<1x128xi32, #tpu.memory_space<vmem>>
          %dma_wait3A_206 = tpu.memref_squeeze %dma_wait3A_205 : memref<1x128xi32, #tpu.memory_space<vmem>> -> memref<128xi32, #tpu.memory_space<vmem>>
          %dma_wait3A_207 = arith.constant 0 : i32
          %dma_wait3A_208 = arith.constant 0 : i32
          %dma_wait3A_209 = tpu.memref_slice %arg9[%dma_wait3A_207, %dma_wait3A_208] : memref<10240x128xf32, #tpu.memory_space<vmem_shared>> -> memref<10240x128xf32, #tpu.memory_space<vmem_shared>>
          tpu.wait_indirect_dma semaphore(%arg16 : memref<!tpu.dma_semaphore, #tpu.memory_space<semaphore_mem>>) src(%arg12 : memref<128x128xf32, #tpu.memory_space<vmem>>) dst(%dma_wait3A_209 : memref<10240x128xf32, #tpu.memory_space<vmem_shared>>)
          %add3A_210 = arith.constant 2 : i32
          %add3A_211 = arith.addi %add3A_188, %add3A_210 : i32
          %dma_start3A_212 = arith.constant 0 : i32
          %dma_start3A_213 = tpu.memref_slice %arg10[%add3A_211, %dma_start3A_212] : memref<40x128xi32, #tpu.memory_space<vmem>> -> memref<1x128xi32, #tpu.memory_space<vmem>>
          %dma_start3A_214 = tpu.memref_squeeze %dma_start3A_213 : memref<1x128xi32, #tpu.memory_space<vmem>> -> memref<128xi32, #tpu.memory_space<vmem>>
          %dma_start3A_215 = arith.constant 0 : i32
          %dma_start3A_216 = arith.constant 0 : i32
          %dma_start3A_217 = tpu.memref_slice %arg4[%dma_start3A_215, %dma_start3A_216] : memref<10000x128xf32, #tpu.memory_space<hbm>> -> memref<10000x128xf32, #tpu.memory_space<hbm>>
          tpu.enqueue_indirect_dma source(%dma_start3A_217 : memref<10000x128xf32, #tpu.memory_space<hbm>>) target(%arg12 : memref<128x128xf32, #tpu.memory_space<vmem>>) offsets(%dma_start3A_214 : memref<128xi32, #tpu.memory_space<vmem>>) semaphore(%arg14 : memref<!tpu.dma_semaphore, #tpu.memory_space<semaphore_mem>>)
        } else {
        }
        %add3A_195 = arith.constant 1 : i32
        %add3A_196 = arith.addi %mul3A_158, %add3A_195 : i32
        %add3A_197 = arith.constant 2 : i32
        %add3A_198 = arith.addi %add3A_196, %add3A_197 : i32
        %lt3A_199 = arith.constant 40 : i32
        %lt3A_200 = arith.cmpi slt, %add3A_198, %lt3A_199 : i32
        %convert_element_type3A_201 = arith.extui %lt3A_200 : i1 to i32
        %cond3A_202 = arith.constant 0 : i32
        %cond3A_203 = arith.cmpi ne, %convert_element_type3A_201, %cond3A_202 : i32
        scf.if %cond3A_203 {
          %dma_wait3A_204 = arith.constant 0 : i32
          %dma_wait3A_205 = tpu.memref_slice %arg11[%add3A_196, %dma_wait3A_204] : memref<40x128xi32, #tpu.memory_space<vmem>> -> memref<1x128xi32, #tpu.memory_space<vmem>>
          %dma_wait3A_206 = tpu.memref_squeeze %dma_wait3A_205 : memref<1x128xi32, #tpu.memory_space<vmem>> -> memref<128xi32, #tpu.memory_space<vmem>>
          %dma_wait3A_207 = arith.constant 0 : i32
          %dma_wait3A_208 = arith.constant 0 : i32
          %dma_wait3A_209 = tpu.memref_slice %arg9[%dma_wait3A_207, %dma_wait3A_208] : memref<10240x128xf32, #tpu.memory_space<vmem_shared>> -> memref<10240x128xf32, #tpu.memory_space<vmem_shared>>
          tpu.wait_indirect_dma semaphore(%arg17 : memref<!tpu.dma_semaphore, #tpu.memory_space<semaphore_mem>>) src(%arg13 : memref<128x128xf32, #tpu.memory_space<vmem>>) dst(%dma_wait3A_209 : memref<10240x128xf32, #tpu.memory_space<vmem_shared>>)
          %add3A_210 = arith.constant 2 : i32
          %add3A_211 = arith.addi %add3A_196, %add3A_210 : i32
          %dma_start3A_212 = arith.constant 0 : i32
          %dma_start3A_213 = tpu.memref_slice %arg10[%add3A_211, %dma_start3A_212] : memref<40x128xi32, #tpu.memory_space<vmem>> -> memref<1x128xi32, #tpu.memory_space<vmem>>
          %dma_start3A_214 = tpu.memref_squeeze %dma_start3A_213 : memref<1x128xi32, #tpu.memory_space<vmem>> -> memref<128xi32, #tpu.memory_space<vmem>>
          %dma_start3A_215 = arith.constant 0 : i32
          %dma_start3A_216 = arith.constant 0 : i32
          %dma_start3A_217 = tpu.memref_slice %arg4[%dma_start3A_215, %dma_start3A_216] : memref<10000x128xf32, #tpu.memory_space<hbm>> -> memref<10000x128xf32, #tpu.memory_space<hbm>>
          tpu.enqueue_indirect_dma source(%dma_start3A_217 : memref<10000x128xf32, #tpu.memory_space<hbm>>) target(%arg13 : memref<128x128xf32, #tpu.memory_space<vmem>>) offsets(%dma_start3A_214 : memref<128xi32, #tpu.memory_space<vmem>>) semaphore(%arg15 : memref<!tpu.dma_semaphore, #tpu.memory_space<semaphore_mem>>)
        } else {
        }
      }
      %scan3A_70 = arith.constant 20 : i32
      %dma_wait3A_71 = arith.constant 38 : i32
      %dma_wait3A_72 = arith.constant 0 : i32
      %dma_wait3A_73 = tpu.memref_slice %arg11[%dma_wait3A_71, %dma_wait3A_72] : memref<40x128xi32, #tpu.memory_space<vmem>> -> memref<1x128xi32, #tpu.memory_space<vmem>>
      %dma_wait3A_74 = tpu.memref_squeeze %dma_wait3A_73 : memref<1x128xi32, #tpu.memory_space<vmem>> -> memref<128xi32, #tpu.memory_space<vmem>>
      %dma_wait3A_75 = arith.constant 0 : i32
      %dma_wait3A_76 = arith.constant 0 : i32
      %dma_wait3A_77 = tpu.memref_slice %arg9[%dma_wait3A_75, %dma_wait3A_76] : memref<10240x128xf32, #tpu.memory_space<vmem_shared>> -> memref<10240x128xf32, #tpu.memory_space<vmem_shared>>
      tpu.wait_indirect_dma semaphore(%arg16 : memref<!tpu.dma_semaphore, #tpu.memory_space<semaphore_mem>>) src(%arg12 : memref<128x128xf32, #tpu.memory_space<vmem>>) dst(%dma_wait3A_77 : memref<10240x128xf32, #tpu.memory_space<vmem_shared>>)
      %dma_wait3A_78 = arith.constant 39 : i32
      %dma_wait3A_79 = arith.constant 0 : i32
      %dma_wait3A_80 = tpu.memref_slice %arg11[%dma_wait3A_78, %dma_wait3A_79] : memref<40x128xi32, #tpu.memory_space<vmem>> -> memref<1x128xi32, #tpu.memory_space<vmem>>
      %dma_wait3A_81 = tpu.memref_squeeze %dma_wait3A_80 : memref<1x128xi32, #tpu.memory_space<vmem>> -> memref<128xi32, #tpu.memory_space<vmem>>
      %dma_wait3A_82 = arith.constant 0 : i32
      %dma_wait3A_83 = arith.constant 0 : i32
      %dma_wait3A_84 = tpu.memref_slice %arg9[%dma_wait3A_82, %dma_wait3A_83] : memref<10240x128xf32, #tpu.memory_space<vmem_shared>> -> memref<10240x128xf32, #tpu.memory_space<vmem_shared>>
      tpu.wait_indirect_dma semaphore(%arg17 : memref<!tpu.dma_semaphore, #tpu.memory_space<semaphore_mem>>) src(%arg13 : memref<128x128xf32, #tpu.memory_space<vmem>>) dst(%dma_wait3A_84 : memref<10240x128xf32, #tpu.memory_space<vmem_shared>>)
      %barrier3A_85 = arith.constant 0 : index
      tpu.barrier barrier_id(%barrier3A_85)
      %add3A_86 = arith.constant 0 : i32
      %add3A_87 = arith.addi %mul3A_0, %add3A_86 : i32
      "tpu.region"() ({
        %run_scoped3A_156 = tpu.sem_alloc : memref<!tpu.dma_semaphore, #tpu.memory_space<semaphore_mem>>
        %dma_start3A_157 = arith.constant 0 : i32
        %dma_start3A_158 = tpu.memref_slice %arg9[%add3A_87, %dma_start3A_157] : memref<10240x128xf32, #tpu.memory_space<vmem_shared>> -> memref<128x128xf32, #tpu.memory_space<vmem_shared>>
        %dma_start3A_159 = arith.constant 0 : i32
        %dma_start3A_160 = tpu.memref_slice %arg9[%add3A_87, %dma_start3A_159] : memref<10240x128xf32, #tpu.memory_space<vmem_shared>> -> memref<128x128xf32, #tpu.memory_space<vmem_shared>>
        tpu.enqueue_dma source(%dma_start3A_160 : memref<128x128xf32, #tpu.memory_space<vmem_shared>>) target(%arg12 : memref<128x128xf32, #tpu.memory_space<vmem>>) target_semaphore(%run_scoped3A_156 : memref<!tpu.dma_semaphore, #tpu.memory_space<semaphore_mem>>)
        %dma_wait3A_161 = arith.constant 0 : i32
        %dma_wait3A_162 = tpu.memref_slice %arg9[%add3A_87, %dma_wait3A_161] : memref<10240x128xf32, #tpu.memory_space<vmem_shared>> -> memref<128x128xf32, #tpu.memory_space<vmem_shared>>
        %dma_wait3A_163 = arith.constant 0 : i32
        %dma_wait3A_164 = tpu.memref_slice %arg9[%add3A_87, %dma_wait3A_163] : memref<10240x128xf32, #tpu.memory_space<vmem_shared>> -> memref<128x128xf32, #tpu.memory_space<vmem_shared>>
        tpu.wait_dma2 semaphore(%run_scoped3A_156 : memref<!tpu.dma_semaphore, #tpu.memory_space<semaphore_mem>>) src(%dma_wait3A_164 : memref<128x128xf32, #tpu.memory_space<vmem_shared>>) dst(%arg12 : memref<128x128xf32, #tpu.memory_space<vmem>>)
        tpu.yield
      }) : () -> ()
      %add3A_88 = arith.constant 0 : i32
      %add3A_89 = arith.addi %mul3A_0, %add3A_88 : i32
      %dma_start3A_90 = arith.constant 0 : i32
      %dma_start3A_91 = tpu.memref_slice %arg7[%add3A_89, %dma_start3A_90] : memref<10240x128xf32, #tpu.memory_space<hbm>> -> memref<128x128xf32, #tpu.memory_space<hbm>>
      %dma_start3A_92 = arith.constant 0 : i32
      %dma_start3A_93 = tpu.memref_slice %arg7[%add3A_89, %dma_start3A_92] : memref<10240x128xf32, #tpu.memory_space<hbm>> -> memref<128x128xf32, #tpu.memory_space<hbm>>
      tpu.enqueue_dma source(%arg12 : memref<128x128xf32, #tpu.memory_space<vmem>>) target(%dma_start3A_93 : memref<128x128xf32, #tpu.memory_space<hbm>>) target_semaphore(%arg14 : memref<!tpu.dma_semaphore, #tpu.memory_space<semaphore_mem>>)
      %add3A_94 = arith.constant 128 : i32
      %add3A_95 = arith.addi %mul3A_0, %add3A_94 : i32
      "tpu.region"() ({
        %run_scoped3A_156 = tpu.sem_alloc : memref<!tpu.dma_semaphore, #tpu.memory_space<semaphore_mem>>
        %dma_start3A_157 = arith.constant 0 : i32
        %dma_start3A_158 = tpu.memref_slice %arg9[%add3A_95, %dma_start3A_157] : memref<10240x128xf32, #tpu.memory_space<vmem_shared>> -> memref<128x128xf32, #tpu.memory_space<vmem_shared>>
        %dma_start3A_159 = arith.constant 0 : i32
        %dma_start3A_160 = tpu.memref_slice %arg9[%add3A_95, %dma_start3A_159] : memref<10240x128xf32, #tpu.memory_space<vmem_shared>> -> memref<128x128xf32, #tpu.memory_space<vmem_shared>>
        tpu.enqueue_dma source(%dma_start3A_160 : memref<128x128xf32, #tpu.memory_space<vmem_shared>>) target(%arg13 : memref<128x128xf32, #tpu.memory_space<vmem>>) target_semaphore(%run_scoped3A_156 : memref<!tpu.dma_semaphore, #tpu.memory_space<semaphore_mem>>)
        %dma_wait3A_161 = arith.constant 0 : i32
        %dma_wait3A_162 = tpu.memref_slice %arg9[%add3A_95, %dma_wait3A_161] : memref<10240x128xf32, #tpu.memory_space<vmem_shared>> -> memref<128x128xf32, #tpu.memory_space<vmem_shared>>
        %dma_wait3A_163 = arith.constant 0 : i32
        %dma_wait3A_164 = tpu.memref_slice %arg9[%add3A_95, %dma_wait3A_163] : memref<10240x128xf32, #tpu.memory_space<vmem_shared>> -> memref<128x128xf32, #tpu.memory_space<vmem_shared>>
        tpu.wait_dma2 semaphore(%run_scoped3A_156 : memref<!tpu.dma_semaphore, #tpu.memory_space<semaphore_mem>>) src(%dma_wait3A_164 : memref<128x128xf32, #tpu.memory_space<vmem_shared>>) dst(%arg13 : memref<128x128xf32, #tpu.memory_space<vmem>>)
        tpu.yield
      }) : () -> ()
      %add3A_96 = arith.constant 128 : i32
      %add3A_97 = arith.addi %mul3A_0, %add3A_96 : i32
      %dma_start3A_98 = arith.constant 0 : i32
      %dma_start3A_99 = tpu.memref_slice %arg7[%add3A_97, %dma_start3A_98] : memref<10240x128xf32, #tpu.memory_space<hbm>> -> memref<128x128xf32, #tpu.memory_space<hbm>>
      %dma_start3A_100 = arith.constant 0 : i32
      %dma_start3A_101 = tpu.memref_slice %arg7[%add3A_97, %dma_start3A_100] : memref<10240x128xf32, #tpu.memory_space<hbm>> -> memref<128x128xf32, #tpu.memory_space<hbm>>
      tpu.enqueue_dma source(%arg13 : memref<128x128xf32, #tpu.memory_space<vmem>>) target(%dma_start3A_101 : memref<128x128xf32, #tpu.memory_space<hbm>>) target_semaphore(%arg15 : memref<!tpu.dma_semaphore, #tpu.memory_space<semaphore_mem>>)
      %add3A_102 = arith.constant 0 : i32
      %add3A_103 = arith.addi %mul3A_0, %add3A_102 : i32
      %dma_wait3A_104 = arith.constant 0 : i32
      %dma_wait3A_105 = tpu.memref_slice %arg7[%add3A_103, %dma_wait3A_104] : memref<10240x128xf32, #tpu.memory_space<hbm>> -> memref<128x128xf32, #tpu.memory_space<hbm>>
      %dma_wait3A_106 = arith.constant 0 : i32
      %dma_wait3A_107 = tpu.memref_slice %arg7[%add3A_103, %dma_wait3A_106] : memref<10240x128xf32, #tpu.memory_space<hbm>> -> memref<128x128xf32, #tpu.memory_space<hbm>>
      tpu.wait_dma2 semaphore(%arg14 : memref<!tpu.dma_semaphore, #tpu.memory_space<semaphore_mem>>) src(%arg12 : memref<128x128xf32, #tpu.memory_space<vmem>>) dst(%dma_wait3A_107 : memref<128x128xf32, #tpu.memory_space<hbm>>)
      %add3A_108 = arith.constant 256 : i32
      %add3A_109 = arith.addi %mul3A_0, %add3A_108 : i32
      "tpu.region"() ({
        %run_scoped3A_156 = tpu.sem_alloc : memref<!tpu.dma_semaphore, #tpu.memory_space<semaphore_mem>>
        %dma_start3A_157 = arith.constant 0 : i32
        %dma_start3A_158 = tpu.memref_slice %arg9[%add3A_109, %dma_start3A_157] : memref<10240x128xf32, #tpu.memory_space<vmem_shared>> -> memref<128x128xf32, #tpu.memory_space<vmem_shared>>
        %dma_start3A_159 = arith.constant 0 : i32
        %dma_start3A_160 = tpu.memref_slice %arg9[%add3A_109, %dma_start3A_159] : memref<10240x128xf32, #tpu.memory_space<vmem_shared>> -> memref<128x128xf32, #tpu.memory_space<vmem_shared>>
        tpu.enqueue_dma source(%dma_start3A_160 : memref<128x128xf32, #tpu.memory_space<vmem_shared>>) target(%arg12 : memref<128x128xf32, #tpu.memory_space<vmem>>) target_semaphore(%run_scoped3A_156 : memref<!tpu.dma_semaphore, #tpu.memory_space<semaphore_mem>>)
        %dma_wait3A_161 = arith.constant 0 : i32
        %dma_wait3A_162 = tpu.memref_slice %arg9[%add3A_109, %dma_wait3A_161] : memref<10240x128xf32, #tpu.memory_space<vmem_shared>> -> memref<128x128xf32, #tpu.memory_space<vmem_shared>>
        %dma_wait3A_163 = arith.constant 0 : i32
        %dma_wait3A_164 = tpu.memref_slice %arg9[%add3A_109, %dma_wait3A_163] : memref<10240x128xf32, #tpu.memory_space<vmem_shared>> -> memref<128x128xf32, #tpu.memory_space<vmem_shared>>
        tpu.wait_dma2 semaphore(%run_scoped3A_156 : memref<!tpu.dma_semaphore, #tpu.memory_space<semaphore_mem>>) src(%dma_wait3A_164 : memref<128x128xf32, #tpu.memory_space<vmem_shared>>) dst(%arg12 : memref<128x128xf32, #tpu.memory_space<vmem>>)
        tpu.yield
      }) : () -> ()
      %add3A_110 = arith.constant 256 : i32
      %add3A_111 = arith.addi %mul3A_0, %add3A_110 : i32
      %dma_start3A_112 = arith.constant 0 : i32
      %dma_start3A_113 = tpu.memref_slice %arg7[%add3A_111, %dma_start3A_112] : memref<10240x128xf32, #tpu.memory_space<hbm>> -> memref<128x128xf32, #tpu.memory_space<hbm>>
      %dma_start3A_114 = arith.constant 0 : i32
      %dma_start3A_115 = tpu.memref_slice %arg7[%add3A_111, %dma_start3A_114] : memref<10240x128xf32, #tpu.memory_space<hbm>> -> memref<128x128xf32, #tpu.memory_space<hbm>>
      tpu.enqueue_dma source(%arg12 : memref<128x128xf32, #tpu.memory_space<vmem>>) target(%dma_start3A_115 : memref<128x128xf32, #tpu.memory_space<hbm>>) target_semaphore(%arg14 : memref<!tpu.dma_semaphore, #tpu.memory_space<semaphore_mem>>)
      %add3A_116 = arith.constant 128 : i32
      %add3A_117 = arith.addi %mul3A_0, %add3A_116 : i32
      %dma_wait3A_118 = arith.constant 0 : i32
      %dma_wait3A_119 = tpu.memref_slice %arg7[%add3A_117, %dma_wait3A_118] : memref<10240x128xf32, #tpu.memory_space<hbm>> -> memref<128x128xf32, #tpu.memory_space<hbm>>
      %dma_wait3A_120 = arith.constant 0 : i32
      %dma_wait3A_121 = tpu.memref_slice %arg7[%add3A_117, %dma_wait3A_120] : memref<10240x128xf32, #tpu.memory_space<hbm>> -> memref<128x128xf32, #tpu.memory_space<hbm>>
      tpu.wait_dma2 semaphore(%arg15 : memref<!tpu.dma_semaphore, #tpu.memory_space<semaphore_mem>>) src(%arg13 : memref<128x128xf32, #tpu.memory_space<vmem>>) dst(%dma_wait3A_121 : memref<128x128xf32, #tpu.memory_space<hbm>>)
      %add3A_122 = arith.constant 384 : i32
      %add3A_123 = arith.addi %mul3A_0, %add3A_122 : i32
      "tpu.region"() ({
        %run_scoped3A_156 = tpu.sem_alloc : memref<!tpu.dma_semaphore, #tpu.memory_space<semaphore_mem>>
        %dma_start3A_157 = arith.constant 0 : i32
        %dma_start3A_158 = tpu.memref_slice %arg9[%add3A_123, %dma_start3A_157] : memref<10240x128xf32, #tpu.memory_space<vmem_shared>> -> memref<128x128xf32, #tpu.memory_space<vmem_shared>>
        %dma_start3A_159 = arith.constant 0 : i32
        %dma_start3A_160 = tpu.memref_slice %arg9[%add3A_123, %dma_start3A_159] : memref<10240x128xf32, #tpu.memory_space<vmem_shared>> -> memref<128x128xf32, #tpu.memory_space<vmem_shared>>
        tpu.enqueue_dma source(%dma_start3A_160 : memref<128x128xf32, #tpu.memory_space<vmem_shared>>) target(%arg13 : memref<128x128xf32, #tpu.memory_space<vmem>>) target_semaphore(%run_scoped3A_156 : memref<!tpu.dma_semaphore, #tpu.memory_space<semaphore_mem>>)
        %dma_wait3A_161 = arith.constant 0 : i32
        %dma_wait3A_162 = tpu.memref_slice %arg9[%add3A_123, %dma_wait3A_161] : memref<10240x128xf32, #tpu.memory_space<vmem_shared>> -> memref<128x128xf32, #tpu.memory_space<vmem_shared>>
        %dma_wait3A_163 = arith.constant 0 : i32
        %dma_wait3A_164 = tpu.memref_slice %arg9[%add3A_123, %dma_wait3A_163] : memref<10240x128xf32, #tpu.memory_space<vmem_shared>> -> memref<128x128xf32, #tpu.memory_space<vmem_shared>>
        tpu.wait_dma2 semaphore(%run_scoped3A_156 : memref<!tpu.dma_semaphore, #tpu.memory_space<semaphore_mem>>) src(%dma_wait3A_164 : memref<128x128xf32, #tpu.memory_space<vmem_shared>>) dst(%arg13 : memref<128x128xf32, #tpu.memory_space<vmem>>)
        tpu.yield
      }) : () -> ()
      %add3A_124 = arith.constant 384 : i32
      %add3A_125 = arith.addi %mul3A_0, %add3A_124 : i32
      %dma_start3A_126 = arith.constant 0 : i32
      %dma_start3A_127 = tpu.memref_slice %arg7[%add3A_125, %dma_start3A_126] : memref<10240x128xf32, #tpu.memory_space<hbm>> -> memref<128x128xf32, #tpu.memory_space<hbm>>
      %dma_start3A_128 = arith.constant 0 : i32
      %dma_start3A_129 = tpu.memref_slice %arg7[%add3A_125, %dma_start3A_128] : memref<10240x128xf32, #tpu.memory_space<hbm>> -> memref<128x128xf32, #tpu.memory_space<hbm>>
      tpu.enqueue_dma source(%arg13 : memref<128x128xf32, #tpu.memory_space<vmem>>) target(%dma_start3A_129 : memref<128x128xf32, #tpu.memory_space<hbm>>) target_semaphore(%arg15 : memref<!tpu.dma_semaphore, #tpu.memory_space<semaphore_mem>>)
      %add3A_130 = arith.constant 256 : i32
      %add3A_131 = arith.addi %mul3A_0, %add3A_130 : i32
      %dma_wait3A_132 = arith.constant 0 : i32
      %dma_wait3A_133 = tpu.memref_slice %arg7[%add3A_131, %dma_wait3A_132] : memref<10240x128xf32, #tpu.memory_space<hbm>> -> memref<128x128xf32, #tpu.memory_space<hbm>>
      %dma_wait3A_134 = arith.constant 0 : i32
      %dma_wait3A_135 = tpu.memref_slice %arg7[%add3A_131, %dma_wait3A_134] : memref<10240x128xf32, #tpu.memory_space<hbm>> -> memref<128x128xf32, #tpu.memory_space<hbm>>
      tpu.wait_dma2 semaphore(%arg14 : memref<!tpu.dma_semaphore, #tpu.memory_space<semaphore_mem>>) src(%arg12 : memref<128x128xf32, #tpu.memory_space<vmem>>) dst(%dma_wait3A_135 : memref<128x128xf32, #tpu.memory_space<hbm>>)
      %add3A_136 = arith.constant 512 : i32
      %add3A_137 = arith.addi %mul3A_0, %add3A_136 : i32
      "tpu.region"() ({
        %run_scoped3A_156 = tpu.sem_alloc : memref<!tpu.dma_semaphore, #tpu.memory_space<semaphore_mem>>
        %dma_start3A_157 = arith.constant 0 : i32
        %dma_start3A_158 = tpu.memref_slice %arg9[%add3A_137, %dma_start3A_157] : memref<10240x128xf32, #tpu.memory_space<vmem_shared>> -> memref<128x128xf32, #tpu.memory_space<vmem_shared>>
        %dma_start3A_159 = arith.constant 0 : i32
        %dma_start3A_160 = tpu.memref_slice %arg9[%add3A_137, %dma_start3A_159] : memref<10240x128xf32, #tpu.memory_space<vmem_shared>> -> memref<128x128xf32, #tpu.memory_space<vmem_shared>>
        tpu.enqueue_dma source(%dma_start3A_160 : memref<128x128xf32, #tpu.memory_space<vmem_shared>>) target(%arg12 : memref<128x128xf32, #tpu.memory_space<vmem>>) target_semaphore(%run_scoped3A_156 : memref<!tpu.dma_semaphore, #tpu.memory_space<semaphore_mem>>)
        %dma_wait3A_161 = arith.constant 0 : i32
        %dma_wait3A_162 = tpu.memref_slice %arg9[%add3A_137, %dma_wait3A_161] : memref<10240x128xf32, #tpu.memory_space<vmem_shared>> -> memref<128x128xf32, #tpu.memory_space<vmem_shared>>
        %dma_wait3A_163 = arith.constant 0 : i32
        %dma_wait3A_164 = tpu.memref_slice %arg9[%add3A_137, %dma_wait3A_163] : memref<10240x128xf32, #tpu.memory_space<vmem_shared>> -> memref<128x128xf32, #tpu.memory_space<vmem_shared>>
        tpu.wait_dma2 semaphore(%run_scoped3A_156 : memref<!tpu.dma_semaphore, #tpu.memory_space<semaphore_mem>>) src(%dma_wait3A_164 : memref<128x128xf32, #tpu.memory_space<vmem_shared>>) dst(%arg12 : memref<128x128xf32, #tpu.memory_space<vmem>>)
        tpu.yield
      }) : () -> ()
      %add3A_138 = arith.constant 512 : i32
      %add3A_139 = arith.addi %mul3A_0, %add3A_138 : i32
      %dma_start3A_140 = arith.constant 0 : i32
      %dma_start3A_141 = tpu.memref_slice %arg7[%add3A_139, %dma_start3A_140] : memref<10240x128xf32, #tpu.memory_space<hbm>> -> memref<128x128xf32, #tpu.memory_space<hbm>>
      %dma_start3A_142 = arith.constant 0 : i32
      %dma_start3A_143 = tpu.memref_slice %arg7[%add3A_139, %dma_start3A_142] : memref<10240x128xf32, #tpu.memory_space<hbm>> -> memref<128x128xf32, #tpu.memory_space<hbm>>
      tpu.enqueue_dma source(%arg12 : memref<128x128xf32, #tpu.memory_space<vmem>>) target(%dma_start3A_143 : memref<128x128xf32, #tpu.memory_space<hbm>>) target_semaphore(%arg14 : memref<!tpu.dma_semaphore, #tpu.memory_space<semaphore_mem>>)
      %add3A_144 = arith.constant 384 : i32
      %add3A_145 = arith.addi %mul3A_0, %add3A_144 : i32
      %dma_wait3A_146 = arith.constant 0 : i32
      %dma_wait3A_147 = tpu.memref_slice %arg7[%add3A_145, %dma_wait3A_146] : memref<10240x128xf32, #tpu.memory_space<hbm>> -> memref<128x128xf32, #tpu.memory_space<hbm>>
      %dma_wait3A_148 = arith.constant 0 : i32
      %dma_wait3A_149 = tpu.memref_slice %arg7[%add3A_145, %dma_wait3A_148] : memref<10240x128xf32, #tpu.memory_space<hbm>> -> memref<128x128xf32, #tpu.memory_space<hbm>>
      tpu.wait_dma2 semaphore(%arg15 : memref<!tpu.dma_semaphore, #tpu.memory_space<semaphore_mem>>) src(%arg13 : memref<128x128xf32, #tpu.memory_space<vmem>>) dst(%dma_wait3A_149 : memref<128x128xf32, #tpu.memory_space<hbm>>)
      %add3A_150 = arith.constant 512 : i32
      %add3A_151 = arith.addi %mul3A_0, %add3A_150 : i32
      %dma_wait3A_152 = arith.constant 0 : i32
      %dma_wait3A_153 = tpu.memref_slice %arg7[%add3A_151, %dma_wait3A_152] : memref<10240x128xf32, #tpu.memory_space<hbm>> -> memref<128x128xf32, #tpu.memory_space<hbm>>
      %dma_wait3A_154 = arith.constant 0 : i32
      %dma_wait3A_155 = tpu.memref_slice %arg7[%add3A_151, %dma_wait3A_154] : memref<10240x128xf32, #tpu.memory_space<hbm>> -> memref<128x128xf32, #tpu.memory_space<hbm>>
      tpu.wait_dma2 semaphore(%arg14 : memref<!tpu.dma_semaphore, #tpu.memory_space<semaphore_mem>>) src(%arg12 : memref<128x128xf32, #tpu.memory_space<vmem>>) dst(%dma_wait3A_155 : memref<128x128xf32, #tpu.memory_space<hbm>>)
    } else {
    }
    %eq3A_12 = arith.constant 1 : i32
    %eq3A_13 = arith.cmpi eq, %arg0, %eq3A_12 : i32
    %convert_element_type3A_14 = arith.extui %eq3A_13 : i1 to i32
    %cond3A_15 = arith.constant 0 : i32
    %cond3A_16 = arith.cmpi ne, %convert_element_type3A_14, %cond3A_15 : i32
    scf.if %cond3A_16 {
      %run_scoped3A = arith.constant 0 : i32
      "tpu.region"() ({
        %run_scoped3A_156 = tpu.sem_alloc : memref<!tpu.dma_semaphore, #tpu.memory_space<semaphore_mem>>
        %dma_start3A_157 = arith.constant 0 : i32
        %dma_start3A_158 = arith.constant 0 : i32
        %dma_start3A_159 = arith.constant 0 : i32
        %dma_start3A_160 = tpu.memref_slice %arg2[%arg1, %dma_start3A_157, %dma_start3A_158, %dma_start3A_159] : memref<16x2x40x128xi32, #tpu.memory_space<hbm>> -> memref<1x2x40x128xi32, #tpu.memory_space<hbm>>
        %dma_start3A_161 = tpu.memref_squeeze %dma_start3A_160 : memref<1x2x40x128xi32, #tpu.memory_space<hbm>> -> memref<2x40x128xi32, #tpu.memory_space<hbm>>
        %dma_start3A_162 = arith.constant 0 : i32
        %dma_start3A_163 = arith.constant 0 : i32
        %dma_start3A_164 = tpu.memref_slice %dma_start3A_161[%run_scoped3A, %dma_start3A_162, %dma_start3A_163] : memref<2x40x128xi32, #tpu.memory_space<hbm>> -> memref<1x40x128xi32, #tpu.memory_space<hbm>>
        %dma_start3A_165 = tpu.memref_squeeze %dma_start3A_164 : memref<1x40x128xi32, #tpu.memory_space<hbm>> -> memref<40x128xi32, #tpu.memory_space<hbm>>
        %dma_start3A_166 = arith.constant 0 : i32
        %dma_start3A_167 = arith.constant 0 : i32
        %dma_start3A_168 = arith.constant 0 : i32
        %dma_start3A_169 = tpu.memref_slice %arg2[%arg1, %dma_start3A_166, %dma_start3A_167, %dma_start3A_168] : memref<16x2x40x128xi32, #tpu.memory_space<hbm>> -> memref<1x2x40x128xi32, #tpu.memory_space<hbm>>
        %dma_start3A_170 = tpu.memref_squeeze %dma_start3A_169 : memref<1x2x40x128xi32, #tpu.memory_space<hbm>> -> memref<2x40x128xi32, #tpu.memory_space<hbm>>
        %dma_start3A_171 = arith.constant 0 : i32
        %dma_start3A_172 = arith.constant 0 : i32
        %dma_start3A_173 = tpu.memref_slice %dma_start3A_170[%run_scoped3A, %dma_start3A_171, %dma_start3A_172] : memref<2x40x128xi32, #tpu.memory_space<hbm>> -> memref<1x40x128xi32, #tpu.memory_space<hbm>>
        %dma_start3A_174 = tpu.memref_squeeze %dma_start3A_173 : memref<1x40x128xi32, #tpu.memory_space<hbm>> -> memref<40x128xi32, #tpu.memory_space<hbm>>
        tpu.enqueue_dma source(%dma_start3A_174 : memref<40x128xi32, #tpu.memory_space<hbm>>) target(%arg10 : memref<40x128xi32, #tpu.memory_space<vmem>>) target_semaphore(%run_scoped3A_156 : memref<!tpu.dma_semaphore, #tpu.memory_space<semaphore_mem>>)
        %dma_wait3A_175 = arith.constant 0 : i32
        %dma_wait3A_176 = arith.constant 0 : i32
        %dma_wait3A_177 = arith.constant 0 : i32
        %dma_wait3A_178 = tpu.memref_slice %arg2[%arg1, %dma_wait3A_175, %dma_wait3A_176, %dma_wait3A_177] : memref<16x2x40x128xi32, #tpu.memory_space<hbm>> -> memref<1x2x40x128xi32, #tpu.memory_space<hbm>>
        %dma_wait3A_179 = tpu.memref_squeeze %dma_wait3A_178 : memref<1x2x40x128xi32, #tpu.memory_space<hbm>> -> memref<2x40x128xi32, #tpu.memory_space<hbm>>
        %dma_wait3A_180 = arith.constant 0 : i32
        %dma_wait3A_181 = arith.constant 0 : i32
        %dma_wait3A_182 = tpu.memref_slice %dma_wait3A_179[%run_scoped3A, %dma_wait3A_180, %dma_wait3A_181] : memref<2x40x128xi32, #tpu.memory_space<hbm>> -> memref<1x40x128xi32, #tpu.memory_space<hbm>>
        %dma_wait3A_183 = tpu.memref_squeeze %dma_wait3A_182 : memref<1x40x128xi32, #tpu.memory_space<hbm>> -> memref<40x128xi32, #tpu.memory_space<hbm>>
        %dma_wait3A_184 = arith.constant 0 : i32
        %dma_wait3A_185 = arith.constant 0 : i32
        %dma_wait3A_186 = arith.constant 0 : i32
        %dma_wait3A_187 = tpu.memref_slice %arg2[%arg1, %dma_wait3A_184, %dma_wait3A_185, %dma_wait3A_186] : memref<16x2x40x128xi32, #tpu.memory_space<hbm>> -> memref<1x2x40x128xi32, #tpu.memory_space<hbm>>
        %dma_wait3A_188 = tpu.memref_squeeze %dma_wait3A_187 : memref<1x2x40x128xi32, #tpu.memory_space<hbm>> -> memref<2x40x128xi32, #tpu.memory_space<hbm>>
        %dma_wait3A_189 = arith.constant 0 : i32
        %dma_wait3A_190 = arith.constant 0 : i32
        %dma_wait3A_191 = tpu.memref_slice %dma_wait3A_188[%run_scoped3A, %dma_wait3A_189, %dma_wait3A_190] : memref<2x40x128xi32, #tpu.memory_space<hbm>> -> memref<1x40x128xi32, #tpu.memory_space<hbm>>
        %dma_wait3A_192 = tpu.memref_squeeze %dma_wait3A_191 : memref<1x40x128xi32, #tpu.memory_space<hbm>> -> memref<40x128xi32, #tpu.memory_space<hbm>>
        tpu.wait_dma2 semaphore(%run_scoped3A_156 : memref<!tpu.dma_semaphore, #tpu.memory_space<semaphore_mem>>) src(%dma_wait3A_192 : memref<40x128xi32, #tpu.memory_space<hbm>>) dst(%arg10 : memref<40x128xi32, #tpu.memory_space<vmem>>)
        tpu.yield
      }) : () -> ()
      %run_scoped3A_17 = arith.constant 0 : i32
      "tpu.region"() ({
        %run_scoped3A_156 = tpu.sem_alloc : memref<!tpu.dma_semaphore, #tpu.memory_space<semaphore_mem>>
        %dma_start3A_157 = arith.constant 0 : i32
        %dma_start3A_158 = arith.constant 0 : i32
        %dma_start3A_159 = arith.constant 0 : i32
        %dma_start3A_160 = tpu.memref_slice %arg3[%arg1, %dma_start3A_157, %dma_start3A_158, %dma_start3A_159] : memref<16x2x40x128xi32, #tpu.memory_space<hbm>> -> memref<1x2x40x128xi32, #tpu.memory_space<hbm>>
        %dma_start3A_161 = tpu.memref_squeeze %dma_start3A_160 : memref<1x2x40x128xi32, #tpu.memory_space<hbm>> -> memref<2x40x128xi32, #tpu.memory_space<hbm>>
        %dma_start3A_162 = arith.constant 0 : i32
        %dma_start3A_163 = arith.constant 0 : i32
        %dma_start3A_164 = tpu.memref_slice %dma_start3A_161[%run_scoped3A_17, %dma_start3A_162, %dma_start3A_163] : memref<2x40x128xi32, #tpu.memory_space<hbm>> -> memref<1x40x128xi32, #tpu.memory_space<hbm>>
        %dma_start3A_165 = tpu.memref_squeeze %dma_start3A_164 : memref<1x40x128xi32, #tpu.memory_space<hbm>> -> memref<40x128xi32, #tpu.memory_space<hbm>>
        %dma_start3A_166 = arith.constant 0 : i32
        %dma_start3A_167 = arith.constant 0 : i32
        %dma_start3A_168 = arith.constant 0 : i32
        %dma_start3A_169 = tpu.memref_slice %arg3[%arg1, %dma_start3A_166, %dma_start3A_167, %dma_start3A_168] : memref<16x2x40x128xi32, #tpu.memory_space<hbm>> -> memref<1x2x40x128xi32, #tpu.memory_space<hbm>>
        %dma_start3A_170 = tpu.memref_squeeze %dma_start3A_169 : memref<1x2x40x128xi32, #tpu.memory_space<hbm>> -> memref<2x40x128xi32, #tpu.memory_space<hbm>>
        %dma_start3A_171 = arith.constant 0 : i32
        %dma_start3A_172 = arith.constant 0 : i32
        %dma_start3A_173 = tpu.memref_slice %dma_start3A_170[%run_scoped3A_17, %dma_start3A_171, %dma_start3A_172] : memref<2x40x128xi32, #tpu.memory_space<hbm>> -> memref<1x40x128xi32, #tpu.memory_space<hbm>>
        %dma_start3A_174 = tpu.memref_squeeze %dma_start3A_173 : memref<1x40x128xi32, #tpu.memory_space<hbm>> -> memref<40x128xi32, #tpu.memory_space<hbm>>
        tpu.enqueue_dma source(%dma_start3A_174 : memref<40x128xi32, #tpu.memory_space<hbm>>) target(%arg11 : memref<40x128xi32, #tpu.memory_space<vmem>>) target_semaphore(%run_scoped3A_156 : memref<!tpu.dma_semaphore, #tpu.memory_space<semaphore_mem>>)
        %dma_wait3A_175 = arith.constant 0 : i32
        %dma_wait3A_176 = arith.constant 0 : i32
        %dma_wait3A_177 = arith.constant 0 : i32
        %dma_wait3A_178 = tpu.memref_slice %arg3[%arg1, %dma_wait3A_175, %dma_wait3A_176, %dma_wait3A_177] : memref<16x2x40x128xi32, #tpu.memory_space<hbm>> -> memref<1x2x40x128xi32, #tpu.memory_space<hbm>>
        %dma_wait3A_179 = tpu.memref_squeeze %dma_wait3A_178 : memref<1x2x40x128xi32, #tpu.memory_space<hbm>> -> memref<2x40x128xi32, #tpu.memory_space<hbm>>
        %dma_wait3A_180 = arith.constant 0 : i32
        %dma_wait3A_181 = arith.constant 0 : i32
        %dma_wait3A_182 = tpu.memref_slice %dma_wait3A_179[%run_scoped3A_17, %dma_wait3A_180, %dma_wait3A_181] : memref<2x40x128xi32, #tpu.memory_space<hbm>> -> memref<1x40x128xi32, #tpu.memory_space<hbm>>
        %dma_wait3A_183 = tpu.memref_squeeze %dma_wait3A_182 : memref<1x40x128xi32, #tpu.memory_space<hbm>> -> memref<40x128xi32, #tpu.memory_space<hbm>>
        %dma_wait3A_184 = arith.constant 0 : i32
        %dma_wait3A_185 = arith.constant 0 : i32
        %dma_wait3A_186 = arith.constant 0 : i32
        %dma_wait3A_187 = tpu.memref_slice %arg3[%arg1, %dma_wait3A_184, %dma_wait3A_185, %dma_wait3A_186] : memref<16x2x40x128xi32, #tpu.memory_space<hbm>> -> memref<1x2x40x128xi32, #tpu.memory_space<hbm>>
        %dma_wait3A_188 = tpu.memref_squeeze %dma_wait3A_187 : memref<1x2x40x128xi32, #tpu.memory_space<hbm>> -> memref<2x40x128xi32, #tpu.memory_space<hbm>>
        %dma_wait3A_189 = arith.constant 0 : i32
        %dma_wait3A_190 = arith.constant 0 : i32
        %dma_wait3A_191 = tpu.memref_slice %dma_wait3A_188[%run_scoped3A_17, %dma_wait3A_189, %dma_wait3A_190] : memref<2x40x128xi32, #tpu.memory_space<hbm>> -> memref<1x40x128xi32, #tpu.memory_space<hbm>>
        %dma_wait3A_192 = tpu.memref_squeeze %dma_wait3A_191 : memref<1x40x128xi32, #tpu.memory_space<hbm>> -> memref<40x128xi32, #tpu.memory_space<hbm>>
        tpu.wait_dma2 semaphore(%run_scoped3A_156 : memref<!tpu.dma_semaphore, #tpu.memory_space<semaphore_mem>>) src(%dma_wait3A_192 : memref<40x128xi32, #tpu.memory_space<hbm>>) dst(%arg11 : memref<40x128xi32, #tpu.memory_space<vmem>>)
        tpu.yield
      }) : () -> ()
      %dma_start3A = arith.constant 0 : i32
      %dma_start3A_18 = arith.constant 0 : i32
      %dma_start3A_19 = tpu.memref_slice %arg10[%dma_start3A, %dma_start3A_18] : memref<40x128xi32, #tpu.memory_space<vmem>> -> memref<1x128xi32, #tpu.memory_space<vmem>>
      %dma_start3A_20 = tpu.memref_squeeze %dma_start3A_19 : memref<1x128xi32, #tpu.memory_space<vmem>> -> memref<128xi32, #tpu.memory_space<vmem>>
      %dma_start3A_21 = arith.constant 0 : i32
      %dma_start3A_22 = arith.constant 0 : i32
      %dma_start3A_23 = tpu.memref_slice %arg5[%dma_start3A_21, %dma_start3A_22] : memref<10000x128xf32, #tpu.memory_space<hbm>> -> memref<10000x128xf32, #tpu.memory_space<hbm>>
      tpu.enqueue_indirect_dma source(%dma_start3A_23 : memref<10000x128xf32, #tpu.memory_space<hbm>>) target(%arg12 : memref<128x128xf32, #tpu.memory_space<vmem>>) offsets(%dma_start3A_20 : memref<128xi32, #tpu.memory_space<vmem>>) semaphore(%arg14 : memref<!tpu.dma_semaphore, #tpu.memory_space<semaphore_mem>>)
      %dma_start3A_24 = arith.constant 1 : i32
      %dma_start3A_25 = arith.constant 0 : i32
      %dma_start3A_26 = tpu.memref_slice %arg10[%dma_start3A_24, %dma_start3A_25] : memref<40x128xi32, #tpu.memory_space<vmem>> -> memref<1x128xi32, #tpu.memory_space<vmem>>
      %dma_start3A_27 = tpu.memref_squeeze %dma_start3A_26 : memref<1x128xi32, #tpu.memory_space<vmem>> -> memref<128xi32, #tpu.memory_space<vmem>>
      %dma_start3A_28 = arith.constant 0 : i32
      %dma_start3A_29 = arith.constant 0 : i32
      %dma_start3A_30 = tpu.memref_slice %arg5[%dma_start3A_28, %dma_start3A_29] : memref<10000x128xf32, #tpu.memory_space<hbm>> -> memref<10000x128xf32, #tpu.memory_space<hbm>>
      tpu.enqueue_indirect_dma source(%dma_start3A_30 : memref<10000x128xf32, #tpu.memory_space<hbm>>) target(%arg13 : memref<128x128xf32, #tpu.memory_space<vmem>>) offsets(%dma_start3A_27 : memref<128xi32, #tpu.memory_space<vmem>>) semaphore(%arg15 : memref<!tpu.dma_semaphore, #tpu.memory_space<semaphore_mem>>)
      %scan3A = arith.constant 0 : i32
      %scan3A_31 = arith.constant 0 : i32
      %scan3A_32 = arith.constant 20 : i32
      %scan3A_33 = arith.addi %scan3A_31, %scan3A_32 : i32
      %scan3A_34 = arith.constant 1 : i32
      scf.for %scan3A_156 = %scan3A_31 to %scan3A_33 step %scan3A_34  : i32 {
        %mul3A_157 = arith.constant 2 : i32
        %mul3A_158 = arith.muli %scan3A_156, %mul3A_157 : i32
        %add3A_159 = arith.constant 0 : i32
        %add3A_160 = arith.addi %mul3A_158, %add3A_159 : i32
        %dma_wait3A_161 = arith.constant 0 : i32
        %dma_wait3A_162 = tpu.memref_slice %arg10[%add3A_160, %dma_wait3A_161] : memref<40x128xi32, #tpu.memory_space<vmem>> -> memref<1x128xi32, #tpu.memory_space<vmem>>
        %dma_wait3A_163 = tpu.memref_squeeze %dma_wait3A_162 : memref<1x128xi32, #tpu.memory_space<vmem>> -> memref<128xi32, #tpu.memory_space<vmem>>
        %dma_wait3A_164 = arith.constant 0 : i32
        %dma_wait3A_165 = arith.constant 0 : i32
        %dma_wait3A_166 = tpu.memref_slice %arg5[%dma_wait3A_164, %dma_wait3A_165] : memref<10000x128xf32, #tpu.memory_space<hbm>> -> memref<10000x128xf32, #tpu.memory_space<hbm>>
        tpu.wait_indirect_dma semaphore(%arg14 : memref<!tpu.dma_semaphore, #tpu.memory_space<semaphore_mem>>) src(%dma_wait3A_166 : memref<10000x128xf32, #tpu.memory_space<hbm>>) dst(%arg12 : memref<128x128xf32, #tpu.memory_space<vmem>>)
        %dma_start3A_167 = arith.constant 0 : i32
        %dma_start3A_168 = tpu.memref_slice %arg11[%add3A_160, %dma_start3A_167] : memref<40x128xi32, #tpu.memory_space<vmem>> -> memref<1x128xi32, #tpu.memory_space<vmem>>
        %dma_start3A_169 = tpu.memref_squeeze %dma_start3A_168 : memref<1x128xi32, #tpu.memory_space<vmem>> -> memref<128xi32, #tpu.memory_space<vmem>>
        %dma_start3A_170 = arith.constant 0 : i32
        %dma_start3A_171 = arith.constant 0 : i32
        %dma_start3A_172 = tpu.memref_slice %arg9[%dma_start3A_170, %dma_start3A_171] : memref<10240x128xf32, #tpu.memory_space<vmem_shared>> -> memref<10240x128xf32, #tpu.memory_space<vmem_shared>>
        tpu.enqueue_indirect_dma source(%arg12 : memref<128x128xf32, #tpu.memory_space<vmem>>) target(%dma_start3A_172 : memref<10240x128xf32, #tpu.memory_space<vmem_shared>>) offsets(%dma_start3A_169 : memref<128xi32, #tpu.memory_space<vmem>>) semaphore(%arg16 : memref<!tpu.dma_semaphore, #tpu.memory_space<semaphore_mem>>) {add = true}
        %add3A_173 = arith.constant 1 : i32
        %add3A_174 = arith.addi %mul3A_158, %add3A_173 : i32
        %dma_wait3A_175 = arith.constant 0 : i32
        %dma_wait3A_176 = tpu.memref_slice %arg10[%add3A_174, %dma_wait3A_175] : memref<40x128xi32, #tpu.memory_space<vmem>> -> memref<1x128xi32, #tpu.memory_space<vmem>>
        %dma_wait3A_177 = tpu.memref_squeeze %dma_wait3A_176 : memref<1x128xi32, #tpu.memory_space<vmem>> -> memref<128xi32, #tpu.memory_space<vmem>>
        %dma_wait3A_178 = arith.constant 0 : i32
        %dma_wait3A_179 = arith.constant 0 : i32
        %dma_wait3A_180 = tpu.memref_slice %arg5[%dma_wait3A_178, %dma_wait3A_179] : memref<10000x128xf32, #tpu.memory_space<hbm>> -> memref<10000x128xf32, #tpu.memory_space<hbm>>
        tpu.wait_indirect_dma semaphore(%arg15 : memref<!tpu.dma_semaphore, #tpu.memory_space<semaphore_mem>>) src(%dma_wait3A_180 : memref<10000x128xf32, #tpu.memory_space<hbm>>) dst(%arg13 : memref<128x128xf32, #tpu.memory_space<vmem>>)
        %dma_start3A_181 = arith.constant 0 : i32
        %dma_start3A_182 = tpu.memref_slice %arg11[%add3A_174, %dma_start3A_181] : memref<40x128xi32, #tpu.memory_space<vmem>> -> memref<1x128xi32, #tpu.memory_space<vmem>>
        %dma_start3A_183 = tpu.memref_squeeze %dma_start3A_182 : memref<1x128xi32, #tpu.memory_space<vmem>> -> memref<128xi32, #tpu.memory_space<vmem>>
        %dma_start3A_184 = arith.constant 0 : i32
        %dma_start3A_185 = arith.constant 0 : i32
        %dma_start3A_186 = tpu.memref_slice %arg9[%dma_start3A_184, %dma_start3A_185] : memref<10240x128xf32, #tpu.memory_space<vmem_shared>> -> memref<10240x128xf32, #tpu.memory_space<vmem_shared>>
        tpu.enqueue_indirect_dma source(%arg13 : memref<128x128xf32, #tpu.memory_space<vmem>>) target(%dma_start3A_186 : memref<10240x128xf32, #tpu.memory_space<vmem_shared>>) offsets(%dma_start3A_183 : memref<128xi32, #tpu.memory_space<vmem>>) semaphore(%arg17 : memref<!tpu.dma_semaphore, #tpu.memory_space<semaphore_mem>>) {add = true}
        %add3A_187 = arith.constant 0 : i32
        %add3A_188 = arith.addi %mul3A_158, %add3A_187 : i32
        %add3A_189 = arith.constant 2 : i32
        %add3A_190 = arith.addi %add3A_188, %add3A_189 : i32
        %lt3A = arith.constant 40 : i32
        %lt3A_191 = arith.cmpi slt, %add3A_190, %lt3A : i32
        %convert_element_type3A_192 = arith.extui %lt3A_191 : i1 to i32
        %cond3A_193 = arith.constant 0 : i32
        %cond3A_194 = arith.cmpi ne, %convert_element_type3A_192, %cond3A_193 : i32
        scf.if %cond3A_194 {
          %dma_wait3A_204 = arith.constant 0 : i32
          %dma_wait3A_205 = tpu.memref_slice %arg11[%add3A_188, %dma_wait3A_204] : memref<40x128xi32, #tpu.memory_space<vmem>> -> memref<1x128xi32, #tpu.memory_space<vmem>>
          %dma_wait3A_206 = tpu.memref_squeeze %dma_wait3A_205 : memref<1x128xi32, #tpu.memory_space<vmem>> -> memref<128xi32, #tpu.memory_space<vmem>>
          %dma_wait3A_207 = arith.constant 0 : i32
          %dma_wait3A_208 = arith.constant 0 : i32
          %dma_wait3A_209 = tpu.memref_slice %arg9[%dma_wait3A_207, %dma_wait3A_208] : memref<10240x128xf32, #tpu.memory_space<vmem_shared>> -> memref<10240x128xf32, #tpu.memory_space<vmem_shared>>
          tpu.wait_indirect_dma semaphore(%arg16 : memref<!tpu.dma_semaphore, #tpu.memory_space<semaphore_mem>>) src(%arg12 : memref<128x128xf32, #tpu.memory_space<vmem>>) dst(%dma_wait3A_209 : memref<10240x128xf32, #tpu.memory_space<vmem_shared>>)
          %add3A_210 = arith.constant 2 : i32
          %add3A_211 = arith.addi %add3A_188, %add3A_210 : i32
          %dma_start3A_212 = arith.constant 0 : i32
          %dma_start3A_213 = tpu.memref_slice %arg10[%add3A_211, %dma_start3A_212] : memref<40x128xi32, #tpu.memory_space<vmem>> -> memref<1x128xi32, #tpu.memory_space<vmem>>
          %dma_start3A_214 = tpu.memref_squeeze %dma_start3A_213 : memref<1x128xi32, #tpu.memory_space<vmem>> -> memref<128xi32, #tpu.memory_space<vmem>>
          %dma_start3A_215 = arith.constant 0 : i32
          %dma_start3A_216 = arith.constant 0 : i32
          %dma_start3A_217 = tpu.memref_slice %arg5[%dma_start3A_215, %dma_start3A_216] : memref<10000x128xf32, #tpu.memory_space<hbm>> -> memref<10000x128xf32, #tpu.memory_space<hbm>>
          tpu.enqueue_indirect_dma source(%dma_start3A_217 : memref<10000x128xf32, #tpu.memory_space<hbm>>) target(%arg12 : memref<128x128xf32, #tpu.memory_space<vmem>>) offsets(%dma_start3A_214 : memref<128xi32, #tpu.memory_space<vmem>>) semaphore(%arg14 : memref<!tpu.dma_semaphore, #tpu.memory_space<semaphore_mem>>)
        } else {
        }
        %add3A_195 = arith.constant 1 : i32
        %add3A_196 = arith.addi %mul3A_158, %add3A_195 : i32
        %add3A_197 = arith.constant 2 : i32
        %add3A_198 = arith.addi %add3A_196, %add3A_197 : i32
        %lt3A_199 = arith.constant 40 : i32
        %lt3A_200 = arith.cmpi slt, %add3A_198, %lt3A_199 : i32
        %convert_element_type3A_201 = arith.extui %lt3A_200 : i1 to i32
        %cond3A_202 = arith.constant 0 : i32
        %cond3A_203 = arith.cmpi ne, %convert_element_type3A_201, %cond3A_202 : i32
        scf.if %cond3A_203 {
          %dma_wait3A_204 = arith.constant 0 : i32
          %dma_wait3A_205 = tpu.memref_slice %arg11[%add3A_196, %dma_wait3A_204] : memref<40x128xi32, #tpu.memory_space<vmem>> -> memref<1x128xi32, #tpu.memory_space<vmem>>
          %dma_wait3A_206 = tpu.memref_squeeze %dma_wait3A_205 : memref<1x128xi32, #tpu.memory_space<vmem>> -> memref<128xi32, #tpu.memory_space<vmem>>
          %dma_wait3A_207 = arith.constant 0 : i32
          %dma_wait3A_208 = arith.constant 0 : i32
          %dma_wait3A_209 = tpu.memref_slice %arg9[%dma_wait3A_207, %dma_wait3A_208] : memref<10240x128xf32, #tpu.memory_space<vmem_shared>> -> memref<10240x128xf32, #tpu.memory_space<vmem_shared>>
          tpu.wait_indirect_dma semaphore(%arg17 : memref<!tpu.dma_semaphore, #tpu.memory_space<semaphore_mem>>) src(%arg13 : memref<128x128xf32, #tpu.memory_space<vmem>>) dst(%dma_wait3A_209 : memref<10240x128xf32, #tpu.memory_space<vmem_shared>>)
          %add3A_210 = arith.constant 2 : i32
          %add3A_211 = arith.addi %add3A_196, %add3A_210 : i32
          %dma_start3A_212 = arith.constant 0 : i32
          %dma_start3A_213 = tpu.memref_slice %arg10[%add3A_211, %dma_start3A_212] : memref<40x128xi32, #tpu.memory_space<vmem>> -> memref<1x128xi32, #tpu.memory_space<vmem>>
          %dma_start3A_214 = tpu.memref_squeeze %dma_start3A_213 : memref<1x128xi32, #tpu.memory_space<vmem>> -> memref<128xi32, #tpu.memory_space<vmem>>
          %dma_start3A_215 = arith.constant 0 : i32
          %dma_start3A_216 = arith.constant 0 : i32
          %dma_start3A_217 = tpu.memref_slice %arg5[%dma_start3A_215, %dma_start3A_216] : memref<10000x128xf32, #tpu.memory_space<hbm>> -> memref<10000x128xf32, #tpu.memory_space<hbm>>
          tpu.enqueue_indirect_dma source(%dma_start3A_217 : memref<10000x128xf32, #tpu.memory_space<hbm>>) target(%arg13 : memref<128x128xf32, #tpu.memory_space<vmem>>) offsets(%dma_start3A_214 : memref<128xi32, #tpu.memory_space<vmem>>) semaphore(%arg15 : memref<!tpu.dma_semaphore, #tpu.memory_space<semaphore_mem>>)
        } else {
        }
      }
      %scan3A_35 = arith.constant 20 : i32
      %dma_wait3A = arith.constant 38 : i32
      %dma_wait3A_36 = arith.constant 0 : i32
      %dma_wait3A_37 = tpu.memref_slice %arg11[%dma_wait3A, %dma_wait3A_36] : memref<40x128xi32, #tpu.memory_space<vmem>> -> memref<1x128xi32, #tpu.memory_space<vmem>>
      %dma_wait3A_38 = tpu.memref_squeeze %dma_wait3A_37 : memref<1x128xi32, #tpu.memory_space<vmem>> -> memref<128xi32, #tpu.memory_space<vmem>>
      %dma_wait3A_39 = arith.constant 0 : i32
      %dma_wait3A_40 = arith.constant 0 : i32
      %dma_wait3A_41 = tpu.memref_slice %arg9[%dma_wait3A_39, %dma_wait3A_40] : memref<10240x128xf32, #tpu.memory_space<vmem_shared>> -> memref<10240x128xf32, #tpu.memory_space<vmem_shared>>
      tpu.wait_indirect_dma semaphore(%arg16 : memref<!tpu.dma_semaphore, #tpu.memory_space<semaphore_mem>>) src(%arg12 : memref<128x128xf32, #tpu.memory_space<vmem>>) dst(%dma_wait3A_41 : memref<10240x128xf32, #tpu.memory_space<vmem_shared>>)
      %dma_wait3A_42 = arith.constant 39 : i32
      %dma_wait3A_43 = arith.constant 0 : i32
      %dma_wait3A_44 = tpu.memref_slice %arg11[%dma_wait3A_42, %dma_wait3A_43] : memref<40x128xi32, #tpu.memory_space<vmem>> -> memref<1x128xi32, #tpu.memory_space<vmem>>
      %dma_wait3A_45 = tpu.memref_squeeze %dma_wait3A_44 : memref<1x128xi32, #tpu.memory_space<vmem>> -> memref<128xi32, #tpu.memory_space<vmem>>
      %dma_wait3A_46 = arith.constant 0 : i32
      %dma_wait3A_47 = arith.constant 0 : i32
      %dma_wait3A_48 = tpu.memref_slice %arg9[%dma_wait3A_46, %dma_wait3A_47] : memref<10240x128xf32, #tpu.memory_space<vmem_shared>> -> memref<10240x128xf32, #tpu.memory_space<vmem_shared>>
      tpu.wait_indirect_dma semaphore(%arg17 : memref<!tpu.dma_semaphore, #tpu.memory_space<semaphore_mem>>) src(%arg13 : memref<128x128xf32, #tpu.memory_space<vmem>>) dst(%dma_wait3A_48 : memref<10240x128xf32, #tpu.memory_space<vmem_shared>>)
      %run_scoped3A_49 = arith.constant 1 : i32
      "tpu.region"() ({
        %run_scoped3A_156 = tpu.sem_alloc : memref<!tpu.dma_semaphore, #tpu.memory_space<semaphore_mem>>
        %dma_start3A_157 = arith.constant 0 : i32
        %dma_start3A_158 = arith.constant 0 : i32
        %dma_start3A_159 = arith.constant 0 : i32
        %dma_start3A_160 = tpu.memref_slice %arg2[%arg1, %dma_start3A_157, %dma_start3A_158, %dma_start3A_159] : memref<16x2x40x128xi32, #tpu.memory_space<hbm>> -> memref<1x2x40x128xi32, #tpu.memory_space<hbm>>
        %dma_start3A_161 = tpu.memref_squeeze %dma_start3A_160 : memref<1x2x40x128xi32, #tpu.memory_space<hbm>> -> memref<2x40x128xi32, #tpu.memory_space<hbm>>
        %dma_start3A_162 = arith.constant 0 : i32
        %dma_start3A_163 = arith.constant 0 : i32
        %dma_start3A_164 = tpu.memref_slice %dma_start3A_161[%run_scoped3A_49, %dma_start3A_162, %dma_start3A_163] : memref<2x40x128xi32, #tpu.memory_space<hbm>> -> memref<1x40x128xi32, #tpu.memory_space<hbm>>
        %dma_start3A_165 = tpu.memref_squeeze %dma_start3A_164 : memref<1x40x128xi32, #tpu.memory_space<hbm>> -> memref<40x128xi32, #tpu.memory_space<hbm>>
        %dma_start3A_166 = arith.constant 0 : i32
        %dma_start3A_167 = arith.constant 0 : i32
        %dma_start3A_168 = arith.constant 0 : i32
        %dma_start3A_169 = tpu.memref_slice %arg2[%arg1, %dma_start3A_166, %dma_start3A_167, %dma_start3A_168] : memref<16x2x40x128xi32, #tpu.memory_space<hbm>> -> memref<1x2x40x128xi32, #tpu.memory_space<hbm>>
        %dma_start3A_170 = tpu.memref_squeeze %dma_start3A_169 : memref<1x2x40x128xi32, #tpu.memory_space<hbm>> -> memref<2x40x128xi32, #tpu.memory_space<hbm>>
        %dma_start3A_171 = arith.constant 0 : i32
        %dma_start3A_172 = arith.constant 0 : i32
        %dma_start3A_173 = tpu.memref_slice %dma_start3A_170[%run_scoped3A_49, %dma_start3A_171, %dma_start3A_172] : memref<2x40x128xi32, #tpu.memory_space<hbm>> -> memref<1x40x128xi32, #tpu.memory_space<hbm>>
        %dma_start3A_174 = tpu.memref_squeeze %dma_start3A_173 : memref<1x40x128xi32, #tpu.memory_space<hbm>> -> memref<40x128xi32, #tpu.memory_space<hbm>>
        tpu.enqueue_dma source(%dma_start3A_174 : memref<40x128xi32, #tpu.memory_space<hbm>>) target(%arg10 : memref<40x128xi32, #tpu.memory_space<vmem>>) target_semaphore(%run_scoped3A_156 : memref<!tpu.dma_semaphore, #tpu.memory_space<semaphore_mem>>)
        %dma_wait3A_175 = arith.constant 0 : i32
        %dma_wait3A_176 = arith.constant 0 : i32
        %dma_wait3A_177 = arith.constant 0 : i32
        %dma_wait3A_178 = tpu.memref_slice %arg2[%arg1, %dma_wait3A_175, %dma_wait3A_176, %dma_wait3A_177] : memref<16x2x40x128xi32, #tpu.memory_space<hbm>> -> memref<1x2x40x128xi32, #tpu.memory_space<hbm>>
        %dma_wait3A_179 = tpu.memref_squeeze %dma_wait3A_178 : memref<1x2x40x128xi32, #tpu.memory_space<hbm>> -> memref<2x40x128xi32, #tpu.memory_space<hbm>>
        %dma_wait3A_180 = arith.constant 0 : i32
        %dma_wait3A_181 = arith.constant 0 : i32
        %dma_wait3A_182 = tpu.memref_slice %dma_wait3A_179[%run_scoped3A_49, %dma_wait3A_180, %dma_wait3A_181] : memref<2x40x128xi32, #tpu.memory_space<hbm>> -> memref<1x40x128xi32, #tpu.memory_space<hbm>>
        %dma_wait3A_183 = tpu.memref_squeeze %dma_wait3A_182 : memref<1x40x128xi32, #tpu.memory_space<hbm>> -> memref<40x128xi32, #tpu.memory_space<hbm>>
        %dma_wait3A_184 = arith.constant 0 : i32
        %dma_wait3A_185 = arith.constant 0 : i32
        %dma_wait3A_186 = arith.constant 0 : i32
        %dma_wait3A_187 = tpu.memref_slice %arg2[%arg1, %dma_wait3A_184, %dma_wait3A_185, %dma_wait3A_186] : memref<16x2x40x128xi32, #tpu.memory_space<hbm>> -> memref<1x2x40x128xi32, #tpu.memory_space<hbm>>
        %dma_wait3A_188 = tpu.memref_squeeze %dma_wait3A_187 : memref<1x2x40x128xi32, #tpu.memory_space<hbm>> -> memref<2x40x128xi32, #tpu.memory_space<hbm>>
        %dma_wait3A_189 = arith.constant 0 : i32
        %dma_wait3A_190 = arith.constant 0 : i32
        %dma_wait3A_191 = tpu.memref_slice %dma_wait3A_188[%run_scoped3A_49, %dma_wait3A_189, %dma_wait3A_190] : memref<2x40x128xi32, #tpu.memory_space<hbm>> -> memref<1x40x128xi32, #tpu.memory_space<hbm>>
        %dma_wait3A_192 = tpu.memref_squeeze %dma_wait3A_191 : memref<1x40x128xi32, #tpu.memory_space<hbm>> -> memref<40x128xi32, #tpu.memory_space<hbm>>
        tpu.wait_dma2 semaphore(%run_scoped3A_156 : memref<!tpu.dma_semaphore, #tpu.memory_space<semaphore_mem>>) src(%dma_wait3A_192 : memref<40x128xi32, #tpu.memory_space<hbm>>) dst(%arg10 : memref<40x128xi32, #tpu.memory_space<vmem>>)
        tpu.yield
      }) : () -> ()
      %run_scoped3A_50 = arith.constant 1 : i32
      "tpu.region"() ({
        %run_scoped3A_156 = tpu.sem_alloc : memref<!tpu.dma_semaphore, #tpu.memory_space<semaphore_mem>>
        %dma_start3A_157 = arith.constant 0 : i32
        %dma_start3A_158 = arith.constant 0 : i32
        %dma_start3A_159 = arith.constant 0 : i32
        %dma_start3A_160 = tpu.memref_slice %arg3[%arg1, %dma_start3A_157, %dma_start3A_158, %dma_start3A_159] : memref<16x2x40x128xi32, #tpu.memory_space<hbm>> -> memref<1x2x40x128xi32, #tpu.memory_space<hbm>>
        %dma_start3A_161 = tpu.memref_squeeze %dma_start3A_160 : memref<1x2x40x128xi32, #tpu.memory_space<hbm>> -> memref<2x40x128xi32, #tpu.memory_space<hbm>>
        %dma_start3A_162 = arith.constant 0 : i32
        %dma_start3A_163 = arith.constant 0 : i32
        %dma_start3A_164 = tpu.memref_slice %dma_start3A_161[%run_scoped3A_50, %dma_start3A_162, %dma_start3A_163] : memref<2x40x128xi32, #tpu.memory_space<hbm>> -> memref<1x40x128xi32, #tpu.memory_space<hbm>>
        %dma_start3A_165 = tpu.memref_squeeze %dma_start3A_164 : memref<1x40x128xi32, #tpu.memory_space<hbm>> -> memref<40x128xi32, #tpu.memory_space<hbm>>
        %dma_start3A_166 = arith.constant 0 : i32
        %dma_start3A_167 = arith.constant 0 : i32
        %dma_start3A_168 = arith.constant 0 : i32
        %dma_start3A_169 = tpu.memref_slice %arg3[%arg1, %dma_start3A_166, %dma_start3A_167, %dma_start3A_168] : memref<16x2x40x128xi32, #tpu.memory_space<hbm>> -> memref<1x2x40x128xi32, #tpu.memory_space<hbm>>
        %dma_start3A_170 = tpu.memref_squeeze %dma_start3A_169 : memref<1x2x40x128xi32, #tpu.memory_space<hbm>> -> memref<2x40x128xi32, #tpu.memory_space<hbm>>
        %dma_start3A_171 = arith.constant 0 : i32
        %dma_start3A_172 = arith.constant 0 : i32
        %dma_start3A_173 = tpu.memref_slice %dma_start3A_170[%run_scoped3A_50, %dma_start3A_171, %dma_start3A_172] : memref<2x40x128xi32, #tpu.memory_space<hbm>> -> memref<1x40x128xi32, #tpu.memory_space<hbm>>
        %dma_start3A_174 = tpu.memref_squeeze %dma_start3A_173 : memref<1x40x128xi32, #tpu.memory_space<hbm>> -> memref<40x128xi32, #tpu.memory_space<hbm>>
        tpu.enqueue_dma source(%dma_start3A_174 : memref<40x128xi32, #tpu.memory_space<hbm>>) target(%arg11 : memref<40x128xi32, #tpu.memory_space<vmem>>) target_semaphore(%run_scoped3A_156 : memref<!tpu.dma_semaphore, #tpu.memory_space<semaphore_mem>>)
        %dma_wait3A_175 = arith.constant 0 : i32
        %dma_wait3A_176 = arith.constant 0 : i32
        %dma_wait3A_177 = arith.constant 0 : i32
        %dma_wait3A_178 = tpu.memref_slice %arg3[%arg1, %dma_wait3A_175, %dma_wait3A_176, %dma_wait3A_177] : memref<16x2x40x128xi32, #tpu.memory_space<hbm>> -> memref<1x2x40x128xi32, #tpu.memory_space<hbm>>
        %dma_wait3A_179 = tpu.memref_squeeze %dma_wait3A_178 : memref<1x2x40x128xi32, #tpu.memory_space<hbm>> -> memref<2x40x128xi32, #tpu.memory_space<hbm>>
        %dma_wait3A_180 = arith.constant 0 : i32
        %dma_wait3A_181 = arith.constant 0 : i32
        %dma_wait3A_182 = tpu.memref_slice %dma_wait3A_179[%run_scoped3A_50, %dma_wait3A_180, %dma_wait3A_181] : memref<2x40x128xi32, #tpu.memory_space<hbm>> -> memref<1x40x128xi32, #tpu.memory_space<hbm>>
        %dma_wait3A_183 = tpu.memref_squeeze %dma_wait3A_182 : memref<1x40x128xi32, #tpu.memory_space<hbm>> -> memref<40x128xi32, #tpu.memory_space<hbm>>
        %dma_wait3A_184 = arith.constant 0 : i32
        %dma_wait3A_185 = arith.constant 0 : i32
        %dma_wait3A_186 = arith.constant 0 : i32
        %dma_wait3A_187 = tpu.memref_slice %arg3[%arg1, %dma_wait3A_184, %dma_wait3A_185, %dma_wait3A_186] : memref<16x2x40x128xi32, #tpu.memory_space<hbm>> -> memref<1x2x40x128xi32, #tpu.memory_space<hbm>>
        %dma_wait3A_188 = tpu.memref_squeeze %dma_wait3A_187 : memref<1x2x40x128xi32, #tpu.memory_space<hbm>> -> memref<2x40x128xi32, #tpu.memory_space<hbm>>
        %dma_wait3A_189 = arith.constant 0 : i32
        %dma_wait3A_190 = arith.constant 0 : i32
        %dma_wait3A_191 = tpu.memref_slice %dma_wait3A_188[%run_scoped3A_50, %dma_wait3A_189, %dma_wait3A_190] : memref<2x40x128xi32, #tpu.memory_space<hbm>> -> memref<1x40x128xi32, #tpu.memory_space<hbm>>
        %dma_wait3A_192 = tpu.memref_squeeze %dma_wait3A_191 : memref<1x40x128xi32, #tpu.memory_space<hbm>> -> memref<40x128xi32, #tpu.memory_space<hbm>>
        tpu.wait_dma2 semaphore(%run_scoped3A_156 : memref<!tpu.dma_semaphore, #tpu.memory_space<semaphore_mem>>) src(%dma_wait3A_192 : memref<40x128xi32, #tpu.memory_space<hbm>>) dst(%arg11 : memref<40x128xi32, #tpu.memory_space<vmem>>)
        tpu.yield
      }) : () -> ()
      %dma_start3A_51 = arith.constant 0 : i32
      %dma_start3A_52 = arith.constant 0 : i32
      %dma_start3A_53 = tpu.memref_slice %arg10[%dma_start3A_51, %dma_start3A_52] : memref<40x128xi32, #tpu.memory_space<vmem>> -> memref<1x128xi32, #tpu.memory_space<vmem>>
      %dma_start3A_54 = tpu.memref_squeeze %dma_start3A_53 : memref<1x128xi32, #tpu.memory_space<vmem>> -> memref<128xi32, #tpu.memory_space<vmem>>
      %dma_start3A_55 = arith.constant 0 : i32
      %dma_start3A_56 = arith.constant 0 : i32
      %dma_start3A_57 = tpu.memref_slice %arg5[%dma_start3A_55, %dma_start3A_56] : memref<10000x128xf32, #tpu.memory_space<hbm>> -> memref<10000x128xf32, #tpu.memory_space<hbm>>
      tpu.enqueue_indirect_dma source(%dma_start3A_57 : memref<10000x128xf32, #tpu.memory_space<hbm>>) target(%arg12 : memref<128x128xf32, #tpu.memory_space<vmem>>) offsets(%dma_start3A_54 : memref<128xi32, #tpu.memory_space<vmem>>) semaphore(%arg14 : memref<!tpu.dma_semaphore, #tpu.memory_space<semaphore_mem>>)
      %dma_start3A_58 = arith.constant 1 : i32
      %dma_start3A_59 = arith.constant 0 : i32
      %dma_start3A_60 = tpu.memref_slice %arg10[%dma_start3A_58, %dma_start3A_59] : memref<40x128xi32, #tpu.memory_space<vmem>> -> memref<1x128xi32, #tpu.memory_space<vmem>>
      %dma_start3A_61 = tpu.memref_squeeze %dma_start3A_60 : memref<1x128xi32, #tpu.memory_space<vmem>> -> memref<128xi32, #tpu.memory_space<vmem>>
      %dma_start3A_62 = arith.constant 0 : i32
      %dma_start3A_63 = arith.constant 0 : i32
      %dma_start3A_64 = tpu.memref_slice %arg5[%dma_start3A_62, %dma_start3A_63] : memref<10000x128xf32, #tpu.memory_space<hbm>> -> memref<10000x128xf32, #tpu.memory_space<hbm>>
      tpu.enqueue_indirect_dma source(%dma_start3A_64 : memref<10000x128xf32, #tpu.memory_space<hbm>>) target(%arg13 : memref<128x128xf32, #tpu.memory_space<vmem>>) offsets(%dma_start3A_61 : memref<128xi32, #tpu.memory_space<vmem>>) semaphore(%arg15 : memref<!tpu.dma_semaphore, #tpu.memory_space<semaphore_mem>>)
      %scan3A_65 = arith.constant 0 : i32
      %scan3A_66 = arith.constant 0 : i32
      %scan3A_67 = arith.constant 20 : i32
      %scan3A_68 = arith.addi %scan3A_66, %scan3A_67 : i32
      %scan3A_69 = arith.constant 1 : i32
      scf.for %scan3A_156 = %scan3A_66 to %scan3A_68 step %scan3A_69  : i32 {
        %mul3A_157 = arith.constant 2 : i32
        %mul3A_158 = arith.muli %scan3A_156, %mul3A_157 : i32
        %add3A_159 = arith.constant 0 : i32
        %add3A_160 = arith.addi %mul3A_158, %add3A_159 : i32
        %dma_wait3A_161 = arith.constant 0 : i32
        %dma_wait3A_162 = tpu.memref_slice %arg10[%add3A_160, %dma_wait3A_161] : memref<40x128xi32, #tpu.memory_space<vmem>> -> memref<1x128xi32, #tpu.memory_space<vmem>>
        %dma_wait3A_163 = tpu.memref_squeeze %dma_wait3A_162 : memref<1x128xi32, #tpu.memory_space<vmem>> -> memref<128xi32, #tpu.memory_space<vmem>>
        %dma_wait3A_164 = arith.constant 0 : i32
        %dma_wait3A_165 = arith.constant 0 : i32
        %dma_wait3A_166 = tpu.memref_slice %arg5[%dma_wait3A_164, %dma_wait3A_165] : memref<10000x128xf32, #tpu.memory_space<hbm>> -> memref<10000x128xf32, #tpu.memory_space<hbm>>
        tpu.wait_indirect_dma semaphore(%arg14 : memref<!tpu.dma_semaphore, #tpu.memory_space<semaphore_mem>>) src(%dma_wait3A_166 : memref<10000x128xf32, #tpu.memory_space<hbm>>) dst(%arg12 : memref<128x128xf32, #tpu.memory_space<vmem>>)
        %dma_start3A_167 = arith.constant 0 : i32
        %dma_start3A_168 = tpu.memref_slice %arg11[%add3A_160, %dma_start3A_167] : memref<40x128xi32, #tpu.memory_space<vmem>> -> memref<1x128xi32, #tpu.memory_space<vmem>>
        %dma_start3A_169 = tpu.memref_squeeze %dma_start3A_168 : memref<1x128xi32, #tpu.memory_space<vmem>> -> memref<128xi32, #tpu.memory_space<vmem>>
        %dma_start3A_170 = arith.constant 0 : i32
        %dma_start3A_171 = arith.constant 0 : i32
        %dma_start3A_172 = tpu.memref_slice %arg9[%dma_start3A_170, %dma_start3A_171] : memref<10240x128xf32, #tpu.memory_space<vmem_shared>> -> memref<10240x128xf32, #tpu.memory_space<vmem_shared>>
        tpu.enqueue_indirect_dma source(%arg12 : memref<128x128xf32, #tpu.memory_space<vmem>>) target(%dma_start3A_172 : memref<10240x128xf32, #tpu.memory_space<vmem_shared>>) offsets(%dma_start3A_169 : memref<128xi32, #tpu.memory_space<vmem>>) semaphore(%arg16 : memref<!tpu.dma_semaphore, #tpu.memory_space<semaphore_mem>>) {add = true}
        %add3A_173 = arith.constant 1 : i32
        %add3A_174 = arith.addi %mul3A_158, %add3A_173 : i32
        %dma_wait3A_175 = arith.constant 0 : i32
        %dma_wait3A_176 = tpu.memref_slice %arg10[%add3A_174, %dma_wait3A_175] : memref<40x128xi32, #tpu.memory_space<vmem>> -> memref<1x128xi32, #tpu.memory_space<vmem>>
        %dma_wait3A_177 = tpu.memref_squeeze %dma_wait3A_176 : memref<1x128xi32, #tpu.memory_space<vmem>> -> memref<128xi32, #tpu.memory_space<vmem>>
        %dma_wait3A_178 = arith.constant 0 : i32
        %dma_wait3A_179 = arith.constant 0 : i32
        %dma_wait3A_180 = tpu.memref_slice %arg5[%dma_wait3A_178, %dma_wait3A_179] : memref<10000x128xf32, #tpu.memory_space<hbm>> -> memref<10000x128xf32, #tpu.memory_space<hbm>>
        tpu.wait_indirect_dma semaphore(%arg15 : memref<!tpu.dma_semaphore, #tpu.memory_space<semaphore_mem>>) src(%dma_wait3A_180 : memref<10000x128xf32, #tpu.memory_space<hbm>>) dst(%arg13 : memref<128x128xf32, #tpu.memory_space<vmem>>)
        %dma_start3A_181 = arith.constant 0 : i32
        %dma_start3A_182 = tpu.memref_slice %arg11[%add3A_174, %dma_start3A_181] : memref<40x128xi32, #tpu.memory_space<vmem>> -> memref<1x128xi32, #tpu.memory_space<vmem>>
        %dma_start3A_183 = tpu.memref_squeeze %dma_start3A_182 : memref<1x128xi32, #tpu.memory_space<vmem>> -> memref<128xi32, #tpu.memory_space<vmem>>
        %dma_start3A_184 = arith.constant 0 : i32
        %dma_start3A_185 = arith.constant 0 : i32
        %dma_start3A_186 = tpu.memref_slice %arg9[%dma_start3A_184, %dma_start3A_185] : memref<10240x128xf32, #tpu.memory_space<vmem_shared>> -> memref<10240x128xf32, #tpu.memory_space<vmem_shared>>
        tpu.enqueue_indirect_dma source(%arg13 : memref<128x128xf32, #tpu.memory_space<vmem>>) target(%dma_start3A_186 : memref<10240x128xf32, #tpu.memory_space<vmem_shared>>) offsets(%dma_start3A_183 : memref<128xi32, #tpu.memory_space<vmem>>) semaphore(%arg17 : memref<!tpu.dma_semaphore, #tpu.memory_space<semaphore_mem>>) {add = true}
        %add3A_187 = arith.constant 0 : i32
        %add3A_188 = arith.addi %mul3A_158, %add3A_187 : i32
        %add3A_189 = arith.constant 2 : i32
        %add3A_190 = arith.addi %add3A_188, %add3A_189 : i32
        %lt3A = arith.constant 40 : i32
        %lt3A_191 = arith.cmpi slt, %add3A_190, %lt3A : i32
        %convert_element_type3A_192 = arith.extui %lt3A_191 : i1 to i32
        %cond3A_193 = arith.constant 0 : i32
        %cond3A_194 = arith.cmpi ne, %convert_element_type3A_192, %cond3A_193 : i32
        scf.if %cond3A_194 {
          %dma_wait3A_204 = arith.constant 0 : i32
          %dma_wait3A_205 = tpu.memref_slice %arg11[%add3A_188, %dma_wait3A_204] : memref<40x128xi32, #tpu.memory_space<vmem>> -> memref<1x128xi32, #tpu.memory_space<vmem>>
          %dma_wait3A_206 = tpu.memref_squeeze %dma_wait3A_205 : memref<1x128xi32, #tpu.memory_space<vmem>> -> memref<128xi32, #tpu.memory_space<vmem>>
          %dma_wait3A_207 = arith.constant 0 : i32
          %dma_wait3A_208 = arith.constant 0 : i32
          %dma_wait3A_209 = tpu.memref_slice %arg9[%dma_wait3A_207, %dma_wait3A_208] : memref<10240x128xf32, #tpu.memory_space<vmem_shared>> -> memref<10240x128xf32, #tpu.memory_space<vmem_shared>>
          tpu.wait_indirect_dma semaphore(%arg16 : memref<!tpu.dma_semaphore, #tpu.memory_space<semaphore_mem>>) src(%arg12 : memref<128x128xf32, #tpu.memory_space<vmem>>) dst(%dma_wait3A_209 : memref<10240x128xf32, #tpu.memory_space<vmem_shared>>)
          %add3A_210 = arith.constant 2 : i32
          %add3A_211 = arith.addi %add3A_188, %add3A_210 : i32
          %dma_start3A_212 = arith.constant 0 : i32
          %dma_start3A_213 = tpu.memref_slice %arg10[%add3A_211, %dma_start3A_212] : memref<40x128xi32, #tpu.memory_space<vmem>> -> memref<1x128xi32, #tpu.memory_space<vmem>>
          %dma_start3A_214 = tpu.memref_squeeze %dma_start3A_213 : memref<1x128xi32, #tpu.memory_space<vmem>> -> memref<128xi32, #tpu.memory_space<vmem>>
          %dma_start3A_215 = arith.constant 0 : i32
          %dma_start3A_216 = arith.constant 0 : i32
          %dma_start3A_217 = tpu.memref_slice %arg5[%dma_start3A_215, %dma_start3A_216] : memref<10000x128xf32, #tpu.memory_space<hbm>> -> memref<10000x128xf32, #tpu.memory_space<hbm>>
          tpu.enqueue_indirect_dma source(%dma_start3A_217 : memref<10000x128xf32, #tpu.memory_space<hbm>>) target(%arg12 : memref<128x128xf32, #tpu.memory_space<vmem>>) offsets(%dma_start3A_214 : memref<128xi32, #tpu.memory_space<vmem>>) semaphore(%arg14 : memref<!tpu.dma_semaphore, #tpu.memory_space<semaphore_mem>>)
        } else {
        }
        %add3A_195 = arith.constant 1 : i32
        %add3A_196 = arith.addi %mul3A_158, %add3A_195 : i32
        %add3A_197 = arith.constant 2 : i32
        %add3A_198 = arith.addi %add3A_196, %add3A_197 : i32
        %lt3A_199 = arith.constant 40 : i32
        %lt3A_200 = arith.cmpi slt, %add3A_198, %lt3A_199 : i32
        %convert_element_type3A_201 = arith.extui %lt3A_200 : i1 to i32
        %cond3A_202 = arith.constant 0 : i32
        %cond3A_203 = arith.cmpi ne, %convert_element_type3A_201, %cond3A_202 : i32
        scf.if %cond3A_203 {
          %dma_wait3A_204 = arith.constant 0 : i32
          %dma_wait3A_205 = tpu.memref_slice %arg11[%add3A_196, %dma_wait3A_204] : memref<40x128xi32, #tpu.memory_space<vmem>> -> memref<1x128xi32, #tpu.memory_space<vmem>>
          %dma_wait3A_206 = tpu.memref_squeeze %dma_wait3A_205 : memref<1x128xi32, #tpu.memory_space<vmem>> -> memref<128xi32, #tpu.memory_space<vmem>>
          %dma_wait3A_207 = arith.constant 0 : i32
          %dma_wait3A_208 = arith.constant 0 : i32
          %dma_wait3A_209 = tpu.memref_slice %arg9[%dma_wait3A_207, %dma_wait3A_208] : memref<10240x128xf32, #tpu.memory_space<vmem_shared>> -> memref<10240x128xf32, #tpu.memory_space<vmem_shared>>
          tpu.wait_indirect_dma semaphore(%arg17 : memref<!tpu.dma_semaphore, #tpu.memory_space<semaphore_mem>>) src(%arg13 : memref<128x128xf32, #tpu.memory_space<vmem>>) dst(%dma_wait3A_209 : memref<10240x128xf32, #tpu.memory_space<vmem_shared>>)
          %add3A_210 = arith.constant 2 : i32
          %add3A_211 = arith.addi %add3A_196, %add3A_210 : i32
          %dma_start3A_212 = arith.constant 0 : i32
          %dma_start3A_213 = tpu.memref_slice %arg10[%add3A_211, %dma_start3A_212] : memref<40x128xi32, #tpu.memory_space<vmem>> -> memref<1x128xi32, #tpu.memory_space<vmem>>
          %dma_start3A_214 = tpu.memref_squeeze %dma_start3A_213 : memref<1x128xi32, #tpu.memory_space<vmem>> -> memref<128xi32, #tpu.memory_space<vmem>>
          %dma_start3A_215 = arith.constant 0 : i32
          %dma_start3A_216 = arith.constant 0 : i32
          %dma_start3A_217 = tpu.memref_slice %arg5[%dma_start3A_215, %dma_start3A_216] : memref<10000x128xf32, #tpu.memory_space<hbm>> -> memref<10000x128xf32, #tpu.memory_space<hbm>>
          tpu.enqueue_indirect_dma source(%dma_start3A_217 : memref<10000x128xf32, #tpu.memory_space<hbm>>) target(%arg13 : memref<128x128xf32, #tpu.memory_space<vmem>>) offsets(%dma_start3A_214 : memref<128xi32, #tpu.memory_space<vmem>>) semaphore(%arg15 : memref<!tpu.dma_semaphore, #tpu.memory_space<semaphore_mem>>)
        } else {
        }
      }
      %scan3A_70 = arith.constant 20 : i32
      %dma_wait3A_71 = arith.constant 38 : i32
      %dma_wait3A_72 = arith.constant 0 : i32
      %dma_wait3A_73 = tpu.memref_slice %arg11[%dma_wait3A_71, %dma_wait3A_72] : memref<40x128xi32, #tpu.memory_space<vmem>> -> memref<1x128xi32, #tpu.memory_space<vmem>>
      %dma_wait3A_74 = tpu.memref_squeeze %dma_wait3A_73 : memref<1x128xi32, #tpu.memory_space<vmem>> -> memref<128xi32, #tpu.memory_space<vmem>>
      %dma_wait3A_75 = arith.constant 0 : i32
      %dma_wait3A_76 = arith.constant 0 : i32
      %dma_wait3A_77 = tpu.memref_slice %arg9[%dma_wait3A_75, %dma_wait3A_76] : memref<10240x128xf32, #tpu.memory_space<vmem_shared>> -> memref<10240x128xf32, #tpu.memory_space<vmem_shared>>
      tpu.wait_indirect_dma semaphore(%arg16 : memref<!tpu.dma_semaphore, #tpu.memory_space<semaphore_mem>>) src(%arg12 : memref<128x128xf32, #tpu.memory_space<vmem>>) dst(%dma_wait3A_77 : memref<10240x128xf32, #tpu.memory_space<vmem_shared>>)
      %dma_wait3A_78 = arith.constant 39 : i32
      %dma_wait3A_79 = arith.constant 0 : i32
      %dma_wait3A_80 = tpu.memref_slice %arg11[%dma_wait3A_78, %dma_wait3A_79] : memref<40x128xi32, #tpu.memory_space<vmem>> -> memref<1x128xi32, #tpu.memory_space<vmem>>
      %dma_wait3A_81 = tpu.memref_squeeze %dma_wait3A_80 : memref<1x128xi32, #tpu.memory_space<vmem>> -> memref<128xi32, #tpu.memory_space<vmem>>
      %dma_wait3A_82 = arith.constant 0 : i32
      %dma_wait3A_83 = arith.constant 0 : i32
      %dma_wait3A_84 = tpu.memref_slice %arg9[%dma_wait3A_82, %dma_wait3A_83] : memref<10240x128xf32, #tpu.memory_space<vmem_shared>> -> memref<10240x128xf32, #tpu.memory_space<vmem_shared>>
      tpu.wait_indirect_dma semaphore(%arg17 : memref<!tpu.dma_semaphore, #tpu.memory_space<semaphore_mem>>) src(%arg13 : memref<128x128xf32, #tpu.memory_space<vmem>>) dst(%dma_wait3A_84 : memref<10240x128xf32, #tpu.memory_space<vmem_shared>>)
      %barrier3A_85 = arith.constant 0 : index
      tpu.barrier barrier_id(%barrier3A_85)
      %add3A_86 = arith.constant 0 : i32
      %add3A_87 = arith.addi %mul3A_0, %add3A_86 : i32
      "tpu.region"() ({
        %run_scoped3A_156 = tpu.sem_alloc : memref<!tpu.dma_semaphore, #tpu.memory_space<semaphore_mem>>
        %dma_start3A_157 = arith.constant 0 : i32
        %dma_start3A_158 = tpu.memref_slice %arg9[%add3A_87, %dma_start3A_157] : memref<10240x128xf32, #tpu.memory_space<vmem_shared>> -> memref<128x128xf32, #tpu.memory_space<vmem_shared>>
        %dma_start3A_159 = arith.constant 0 : i32
        %dma_start3A_160 = tpu.memref_slice %arg9[%add3A_87, %dma_start3A_159] : memref<10240x128xf32, #tpu.memory_space<vmem_shared>> -> memref<128x128xf32, #tpu.memory_space<vmem_shared>>
        tpu.enqueue_dma source(%dma_start3A_160 : memref<128x128xf32, #tpu.memory_space<vmem_shared>>) target(%arg12 : memref<128x128xf32, #tpu.memory_space<vmem>>) target_semaphore(%run_scoped3A_156 : memref<!tpu.dma_semaphore, #tpu.memory_space<semaphore_mem>>)
        %dma_wait3A_161 = arith.constant 0 : i32
        %dma_wait3A_162 = tpu.memref_slice %arg9[%add3A_87, %dma_wait3A_161] : memref<10240x128xf32, #tpu.memory_space<vmem_shared>> -> memref<128x128xf32, #tpu.memory_space<vmem_shared>>
        %dma_wait3A_163 = arith.constant 0 : i32
        %dma_wait3A_164 = tpu.memref_slice %arg9[%add3A_87, %dma_wait3A_163] : memref<10240x128xf32, #tpu.memory_space<vmem_shared>> -> memref<128x128xf32, #tpu.memory_space<vmem_shared>>
        tpu.wait_dma2 semaphore(%run_scoped3A_156 : memref<!tpu.dma_semaphore, #tpu.memory_space<semaphore_mem>>) src(%dma_wait3A_164 : memref<128x128xf32, #tpu.memory_space<vmem_shared>>) dst(%arg12 : memref<128x128xf32, #tpu.memory_space<vmem>>)
        tpu.yield
      }) : () -> ()
      %add3A_88 = arith.constant 0 : i32
      %add3A_89 = arith.addi %mul3A_0, %add3A_88 : i32
      %dma_start3A_90 = arith.constant 0 : i32
      %dma_start3A_91 = tpu.memref_slice %arg8[%add3A_89, %dma_start3A_90] : memref<10240x128xf32, #tpu.memory_space<hbm>> -> memref<128x128xf32, #tpu.memory_space<hbm>>
      %dma_start3A_92 = arith.constant 0 : i32
      %dma_start3A_93 = tpu.memref_slice %arg8[%add3A_89, %dma_start3A_92] : memref<10240x128xf32, #tpu.memory_space<hbm>> -> memref<128x128xf32, #tpu.memory_space<hbm>>
      tpu.enqueue_dma source(%arg12 : memref<128x128xf32, #tpu.memory_space<vmem>>) target(%dma_start3A_93 : memref<128x128xf32, #tpu.memory_space<hbm>>) target_semaphore(%arg14 : memref<!tpu.dma_semaphore, #tpu.memory_space<semaphore_mem>>)
      %add3A_94 = arith.constant 128 : i32
      %add3A_95 = arith.addi %mul3A_0, %add3A_94 : i32
      "tpu.region"() ({
        %run_scoped3A_156 = tpu.sem_alloc : memref<!tpu.dma_semaphore, #tpu.memory_space<semaphore_mem>>
        %dma_start3A_157 = arith.constant 0 : i32
        %dma_start3A_158 = tpu.memref_slice %arg9[%add3A_95, %dma_start3A_157] : memref<10240x128xf32, #tpu.memory_space<vmem_shared>> -> memref<128x128xf32, #tpu.memory_space<vmem_shared>>
        %dma_start3A_159 = arith.constant 0 : i32
        %dma_start3A_160 = tpu.memref_slice %arg9[%add3A_95, %dma_start3A_159] : memref<10240x128xf32, #tpu.memory_space<vmem_shared>> -> memref<128x128xf32, #tpu.memory_space<vmem_shared>>
        tpu.enqueue_dma source(%dma_start3A_160 : memref<128x128xf32, #tpu.memory_space<vmem_shared>>) target(%arg13 : memref<128x128xf32, #tpu.memory_space<vmem>>) target_semaphore(%run_scoped3A_156 : memref<!tpu.dma_semaphore, #tpu.memory_space<semaphore_mem>>)
        %dma_wait3A_161 = arith.constant 0 : i32
        %dma_wait3A_162 = tpu.memref_slice %arg9[%add3A_95, %dma_wait3A_161] : memref<10240x128xf32, #tpu.memory_space<vmem_shared>> -> memref<128x128xf32, #tpu.memory_space<vmem_shared>>
        %dma_wait3A_163 = arith.constant 0 : i32
        %dma_wait3A_164 = tpu.memref_slice %arg9[%add3A_95, %dma_wait3A_163] : memref<10240x128xf32, #tpu.memory_space<vmem_shared>> -> memref<128x128xf32, #tpu.memory_space<vmem_shared>>
        tpu.wait_dma2 semaphore(%run_scoped3A_156 : memref<!tpu.dma_semaphore, #tpu.memory_space<semaphore_mem>>) src(%dma_wait3A_164 : memref<128x128xf32, #tpu.memory_space<vmem_shared>>) dst(%arg13 : memref<128x128xf32, #tpu.memory_space<vmem>>)
        tpu.yield
      }) : () -> ()
      %add3A_96 = arith.constant 128 : i32
      %add3A_97 = arith.addi %mul3A_0, %add3A_96 : i32
      %dma_start3A_98 = arith.constant 0 : i32
      %dma_start3A_99 = tpu.memref_slice %arg8[%add3A_97, %dma_start3A_98] : memref<10240x128xf32, #tpu.memory_space<hbm>> -> memref<128x128xf32, #tpu.memory_space<hbm>>
      %dma_start3A_100 = arith.constant 0 : i32
      %dma_start3A_101 = tpu.memref_slice %arg8[%add3A_97, %dma_start3A_100] : memref<10240x128xf32, #tpu.memory_space<hbm>> -> memref<128x128xf32, #tpu.memory_space<hbm>>
      tpu.enqueue_dma source(%arg13 : memref<128x128xf32, #tpu.memory_space<vmem>>) target(%dma_start3A_101 : memref<128x128xf32, #tpu.memory_space<hbm>>) target_semaphore(%arg15 : memref<!tpu.dma_semaphore, #tpu.memory_space<semaphore_mem>>)
      %add3A_102 = arith.constant 0 : i32
      %add3A_103 = arith.addi %mul3A_0, %add3A_102 : i32
      %dma_wait3A_104 = arith.constant 0 : i32
      %dma_wait3A_105 = tpu.memref_slice %arg8[%add3A_103, %dma_wait3A_104] : memref<10240x128xf32, #tpu.memory_space<hbm>> -> memref<128x128xf32, #tpu.memory_space<hbm>>
      %dma_wait3A_106 = arith.constant 0 : i32
      %dma_wait3A_107 = tpu.memref_slice %arg8[%add3A_103, %dma_wait3A_106] : memref<10240x128xf32, #tpu.memory_space<hbm>> -> memref<128x128xf32, #tpu.memory_space<hbm>>
      tpu.wait_dma2 semaphore(%arg14 : memref<!tpu.dma_semaphore, #tpu.memory_space<semaphore_mem>>) src(%arg12 : memref<128x128xf32, #tpu.memory_space<vmem>>) dst(%dma_wait3A_107 : memref<128x128xf32, #tpu.memory_space<hbm>>)
      %add3A_108 = arith.constant 256 : i32
      %add3A_109 = arith.addi %mul3A_0, %add3A_108 : i32
      "tpu.region"() ({
        %run_scoped3A_156 = tpu.sem_alloc : memref<!tpu.dma_semaphore, #tpu.memory_space<semaphore_mem>>
        %dma_start3A_157 = arith.constant 0 : i32
        %dma_start3A_158 = tpu.memref_slice %arg9[%add3A_109, %dma_start3A_157] : memref<10240x128xf32, #tpu.memory_space<vmem_shared>> -> memref<128x128xf32, #tpu.memory_space<vmem_shared>>
        %dma_start3A_159 = arith.constant 0 : i32
        %dma_start3A_160 = tpu.memref_slice %arg9[%add3A_109, %dma_start3A_159] : memref<10240x128xf32, #tpu.memory_space<vmem_shared>> -> memref<128x128xf32, #tpu.memory_space<vmem_shared>>
        tpu.enqueue_dma source(%dma_start3A_160 : memref<128x128xf32, #tpu.memory_space<vmem_shared>>) target(%arg12 : memref<128x128xf32, #tpu.memory_space<vmem>>) target_semaphore(%run_scoped3A_156 : memref<!tpu.dma_semaphore, #tpu.memory_space<semaphore_mem>>)
        %dma_wait3A_161 = arith.constant 0 : i32
        %dma_wait3A_162 = tpu.memref_slice %arg9[%add3A_109, %dma_wait3A_161] : memref<10240x128xf32, #tpu.memory_space<vmem_shared>> -> memref<128x128xf32, #tpu.memory_space<vmem_shared>>
        %dma_wait3A_163 = arith.constant 0 : i32
        %dma_wait3A_164 = tpu.memref_slice %arg9[%add3A_109, %dma_wait3A_163] : memref<10240x128xf32, #tpu.memory_space<vmem_shared>> -> memref<128x128xf32, #tpu.memory_space<vmem_shared>>
        tpu.wait_dma2 semaphore(%run_scoped3A_156 : memref<!tpu.dma_semaphore, #tpu.memory_space<semaphore_mem>>) src(%dma_wait3A_164 : memref<128x128xf32, #tpu.memory_space<vmem_shared>>) dst(%arg12 : memref<128x128xf32, #tpu.memory_space<vmem>>)
        tpu.yield
      }) : () -> ()
      %add3A_110 = arith.constant 256 : i32
      %add3A_111 = arith.addi %mul3A_0, %add3A_110 : i32
      %dma_start3A_112 = arith.constant 0 : i32
      %dma_start3A_113 = tpu.memref_slice %arg8[%add3A_111, %dma_start3A_112] : memref<10240x128xf32, #tpu.memory_space<hbm>> -> memref<128x128xf32, #tpu.memory_space<hbm>>
      %dma_start3A_114 = arith.constant 0 : i32
      %dma_start3A_115 = tpu.memref_slice %arg8[%add3A_111, %dma_start3A_114] : memref<10240x128xf32, #tpu.memory_space<hbm>> -> memref<128x128xf32, #tpu.memory_space<hbm>>
      tpu.enqueue_dma source(%arg12 : memref<128x128xf32, #tpu.memory_space<vmem>>) target(%dma_start3A_115 : memref<128x128xf32, #tpu.memory_space<hbm>>) target_semaphore(%arg14 : memref<!tpu.dma_semaphore, #tpu.memory_space<semaphore_mem>>)
      %add3A_116 = arith.constant 128 : i32
      %add3A_117 = arith.addi %mul3A_0, %add3A_116 : i32
      %dma_wait3A_118 = arith.constant 0 : i32
      %dma_wait3A_119 = tpu.memref_slice %arg8[%add3A_117, %dma_wait3A_118] : memref<10240x128xf32, #tpu.memory_space<hbm>> -> memref<128x128xf32, #tpu.memory_space<hbm>>
      %dma_wait3A_120 = arith.constant 0 : i32
      %dma_wait3A_121 = tpu.memref_slice %arg8[%add3A_117, %dma_wait3A_120] : memref<10240x128xf32, #tpu.memory_space<hbm>> -> memref<128x128xf32, #tpu.memory_space<hbm>>
      tpu.wait_dma2 semaphore(%arg15 : memref<!tpu.dma_semaphore, #tpu.memory_space<semaphore_mem>>) src(%arg13 : memref<128x128xf32, #tpu.memory_space<vmem>>) dst(%dma_wait3A_121 : memref<128x128xf32, #tpu.memory_space<hbm>>)
      %add3A_122 = arith.constant 384 : i32
      %add3A_123 = arith.addi %mul3A_0, %add3A_122 : i32
      "tpu.region"() ({
        %run_scoped3A_156 = tpu.sem_alloc : memref<!tpu.dma_semaphore, #tpu.memory_space<semaphore_mem>>
        %dma_start3A_157 = arith.constant 0 : i32
        %dma_start3A_158 = tpu.memref_slice %arg9[%add3A_123, %dma_start3A_157] : memref<10240x128xf32, #tpu.memory_space<vmem_shared>> -> memref<128x128xf32, #tpu.memory_space<vmem_shared>>
        %dma_start3A_159 = arith.constant 0 : i32
        %dma_start3A_160 = tpu.memref_slice %arg9[%add3A_123, %dma_start3A_159] : memref<10240x128xf32, #tpu.memory_space<vmem_shared>> -> memref<128x128xf32, #tpu.memory_space<vmem_shared>>
        tpu.enqueue_dma source(%dma_start3A_160 : memref<128x128xf32, #tpu.memory_space<vmem_shared>>) target(%arg13 : memref<128x128xf32, #tpu.memory_space<vmem>>) target_semaphore(%run_scoped3A_156 : memref<!tpu.dma_semaphore, #tpu.memory_space<semaphore_mem>>)
        %dma_wait3A_161 = arith.constant 0 : i32
        %dma_wait3A_162 = tpu.memref_slice %arg9[%add3A_123, %dma_wait3A_161] : memref<10240x128xf32, #tpu.memory_space<vmem_shared>> -> memref<128x128xf32, #tpu.memory_space<vmem_shared>>
        %dma_wait3A_163 = arith.constant 0 : i32
        %dma_wait3A_164 = tpu.memref_slice %arg9[%add3A_123, %dma_wait3A_163] : memref<10240x128xf32, #tpu.memory_space<vmem_shared>> -> memref<128x128xf32, #tpu.memory_space<vmem_shared>>
        tpu.wait_dma2 semaphore(%run_scoped3A_156 : memref<!tpu.dma_semaphore, #tpu.memory_space<semaphore_mem>>) src(%dma_wait3A_164 : memref<128x128xf32, #tpu.memory_space<vmem_shared>>) dst(%arg13 : memref<128x128xf32, #tpu.memory_space<vmem>>)
        tpu.yield
      }) : () -> ()
      %add3A_124 = arith.constant 384 : i32
      %add3A_125 = arith.addi %mul3A_0, %add3A_124 : i32
      %dma_start3A_126 = arith.constant 0 : i32
      %dma_start3A_127 = tpu.memref_slice %arg8[%add3A_125, %dma_start3A_126] : memref<10240x128xf32, #tpu.memory_space<hbm>> -> memref<128x128xf32, #tpu.memory_space<hbm>>
      %dma_start3A_128 = arith.constant 0 : i32
      %dma_start3A_129 = tpu.memref_slice %arg8[%add3A_125, %dma_start3A_128] : memref<10240x128xf32, #tpu.memory_space<hbm>> -> memref<128x128xf32, #tpu.memory_space<hbm>>
      tpu.enqueue_dma source(%arg13 : memref<128x128xf32, #tpu.memory_space<vmem>>) target(%dma_start3A_129 : memref<128x128xf32, #tpu.memory_space<hbm>>) target_semaphore(%arg15 : memref<!tpu.dma_semaphore, #tpu.memory_space<semaphore_mem>>)
      %add3A_130 = arith.constant 256 : i32
      %add3A_131 = arith.addi %mul3A_0, %add3A_130 : i32
      %dma_wait3A_132 = arith.constant 0 : i32
      %dma_wait3A_133 = tpu.memref_slice %arg8[%add3A_131, %dma_wait3A_132] : memref<10240x128xf32, #tpu.memory_space<hbm>> -> memref<128x128xf32, #tpu.memory_space<hbm>>
      %dma_wait3A_134 = arith.constant 0 : i32
      %dma_wait3A_135 = tpu.memref_slice %arg8[%add3A_131, %dma_wait3A_134] : memref<10240x128xf32, #tpu.memory_space<hbm>> -> memref<128x128xf32, #tpu.memory_space<hbm>>
      tpu.wait_dma2 semaphore(%arg14 : memref<!tpu.dma_semaphore, #tpu.memory_space<semaphore_mem>>) src(%arg12 : memref<128x128xf32, #tpu.memory_space<vmem>>) dst(%dma_wait3A_135 : memref<128x128xf32, #tpu.memory_space<hbm>>)
      %add3A_136 = arith.constant 512 : i32
      %add3A_137 = arith.addi %mul3A_0, %add3A_136 : i32
      "tpu.region"() ({
        %run_scoped3A_156 = tpu.sem_alloc : memref<!tpu.dma_semaphore, #tpu.memory_space<semaphore_mem>>
        %dma_start3A_157 = arith.constant 0 : i32
        %dma_start3A_158 = tpu.memref_slice %arg9[%add3A_137, %dma_start3A_157] : memref<10240x128xf32, #tpu.memory_space<vmem_shared>> -> memref<128x128xf32, #tpu.memory_space<vmem_shared>>
        %dma_start3A_159 = arith.constant 0 : i32
        %dma_start3A_160 = tpu.memref_slice %arg9[%add3A_137, %dma_start3A_159] : memref<10240x128xf32, #tpu.memory_space<vmem_shared>> -> memref<128x128xf32, #tpu.memory_space<vmem_shared>>
        tpu.enqueue_dma source(%dma_start3A_160 : memref<128x128xf32, #tpu.memory_space<vmem_shared>>) target(%arg12 : memref<128x128xf32, #tpu.memory_space<vmem>>) target_semaphore(%run_scoped3A_156 : memref<!tpu.dma_semaphore, #tpu.memory_space<semaphore_mem>>)
        %dma_wait3A_161 = arith.constant 0 : i32
        %dma_wait3A_162 = tpu.memref_slice %arg9[%add3A_137, %dma_wait3A_161] : memref<10240x128xf32, #tpu.memory_space<vmem_shared>> -> memref<128x128xf32, #tpu.memory_space<vmem_shared>>
        %dma_wait3A_163 = arith.constant 0 : i32
        %dma_wait3A_164 = tpu.memref_slice %arg9[%add3A_137, %dma_wait3A_163] : memref<10240x128xf32, #tpu.memory_space<vmem_shared>> -> memref<128x128xf32, #tpu.memory_space<vmem_shared>>
        tpu.wait_dma2 semaphore(%run_scoped3A_156 : memref<!tpu.dma_semaphore, #tpu.memory_space<semaphore_mem>>) src(%dma_wait3A_164 : memref<128x128xf32, #tpu.memory_space<vmem_shared>>) dst(%arg12 : memref<128x128xf32, #tpu.memory_space<vmem>>)
        tpu.yield
      }) : () -> ()
      %add3A_138 = arith.constant 512 : i32
      %add3A_139 = arith.addi %mul3A_0, %add3A_138 : i32
      %dma_start3A_140 = arith.constant 0 : i32
      %dma_start3A_141 = tpu.memref_slice %arg8[%add3A_139, %dma_start3A_140] : memref<10240x128xf32, #tpu.memory_space<hbm>> -> memref<128x128xf32, #tpu.memory_space<hbm>>
      %dma_start3A_142 = arith.constant 0 : i32
      %dma_start3A_143 = tpu.memref_slice %arg8[%add3A_139, %dma_start3A_142] : memref<10240x128xf32, #tpu.memory_space<hbm>> -> memref<128x128xf32, #tpu.memory_space<hbm>>
      tpu.enqueue_dma source(%arg12 : memref<128x128xf32, #tpu.memory_space<vmem>>) target(%dma_start3A_143 : memref<128x128xf32, #tpu.memory_space<hbm>>) target_semaphore(%arg14 : memref<!tpu.dma_semaphore, #tpu.memory_space<semaphore_mem>>)
      %add3A_144 = arith.constant 384 : i32
      %add3A_145 = arith.addi %mul3A_0, %add3A_144 : i32
      %dma_wait3A_146 = arith.constant 0 : i32
      %dma_wait3A_147 = tpu.memref_slice %arg8[%add3A_145, %dma_wait3A_146] : memref<10240x128xf32, #tpu.memory_space<hbm>> -> memref<128x128xf32, #tpu.memory_space<hbm>>
      %dma_wait3A_148 = arith.constant 0 : i32
      %dma_wait3A_149 = tpu.memref_slice %arg8[%add3A_145, %dma_wait3A_148] : memref<10240x128xf32, #tpu.memory_space<hbm>> -> memref<128x128xf32, #tpu.memory_space<hbm>>
      tpu.wait_dma2 semaphore(%arg15 : memref<!tpu.dma_semaphore, #tpu.memory_space<semaphore_mem>>) src(%arg13 : memref<128x128xf32, #tpu.memory_space<vmem>>) dst(%dma_wait3A_149 : memref<128x128xf32, #tpu.memory_space<hbm>>)
      %add3A_150 = arith.constant 512 : i32
      %add3A_151 = arith.addi %mul3A_0, %add3A_150 : i32
      %dma_wait3A_152 = arith.constant 0 : i32
      %dma_wait3A_153 = tpu.memref_slice %arg8[%add3A_151, %dma_wait3A_152] : memref<10240x128xf32, #tpu.memory_space<hbm>> -> memref<128x128xf32, #tpu.memory_space<hbm>>
      %dma_wait3A_154 = arith.constant 0 : i32
      %dma_wait3A_155 = tpu.memref_slice %arg8[%add3A_151, %dma_wait3A_154] : memref<10240x128xf32, #tpu.memory_space<hbm>> -> memref<128x128xf32, #tpu.memory_space<hbm>>
      tpu.wait_dma2 semaphore(%arg14 : memref<!tpu.dma_semaphore, #tpu.memory_space<semaphore_mem>>) src(%arg12 : memref<128x128xf32, #tpu.memory_space<vmem>>) dst(%dma_wait3A_155 : memref<128x128xf32, #tpu.memory_space<hbm>>)
    } else {
    }
    return
  }
}

#map = affine_map<(d0, d1) -> (0, 0, 0, 0)>
#map1 = affine_map<(d0, d1) -> (0, 0)>
module attributes {stable_mosaic.version = 14 : i64} {
  func.func @_scat_body(%arg0: i32, %arg1: i32, %arg2: memref<16x2x40x128xi32, #tpu.memory_space<hbm>>, %arg3: memref<16x2x40x128xi32, #tpu.memory_space<hbm>>, %arg4: memref<10000x128xf32, #tpu.memory_space<hbm>>, %arg5: memref<10000x128xf32, #tpu.memory_space<hbm>>, %arg6: memref<128x128xf32, #tpu.memory_space<hbm>>, %arg7: memref<10240x128xf32, #tpu.memory_space<hbm>>, %arg8: memref<10240x128xf32, #tpu.memory_space<hbm>>, %arg9: memref<10240x128xf32, #tpu.memory_space<vmem_shared>>, %arg10: memref<40x128xi32, #tpu.memory_space<vmem>>, %arg11: memref<40x128xi32, #tpu.memory_space<vmem>>, %arg12: memref<128x128xf32, #tpu.memory_space<vmem>>, %arg13: memref<128x128xf32, #tpu.memory_space<vmem>>, %arg14: memref<!tpu.dma_semaphore, #tpu.memory_space<semaphore_mem>>, %arg15: memref<!tpu.dma_semaphore, #tpu.memory_space<semaphore_mem>>, %arg16: memref<!tpu.dma_semaphore, #tpu.memory_space<semaphore_mem>>, %arg17: memref<!tpu.dma_semaphore, #tpu.memory_space<semaphore_mem>>) attributes {dimension_semantics = [#tpu.dimension_semantics<core_parallel>, #tpu.dimension_semantics<subcore_parallel>], iteration_bounds = array<i64: 2, 16>, scalar_prefetch = 0 : i64, scratch_operands = 9 : i64, tpu.core_type = #tpu.core_type<sc_vector_subcore>, window_params = [{transform_indices = #map}, {transform_indices = #map}, {transform_indices = #map1}, {transform_indices = #map1}, {transform_indices = #map1}, {transform_indices = #map1}, {transform_indices = #map1}]} {
    "tpu.region"() ({
      %run_scoped3A = tpu.sem_alloc : memref<!tpu.dma_semaphore, #tpu.memory_space<semaphore_mem>>
      tpu.enqueue_dma source(%arg6 : memref<128x128xf32, #tpu.memory_space<hbm>>) target(%arg12 : memref<128x128xf32, #tpu.memory_space<vmem>>) target_semaphore(%run_scoped3A : memref<!tpu.dma_semaphore, #tpu.memory_space<semaphore_mem>>)
      tpu.wait_dma2 semaphore(%run_scoped3A : memref<!tpu.dma_semaphore, #tpu.memory_space<semaphore_mem>>) src(%arg6 : memref<128x128xf32, #tpu.memory_space<hbm>>) dst(%arg12 : memref<128x128xf32, #tpu.memory_space<vmem>>)
      tpu.yield
    }) : () -> ()
    %mul3A = arith.constant 640 : i32
    %mul3A_0 = arith.muli %arg1, %mul3A : i32
    %add3A = arith.constant 0 : i32
    %add3A_1 = arith.addi %mul3A_0, %add3A : i32
    "tpu.region"() ({
      %run_scoped3A = tpu.sem_alloc : memref<!tpu.dma_semaphore, #tpu.memory_space<semaphore_mem>>
      %dma_start3A = arith.constant 0 : i32
      %dma_start3A_17 = tpu.memref_slice %arg9[%add3A_1, %dma_start3A] : memref<10240x128xf32, #tpu.memory_space<vmem_shared>> -> memref<128x128xf32, #tpu.memory_space<vmem_shared>>
      %dma_start3A_18 = arith.constant 0 : i32
      %dma_start3A_19 = tpu.memref_slice %arg9[%add3A_1, %dma_start3A_18] : memref<10240x128xf32, #tpu.memory_space<vmem_shared>> -> memref<128x128xf32, #tpu.memory_space<vmem_shared>>
      tpu.enqueue_dma source(%arg12 : memref<128x128xf32, #tpu.memory_space<vmem>>) target(%dma_start3A_19 : memref<128x128xf32, #tpu.memory_space<vmem_shared>>) target_semaphore(%run_scoped3A : memref<!tpu.dma_semaphore, #tpu.memory_space<semaphore_mem>>)
      %dma_wait3A = arith.constant 0 : i32
      %dma_wait3A_20 = tpu.memref_slice %arg9[%add3A_1, %dma_wait3A] : memref<10240x128xf32, #tpu.memory_space<vmem_shared>> -> memref<128x128xf32, #tpu.memory_space<vmem_shared>>
      %dma_wait3A_21 = arith.constant 0 : i32
      %dma_wait3A_22 = tpu.memref_slice %arg9[%add3A_1, %dma_wait3A_21] : memref<10240x128xf32, #tpu.memory_space<vmem_shared>> -> memref<128x128xf32, #tpu.memory_space<vmem_shared>>
      tpu.wait_dma2 semaphore(%run_scoped3A : memref<!tpu.dma_semaphore, #tpu.memory_space<semaphore_mem>>) src(%arg12 : memref<128x128xf32, #tpu.memory_space<vmem>>) dst(%dma_wait3A_22 : memref<128x128xf32, #tpu.memory_space<vmem_shared>>)
      tpu.yield
    }) : () -> ()
    %add3A_2 = arith.constant 128 : i32
    %add3A_3 = arith.addi %mul3A_0, %add3A_2 : i32
    "tpu.region"() ({
      %run_scoped3A = tpu.sem_alloc : memref<!tpu.dma_semaphore, #tpu.memory_space<semaphore_mem>>
      %dma_start3A = arith.constant 0 : i32
      %dma_start3A_17 = tpu.memref_slice %arg9[%add3A_3, %dma_start3A] : memref<10240x128xf32, #tpu.memory_space<vmem_shared>> -> memref<128x128xf32, #tpu.memory_space<vmem_shared>>
      %dma_start3A_18 = arith.constant 0 : i32
      %dma_start3A_19 = tpu.memref_slice %arg9[%add3A_3, %dma_start3A_18] : memref<10240x128xf32, #tpu.memory_space<vmem_shared>> -> memref<128x128xf32, #tpu.memory_space<vmem_shared>>
      tpu.enqueue_dma source(%arg12 : memref<128x128xf32, #tpu.memory_space<vmem>>) target(%dma_start3A_19 : memref<128x128xf32, #tpu.memory_space<vmem_shared>>) target_semaphore(%run_scoped3A : memref<!tpu.dma_semaphore, #tpu.memory_space<semaphore_mem>>)
      %dma_wait3A = arith.constant 0 : i32
      %dma_wait3A_20 = tpu.memref_slice %arg9[%add3A_3, %dma_wait3A] : memref<10240x128xf32, #tpu.memory_space<vmem_shared>> -> memref<128x128xf32, #tpu.memory_space<vmem_shared>>
      %dma_wait3A_21 = arith.constant 0 : i32
      %dma_wait3A_22 = tpu.memref_slice %arg9[%add3A_3, %dma_wait3A_21] : memref<10240x128xf32, #tpu.memory_space<vmem_shared>> -> memref<128x128xf32, #tpu.memory_space<vmem_shared>>
      tpu.wait_dma2 semaphore(%run_scoped3A : memref<!tpu.dma_semaphore, #tpu.memory_space<semaphore_mem>>) src(%arg12 : memref<128x128xf32, #tpu.memory_space<vmem>>) dst(%dma_wait3A_22 : memref<128x128xf32, #tpu.memory_space<vmem_shared>>)
      tpu.yield
    }) : () -> ()
    %add3A_4 = arith.constant 256 : i32
    %add3A_5 = arith.addi %mul3A_0, %add3A_4 : i32
    "tpu.region"() ({
      %run_scoped3A = tpu.sem_alloc : memref<!tpu.dma_semaphore, #tpu.memory_space<semaphore_mem>>
      %dma_start3A = arith.constant 0 : i32
      %dma_start3A_17 = tpu.memref_slice %arg9[%add3A_5, %dma_start3A] : memref<10240x128xf32, #tpu.memory_space<vmem_shared>> -> memref<128x128xf32, #tpu.memory_space<vmem_shared>>
      %dma_start3A_18 = arith.constant 0 : i32
      %dma_start3A_19 = tpu.memref_slice %arg9[%add3A_5, %dma_start3A_18] : memref<10240x128xf32, #tpu.memory_space<vmem_shared>> -> memref<128x128xf32, #tpu.memory_space<vmem_shared>>
      tpu.enqueue_dma source(%arg12 : memref<128x128xf32, #tpu.memory_space<vmem>>) target(%dma_start3A_19 : memref<128x128xf32, #tpu.memory_space<vmem_shared>>) target_semaphore(%run_scoped3A : memref<!tpu.dma_semaphore, #tpu.memory_space<semaphore_mem>>)
      %dma_wait3A = arith.constant 0 : i32
      %dma_wait3A_20 = tpu.memref_slice %arg9[%add3A_5, %dma_wait3A] : memref<10240x128xf32, #tpu.memory_space<vmem_shared>> -> memref<128x128xf32, #tpu.memory_space<vmem_shared>>
      %dma_wait3A_21 = arith.constant 0 : i32
      %dma_wait3A_22 = tpu.memref_slice %arg9[%add3A_5, %dma_wait3A_21] : memref<10240x128xf32, #tpu.memory_space<vmem_shared>> -> memref<128x128xf32, #tpu.memory_space<vmem_shared>>
      tpu.wait_dma2 semaphore(%run_scoped3A : memref<!tpu.dma_semaphore, #tpu.memory_space<semaphore_mem>>) src(%arg12 : memref<128x128xf32, #tpu.memory_space<vmem>>) dst(%dma_wait3A_22 : memref<128x128xf32, #tpu.memory_space<vmem_shared>>)
      tpu.yield
    }) : () -> ()
    %add3A_6 = arith.constant 384 : i32
    %add3A_7 = arith.addi %mul3A_0, %add3A_6 : i32
    "tpu.region"() ({
      %run_scoped3A = tpu.sem_alloc : memref<!tpu.dma_semaphore, #tpu.memory_space<semaphore_mem>>
      %dma_start3A = arith.constant 0 : i32
      %dma_start3A_17 = tpu.memref_slice %arg9[%add3A_7, %dma_start3A] : memref<10240x128xf32, #tpu.memory_space<vmem_shared>> -> memref<128x128xf32, #tpu.memory_space<vmem_shared>>
      %dma_start3A_18 = arith.constant 0 : i32
      %dma_start3A_19 = tpu.memref_slice %arg9[%add3A_7, %dma_start3A_18] : memref<10240x128xf32, #tpu.memory_space<vmem_shared>> -> memref<128x128xf32, #tpu.memory_space<vmem_shared>>
      tpu.enqueue_dma source(%arg12 : memref<128x128xf32, #tpu.memory_space<vmem>>) target(%dma_start3A_19 : memref<128x128xf32, #tpu.memory_space<vmem_shared>>) target_semaphore(%run_scoped3A : memref<!tpu.dma_semaphore, #tpu.memory_space<semaphore_mem>>)
      %dma_wait3A = arith.constant 0 : i32
      %dma_wait3A_20 = tpu.memref_slice %arg9[%add3A_7, %dma_wait3A] : memref<10240x128xf32, #tpu.memory_space<vmem_shared>> -> memref<128x128xf32, #tpu.memory_space<vmem_shared>>
      %dma_wait3A_21 = arith.constant 0 : i32
      %dma_wait3A_22 = tpu.memref_slice %arg9[%add3A_7, %dma_wait3A_21] : memref<10240x128xf32, #tpu.memory_space<vmem_shared>> -> memref<128x128xf32, #tpu.memory_space<vmem_shared>>
      tpu.wait_dma2 semaphore(%run_scoped3A : memref<!tpu.dma_semaphore, #tpu.memory_space<semaphore_mem>>) src(%arg12 : memref<128x128xf32, #tpu.memory_space<vmem>>) dst(%dma_wait3A_22 : memref<128x128xf32, #tpu.memory_space<vmem_shared>>)
      tpu.yield
    }) : () -> ()
    %add3A_8 = arith.constant 512 : i32
    %add3A_9 = arith.addi %mul3A_0, %add3A_8 : i32
    "tpu.region"() ({
      %run_scoped3A = tpu.sem_alloc : memref<!tpu.dma_semaphore, #tpu.memory_space<semaphore_mem>>
      %dma_start3A = arith.constant 0 : i32
      %dma_start3A_17 = tpu.memref_slice %arg9[%add3A_9, %dma_start3A] : memref<10240x128xf32, #tpu.memory_space<vmem_shared>> -> memref<128x128xf32, #tpu.memory_space<vmem_shared>>
      %dma_start3A_18 = arith.constant 0 : i32
      %dma_start3A_19 = tpu.memref_slice %arg9[%add3A_9, %dma_start3A_18] : memref<10240x128xf32, #tpu.memory_space<vmem_shared>> -> memref<128x128xf32, #tpu.memory_space<vmem_shared>>
      tpu.enqueue_dma source(%arg12 : memref<128x128xf32, #tpu.memory_space<vmem>>) target(%dma_start3A_19 : memref<128x128xf32, #tpu.memory_space<vmem_shared>>) target_semaphore(%run_scoped3A : memref<!tpu.dma_semaphore, #tpu.memory_space<semaphore_mem>>)
      %dma_wait3A = arith.constant 0 : i32
      %dma_wait3A_20 = tpu.memref_slice %arg9[%add3A_9, %dma_wait3A] : memref<10240x128xf32, #tpu.memory_space<vmem_shared>> -> memref<128x128xf32, #tpu.memory_space<vmem_shared>>
      %dma_wait3A_21 = arith.constant 0 : i32
      %dma_wait3A_22 = tpu.memref_slice %arg9[%add3A_9, %dma_wait3A_21] : memref<10240x128xf32, #tpu.memory_space<vmem_shared>> -> memref<128x128xf32, #tpu.memory_space<vmem_shared>>
      tpu.wait_dma2 semaphore(%run_scoped3A : memref<!tpu.dma_semaphore, #tpu.memory_space<semaphore_mem>>) src(%arg12 : memref<128x128xf32, #tpu.memory_space<vmem>>) dst(%dma_wait3A_22 : memref<128x128xf32, #tpu.memory_space<vmem_shared>>)
      tpu.yield
    }) : () -> ()
    %barrier3A = arith.constant 0 : index
    tpu.barrier barrier_id(%barrier3A)
    %eq3A = arith.constant 0 : i32
    %eq3A_10 = arith.cmpi eq, %arg0, %eq3A : i32
    %convert_element_type3A = arith.extui %eq3A_10 : i1 to i32
    %cond3A = arith.constant 0 : i32
    %cond3A_11 = arith.cmpi ne, %convert_element_type3A, %cond3A : i32
    scf.if %cond3A_11 {
      %run_scoped3A = arith.constant 0 : i32
      "tpu.region"() ({
        %run_scoped3A_156 = tpu.sem_alloc : memref<!tpu.dma_semaphore, #tpu.memory_space<semaphore_mem>>
        %dma_start3A_157 = arith.constant 0 : i32
        %dma_start3A_158 = arith.constant 0 : i32
        %dma_start3A_159 = arith.constant 0 : i32
        %dma_start3A_160 = tpu.memref_slice %arg2[%arg1, %dma_start3A_157, %dma_start3A_158, %dma_start3A_159] : memref<16x2x40x128xi32, #tpu.memory_space<hbm>> -> memref<1x2x40x128xi32, #tpu.memory_space<hbm>>
        %dma_start3A_161 = tpu.memref_squeeze %dma_start3A_160 : memref<1x2x40x128xi32, #tpu.memory_space<hbm>> -> memref<2x40x128xi32, #tpu.memory_space<hbm>>
        %dma_start3A_162 = arith.constant 0 : i32
        %dma_start3A_163 = arith.constant 0 : i32
        %dma_start3A_164 = tpu.memref_slice %dma_start3A_161[%run_scoped3A, %dma_start3A_162, %dma_start3A_163] : memref<2x40x128xi32, #tpu.memory_space<hbm>> -> memref<1x40x128xi32, #tpu.memory_space<hbm>>
        %dma_start3A_165 = tpu.memref_squeeze %dma_start3A_164 : memref<1x40x128xi32, #tpu.memory_space<hbm>> -> memref<40x128xi32, #tpu.memory_space<hbm>>
        %dma_start3A_166 = arith.constant 0 : i32
        %dma_start3A_167 = arith.constant 0 : i32
        %dma_start3A_168 = arith.constant 0 : i32
        %dma_start3A_169 = tpu.memref_slice %arg2[%arg1, %dma_start3A_166, %dma_start3A_167, %dma_start3A_168] : memref<16x2x40x128xi32, #tpu.memory_space<hbm>> -> memref<1x2x40x128xi32, #tpu.memory_space<hbm>>
        %dma_start3A_170 = tpu.memref_squeeze %dma_start3A_169 : memref<1x2x40x128xi32, #tpu.memory_space<hbm>> -> memref<2x40x128xi32, #tpu.memory_space<hbm>>
        %dma_start3A_171 = arith.constant 0 : i32
        %dma_start3A_172 = arith.constant 0 : i32
        %dma_start3A_173 = tpu.memref_slice %dma_start3A_170[%run_scoped3A, %dma_start3A_171, %dma_start3A_172] : memref<2x40x128xi32, #tpu.memory_space<hbm>> -> memref<1x40x128xi32, #tpu.memory_space<hbm>>
        %dma_start3A_174 = tpu.memref_squeeze %dma_start3A_173 : memref<1x40x128xi32, #tpu.memory_space<hbm>> -> memref<40x128xi32, #tpu.memory_space<hbm>>
        tpu.enqueue_dma source(%dma_start3A_174 : memref<40x128xi32, #tpu.memory_space<hbm>>) target(%arg10 : memref<40x128xi32, #tpu.memory_space<vmem>>) target_semaphore(%run_scoped3A_156 : memref<!tpu.dma_semaphore, #tpu.memory_space<semaphore_mem>>)
        %dma_wait3A_175 = arith.constant 0 : i32
        %dma_wait3A_176 = arith.constant 0 : i32
        %dma_wait3A_177 = arith.constant 0 : i32
        %dma_wait3A_178 = tpu.memref_slice %arg2[%arg1, %dma_wait3A_175, %dma_wait3A_176, %dma_wait3A_177] : memref<16x2x40x128xi32, #tpu.memory_space<hbm>> -> memref<1x2x40x128xi32, #tpu.memory_space<hbm>>
        %dma_wait3A_179 = tpu.memref_squeeze %dma_wait3A_178 : memref<1x2x40x128xi32, #tpu.memory_space<hbm>> -> memref<2x40x128xi32, #tpu.memory_space<hbm>>
        %dma_wait3A_180 = arith.constant 0 : i32
        %dma_wait3A_181 = arith.constant 0 : i32
        %dma_wait3A_182 = tpu.memref_slice %dma_wait3A_179[%run_scoped3A, %dma_wait3A_180, %dma_wait3A_181] : memref<2x40x128xi32, #tpu.memory_space<hbm>> -> memref<1x40x128xi32, #tpu.memory_space<hbm>>
        %dma_wait3A_183 = tpu.memref_squeeze %dma_wait3A_182 : memref<1x40x128xi32, #tpu.memory_space<hbm>> -> memref<40x128xi32, #tpu.memory_space<hbm>>
        %dma_wait3A_184 = arith.constant 0 : i32
        %dma_wait3A_185 = arith.constant 0 : i32
        %dma_wait3A_186 = arith.constant 0 : i32
        %dma_wait3A_187 = tpu.memref_slice %arg2[%arg1, %dma_wait3A_184, %dma_wait3A_185, %dma_wait3A_186] : memref<16x2x40x128xi32, #tpu.memory_space<hbm>> -> memref<1x2x40x128xi32, #tpu.memory_space<hbm>>
        %dma_wait3A_188 = tpu.memref_squeeze %dma_wait3A_187 : memref<1x2x40x128xi32, #tpu.memory_space<hbm>> -> memref<2x40x128xi32, #tpu.memory_space<hbm>>
        %dma_wait3A_189 = arith.constant 0 : i32
        %dma_wait3A_190 = arith.constant 0 : i32
        %dma_wait3A_191 = tpu.memref_slice %dma_wait3A_188[%run_scoped3A, %dma_wait3A_189, %dma_wait3A_190] : memref<2x40x128xi32, #tpu.memory_space<hbm>> -> memref<1x40x128xi32, #tpu.memory_space<hbm>>
        %dma_wait3A_192 = tpu.memref_squeeze %dma_wait3A_191 : memref<1x40x128xi32, #tpu.memory_space<hbm>> -> memref<40x128xi32, #tpu.memory_space<hbm>>
        tpu.wait_dma2 semaphore(%run_scoped3A_156 : memref<!tpu.dma_semaphore, #tpu.memory_space<semaphore_mem>>) src(%dma_wait3A_192 : memref<40x128xi32, #tpu.memory_space<hbm>>) dst(%arg10 : memref<40x128xi32, #tpu.memory_space<vmem>>)
        tpu.yield
      }) : () -> ()
      %run_scoped3A_17 = arith.constant 0 : i32
      "tpu.region"() ({
        %run_scoped3A_156 = tpu.sem_alloc : memref<!tpu.dma_semaphore, #tpu.memory_space<semaphore_mem>>
        %dma_start3A_157 = arith.constant 0 : i32
        %dma_start3A_158 = arith.constant 0 : i32
        %dma_start3A_159 = arith.constant 0 : i32
        %dma_start3A_160 = tpu.memref_slice %arg3[%arg1, %dma_start3A_157, %dma_start3A_158, %dma_start3A_159] : memref<16x2x40x128xi32, #tpu.memory_space<hbm>> -> memref<1x2x40x128xi32, #tpu.memory_space<hbm>>
        %dma_start3A_161 = tpu.memref_squeeze %dma_start3A_160 : memref<1x2x40x128xi32, #tpu.memory_space<hbm>> -> memref<2x40x128xi32, #tpu.memory_space<hbm>>
        %dma_start3A_162 = arith.constant 0 : i32
        %dma_start3A_163 = arith.constant 0 : i32
        %dma_start3A_164 = tpu.memref_slice %dma_start3A_161[%run_scoped3A_17, %dma_start3A_162, %dma_start3A_163] : memref<2x40x128xi32, #tpu.memory_space<hbm>> -> memref<1x40x128xi32, #tpu.memory_space<hbm>>
        %dma_start3A_165 = tpu.memref_squeeze %dma_start3A_164 : memref<1x40x128xi32, #tpu.memory_space<hbm>> -> memref<40x128xi32, #tpu.memory_space<hbm>>
        %dma_start3A_166 = arith.constant 0 : i32
        %dma_start3A_167 = arith.constant 0 : i32
        %dma_start3A_168 = arith.constant 0 : i32
        %dma_start3A_169 = tpu.memref_slice %arg3[%arg1, %dma_start3A_166, %dma_start3A_167, %dma_start3A_168] : memref<16x2x40x128xi32, #tpu.memory_space<hbm>> -> memref<1x2x40x128xi32, #tpu.memory_space<hbm>>
        %dma_start3A_170 = tpu.memref_squeeze %dma_start3A_169 : memref<1x2x40x128xi32, #tpu.memory_space<hbm>> -> memref<2x40x128xi32, #tpu.memory_space<hbm>>
        %dma_start3A_171 = arith.constant 0 : i32
        %dma_start3A_172 = arith.constant 0 : i32
        %dma_start3A_173 = tpu.memref_slice %dma_start3A_170[%run_scoped3A_17, %dma_start3A_171, %dma_start3A_172] : memref<2x40x128xi32, #tpu.memory_space<hbm>> -> memref<1x40x128xi32, #tpu.memory_space<hbm>>
        %dma_start3A_174 = tpu.memref_squeeze %dma_start3A_173 : memref<1x40x128xi32, #tpu.memory_space<hbm>> -> memref<40x128xi32, #tpu.memory_space<hbm>>
        tpu.enqueue_dma source(%dma_start3A_174 : memref<40x128xi32, #tpu.memory_space<hbm>>) target(%arg11 : memref<40x128xi32, #tpu.memory_space<vmem>>) target_semaphore(%run_scoped3A_156 : memref<!tpu.dma_semaphore, #tpu.memory_space<semaphore_mem>>)
        %dma_wait3A_175 = arith.constant 0 : i32
        %dma_wait3A_176 = arith.constant 0 : i32
        %dma_wait3A_177 = arith.constant 0 : i32
        %dma_wait3A_178 = tpu.memref_slice %arg3[%arg1, %dma_wait3A_175, %dma_wait3A_176, %dma_wait3A_177] : memref<16x2x40x128xi32, #tpu.memory_space<hbm>> -> memref<1x2x40x128xi32, #tpu.memory_space<hbm>>
        %dma_wait3A_179 = tpu.memref_squeeze %dma_wait3A_178 : memref<1x2x40x128xi32, #tpu.memory_space<hbm>> -> memref<2x40x128xi32, #tpu.memory_space<hbm>>
        %dma_wait3A_180 = arith.constant 0 : i32
        %dma_wait3A_181 = arith.constant 0 : i32
        %dma_wait3A_182 = tpu.memref_slice %dma_wait3A_179[%run_scoped3A_17, %dma_wait3A_180, %dma_wait3A_181] : memref<2x40x128xi32, #tpu.memory_space<hbm>> -> memref<1x40x128xi32, #tpu.memory_space<hbm>>
        %dma_wait3A_183 = tpu.memref_squeeze %dma_wait3A_182 : memref<1x40x128xi32, #tpu.memory_space<hbm>> -> memref<40x128xi32, #tpu.memory_space<hbm>>
        %dma_wait3A_184 = arith.constant 0 : i32
        %dma_wait3A_185 = arith.constant 0 : i32
        %dma_wait3A_186 = arith.constant 0 : i32
        %dma_wait3A_187 = tpu.memref_slice %arg3[%arg1, %dma_wait3A_184, %dma_wait3A_185, %dma_wait3A_186] : memref<16x2x40x128xi32, #tpu.memory_space<hbm>> -> memref<1x2x40x128xi32, #tpu.memory_space<hbm>>
        %dma_wait3A_188 = tpu.memref_squeeze %dma_wait3A_187 : memref<1x2x40x128xi32, #tpu.memory_space<hbm>> -> memref<2x40x128xi32, #tpu.memory_space<hbm>>
        %dma_wait3A_189 = arith.constant 0 : i32
        %dma_wait3A_190 = arith.constant 0 : i32
        %dma_wait3A_191 = tpu.memref_slice %dma_wait3A_188[%run_scoped3A_17, %dma_wait3A_189, %dma_wait3A_190] : memref<2x40x128xi32, #tpu.memory_space<hbm>> -> memref<1x40x128xi32, #tpu.memory_space<hbm>>
        %dma_wait3A_192 = tpu.memref_squeeze %dma_wait3A_191 : memref<1x40x128xi32, #tpu.memory_space<hbm>> -> memref<40x128xi32, #tpu.memory_space<hbm>>
        tpu.wait_dma2 semaphore(%run_scoped3A_156 : memref<!tpu.dma_semaphore, #tpu.memory_space<semaphore_mem>>) src(%dma_wait3A_192 : memref<40x128xi32, #tpu.memory_space<hbm>>) dst(%arg11 : memref<40x128xi32, #tpu.memory_space<vmem>>)
        tpu.yield
      }) : () -> ()
      %dma_start3A = arith.constant 0 : i32
      %dma_start3A_18 = arith.constant 0 : i32
      %dma_start3A_19 = tpu.memref_slice %arg10[%dma_start3A, %dma_start3A_18] : memref<40x128xi32, #tpu.memory_space<vmem>> -> memref<1x128xi32, #tpu.memory_space<vmem>>
      %dma_start3A_20 = tpu.memref_squeeze %dma_start3A_19 : memref<1x128xi32, #tpu.memory_space<vmem>> -> memref<128xi32, #tpu.memory_space<vmem>>
      %dma_start3A_21 = arith.constant 0 : i32
      %dma_start3A_22 = arith.constant 0 : i32
      %dma_start3A_23 = tpu.memref_slice %arg4[%dma_start3A_21, %dma_start3A_22] : memref<10000x128xf32, #tpu.memory_space<hbm>> -> memref<10000x128xf32, #tpu.memory_space<hbm>>
      tpu.enqueue_indirect_dma source(%dma_start3A_23 : memref<10000x128xf32, #tpu.memory_space<hbm>>) target(%arg12 : memref<128x128xf32, #tpu.memory_space<vmem>>) offsets(%dma_start3A_20 : memref<128xi32, #tpu.memory_space<vmem>>) semaphore(%arg14 : memref<!tpu.dma_semaphore, #tpu.memory_space<semaphore_mem>>)
      %dma_start3A_24 = arith.constant 1 : i32
      %dma_start3A_25 = arith.constant 0 : i32
      %dma_start3A_26 = tpu.memref_slice %arg10[%dma_start3A_24, %dma_start3A_25] : memref<40x128xi32, #tpu.memory_space<vmem>> -> memref<1x128xi32, #tpu.memory_space<vmem>>
      %dma_start3A_27 = tpu.memref_squeeze %dma_start3A_26 : memref<1x128xi32, #tpu.memory_space<vmem>> -> memref<128xi32, #tpu.memory_space<vmem>>
      %dma_start3A_28 = arith.constant 0 : i32
      %dma_start3A_29 = arith.constant 0 : i32
      %dma_start3A_30 = tpu.memref_slice %arg4[%dma_start3A_28, %dma_start3A_29] : memref<10000x128xf32, #tpu.memory_space<hbm>> -> memref<10000x128xf32, #tpu.memory_space<hbm>>
      tpu.enqueue_indirect_dma source(%dma_start3A_30 : memref<10000x128xf32, #tpu.memory_space<hbm>>) target(%arg13 : memref<128x128xf32, #tpu.memory_space<vmem>>) offsets(%dma_start3A_27 : memref<128xi32, #tpu.memory_space<vmem>>) semaphore(%arg15 : memref<!tpu.dma_semaphore, #tpu.memory_space<semaphore_mem>>)
      %scan3A = arith.constant 0 : i32
      %scan3A_31 = arith.constant 0 : i32
      %scan3A_32 = arith.constant 20 : i32
      %scan3A_33 = arith.addi %scan3A_31, %scan3A_32 : i32
      %scan3A_34 = arith.constant 1 : i32
      scf.for %scan3A_156 = %scan3A_31 to %scan3A_33 step %scan3A_34  : i32 {
        %mul3A_157 = arith.constant 2 : i32
        %mul3A_158 = arith.muli %scan3A_156, %mul3A_157 : i32
        %add3A_159 = arith.constant 0 : i32
        %add3A_160 = arith.addi %mul3A_158, %add3A_159 : i32
        %dma_wait3A_161 = arith.constant 0 : i32
        %dma_wait3A_162 = tpu.memref_slice %arg10[%add3A_160, %dma_wait3A_161] : memref<40x128xi32, #tpu.memory_space<vmem>> -> memref<1x128xi32, #tpu.memory_space<vmem>>
        %dma_wait3A_163 = tpu.memref_squeeze %dma_wait3A_162 : memref<1x128xi32, #tpu.memory_space<vmem>> -> memref<128xi32, #tpu.memory_space<vmem>>
        %dma_wait3A_164 = arith.constant 0 : i32
        %dma_wait3A_165 = arith.constant 0 : i32
        %dma_wait3A_166 = tpu.memref_slice %arg4[%dma_wait3A_164, %dma_wait3A_165] : memref<10000x128xf32, #tpu.memory_space<hbm>> -> memref<10000x128xf32, #tpu.memory_space<hbm>>
        tpu.wait_indirect_dma semaphore(%arg14 : memref<!tpu.dma_semaphore, #tpu.memory_space<semaphore_mem>>) src(%dma_wait3A_166 : memref<10000x128xf32, #tpu.memory_space<hbm>>) dst(%arg12 : memref<128x128xf32, #tpu.memory_space<vmem>>)
        %dma_start3A_167 = arith.constant 0 : i32
        %dma_start3A_168 = tpu.memref_slice %arg11[%add3A_160, %dma_start3A_167] : memref<40x128xi32, #tpu.memory_space<vmem>> -> memref<1x128xi32, #tpu.memory_space<vmem>>
        %dma_start3A_169 = tpu.memref_squeeze %dma_start3A_168 : memref<1x128xi32, #tpu.memory_space<vmem>> -> memref<128xi32, #tpu.memory_space<vmem>>
        %dma_start3A_170 = arith.constant 0 : i32
        %dma_start3A_171 = arith.constant 0 : i32
        %dma_start3A_172 = tpu.memref_slice %arg9[%dma_start3A_170, %dma_start3A_171] : memref<10240x128xf32, #tpu.memory_space<vmem_shared>> -> memref<10240x128xf32, #tpu.memory_space<vmem_shared>>
        tpu.enqueue_indirect_dma source(%arg12 : memref<128x128xf32, #tpu.memory_space<vmem>>) target(%dma_start3A_172 : memref<10240x128xf32, #tpu.memory_space<vmem_shared>>) offsets(%dma_start3A_169 : memref<128xi32, #tpu.memory_space<vmem>>) semaphore(%arg16 : memref<!tpu.dma_semaphore, #tpu.memory_space<semaphore_mem>>) {add = true}
        %add3A_173 = arith.constant 1 : i32
        %add3A_174 = arith.addi %mul3A_158, %add3A_173 : i32
        %dma_wait3A_175 = arith.constant 0 : i32
        %dma_wait3A_176 = tpu.memref_slice %arg10[%add3A_174, %dma_wait3A_175] : memref<40x128xi32, #tpu.memory_space<vmem>> -> memref<1x128xi32, #tpu.memory_space<vmem>>
        %dma_wait3A_177 = tpu.memref_squeeze %dma_wait3A_176 : memref<1x128xi32, #tpu.memory_space<vmem>> -> memref<128xi32, #tpu.memory_space<vmem>>
        %dma_wait3A_178 = arith.constant 0 : i32
        %dma_wait3A_179 = arith.constant 0 : i32
        %dma_wait3A_180 = tpu.memref_slice %arg4[%dma_wait3A_178, %dma_wait3A_179] : memref<10000x128xf32, #tpu.memory_space<hbm>> -> memref<10000x128xf32, #tpu.memory_space<hbm>>
        tpu.wait_indirect_dma semaphore(%arg15 : memref<!tpu.dma_semaphore, #tpu.memory_space<semaphore_mem>>) src(%dma_wait3A_180 : memref<10000x128xf32, #tpu.memory_space<hbm>>) dst(%arg13 : memref<128x128xf32, #tpu.memory_space<vmem>>)
        %dma_start3A_181 = arith.constant 0 : i32
        %dma_start3A_182 = tpu.memref_slice %arg11[%add3A_174, %dma_start3A_181] : memref<40x128xi32, #tpu.memory_space<vmem>> -> memref<1x128xi32, #tpu.memory_space<vmem>>
        %dma_start3A_183 = tpu.memref_squeeze %dma_start3A_182 : memref<1x128xi32, #tpu.memory_space<vmem>> -> memref<128xi32, #tpu.memory_space<vmem>>
        %dma_start3A_184 = arith.constant 0 : i32
        %dma_start3A_185 = arith.constant 0 : i32
        %dma_start3A_186 = tpu.memref_slice %arg9[%dma_start3A_184, %dma_start3A_185] : memref<10240x128xf32, #tpu.memory_space<vmem_shared>> -> memref<10240x128xf32, #tpu.memory_space<vmem_shared>>
        tpu.enqueue_indirect_dma source(%arg13 : memref<128x128xf32, #tpu.memory_space<vmem>>) target(%dma_start3A_186 : memref<10240x128xf32, #tpu.memory_space<vmem_shared>>) offsets(%dma_start3A_183 : memref<128xi32, #tpu.memory_space<vmem>>) semaphore(%arg17 : memref<!tpu.dma_semaphore, #tpu.memory_space<semaphore_mem>>) {add = true}
        %add3A_187 = arith.constant 0 : i32
        %add3A_188 = arith.addi %mul3A_158, %add3A_187 : i32
        %add3A_189 = arith.constant 2 : i32
        %add3A_190 = arith.addi %add3A_188, %add3A_189 : i32
        %lt3A = arith.constant 40 : i32
        %lt3A_191 = arith.cmpi slt, %add3A_190, %lt3A : i32
        %convert_element_type3A_192 = arith.extui %lt3A_191 : i1 to i32
        %cond3A_193 = arith.constant 0 : i32
        %cond3A_194 = arith.cmpi ne, %convert_element_type3A_192, %cond3A_193 : i32
        scf.if %cond3A_194 {
          %dma_wait3A_204 = arith.constant 0 : i32
          %dma_wait3A_205 = tpu.memref_slice %arg11[%add3A_188, %dma_wait3A_204] : memref<40x128xi32, #tpu.memory_space<vmem>> -> memref<1x128xi32, #tpu.memory_space<vmem>>
          %dma_wait3A_206 = tpu.memref_squeeze %dma_wait3A_205 : memref<1x128xi32, #tpu.memory_space<vmem>> -> memref<128xi32, #tpu.memory_space<vmem>>
          %dma_wait3A_207 = arith.constant 0 : i32
          %dma_wait3A_208 = arith.constant 0 : i32
          %dma_wait3A_209 = tpu.memref_slice %arg9[%dma_wait3A_207, %dma_wait3A_208] : memref<10240x128xf32, #tpu.memory_space<vmem_shared>> -> memref<10240x128xf32, #tpu.memory_space<vmem_shared>>
          tpu.wait_indirect_dma semaphore(%arg16 : memref<!tpu.dma_semaphore, #tpu.memory_space<semaphore_mem>>) src(%arg12 : memref<128x128xf32, #tpu.memory_space<vmem>>) dst(%dma_wait3A_209 : memref<10240x128xf32, #tpu.memory_space<vmem_shared>>)
          %add3A_210 = arith.constant 2 : i32
          %add3A_211 = arith.addi %add3A_188, %add3A_210 : i32
          %dma_start3A_212 = arith.constant 0 : i32
          %dma_start3A_213 = tpu.memref_slice %arg10[%add3A_211, %dma_start3A_212] : memref<40x128xi32, #tpu.memory_space<vmem>> -> memref<1x128xi32, #tpu.memory_space<vmem>>
          %dma_start3A_214 = tpu.memref_squeeze %dma_start3A_213 : memref<1x128xi32, #tpu.memory_space<vmem>> -> memref<128xi32, #tpu.memory_space<vmem>>
          %dma_start3A_215 = arith.constant 0 : i32
          %dma_start3A_216 = arith.constant 0 : i32
          %dma_start3A_217 = tpu.memref_slice %arg4[%dma_start3A_215, %dma_start3A_216] : memref<10000x128xf32, #tpu.memory_space<hbm>> -> memref<10000x128xf32, #tpu.memory_space<hbm>>
          tpu.enqueue_indirect_dma source(%dma_start3A_217 : memref<10000x128xf32, #tpu.memory_space<hbm>>) target(%arg12 : memref<128x128xf32, #tpu.memory_space<vmem>>) offsets(%dma_start3A_214 : memref<128xi32, #tpu.memory_space<vmem>>) semaphore(%arg14 : memref<!tpu.dma_semaphore, #tpu.memory_space<semaphore_mem>>)
        } else {
        }
        %add3A_195 = arith.constant 1 : i32
        %add3A_196 = arith.addi %mul3A_158, %add3A_195 : i32
        %add3A_197 = arith.constant 2 : i32
        %add3A_198 = arith.addi %add3A_196, %add3A_197 : i32
        %lt3A_199 = arith.constant 40 : i32
        %lt3A_200 = arith.cmpi slt, %add3A_198, %lt3A_199 : i32
        %convert_element_type3A_201 = arith.extui %lt3A_200 : i1 to i32
        %cond3A_202 = arith.constant 0 : i32
        %cond3A_203 = arith.cmpi ne, %convert_element_type3A_201, %cond3A_202 : i32
        scf.if %cond3A_203 {
          %dma_wait3A_204 = arith.constant 0 : i32
          %dma_wait3A_205 = tpu.memref_slice %arg11[%add3A_196, %dma_wait3A_204] : memref<40x128xi32, #tpu.memory_space<vmem>> -> memref<1x128xi32, #tpu.memory_space<vmem>>
          %dma_wait3A_206 = tpu.memref_squeeze %dma_wait3A_205 : memref<1x128xi32, #tpu.memory_space<vmem>> -> memref<128xi32, #tpu.memory_space<vmem>>
          %dma_wait3A_207 = arith.constant 0 : i32
          %dma_wait3A_208 = arith.constant 0 : i32
          %dma_wait3A_209 = tpu.memref_slice %arg9[%dma_wait3A_207, %dma_wait3A_208] : memref<10240x128xf32, #tpu.memory_space<vmem_shared>> -> memref<10240x128xf32, #tpu.memory_space<vmem_shared>>
          tpu.wait_indirect_dma semaphore(%arg17 : memref<!tpu.dma_semaphore, #tpu.memory_space<semaphore_mem>>) src(%arg13 : memref<128x128xf32, #tpu.memory_space<vmem>>) dst(%dma_wait3A_209 : memref<10240x128xf32, #tpu.memory_space<vmem_shared>>)
          %add3A_210 = arith.constant 2 : i32
          %add3A_211 = arith.addi %add3A_196, %add3A_210 : i32
          %dma_start3A_212 = arith.constant 0 : i32
          %dma_start3A_213 = tpu.memref_slice %arg10[%add3A_211, %dma_start3A_212] : memref<40x128xi32, #tpu.memory_space<vmem>> -> memref<1x128xi32, #tpu.memory_space<vmem>>
          %dma_start3A_214 = tpu.memref_squeeze %dma_start3A_213 : memref<1x128xi32, #tpu.memory_space<vmem>> -> memref<128xi32, #tpu.memory_space<vmem>>
          %dma_start3A_215 = arith.constant 0 : i32
          %dma_start3A_216 = arith.constant 0 : i32
          %dma_start3A_217 = tpu.memref_slice %arg4[%dma_start3A_215, %dma_start3A_216] : memref<10000x128xf32, #tpu.memory_space<hbm>> -> memref<10000x128xf32, #tpu.memory_space<hbm>>
          tpu.enqueue_indirect_dma source(%dma_start3A_217 : memref<10000x128xf32, #tpu.memory_space<hbm>>) target(%arg13 : memref<128x128xf32, #tpu.memory_space<vmem>>) offsets(%dma_start3A_214 : memref<128xi32, #tpu.memory_space<vmem>>) semaphore(%arg15 : memref<!tpu.dma_semaphore, #tpu.memory_space<semaphore_mem>>)
        } else {
        }
      }
      %scan3A_35 = arith.constant 20 : i32
      %dma_wait3A = arith.constant 38 : i32
      %dma_wait3A_36 = arith.constant 0 : i32
      %dma_wait3A_37 = tpu.memref_slice %arg11[%dma_wait3A, %dma_wait3A_36] : memref<40x128xi32, #tpu.memory_space<vmem>> -> memref<1x128xi32, #tpu.memory_space<vmem>>
      %dma_wait3A_38 = tpu.memref_squeeze %dma_wait3A_37 : memref<1x128xi32, #tpu.memory_space<vmem>> -> memref<128xi32, #tpu.memory_space<vmem>>
      %dma_wait3A_39 = arith.constant 0 : i32
      %dma_wait3A_40 = arith.constant 0 : i32
      %dma_wait3A_41 = tpu.memref_slice %arg9[%dma_wait3A_39, %dma_wait3A_40] : memref<10240x128xf32, #tpu.memory_space<vmem_shared>> -> memref<10240x128xf32, #tpu.memory_space<vmem_shared>>
      tpu.wait_indirect_dma semaphore(%arg16 : memref<!tpu.dma_semaphore, #tpu.memory_space<semaphore_mem>>) src(%arg12 : memref<128x128xf32, #tpu.memory_space<vmem>>) dst(%dma_wait3A_41 : memref<10240x128xf32, #tpu.memory_space<vmem_shared>>)
      %dma_wait3A_42 = arith.constant 39 : i32
      %dma_wait3A_43 = arith.constant 0 : i32
      %dma_wait3A_44 = tpu.memref_slice %arg11[%dma_wait3A_42, %dma_wait3A_43] : memref<40x128xi32, #tpu.memory_space<vmem>> -> memref<1x128xi32, #tpu.memory_space<vmem>>
      %dma_wait3A_45 = tpu.memref_squeeze %dma_wait3A_44 : memref<1x128xi32, #tpu.memory_space<vmem>> -> memref<128xi32, #tpu.memory_space<vmem>>
      %dma_wait3A_46 = arith.constant 0 : i32
      %dma_wait3A_47 = arith.constant 0 : i32
      %dma_wait3A_48 = tpu.memref_slice %arg9[%dma_wait3A_46, %dma_wait3A_47] : memref<10240x128xf32, #tpu.memory_space<vmem_shared>> -> memref<10240x128xf32, #tpu.memory_space<vmem_shared>>
      tpu.wait_indirect_dma semaphore(%arg17 : memref<!tpu.dma_semaphore, #tpu.memory_space<semaphore_mem>>) src(%arg13 : memref<128x128xf32, #tpu.memory_space<vmem>>) dst(%dma_wait3A_48 : memref<10240x128xf32, #tpu.memory_space<vmem_shared>>)
      %run_scoped3A_49 = arith.constant 1 : i32
      "tpu.region"() ({
        %run_scoped3A_156 = tpu.sem_alloc : memref<!tpu.dma_semaphore, #tpu.memory_space<semaphore_mem>>
        %dma_start3A_157 = arith.constant 0 : i32
        %dma_start3A_158 = arith.constant 0 : i32
        %dma_start3A_159 = arith.constant 0 : i32
        %dma_start3A_160 = tpu.memref_slice %arg2[%arg1, %dma_start3A_157, %dma_start3A_158, %dma_start3A_159] : memref<16x2x40x128xi32, #tpu.memory_space<hbm>> -> memref<1x2x40x128xi32, #tpu.memory_space<hbm>>
        %dma_start3A_161 = tpu.memref_squeeze %dma_start3A_160 : memref<1x2x40x128xi32, #tpu.memory_space<hbm>> -> memref<2x40x128xi32, #tpu.memory_space<hbm>>
        %dma_start3A_162 = arith.constant 0 : i32
        %dma_start3A_163 = arith.constant 0 : i32
        %dma_start3A_164 = tpu.memref_slice %dma_start3A_161[%run_scoped3A_49, %dma_start3A_162, %dma_start3A_163] : memref<2x40x128xi32, #tpu.memory_space<hbm>> -> memref<1x40x128xi32, #tpu.memory_space<hbm>>
        %dma_start3A_165 = tpu.memref_squeeze %dma_start3A_164 : memref<1x40x128xi32, #tpu.memory_space<hbm>> -> memref<40x128xi32, #tpu.memory_space<hbm>>
        %dma_start3A_166 = arith.constant 0 : i32
        %dma_start3A_167 = arith.constant 0 : i32
        %dma_start3A_168 = arith.constant 0 : i32
        %dma_start3A_169 = tpu.memref_slice %arg2[%arg1, %dma_start3A_166, %dma_start3A_167, %dma_start3A_168] : memref<16x2x40x128xi32, #tpu.memory_space<hbm>> -> memref<1x2x40x128xi32, #tpu.memory_space<hbm>>
        %dma_start3A_170 = tpu.memref_squeeze %dma_start3A_169 : memref<1x2x40x128xi32, #tpu.memory_space<hbm>> -> memref<2x40x128xi32, #tpu.memory_space<hbm>>
        %dma_start3A_171 = arith.constant 0 : i32
        %dma_start3A_172 = arith.constant 0 : i32
        %dma_start3A_173 = tpu.memref_slice %dma_start3A_170[%run_scoped3A_49, %dma_start3A_171, %dma_start3A_172] : memref<2x40x128xi32, #tpu.memory_space<hbm>> -> memref<1x40x128xi32, #tpu.memory_space<hbm>>
        %dma_start3A_174 = tpu.memref_squeeze %dma_start3A_173 : memref<1x40x128xi32, #tpu.memory_space<hbm>> -> memref<40x128xi32, #tpu.memory_space<hbm>>
        tpu.enqueue_dma source(%dma_start3A_174 : memref<40x128xi32, #tpu.memory_space<hbm>>) target(%arg10 : memref<40x128xi32, #tpu.memory_space<vmem>>) target_semaphore(%run_scoped3A_156 : memref<!tpu.dma_semaphore, #tpu.memory_space<semaphore_mem>>)
        %dma_wait3A_175 = arith.constant 0 : i32
        %dma_wait3A_176 = arith.constant 0 : i32
        %dma_wait3A_177 = arith.constant 0 : i32
        %dma_wait3A_178 = tpu.memref_slice %arg2[%arg1, %dma_wait3A_175, %dma_wait3A_176, %dma_wait3A_177] : memref<16x2x40x128xi32, #tpu.memory_space<hbm>> -> memref<1x2x40x128xi32, #tpu.memory_space<hbm>>
        %dma_wait3A_179 = tpu.memref_squeeze %dma_wait3A_178 : memref<1x2x40x128xi32, #tpu.memory_space<hbm>> -> memref<2x40x128xi32, #tpu.memory_space<hbm>>
        %dma_wait3A_180 = arith.constant 0 : i32
        %dma_wait3A_181 = arith.constant 0 : i32
        %dma_wait3A_182 = tpu.memref_slice %dma_wait3A_179[%run_scoped3A_49, %dma_wait3A_180, %dma_wait3A_181] : memref<2x40x128xi32, #tpu.memory_space<hbm>> -> memref<1x40x128xi32, #tpu.memory_space<hbm>>
        %dma_wait3A_183 = tpu.memref_squeeze %dma_wait3A_182 : memref<1x40x128xi32, #tpu.memory_space<hbm>> -> memref<40x128xi32, #tpu.memory_space<hbm>>
        %dma_wait3A_184 = arith.constant 0 : i32
        %dma_wait3A_185 = arith.constant 0 : i32
        %dma_wait3A_186 = arith.constant 0 : i32
        %dma_wait3A_187 = tpu.memref_slice %arg2[%arg1, %dma_wait3A_184, %dma_wait3A_185, %dma_wait3A_186] : memref<16x2x40x128xi32, #tpu.memory_space<hbm>> -> memref<1x2x40x128xi32, #tpu.memory_space<hbm>>
        %dma_wait3A_188 = tpu.memref_squeeze %dma_wait3A_187 : memref<1x2x40x128xi32, #tpu.memory_space<hbm>> -> memref<2x40x128xi32, #tpu.memory_space<hbm>>
        %dma_wait3A_189 = arith.constant 0 : i32
        %dma_wait3A_190 = arith.constant 0 : i32
        %dma_wait3A_191 = tpu.memref_slice %dma_wait3A_188[%run_scoped3A_49, %dma_wait3A_189, %dma_wait3A_190] : memref<2x40x128xi32, #tpu.memory_space<hbm>> -> memref<1x40x128xi32, #tpu.memory_space<hbm>>
        %dma_wait3A_192 = tpu.memref_squeeze %dma_wait3A_191 : memref<1x40x128xi32, #tpu.memory_space<hbm>> -> memref<40x128xi32, #tpu.memory_space<hbm>>
        tpu.wait_dma2 semaphore(%run_scoped3A_156 : memref<!tpu.dma_semaphore, #tpu.memory_space<semaphore_mem>>) src(%dma_wait3A_192 : memref<40x128xi32, #tpu.memory_space<hbm>>) dst(%arg10 : memref<40x128xi32, #tpu.memory_space<vmem>>)
        tpu.yield
      }) : () -> ()
      %run_scoped3A_50 = arith.constant 1 : i32
      "tpu.region"() ({
        %run_scoped3A_156 = tpu.sem_alloc : memref<!tpu.dma_semaphore, #tpu.memory_space<semaphore_mem>>
        %dma_start3A_157 = arith.constant 0 : i32
        %dma_start3A_158 = arith.constant 0 : i32
        %dma_start3A_159 = arith.constant 0 : i32
        %dma_start3A_160 = tpu.memref_slice %arg3[%arg1, %dma_start3A_157, %dma_start3A_158, %dma_start3A_159] : memref<16x2x40x128xi32, #tpu.memory_space<hbm>> -> memref<1x2x40x128xi32, #tpu.memory_space<hbm>>
        %dma_start3A_161 = tpu.memref_squeeze %dma_start3A_160 : memref<1x2x40x128xi32, #tpu.memory_space<hbm>> -> memref<2x40x128xi32, #tpu.memory_space<hbm>>
        %dma_start3A_162 = arith.constant 0 : i32
        %dma_start3A_163 = arith.constant 0 : i32
        %dma_start3A_164 = tpu.memref_slice %dma_start3A_161[%run_scoped3A_50, %dma_start3A_162, %dma_start3A_163] : memref<2x40x128xi32, #tpu.memory_space<hbm>> -> memref<1x40x128xi32, #tpu.memory_space<hbm>>
        %dma_start3A_165 = tpu.memref_squeeze %dma_start3A_164 : memref<1x40x128xi32, #tpu.memory_space<hbm>> -> memref<40x128xi32, #tpu.memory_space<hbm>>
        %dma_start3A_166 = arith.constant 0 : i32
        %dma_start3A_167 = arith.constant 0 : i32
        %dma_start3A_168 = arith.constant 0 : i32
        %dma_start3A_169 = tpu.memref_slice %arg3[%arg1, %dma_start3A_166, %dma_start3A_167, %dma_start3A_168] : memref<16x2x40x128xi32, #tpu.memory_space<hbm>> -> memref<1x2x40x128xi32, #tpu.memory_space<hbm>>
        %dma_start3A_170 = tpu.memref_squeeze %dma_start3A_169 : memref<1x2x40x128xi32, #tpu.memory_space<hbm>> -> memref<2x40x128xi32, #tpu.memory_space<hbm>>
        %dma_start3A_171 = arith.constant 0 : i32
        %dma_start3A_172 = arith.constant 0 : i32
        %dma_start3A_173 = tpu.memref_slice %dma_start3A_170[%run_scoped3A_50, %dma_start3A_171, %dma_start3A_172] : memref<2x40x128xi32, #tpu.memory_space<hbm>> -> memref<1x40x128xi32, #tpu.memory_space<hbm>>
        %dma_start3A_174 = tpu.memref_squeeze %dma_start3A_173 : memref<1x40x128xi32, #tpu.memory_space<hbm>> -> memref<40x128xi32, #tpu.memory_space<hbm>>
        tpu.enqueue_dma source(%dma_start3A_174 : memref<40x128xi32, #tpu.memory_space<hbm>>) target(%arg11 : memref<40x128xi32, #tpu.memory_space<vmem>>) target_semaphore(%run_scoped3A_156 : memref<!tpu.dma_semaphore, #tpu.memory_space<semaphore_mem>>)
        %dma_wait3A_175 = arith.constant 0 : i32
        %dma_wait3A_176 = arith.constant 0 : i32
        %dma_wait3A_177 = arith.constant 0 : i32
        %dma_wait3A_178 = tpu.memref_slice %arg3[%arg1, %dma_wait3A_175, %dma_wait3A_176, %dma_wait3A_177] : memref<16x2x40x128xi32, #tpu.memory_space<hbm>> -> memref<1x2x40x128xi32, #tpu.memory_space<hbm>>
        %dma_wait3A_179 = tpu.memref_squeeze %dma_wait3A_178 : memref<1x2x40x128xi32, #tpu.memory_space<hbm>> -> memref<2x40x128xi32, #tpu.memory_space<hbm>>
        %dma_wait3A_180 = arith.constant 0 : i32
        %dma_wait3A_181 = arith.constant 0 : i32
        %dma_wait3A_182 = tpu.memref_slice %dma_wait3A_179[%run_scoped3A_50, %dma_wait3A_180, %dma_wait3A_181] : memref<2x40x128xi32, #tpu.memory_space<hbm>> -> memref<1x40x128xi32, #tpu.memory_space<hbm>>
        %dma_wait3A_183 = tpu.memref_squeeze %dma_wait3A_182 : memref<1x40x128xi32, #tpu.memory_space<hbm>> -> memref<40x128xi32, #tpu.memory_space<hbm>>
        %dma_wait3A_184 = arith.constant 0 : i32
        %dma_wait3A_185 = arith.constant 0 : i32
        %dma_wait3A_186 = arith.constant 0 : i32
        %dma_wait3A_187 = tpu.memref_slice %arg3[%arg1, %dma_wait3A_184, %dma_wait3A_185, %dma_wait3A_186] : memref<16x2x40x128xi32, #tpu.memory_space<hbm>> -> memref<1x2x40x128xi32, #tpu.memory_space<hbm>>
        %dma_wait3A_188 = tpu.memref_squeeze %dma_wait3A_187 : memref<1x2x40x128xi32, #tpu.memory_space<hbm>> -> memref<2x40x128xi32, #tpu.memory_space<hbm>>
        %dma_wait3A_189 = arith.constant 0 : i32
        %dma_wait3A_190 = arith.constant 0 : i32
        %dma_wait3A_191 = tpu.memref_slice %dma_wait3A_188[%run_scoped3A_50, %dma_wait3A_189, %dma_wait3A_190] : memref<2x40x128xi32, #tpu.memory_space<hbm>> -> memref<1x40x128xi32, #tpu.memory_space<hbm>>
        %dma_wait3A_192 = tpu.memref_squeeze %dma_wait3A_191 : memref<1x40x128xi32, #tpu.memory_space<hbm>> -> memref<40x128xi32, #tpu.memory_space<hbm>>
        tpu.wait_dma2 semaphore(%run_scoped3A_156 : memref<!tpu.dma_semaphore, #tpu.memory_space<semaphore_mem>>) src(%dma_wait3A_192 : memref<40x128xi32, #tpu.memory_space<hbm>>) dst(%arg11 : memref<40x128xi32, #tpu.memory_space<vmem>>)
        tpu.yield
      }) : () -> ()
      %dma_start3A_51 = arith.constant 0 : i32
      %dma_start3A_52 = arith.constant 0 : i32
      %dma_start3A_53 = tpu.memref_slice %arg10[%dma_start3A_51, %dma_start3A_52] : memref<40x128xi32, #tpu.memory_space<vmem>> -> memref<1x128xi32, #tpu.memory_space<vmem>>
      %dma_start3A_54 = tpu.memref_squeeze %dma_start3A_53 : memref<1x128xi32, #tpu.memory_space<vmem>> -> memref<128xi32, #tpu.memory_space<vmem>>
      %dma_start3A_55 = arith.constant 0 : i32
      %dma_start3A_56 = arith.constant 0 : i32
      %dma_start3A_57 = tpu.memref_slice %arg4[%dma_start3A_55, %dma_start3A_56] : memref<10000x128xf32, #tpu.memory_space<hbm>> -> memref<10000x128xf32, #tpu.memory_space<hbm>>
      tpu.enqueue_indirect_dma source(%dma_start3A_57 : memref<10000x128xf32, #tpu.memory_space<hbm>>) target(%arg12 : memref<128x128xf32, #tpu.memory_space<vmem>>) offsets(%dma_start3A_54 : memref<128xi32, #tpu.memory_space<vmem>>) semaphore(%arg14 : memref<!tpu.dma_semaphore, #tpu.memory_space<semaphore_mem>>)
      %dma_start3A_58 = arith.constant 1 : i32
      %dma_start3A_59 = arith.constant 0 : i32
      %dma_start3A_60 = tpu.memref_slice %arg10[%dma_start3A_58, %dma_start3A_59] : memref<40x128xi32, #tpu.memory_space<vmem>> -> memref<1x128xi32, #tpu.memory_space<vmem>>
      %dma_start3A_61 = tpu.memref_squeeze %dma_start3A_60 : memref<1x128xi32, #tpu.memory_space<vmem>> -> memref<128xi32, #tpu.memory_space<vmem>>
      %dma_start3A_62 = arith.constant 0 : i32
      %dma_start3A_63 = arith.constant 0 : i32
      %dma_start3A_64 = tpu.memref_slice %arg4[%dma_start3A_62, %dma_start3A_63] : memref<10000x128xf32, #tpu.memory_space<hbm>> -> memref<10000x128xf32, #tpu.memory_space<hbm>>
      tpu.enqueue_indirect_dma source(%dma_start3A_64 : memref<10000x128xf32, #tpu.memory_space<hbm>>) target(%arg13 : memref<128x128xf32, #tpu.memory_space<vmem>>) offsets(%dma_start3A_61 : memref<128xi32, #tpu.memory_space<vmem>>) semaphore(%arg15 : memref<!tpu.dma_semaphore, #tpu.memory_space<semaphore_mem>>)
      %scan3A_65 = arith.constant 0 : i32
      %scan3A_66 = arith.constant 0 : i32
      %scan3A_67 = arith.constant 20 : i32
      %scan3A_68 = arith.addi %scan3A_66, %scan3A_67 : i32
      %scan3A_69 = arith.constant 1 : i32
      scf.for %scan3A_156 = %scan3A_66 to %scan3A_68 step %scan3A_69  : i32 {
        %mul3A_157 = arith.constant 2 : i32
        %mul3A_158 = arith.muli %scan3A_156, %mul3A_157 : i32
        %add3A_159 = arith.constant 0 : i32
        %add3A_160 = arith.addi %mul3A_158, %add3A_159 : i32
        %dma_wait3A_161 = arith.constant 0 : i32
        %dma_wait3A_162 = tpu.memref_slice %arg10[%add3A_160, %dma_wait3A_161] : memref<40x128xi32, #tpu.memory_space<vmem>> -> memref<1x128xi32, #tpu.memory_space<vmem>>
        %dma_wait3A_163 = tpu.memref_squeeze %dma_wait3A_162 : memref<1x128xi32, #tpu.memory_space<vmem>> -> memref<128xi32, #tpu.memory_space<vmem>>
        %dma_wait3A_164 = arith.constant 0 : i32
        %dma_wait3A_165 = arith.constant 0 : i32
        %dma_wait3A_166 = tpu.memref_slice %arg4[%dma_wait3A_164, %dma_wait3A_165] : memref<10000x128xf32, #tpu.memory_space<hbm>> -> memref<10000x128xf32, #tpu.memory_space<hbm>>
        tpu.wait_indirect_dma semaphore(%arg14 : memref<!tpu.dma_semaphore, #tpu.memory_space<semaphore_mem>>) src(%dma_wait3A_166 : memref<10000x128xf32, #tpu.memory_space<hbm>>) dst(%arg12 : memref<128x128xf32, #tpu.memory_space<vmem>>)
        %dma_start3A_167 = arith.constant 0 : i32
        %dma_start3A_168 = tpu.memref_slice %arg11[%add3A_160, %dma_start3A_167] : memref<40x128xi32, #tpu.memory_space<vmem>> -> memref<1x128xi32, #tpu.memory_space<vmem>>
        %dma_start3A_169 = tpu.memref_squeeze %dma_start3A_168 : memref<1x128xi32, #tpu.memory_space<vmem>> -> memref<128xi32, #tpu.memory_space<vmem>>
        %dma_start3A_170 = arith.constant 0 : i32
        %dma_start3A_171 = arith.constant 0 : i32
        %dma_start3A_172 = tpu.memref_slice %arg9[%dma_start3A_170, %dma_start3A_171] : memref<10240x128xf32, #tpu.memory_space<vmem_shared>> -> memref<10240x128xf32, #tpu.memory_space<vmem_shared>>
        tpu.enqueue_indirect_dma source(%arg12 : memref<128x128xf32, #tpu.memory_space<vmem>>) target(%dma_start3A_172 : memref<10240x128xf32, #tpu.memory_space<vmem_shared>>) offsets(%dma_start3A_169 : memref<128xi32, #tpu.memory_space<vmem>>) semaphore(%arg16 : memref<!tpu.dma_semaphore, #tpu.memory_space<semaphore_mem>>) {add = true}
        %add3A_173 = arith.constant 1 : i32
        %add3A_174 = arith.addi %mul3A_158, %add3A_173 : i32
        %dma_wait3A_175 = arith.constant 0 : i32
        %dma_wait3A_176 = tpu.memref_slice %arg10[%add3A_174, %dma_wait3A_175] : memref<40x128xi32, #tpu.memory_space<vmem>> -> memref<1x128xi32, #tpu.memory_space<vmem>>
        %dma_wait3A_177 = tpu.memref_squeeze %dma_wait3A_176 : memref<1x128xi32, #tpu.memory_space<vmem>> -> memref<128xi32, #tpu.memory_space<vmem>>
        %dma_wait3A_178 = arith.constant 0 : i32
        %dma_wait3A_179 = arith.constant 0 : i32
        %dma_wait3A_180 = tpu.memref_slice %arg4[%dma_wait3A_178, %dma_wait3A_179] : memref<10000x128xf32, #tpu.memory_space<hbm>> -> memref<10000x128xf32, #tpu.memory_space<hbm>>
        tpu.wait_indirect_dma semaphore(%arg15 : memref<!tpu.dma_semaphore, #tpu.memory_space<semaphore_mem>>) src(%dma_wait3A_180 : memref<10000x128xf32, #tpu.memory_space<hbm>>) dst(%arg13 : memref<128x128xf32, #tpu.memory_space<vmem>>)
        %dma_start3A_181 = arith.constant 0 : i32
        %dma_start3A_182 = tpu.memref_slice %arg11[%add3A_174, %dma_start3A_181] : memref<40x128xi32, #tpu.memory_space<vmem>> -> memref<1x128xi32, #tpu.memory_space<vmem>>
        %dma_start3A_183 = tpu.memref_squeeze %dma_start3A_182 : memref<1x128xi32, #tpu.memory_space<vmem>> -> memref<128xi32, #tpu.memory_space<vmem>>
        %dma_start3A_184 = arith.constant 0 : i32
        %dma_start3A_185 = arith.constant 0 : i32
        %dma_start3A_186 = tpu.memref_slice %arg9[%dma_start3A_184, %dma_start3A_185] : memref<10240x128xf32, #tpu.memory_space<vmem_shared>> -> memref<10240x128xf32, #tpu.memory_space<vmem_shared>>
        tpu.enqueue_indirect_dma source(%arg13 : memref<128x128xf32, #tpu.memory_space<vmem>>) target(%dma_start3A_186 : memref<10240x128xf32, #tpu.memory_space<vmem_shared>>) offsets(%dma_start3A_183 : memref<128xi32, #tpu.memory_space<vmem>>) semaphore(%arg17 : memref<!tpu.dma_semaphore, #tpu.memory_space<semaphore_mem>>) {add = true}
        %add3A_187 = arith.constant 0 : i32
        %add3A_188 = arith.addi %mul3A_158, %add3A_187 : i32
        %add3A_189 = arith.constant 2 : i32
        %add3A_190 = arith.addi %add3A_188, %add3A_189 : i32
        %lt3A = arith.constant 40 : i32
        %lt3A_191 = arith.cmpi slt, %add3A_190, %lt3A : i32
        %convert_element_type3A_192 = arith.extui %lt3A_191 : i1 to i32
        %cond3A_193 = arith.constant 0 : i32
        %cond3A_194 = arith.cmpi ne, %convert_element_type3A_192, %cond3A_193 : i32
        scf.if %cond3A_194 {
          %dma_wait3A_204 = arith.constant 0 : i32
          %dma_wait3A_205 = tpu.memref_slice %arg11[%add3A_188, %dma_wait3A_204] : memref<40x128xi32, #tpu.memory_space<vmem>> -> memref<1x128xi32, #tpu.memory_space<vmem>>
          %dma_wait3A_206 = tpu.memref_squeeze %dma_wait3A_205 : memref<1x128xi32, #tpu.memory_space<vmem>> -> memref<128xi32, #tpu.memory_space<vmem>>
          %dma_wait3A_207 = arith.constant 0 : i32
          %dma_wait3A_208 = arith.constant 0 : i32
          %dma_wait3A_209 = tpu.memref_slice %arg9[%dma_wait3A_207, %dma_wait3A_208] : memref<10240x128xf32, #tpu.memory_space<vmem_shared>> -> memref<10240x128xf32, #tpu.memory_space<vmem_shared>>
          tpu.wait_indirect_dma semaphore(%arg16 : memref<!tpu.dma_semaphore, #tpu.memory_space<semaphore_mem>>) src(%arg12 : memref<128x128xf32, #tpu.memory_space<vmem>>) dst(%dma_wait3A_209 : memref<10240x128xf32, #tpu.memory_space<vmem_shared>>)
          %add3A_210 = arith.constant 2 : i32
          %add3A_211 = arith.addi %add3A_188, %add3A_210 : i32
          %dma_start3A_212 = arith.constant 0 : i32
          %dma_start3A_213 = tpu.memref_slice %arg10[%add3A_211, %dma_start3A_212] : memref<40x128xi32, #tpu.memory_space<vmem>> -> memref<1x128xi32, #tpu.memory_space<vmem>>
          %dma_start3A_214 = tpu.memref_squeeze %dma_start3A_213 : memref<1x128xi32, #tpu.memory_space<vmem>> -> memref<128xi32, #tpu.memory_space<vmem>>
          %dma_start3A_215 = arith.constant 0 : i32
          %dma_start3A_216 = arith.constant 0 : i32
          %dma_start3A_217 = tpu.memref_slice %arg4[%dma_start3A_215, %dma_start3A_216] : memref<10000x128xf32, #tpu.memory_space<hbm>> -> memref<10000x128xf32, #tpu.memory_space<hbm>>
          tpu.enqueue_indirect_dma source(%dma_start3A_217 : memref<10000x128xf32, #tpu.memory_space<hbm>>) target(%arg12 : memref<128x128xf32, #tpu.memory_space<vmem>>) offsets(%dma_start3A_214 : memref<128xi32, #tpu.memory_space<vmem>>) semaphore(%arg14 : memref<!tpu.dma_semaphore, #tpu.memory_space<semaphore_mem>>)
        } else {
        }
        %add3A_195 = arith.constant 1 : i32
        %add3A_196 = arith.addi %mul3A_158, %add3A_195 : i32
        %add3A_197 = arith.constant 2 : i32
        %add3A_198 = arith.addi %add3A_196, %add3A_197 : i32
        %lt3A_199 = arith.constant 40 : i32
        %lt3A_200 = arith.cmpi slt, %add3A_198, %lt3A_199 : i32
        %convert_element_type3A_201 = arith.extui %lt3A_200 : i1 to i32
        %cond3A_202 = arith.constant 0 : i32
        %cond3A_203 = arith.cmpi ne, %convert_element_type3A_201, %cond3A_202 : i32
        scf.if %cond3A_203 {
          %dma_wait3A_204 = arith.constant 0 : i32
          %dma_wait3A_205 = tpu.memref_slice %arg11[%add3A_196, %dma_wait3A_204] : memref<40x128xi32, #tpu.memory_space<vmem>> -> memref<1x128xi32, #tpu.memory_space<vmem>>
          %dma_wait3A_206 = tpu.memref_squeeze %dma_wait3A_205 : memref<1x128xi32, #tpu.memory_space<vmem>> -> memref<128xi32, #tpu.memory_space<vmem>>
          %dma_wait3A_207 = arith.constant 0 : i32
          %dma_wait3A_208 = arith.constant 0 : i32
          %dma_wait3A_209 = tpu.memref_slice %arg9[%dma_wait3A_207, %dma_wait3A_208] : memref<10240x128xf32, #tpu.memory_space<vmem_shared>> -> memref<10240x128xf32, #tpu.memory_space<vmem_shared>>
          tpu.wait_indirect_dma semaphore(%arg17 : memref<!tpu.dma_semaphore, #tpu.memory_space<semaphore_mem>>) src(%arg13 : memref<128x128xf32, #tpu.memory_space<vmem>>) dst(%dma_wait3A_209 : memref<10240x128xf32, #tpu.memory_space<vmem_shared>>)
          %add3A_210 = arith.constant 2 : i32
          %add3A_211 = arith.addi %add3A_196, %add3A_210 : i32
          %dma_start3A_212 = arith.constant 0 : i32
          %dma_start3A_213 = tpu.memref_slice %arg10[%add3A_211, %dma_start3A_212] : memref<40x128xi32, #tpu.memory_space<vmem>> -> memref<1x128xi32, #tpu.memory_space<vmem>>
          %dma_start3A_214 = tpu.memref_squeeze %dma_start3A_213 : memref<1x128xi32, #tpu.memory_space<vmem>> -> memref<128xi32, #tpu.memory_space<vmem>>
          %dma_start3A_215 = arith.constant 0 : i32
          %dma_start3A_216 = arith.constant 0 : i32
          %dma_start3A_217 = tpu.memref_slice %arg4[%dma_start3A_215, %dma_start3A_216] : memref<10000x128xf32, #tpu.memory_space<hbm>> -> memref<10000x128xf32, #tpu.memory_space<hbm>>
          tpu.enqueue_indirect_dma source(%dma_start3A_217 : memref<10000x128xf32, #tpu.memory_space<hbm>>) target(%arg13 : memref<128x128xf32, #tpu.memory_space<vmem>>) offsets(%dma_start3A_214 : memref<128xi32, #tpu.memory_space<vmem>>) semaphore(%arg15 : memref<!tpu.dma_semaphore, #tpu.memory_space<semaphore_mem>>)
        } else {
        }
      }
      %scan3A_70 = arith.constant 20 : i32
      %dma_wait3A_71 = arith.constant 38 : i32
      %dma_wait3A_72 = arith.constant 0 : i32
      %dma_wait3A_73 = tpu.memref_slice %arg11[%dma_wait3A_71, %dma_wait3A_72] : memref<40x128xi32, #tpu.memory_space<vmem>> -> memref<1x128xi32, #tpu.memory_space<vmem>>
      %dma_wait3A_74 = tpu.memref_squeeze %dma_wait3A_73 : memref<1x128xi32, #tpu.memory_space<vmem>> -> memref<128xi32, #tpu.memory_space<vmem>>
      %dma_wait3A_75 = arith.constant 0 : i32
      %dma_wait3A_76 = arith.constant 0 : i32
      %dma_wait3A_77 = tpu.memref_slice %arg9[%dma_wait3A_75, %dma_wait3A_76] : memref<10240x128xf32, #tpu.memory_space<vmem_shared>> -> memref<10240x128xf32, #tpu.memory_space<vmem_shared>>
      tpu.wait_indirect_dma semaphore(%arg16 : memref<!tpu.dma_semaphore, #tpu.memory_space<semaphore_mem>>) src(%arg12 : memref<128x128xf32, #tpu.memory_space<vmem>>) dst(%dma_wait3A_77 : memref<10240x128xf32, #tpu.memory_space<vmem_shared>>)
      %dma_wait3A_78 = arith.constant 39 : i32
      %dma_wait3A_79 = arith.constant 0 : i32
      %dma_wait3A_80 = tpu.memref_slice %arg11[%dma_wait3A_78, %dma_wait3A_79] : memref<40x128xi32, #tpu.memory_space<vmem>> -> memref<1x128xi32, #tpu.memory_space<vmem>>
      %dma_wait3A_81 = tpu.memref_squeeze %dma_wait3A_80 : memref<1x128xi32, #tpu.memory_space<vmem>> -> memref<128xi32, #tpu.memory_space<vmem>>
      %dma_wait3A_82 = arith.constant 0 : i32
      %dma_wait3A_83 = arith.constant 0 : i32
      %dma_wait3A_84 = tpu.memref_slice %arg9[%dma_wait3A_82, %dma_wait3A_83] : memref<10240x128xf32, #tpu.memory_space<vmem_shared>> -> memref<10240x128xf32, #tpu.memory_space<vmem_shared>>
      tpu.wait_indirect_dma semaphore(%arg17 : memref<!tpu.dma_semaphore, #tpu.memory_space<semaphore_mem>>) src(%arg13 : memref<128x128xf32, #tpu.memory_space<vmem>>) dst(%dma_wait3A_84 : memref<10240x128xf32, #tpu.memory_space<vmem_shared>>)
      %barrier3A_85 = arith.constant 0 : index
      tpu.barrier barrier_id(%barrier3A_85)
      %add3A_86 = arith.constant 0 : i32
      %add3A_87 = arith.addi %mul3A_0, %add3A_86 : i32
      "tpu.region"() ({
        %run_scoped3A_156 = tpu.sem_alloc : memref<!tpu.dma_semaphore, #tpu.memory_space<semaphore_mem>>
        %dma_start3A_157 = arith.constant 0 : i32
        %dma_start3A_158 = tpu.memref_slice %arg9[%add3A_87, %dma_start3A_157] : memref<10240x128xf32, #tpu.memory_space<vmem_shared>> -> memref<128x128xf32, #tpu.memory_space<vmem_shared>>
        %dma_start3A_159 = arith.constant 0 : i32
        %dma_start3A_160 = tpu.memref_slice %arg9[%add3A_87, %dma_start3A_159] : memref<10240x128xf32, #tpu.memory_space<vmem_shared>> -> memref<128x128xf32, #tpu.memory_space<vmem_shared>>
        tpu.enqueue_dma source(%dma_start3A_160 : memref<128x128xf32, #tpu.memory_space<vmem_shared>>) target(%arg12 : memref<128x128xf32, #tpu.memory_space<vmem>>) target_semaphore(%run_scoped3A_156 : memref<!tpu.dma_semaphore, #tpu.memory_space<semaphore_mem>>)
        %dma_wait3A_161 = arith.constant 0 : i32
        %dma_wait3A_162 = tpu.memref_slice %arg9[%add3A_87, %dma_wait3A_161] : memref<10240x128xf32, #tpu.memory_space<vmem_shared>> -> memref<128x128xf32, #tpu.memory_space<vmem_shared>>
        %dma_wait3A_163 = arith.constant 0 : i32
        %dma_wait3A_164 = tpu.memref_slice %arg9[%add3A_87, %dma_wait3A_163] : memref<10240x128xf32, #tpu.memory_space<vmem_shared>> -> memref<128x128xf32, #tpu.memory_space<vmem_shared>>
        tpu.wait_dma2 semaphore(%run_scoped3A_156 : memref<!tpu.dma_semaphore, #tpu.memory_space<semaphore_mem>>) src(%dma_wait3A_164 : memref<128x128xf32, #tpu.memory_space<vmem_shared>>) dst(%arg12 : memref<128x128xf32, #tpu.memory_space<vmem>>)
        tpu.yield
      }) : () -> ()
      %add3A_88 = arith.constant 0 : i32
      %add3A_89 = arith.addi %mul3A_0, %add3A_88 : i32
      %dma_start3A_90 = arith.constant 0 : i32
      %dma_start3A_91 = tpu.memref_slice %arg7[%add3A_89, %dma_start3A_90] : memref<10240x128xf32, #tpu.memory_space<hbm>> -> memref<128x128xf32, #tpu.memory_space<hbm>>
      %dma_start3A_92 = arith.constant 0 : i32
      %dma_start3A_93 = tpu.memref_slice %arg7[%add3A_89, %dma_start3A_92] : memref<10240x128xf32, #tpu.memory_space<hbm>> -> memref<128x128xf32, #tpu.memory_space<hbm>>
      tpu.enqueue_dma source(%arg12 : memref<128x128xf32, #tpu.memory_space<vmem>>) target(%dma_start3A_93 : memref<128x128xf32, #tpu.memory_space<hbm>>) target_semaphore(%arg14 : memref<!tpu.dma_semaphore, #tpu.memory_space<semaphore_mem>>)
      %add3A_94 = arith.constant 128 : i32
      %add3A_95 = arith.addi %mul3A_0, %add3A_94 : i32
      "tpu.region"() ({
        %run_scoped3A_156 = tpu.sem_alloc : memref<!tpu.dma_semaphore, #tpu.memory_space<semaphore_mem>>
        %dma_start3A_157 = arith.constant 0 : i32
        %dma_start3A_158 = tpu.memref_slice %arg9[%add3A_95, %dma_start3A_157] : memref<10240x128xf32, #tpu.memory_space<vmem_shared>> -> memref<128x128xf32, #tpu.memory_space<vmem_shared>>
        %dma_start3A_159 = arith.constant 0 : i32
        %dma_start3A_160 = tpu.memref_slice %arg9[%add3A_95, %dma_start3A_159] : memref<10240x128xf32, #tpu.memory_space<vmem_shared>> -> memref<128x128xf32, #tpu.memory_space<vmem_shared>>
        tpu.enqueue_dma source(%dma_start3A_160 : memref<128x128xf32, #tpu.memory_space<vmem_shared>>) target(%arg13 : memref<128x128xf32, #tpu.memory_space<vmem>>) target_semaphore(%run_scoped3A_156 : memref<!tpu.dma_semaphore, #tpu.memory_space<semaphore_mem>>)
        %dma_wait3A_161 = arith.constant 0 : i32
        %dma_wait3A_162 = tpu.memref_slice %arg9[%add3A_95, %dma_wait3A_161] : memref<10240x128xf32, #tpu.memory_space<vmem_shared>> -> memref<128x128xf32, #tpu.memory_space<vmem_shared>>
        %dma_wait3A_163 = arith.constant 0 : i32
        %dma_wait3A_164 = tpu.memref_slice %arg9[%add3A_95, %dma_wait3A_163] : memref<10240x128xf32, #tpu.memory_space<vmem_shared>> -> memref<128x128xf32, #tpu.memory_space<vmem_shared>>
        tpu.wait_dma2 semaphore(%run_scoped3A_156 : memref<!tpu.dma_semaphore, #tpu.memory_space<semaphore_mem>>) src(%dma_wait3A_164 : memref<128x128xf32, #tpu.memory_space<vmem_shared>>) dst(%arg13 : memref<128x128xf32, #tpu.memory_space<vmem>>)
        tpu.yield
      }) : () -> ()
      %add3A_96 = arith.constant 128 : i32
      %add3A_97 = arith.addi %mul3A_0, %add3A_96 : i32
      %dma_start3A_98 = arith.constant 0 : i32
      %dma_start3A_99 = tpu.memref_slice %arg7[%add3A_97, %dma_start3A_98] : memref<10240x128xf32, #tpu.memory_space<hbm>> -> memref<128x128xf32, #tpu.memory_space<hbm>>
      %dma_start3A_100 = arith.constant 0 : i32
      %dma_start3A_101 = tpu.memref_slice %arg7[%add3A_97, %dma_start3A_100] : memref<10240x128xf32, #tpu.memory_space<hbm>> -> memref<128x128xf32, #tpu.memory_space<hbm>>
      tpu.enqueue_dma source(%arg13 : memref<128x128xf32, #tpu.memory_space<vmem>>) target(%dma_start3A_101 : memref<128x128xf32, #tpu.memory_space<hbm>>) target_semaphore(%arg15 : memref<!tpu.dma_semaphore, #tpu.memory_space<semaphore_mem>>)
      %add3A_102 = arith.constant 0 : i32
      %add3A_103 = arith.addi %mul3A_0, %add3A_102 : i32
      %dma_wait3A_104 = arith.constant 0 : i32
      %dma_wait3A_105 = tpu.memref_slice %arg7[%add3A_103, %dma_wait3A_104] : memref<10240x128xf32, #tpu.memory_space<hbm>> -> memref<128x128xf32, #tpu.memory_space<hbm>>
      %dma_wait3A_106 = arith.constant 0 : i32
      %dma_wait3A_107 = tpu.memref_slice %arg7[%add3A_103, %dma_wait3A_106] : memref<10240x128xf32, #tpu.memory_space<hbm>> -> memref<128x128xf32, #tpu.memory_space<hbm>>
      tpu.wait_dma2 semaphore(%arg14 : memref<!tpu.dma_semaphore, #tpu.memory_space<semaphore_mem>>) src(%arg12 : memref<128x128xf32, #tpu.memory_space<vmem>>) dst(%dma_wait3A_107 : memref<128x128xf32, #tpu.memory_space<hbm>>)
      %add3A_108 = arith.constant 256 : i32
      %add3A_109 = arith.addi %mul3A_0, %add3A_108 : i32
      "tpu.region"() ({
        %run_scoped3A_156 = tpu.sem_alloc : memref<!tpu.dma_semaphore, #tpu.memory_space<semaphore_mem>>
        %dma_start3A_157 = arith.constant 0 : i32
        %dma_start3A_158 = tpu.memref_slice %arg9[%add3A_109, %dma_start3A_157] : memref<10240x128xf32, #tpu.memory_space<vmem_shared>> -> memref<128x128xf32, #tpu.memory_space<vmem_shared>>
        %dma_start3A_159 = arith.constant 0 : i32
        %dma_start3A_160 = tpu.memref_slice %arg9[%add3A_109, %dma_start3A_159] : memref<10240x128xf32, #tpu.memory_space<vmem_shared>> -> memref<128x128xf32, #tpu.memory_space<vmem_shared>>
        tpu.enqueue_dma source(%dma_start3A_160 : memref<128x128xf32, #tpu.memory_space<vmem_shared>>) target(%arg12 : memref<128x128xf32, #tpu.memory_space<vmem>>) target_semaphore(%run_scoped3A_156 : memref<!tpu.dma_semaphore, #tpu.memory_space<semaphore_mem>>)
        %dma_wait3A_161 = arith.constant 0 : i32
        %dma_wait3A_162 = tpu.memref_slice %arg9[%add3A_109, %dma_wait3A_161] : memref<10240x128xf32, #tpu.memory_space<vmem_shared>> -> memref<128x128xf32, #tpu.memory_space<vmem_shared>>
        %dma_wait3A_163 = arith.constant 0 : i32
        %dma_wait3A_164 = tpu.memref_slice %arg9[%add3A_109, %dma_wait3A_163] : memref<10240x128xf32, #tpu.memory_space<vmem_shared>> -> memref<128x128xf32, #tpu.memory_space<vmem_shared>>
        tpu.wait_dma2 semaphore(%run_scoped3A_156 : memref<!tpu.dma_semaphore, #tpu.memory_space<semaphore_mem>>) src(%dma_wait3A_164 : memref<128x128xf32, #tpu.memory_space<vmem_shared>>) dst(%arg12 : memref<128x128xf32, #tpu.memory_space<vmem>>)
        tpu.yield
      }) : () -> ()
      %add3A_110 = arith.constant 256 : i32
      %add3A_111 = arith.addi %mul3A_0, %add3A_110 : i32
      %dma_start3A_112 = arith.constant 0 : i32
      %dma_start3A_113 = tpu.memref_slice %arg7[%add3A_111, %dma_start3A_112] : memref<10240x128xf32, #tpu.memory_space<hbm>> -> memref<128x128xf32, #tpu.memory_space<hbm>>
      %dma_start3A_114 = arith.constant 0 : i32
      %dma_start3A_115 = tpu.memref_slice %arg7[%add3A_111, %dma_start3A_114] : memref<10240x128xf32, #tpu.memory_space<hbm>> -> memref<128x128xf32, #tpu.memory_space<hbm>>
      tpu.enqueue_dma source(%arg12 : memref<128x128xf32, #tpu.memory_space<vmem>>) target(%dma_start3A_115 : memref<128x128xf32, #tpu.memory_space<hbm>>) target_semaphore(%arg14 : memref<!tpu.dma_semaphore, #tpu.memory_space<semaphore_mem>>)
      %add3A_116 = arith.constant 128 : i32
      %add3A_117 = arith.addi %mul3A_0, %add3A_116 : i32
      %dma_wait3A_118 = arith.constant 0 : i32
      %dma_wait3A_119 = tpu.memref_slice %arg7[%add3A_117, %dma_wait3A_118] : memref<10240x128xf32, #tpu.memory_space<hbm>> -> memref<128x128xf32, #tpu.memory_space<hbm>>
      %dma_wait3A_120 = arith.constant 0 : i32
      %dma_wait3A_121 = tpu.memref_slice %arg7[%add3A_117, %dma_wait3A_120] : memref<10240x128xf32, #tpu.memory_space<hbm>> -> memref<128x128xf32, #tpu.memory_space<hbm>>
      tpu.wait_dma2 semaphore(%arg15 : memref<!tpu.dma_semaphore, #tpu.memory_space<semaphore_mem>>) src(%arg13 : memref<128x128xf32, #tpu.memory_space<vmem>>) dst(%dma_wait3A_121 : memref<128x128xf32, #tpu.memory_space<hbm>>)
      %add3A_122 = arith.constant 384 : i32
      %add3A_123 = arith.addi %mul3A_0, %add3A_122 : i32
      "tpu.region"() ({
        %run_scoped3A_156 = tpu.sem_alloc : memref<!tpu.dma_semaphore, #tpu.memory_space<semaphore_mem>>
        %dma_start3A_157 = arith.constant 0 : i32
        %dma_start3A_158 = tpu.memref_slice %arg9[%add3A_123, %dma_start3A_157] : memref<10240x128xf32, #tpu.memory_space<vmem_shared>> -> memref<128x128xf32, #tpu.memory_space<vmem_shared>>
        %dma_start3A_159 = arith.constant 0 : i32
        %dma_start3A_160 = tpu.memref_slice %arg9[%add3A_123, %dma_start3A_159] : memref<10240x128xf32, #tpu.memory_space<vmem_shared>> -> memref<128x128xf32, #tpu.memory_space<vmem_shared>>
        tpu.enqueue_dma source(%dma_start3A_160 : memref<128x128xf32, #tpu.memory_space<vmem_shared>>) target(%arg13 : memref<128x128xf32, #tpu.memory_space<vmem>>) target_semaphore(%run_scoped3A_156 : memref<!tpu.dma_semaphore, #tpu.memory_space<semaphore_mem>>)
        %dma_wait3A_161 = arith.constant 0 : i32
        %dma_wait3A_162 = tpu.memref_slice %arg9[%add3A_123, %dma_wait3A_161] : memref<10240x128xf32, #tpu.memory_space<vmem_shared>> -> memref<128x128xf32, #tpu.memory_space<vmem_shared>>
        %dma_wait3A_163 = arith.constant 0 : i32
        %dma_wait3A_164 = tpu.memref_slice %arg9[%add3A_123, %dma_wait3A_163] : memref<10240x128xf32, #tpu.memory_space<vmem_shared>> -> memref<128x128xf32, #tpu.memory_space<vmem_shared>>
        tpu.wait_dma2 semaphore(%run_scoped3A_156 : memref<!tpu.dma_semaphore, #tpu.memory_space<semaphore_mem>>) src(%dma_wait3A_164 : memref<128x128xf32, #tpu.memory_space<vmem_shared>>) dst(%arg13 : memref<128x128xf32, #tpu.memory_space<vmem>>)
        tpu.yield
      }) : () -> ()
      %add3A_124 = arith.constant 384 : i32
      %add3A_125 = arith.addi %mul3A_0, %add3A_124 : i32
      %dma_start3A_126 = arith.constant 0 : i32
      %dma_start3A_127 = tpu.memref_slice %arg7[%add3A_125, %dma_start3A_126] : memref<10240x128xf32, #tpu.memory_space<hbm>> -> memref<128x128xf32, #tpu.memory_space<hbm>>
      %dma_start3A_128 = arith.constant 0 : i32
      %dma_start3A_129 = tpu.memref_slice %arg7[%add3A_125, %dma_start3A_128] : memref<10240x128xf32, #tpu.memory_space<hbm>> -> memref<128x128xf32, #tpu.memory_space<hbm>>
      tpu.enqueue_dma source(%arg13 : memref<128x128xf32, #tpu.memory_space<vmem>>) target(%dma_start3A_129 : memref<128x128xf32, #tpu.memory_space<hbm>>) target_semaphore(%arg15 : memref<!tpu.dma_semaphore, #tpu.memory_space<semaphore_mem>>)
      %add3A_130 = arith.constant 256 : i32
      %add3A_131 = arith.addi %mul3A_0, %add3A_130 : i32
      %dma_wait3A_132 = arith.constant 0 : i32
      %dma_wait3A_133 = tpu.memref_slice %arg7[%add3A_131, %dma_wait3A_132] : memref<10240x128xf32, #tpu.memory_space<hbm>> -> memref<128x128xf32, #tpu.memory_space<hbm>>
      %dma_wait3A_134 = arith.constant 0 : i32
      %dma_wait3A_135 = tpu.memref_slice %arg7[%add3A_131, %dma_wait3A_134] : memref<10240x128xf32, #tpu.memory_space<hbm>> -> memref<128x128xf32, #tpu.memory_space<hbm>>
      tpu.wait_dma2 semaphore(%arg14 : memref<!tpu.dma_semaphore, #tpu.memory_space<semaphore_mem>>) src(%arg12 : memref<128x128xf32, #tpu.memory_space<vmem>>) dst(%dma_wait3A_135 : memref<128x128xf32, #tpu.memory_space<hbm>>)
      %add3A_136 = arith.constant 512 : i32
      %add3A_137 = arith.addi %mul3A_0, %add3A_136 : i32
      "tpu.region"() ({
        %run_scoped3A_156 = tpu.sem_alloc : memref<!tpu.dma_semaphore, #tpu.memory_space<semaphore_mem>>
        %dma_start3A_157 = arith.constant 0 : i32
        %dma_start3A_158 = tpu.memref_slice %arg9[%add3A_137, %dma_start3A_157] : memref<10240x128xf32, #tpu.memory_space<vmem_shared>> -> memref<128x128xf32, #tpu.memory_space<vmem_shared>>
        %dma_start3A_159 = arith.constant 0 : i32
        %dma_start3A_160 = tpu.memref_slice %arg9[%add3A_137, %dma_start3A_159] : memref<10240x128xf32, #tpu.memory_space<vmem_shared>> -> memref<128x128xf32, #tpu.memory_space<vmem_shared>>
        tpu.enqueue_dma source(%dma_start3A_160 : memref<128x128xf32, #tpu.memory_space<vmem_shared>>) target(%arg12 : memref<128x128xf32, #tpu.memory_space<vmem>>) target_semaphore(%run_scoped3A_156 : memref<!tpu.dma_semaphore, #tpu.memory_space<semaphore_mem>>)
        %dma_wait3A_161 = arith.constant 0 : i32
        %dma_wait3A_162 = tpu.memref_slice %arg9[%add3A_137, %dma_wait3A_161] : memref<10240x128xf32, #tpu.memory_space<vmem_shared>> -> memref<128x128xf32, #tpu.memory_space<vmem_shared>>
        %dma_wait3A_163 = arith.constant 0 : i32
        %dma_wait3A_164 = tpu.memref_slice %arg9[%add3A_137, %dma_wait3A_163] : memref<10240x128xf32, #tpu.memory_space<vmem_shared>> -> memref<128x128xf32, #tpu.memory_space<vmem_shared>>
        tpu.wait_dma2 semaphore(%run_scoped3A_156 : memref<!tpu.dma_semaphore, #tpu.memory_space<semaphore_mem>>) src(%dma_wait3A_164 : memref<128x128xf32, #tpu.memory_space<vmem_shared>>) dst(%arg12 : memref<128x128xf32, #tpu.memory_space<vmem>>)
        tpu.yield
      }) : () -> ()
      %add3A_138 = arith.constant 512 : i32
      %add3A_139 = arith.addi %mul3A_0, %add3A_138 : i32
      %dma_start3A_140 = arith.constant 0 : i32
      %dma_start3A_141 = tpu.memref_slice %arg7[%add3A_139, %dma_start3A_140] : memref<10240x128xf32, #tpu.memory_space<hbm>> -> memref<128x128xf32, #tpu.memory_space<hbm>>
      %dma_start3A_142 = arith.constant 0 : i32
      %dma_start3A_143 = tpu.memref_slice %arg7[%add3A_139, %dma_start3A_142] : memref<10240x128xf32, #tpu.memory_space<hbm>> -> memref<128x128xf32, #tpu.memory_space<hbm>>
      tpu.enqueue_dma source(%arg12 : memref<128x128xf32, #tpu.memory_space<vmem>>) target(%dma_start3A_143 : memref<128x128xf32, #tpu.memory_space<hbm>>) target_semaphore(%arg14 : memref<!tpu.dma_semaphore, #tpu.memory_space<semaphore_mem>>)
      %add3A_144 = arith.constant 384 : i32
      %add3A_145 = arith.addi %mul3A_0, %add3A_144 : i32
      %dma_wait3A_146 = arith.constant 0 : i32
      %dma_wait3A_147 = tpu.memref_slice %arg7[%add3A_145, %dma_wait3A_146] : memref<10240x128xf32, #tpu.memory_space<hbm>> -> memref<128x128xf32, #tpu.memory_space<hbm>>
      %dma_wait3A_148 = arith.constant 0 : i32
      %dma_wait3A_149 = tpu.memref_slice %arg7[%add3A_145, %dma_wait3A_148] : memref<10240x128xf32, #tpu.memory_space<hbm>> -> memref<128x128xf32, #tpu.memory_space<hbm>>
      tpu.wait_dma2 semaphore(%arg15 : memref<!tpu.dma_semaphore, #tpu.memory_space<semaphore_mem>>) src(%arg13 : memref<128x128xf32, #tpu.memory_space<vmem>>) dst(%dma_wait3A_149 : memref<128x128xf32, #tpu.memory_space<hbm>>)
      %add3A_150 = arith.constant 512 : i32
      %add3A_151 = arith.addi %mul3A_0, %add3A_150 : i32
      %dma_wait3A_152 = arith.constant 0 : i32
      %dma_wait3A_153 = tpu.memref_slice %arg7[%add3A_151, %dma_wait3A_152] : memref<10240x128xf32, #tpu.memory_space<hbm>> -> memref<128x128xf32, #tpu.memory_space<hbm>>
      %dma_wait3A_154 = arith.constant 0 : i32
      %dma_wait3A_155 = tpu.memref_slice %arg7[%add3A_151, %dma_wait3A_154] : memref<10240x128xf32, #tpu.memory_space<hbm>> -> memref<128x128xf32, #tpu.memory_space<hbm>>
      tpu.wait_dma2 semaphore(%arg14 : memref<!tpu.dma_semaphore, #tpu.memory_space<semaphore_mem>>) src(%arg12 : memref<128x128xf32, #tpu.memory_space<vmem>>) dst(%dma_wait3A_155 : memref<128x128xf32, #tpu.memory_space<hbm>>)
    } else {
    }
    %eq3A_12 = arith.constant 1 : i32
    %eq3A_13 = arith.cmpi eq, %arg0, %eq3A_12 : i32
    %convert_element_type3A_14 = arith.extui %eq3A_13 : i1 to i32
    %cond3A_15 = arith.constant 0 : i32
    %cond3A_16 = arith.cmpi ne, %convert_element_type3A_14, %cond3A_15 : i32
    scf.if %cond3A_16 {
      %run_scoped3A = arith.constant 0 : i32
      "tpu.region"() ({
        %run_scoped3A_156 = tpu.sem_alloc : memref<!tpu.dma_semaphore, #tpu.memory_space<semaphore_mem>>
        %dma_start3A_157 = arith.constant 0 : i32
        %dma_start3A_158 = arith.constant 0 : i32
        %dma_start3A_159 = arith.constant 0 : i32
        %dma_start3A_160 = tpu.memref_slice %arg2[%arg1, %dma_start3A_157, %dma_start3A_158, %dma_start3A_159] : memref<16x2x40x128xi32, #tpu.memory_space<hbm>> -> memref<1x2x40x128xi32, #tpu.memory_space<hbm>>
        %dma_start3A_161 = tpu.memref_squeeze %dma_start3A_160 : memref<1x2x40x128xi32, #tpu.memory_space<hbm>> -> memref<2x40x128xi32, #tpu.memory_space<hbm>>
        %dma_start3A_162 = arith.constant 0 : i32
        %dma_start3A_163 = arith.constant 0 : i32
        %dma_start3A_164 = tpu.memref_slice %dma_start3A_161[%run_scoped3A, %dma_start3A_162, %dma_start3A_163] : memref<2x40x128xi32, #tpu.memory_space<hbm>> -> memref<1x40x128xi32, #tpu.memory_space<hbm>>
        %dma_start3A_165 = tpu.memref_squeeze %dma_start3A_164 : memref<1x40x128xi32, #tpu.memory_space<hbm>> -> memref<40x128xi32, #tpu.memory_space<hbm>>
        %dma_start3A_166 = arith.constant 0 : i32
        %dma_start3A_167 = arith.constant 0 : i32
        %dma_start3A_168 = arith.constant 0 : i32
        %dma_start3A_169 = tpu.memref_slice %arg2[%arg1, %dma_start3A_166, %dma_start3A_167, %dma_start3A_168] : memref<16x2x40x128xi32, #tpu.memory_space<hbm>> -> memref<1x2x40x128xi32, #tpu.memory_space<hbm>>
        %dma_start3A_170 = tpu.memref_squeeze %dma_start3A_169 : memref<1x2x40x128xi32, #tpu.memory_space<hbm>> -> memref<2x40x128xi32, #tpu.memory_space<hbm>>
        %dma_start3A_171 = arith.constant 0 : i32
        %dma_start3A_172 = arith.constant 0 : i32
        %dma_start3A_173 = tpu.memref_slice %dma_start3A_170[%run_scoped3A, %dma_start3A_171, %dma_start3A_172] : memref<2x40x128xi32, #tpu.memory_space<hbm>> -> memref<1x40x128xi32, #tpu.memory_space<hbm>>
        %dma_start3A_174 = tpu.memref_squeeze %dma_start3A_173 : memref<1x40x128xi32, #tpu.memory_space<hbm>> -> memref<40x128xi32, #tpu.memory_space<hbm>>
        tpu.enqueue_dma source(%dma_start3A_174 : memref<40x128xi32, #tpu.memory_space<hbm>>) target(%arg10 : memref<40x128xi32, #tpu.memory_space<vmem>>) target_semaphore(%run_scoped3A_156 : memref<!tpu.dma_semaphore, #tpu.memory_space<semaphore_mem>>)
        %dma_wait3A_175 = arith.constant 0 : i32
        %dma_wait3A_176 = arith.constant 0 : i32
        %dma_wait3A_177 = arith.constant 0 : i32
        %dma_wait3A_178 = tpu.memref_slice %arg2[%arg1, %dma_wait3A_175, %dma_wait3A_176, %dma_wait3A_177] : memref<16x2x40x128xi32, #tpu.memory_space<hbm>> -> memref<1x2x40x128xi32, #tpu.memory_space<hbm>>
        %dma_wait3A_179 = tpu.memref_squeeze %dma_wait3A_178 : memref<1x2x40x128xi32, #tpu.memory_space<hbm>> -> memref<2x40x128xi32, #tpu.memory_space<hbm>>
        %dma_wait3A_180 = arith.constant 0 : i32
        %dma_wait3A_181 = arith.constant 0 : i32
        %dma_wait3A_182 = tpu.memref_slice %dma_wait3A_179[%run_scoped3A, %dma_wait3A_180, %dma_wait3A_181] : memref<2x40x128xi32, #tpu.memory_space<hbm>> -> memref<1x40x128xi32, #tpu.memory_space<hbm>>
        %dma_wait3A_183 = tpu.memref_squeeze %dma_wait3A_182 : memref<1x40x128xi32, #tpu.memory_space<hbm>> -> memref<40x128xi32, #tpu.memory_space<hbm>>
        %dma_wait3A_184 = arith.constant 0 : i32
        %dma_wait3A_185 = arith.constant 0 : i32
        %dma_wait3A_186 = arith.constant 0 : i32
        %dma_wait3A_187 = tpu.memref_slice %arg2[%arg1, %dma_wait3A_184, %dma_wait3A_185, %dma_wait3A_186] : memref<16x2x40x128xi32, #tpu.memory_space<hbm>> -> memref<1x2x40x128xi32, #tpu.memory_space<hbm>>
        %dma_wait3A_188 = tpu.memref_squeeze %dma_wait3A_187 : memref<1x2x40x128xi32, #tpu.memory_space<hbm>> -> memref<2x40x128xi32, #tpu.memory_space<hbm>>
        %dma_wait3A_189 = arith.constant 0 : i32
        %dma_wait3A_190 = arith.constant 0 : i32
        %dma_wait3A_191 = tpu.memref_slice %dma_wait3A_188[%run_scoped3A, %dma_wait3A_189, %dma_wait3A_190] : memref<2x40x128xi32, #tpu.memory_space<hbm>> -> memref<1x40x128xi32, #tpu.memory_space<hbm>>
        %dma_wait3A_192 = tpu.memref_squeeze %dma_wait3A_191 : memref<1x40x128xi32, #tpu.memory_space<hbm>> -> memref<40x128xi32, #tpu.memory_space<hbm>>
        tpu.wait_dma2 semaphore(%run_scoped3A_156 : memref<!tpu.dma_semaphore, #tpu.memory_space<semaphore_mem>>) src(%dma_wait3A_192 : memref<40x128xi32, #tpu.memory_space<hbm>>) dst(%arg10 : memref<40x128xi32, #tpu.memory_space<vmem>>)
        tpu.yield
      }) : () -> ()
      %run_scoped3A_17 = arith.constant 0 : i32
      "tpu.region"() ({
        %run_scoped3A_156 = tpu.sem_alloc : memref<!tpu.dma_semaphore, #tpu.memory_space<semaphore_mem>>
        %dma_start3A_157 = arith.constant 0 : i32
        %dma_start3A_158 = arith.constant 0 : i32
        %dma_start3A_159 = arith.constant 0 : i32
        %dma_start3A_160 = tpu.memref_slice %arg3[%arg1, %dma_start3A_157, %dma_start3A_158, %dma_start3A_159] : memref<16x2x40x128xi32, #tpu.memory_space<hbm>> -> memref<1x2x40x128xi32, #tpu.memory_space<hbm>>
        %dma_start3A_161 = tpu.memref_squeeze %dma_start3A_160 : memref<1x2x40x128xi32, #tpu.memory_space<hbm>> -> memref<2x40x128xi32, #tpu.memory_space<hbm>>
        %dma_start3A_162 = arith.constant 0 : i32
        %dma_start3A_163 = arith.constant 0 : i32
        %dma_start3A_164 = tpu.memref_slice %dma_start3A_161[%run_scoped3A_17, %dma_start3A_162, %dma_start3A_163] : memref<2x40x128xi32, #tpu.memory_space<hbm>> -> memref<1x40x128xi32, #tpu.memory_space<hbm>>
        %dma_start3A_165 = tpu.memref_squeeze %dma_start3A_164 : memref<1x40x128xi32, #tpu.memory_space<hbm>> -> memref<40x128xi32, #tpu.memory_space<hbm>>
        %dma_start3A_166 = arith.constant 0 : i32
        %dma_start3A_167 = arith.constant 0 : i32
        %dma_start3A_168 = arith.constant 0 : i32
        %dma_start3A_169 = tpu.memref_slice %arg3[%arg1, %dma_start3A_166, %dma_start3A_167, %dma_start3A_168] : memref<16x2x40x128xi32, #tpu.memory_space<hbm>> -> memref<1x2x40x128xi32, #tpu.memory_space<hbm>>
        %dma_start3A_170 = tpu.memref_squeeze %dma_start3A_169 : memref<1x2x40x128xi32, #tpu.memory_space<hbm>> -> memref<2x40x128xi32, #tpu.memory_space<hbm>>
        %dma_start3A_171 = arith.constant 0 : i32
        %dma_start3A_172 = arith.constant 0 : i32
        %dma_start3A_173 = tpu.memref_slice %dma_start3A_170[%run_scoped3A_17, %dma_start3A_171, %dma_start3A_172] : memref<2x40x128xi32, #tpu.memory_space<hbm>> -> memref<1x40x128xi32, #tpu.memory_space<hbm>>
        %dma_start3A_174 = tpu.memref_squeeze %dma_start3A_173 : memref<1x40x128xi32, #tpu.memory_space<hbm>> -> memref<40x128xi32, #tpu.memory_space<hbm>>
        tpu.enqueue_dma source(%dma_start3A_174 : memref<40x128xi32, #tpu.memory_space<hbm>>) target(%arg11 : memref<40x128xi32, #tpu.memory_space<vmem>>) target_semaphore(%run_scoped3A_156 : memref<!tpu.dma_semaphore, #tpu.memory_space<semaphore_mem>>)
        %dma_wait3A_175 = arith.constant 0 : i32
        %dma_wait3A_176 = arith.constant 0 : i32
        %dma_wait3A_177 = arith.constant 0 : i32
        %dma_wait3A_178 = tpu.memref_slice %arg3[%arg1, %dma_wait3A_175, %dma_wait3A_176, %dma_wait3A_177] : memref<16x2x40x128xi32, #tpu.memory_space<hbm>> -> memref<1x2x40x128xi32, #tpu.memory_space<hbm>>
        %dma_wait3A_179 = tpu.memref_squeeze %dma_wait3A_178 : memref<1x2x40x128xi32, #tpu.memory_space<hbm>> -> memref<2x40x128xi32, #tpu.memory_space<hbm>>
        %dma_wait3A_180 = arith.constant 0 : i32
        %dma_wait3A_181 = arith.constant 0 : i32
        %dma_wait3A_182 = tpu.memref_slice %dma_wait3A_179[%run_scoped3A_17, %dma_wait3A_180, %dma_wait3A_181] : memref<2x40x128xi32, #tpu.memory_space<hbm>> -> memref<1x40x128xi32, #tpu.memory_space<hbm>>
        %dma_wait3A_183 = tpu.memref_squeeze %dma_wait3A_182 : memref<1x40x128xi32, #tpu.memory_space<hbm>> -> memref<40x128xi32, #tpu.memory_space<hbm>>
        %dma_wait3A_184 = arith.constant 0 : i32
        %dma_wait3A_185 = arith.constant 0 : i32
        %dma_wait3A_186 = arith.constant 0 : i32
        %dma_wait3A_187 = tpu.memref_slice %arg3[%arg1, %dma_wait3A_184, %dma_wait3A_185, %dma_wait3A_186] : memref<16x2x40x128xi32, #tpu.memory_space<hbm>> -> memref<1x2x40x128xi32, #tpu.memory_space<hbm>>
        %dma_wait3A_188 = tpu.memref_squeeze %dma_wait3A_187 : memref<1x2x40x128xi32, #tpu.memory_space<hbm>> -> memref<2x40x128xi32, #tpu.memory_space<hbm>>
        %dma_wait3A_189 = arith.constant 0 : i32
        %dma_wait3A_190 = arith.constant 0 : i32
        %dma_wait3A_191 = tpu.memref_slice %dma_wait3A_188[%run_scoped3A_17, %dma_wait3A_189, %dma_wait3A_190] : memref<2x40x128xi32, #tpu.memory_space<hbm>> -> memref<1x40x128xi32, #tpu.memory_space<hbm>>
        %dma_wait3A_192 = tpu.memref_squeeze %dma_wait3A_191 : memref<1x40x128xi32, #tpu.memory_space<hbm>> -> memref<40x128xi32, #tpu.memory_space<hbm>>
        tpu.wait_dma2 semaphore(%run_scoped3A_156 : memref<!tpu.dma_semaphore, #tpu.memory_space<semaphore_mem>>) src(%dma_wait3A_192 : memref<40x128xi32, #tpu.memory_space<hbm>>) dst(%arg11 : memref<40x128xi32, #tpu.memory_space<vmem>>)
        tpu.yield
      }) : () -> ()
      %dma_start3A = arith.constant 0 : i32
      %dma_start3A_18 = arith.constant 0 : i32
      %dma_start3A_19 = tpu.memref_slice %arg10[%dma_start3A, %dma_start3A_18] : memref<40x128xi32, #tpu.memory_space<vmem>> -> memref<1x128xi32, #tpu.memory_space<vmem>>
      %dma_start3A_20 = tpu.memref_squeeze %dma_start3A_19 : memref<1x128xi32, #tpu.memory_space<vmem>> -> memref<128xi32, #tpu.memory_space<vmem>>
      %dma_start3A_21 = arith.constant 0 : i32
      %dma_start3A_22 = arith.constant 0 : i32
      %dma_start3A_23 = tpu.memref_slice %arg5[%dma_start3A_21, %dma_start3A_22] : memref<10000x128xf32, #tpu.memory_space<hbm>> -> memref<10000x128xf32, #tpu.memory_space<hbm>>
      tpu.enqueue_indirect_dma source(%dma_start3A_23 : memref<10000x128xf32, #tpu.memory_space<hbm>>) target(%arg12 : memref<128x128xf32, #tpu.memory_space<vmem>>) offsets(%dma_start3A_20 : memref<128xi32, #tpu.memory_space<vmem>>) semaphore(%arg14 : memref<!tpu.dma_semaphore, #tpu.memory_space<semaphore_mem>>)
      %dma_start3A_24 = arith.constant 1 : i32
      %dma_start3A_25 = arith.constant 0 : i32
      %dma_start3A_26 = tpu.memref_slice %arg10[%dma_start3A_24, %dma_start3A_25] : memref<40x128xi32, #tpu.memory_space<vmem>> -> memref<1x128xi32, #tpu.memory_space<vmem>>
      %dma_start3A_27 = tpu.memref_squeeze %dma_start3A_26 : memref<1x128xi32, #tpu.memory_space<vmem>> -> memref<128xi32, #tpu.memory_space<vmem>>
      %dma_start3A_28 = arith.constant 0 : i32
      %dma_start3A_29 = arith.constant 0 : i32
      %dma_start3A_30 = tpu.memref_slice %arg5[%dma_start3A_28, %dma_start3A_29] : memref<10000x128xf32, #tpu.memory_space<hbm>> -> memref<10000x128xf32, #tpu.memory_space<hbm>>
      tpu.enqueue_indirect_dma source(%dma_start3A_30 : memref<10000x128xf32, #tpu.memory_space<hbm>>) target(%arg13 : memref<128x128xf32, #tpu.memory_space<vmem>>) offsets(%dma_start3A_27 : memref<128xi32, #tpu.memory_space<vmem>>) semaphore(%arg15 : memref<!tpu.dma_semaphore, #tpu.memory_space<semaphore_mem>>)
      %scan3A = arith.constant 0 : i32
      %scan3A_31 = arith.constant 0 : i32
      %scan3A_32 = arith.constant 20 : i32
      %scan3A_33 = arith.addi %scan3A_31, %scan3A_32 : i32
      %scan3A_34 = arith.constant 1 : i32
      scf.for %scan3A_156 = %scan3A_31 to %scan3A_33 step %scan3A_34  : i32 {
        %mul3A_157 = arith.constant 2 : i32
        %mul3A_158 = arith.muli %scan3A_156, %mul3A_157 : i32
        %add3A_159 = arith.constant 0 : i32
        %add3A_160 = arith.addi %mul3A_158, %add3A_159 : i32
        %dma_wait3A_161 = arith.constant 0 : i32
        %dma_wait3A_162 = tpu.memref_slice %arg10[%add3A_160, %dma_wait3A_161] : memref<40x128xi32, #tpu.memory_space<vmem>> -> memref<1x128xi32, #tpu.memory_space<vmem>>
        %dma_wait3A_163 = tpu.memref_squeeze %dma_wait3A_162 : memref<1x128xi32, #tpu.memory_space<vmem>> -> memref<128xi32, #tpu.memory_space<vmem>>
        %dma_wait3A_164 = arith.constant 0 : i32
        %dma_wait3A_165 = arith.constant 0 : i32
        %dma_wait3A_166 = tpu.memref_slice %arg5[%dma_wait3A_164, %dma_wait3A_165] : memref<10000x128xf32, #tpu.memory_space<hbm>> -> memref<10000x128xf32, #tpu.memory_space<hbm>>
        tpu.wait_indirect_dma semaphore(%arg14 : memref<!tpu.dma_semaphore, #tpu.memory_space<semaphore_mem>>) src(%dma_wait3A_166 : memref<10000x128xf32, #tpu.memory_space<hbm>>) dst(%arg12 : memref<128x128xf32, #tpu.memory_space<vmem>>)
        %dma_start3A_167 = arith.constant 0 : i32
        %dma_start3A_168 = tpu.memref_slice %arg11[%add3A_160, %dma_start3A_167] : memref<40x128xi32, #tpu.memory_space<vmem>> -> memref<1x128xi32, #tpu.memory_space<vmem>>
        %dma_start3A_169 = tpu.memref_squeeze %dma_start3A_168 : memref<1x128xi32, #tpu.memory_space<vmem>> -> memref<128xi32, #tpu.memory_space<vmem>>
        %dma_start3A_170 = arith.constant 0 : i32
        %dma_start3A_171 = arith.constant 0 : i32
        %dma_start3A_172 = tpu.memref_slice %arg9[%dma_start3A_170, %dma_start3A_171] : memref<10240x128xf32, #tpu.memory_space<vmem_shared>> -> memref<10240x128xf32, #tpu.memory_space<vmem_shared>>
        tpu.enqueue_indirect_dma source(%arg12 : memref<128x128xf32, #tpu.memory_space<vmem>>) target(%dma_start3A_172 : memref<10240x128xf32, #tpu.memory_space<vmem_shared>>) offsets(%dma_start3A_169 : memref<128xi32, #tpu.memory_space<vmem>>) semaphore(%arg16 : memref<!tpu.dma_semaphore, #tpu.memory_space<semaphore_mem>>) {add = true}
        %add3A_173 = arith.constant 1 : i32
        %add3A_174 = arith.addi %mul3A_158, %add3A_173 : i32
        %dma_wait3A_175 = arith.constant 0 : i32
        %dma_wait3A_176 = tpu.memref_slice %arg10[%add3A_174, %dma_wait3A_175] : memref<40x128xi32, #tpu.memory_space<vmem>> -> memref<1x128xi32, #tpu.memory_space<vmem>>
        %dma_wait3A_177 = tpu.memref_squeeze %dma_wait3A_176 : memref<1x128xi32, #tpu.memory_space<vmem>> -> memref<128xi32, #tpu.memory_space<vmem>>
        %dma_wait3A_178 = arith.constant 0 : i32
        %dma_wait3A_179 = arith.constant 0 : i32
        %dma_wait3A_180 = tpu.memref_slice %arg5[%dma_wait3A_178, %dma_wait3A_179] : memref<10000x128xf32, #tpu.memory_space<hbm>> -> memref<10000x128xf32, #tpu.memory_space<hbm>>
        tpu.wait_indirect_dma semaphore(%arg15 : memref<!tpu.dma_semaphore, #tpu.memory_space<semaphore_mem>>) src(%dma_wait3A_180 : memref<10000x128xf32, #tpu.memory_space<hbm>>) dst(%arg13 : memref<128x128xf32, #tpu.memory_space<vmem>>)
        %dma_start3A_181 = arith.constant 0 : i32
        %dma_start3A_182 = tpu.memref_slice %arg11[%add3A_174, %dma_start3A_181] : memref<40x128xi32, #tpu.memory_space<vmem>> -> memref<1x128xi32, #tpu.memory_space<vmem>>
        %dma_start3A_183 = tpu.memref_squeeze %dma_start3A_182 : memref<1x128xi32, #tpu.memory_space<vmem>> -> memref<128xi32, #tpu.memory_space<vmem>>
        %dma_start3A_184 = arith.constant 0 : i32
        %dma_start3A_185 = arith.constant 0 : i32
        %dma_start3A_186 = tpu.memref_slice %arg9[%dma_start3A_184, %dma_start3A_185] : memref<10240x128xf32, #tpu.memory_space<vmem_shared>> -> memref<10240x128xf32, #tpu.memory_space<vmem_shared>>
        tpu.enqueue_indirect_dma source(%arg13 : memref<128x128xf32, #tpu.memory_space<vmem>>) target(%dma_start3A_186 : memref<10240x128xf32, #tpu.memory_space<vmem_shared>>) offsets(%dma_start3A_183 : memref<128xi32, #tpu.memory_space<vmem>>) semaphore(%arg17 : memref<!tpu.dma_semaphore, #tpu.memory_space<semaphore_mem>>) {add = true}
        %add3A_187 = arith.constant 0 : i32
        %add3A_188 = arith.addi %mul3A_158, %add3A_187 : i32
        %add3A_189 = arith.constant 2 : i32
        %add3A_190 = arith.addi %add3A_188, %add3A_189 : i32
        %lt3A = arith.constant 40 : i32
        %lt3A_191 = arith.cmpi slt, %add3A_190, %lt3A : i32
        %convert_element_type3A_192 = arith.extui %lt3A_191 : i1 to i32
        %cond3A_193 = arith.constant 0 : i32
        %cond3A_194 = arith.cmpi ne, %convert_element_type3A_192, %cond3A_193 : i32
        scf.if %cond3A_194 {
          %dma_wait3A_204 = arith.constant 0 : i32
          %dma_wait3A_205 = tpu.memref_slice %arg11[%add3A_188, %dma_wait3A_204] : memref<40x128xi32, #tpu.memory_space<vmem>> -> memref<1x128xi32, #tpu.memory_space<vmem>>
          %dma_wait3A_206 = tpu.memref_squeeze %dma_wait3A_205 : memref<1x128xi32, #tpu.memory_space<vmem>> -> memref<128xi32, #tpu.memory_space<vmem>>
          %dma_wait3A_207 = arith.constant 0 : i32
          %dma_wait3A_208 = arith.constant 0 : i32
          %dma_wait3A_209 = tpu.memref_slice %arg9[%dma_wait3A_207, %dma_wait3A_208] : memref<10240x128xf32, #tpu.memory_space<vmem_shared>> -> memref<10240x128xf32, #tpu.memory_space<vmem_shared>>
          tpu.wait_indirect_dma semaphore(%arg16 : memref<!tpu.dma_semaphore, #tpu.memory_space<semaphore_mem>>) src(%arg12 : memref<128x128xf32, #tpu.memory_space<vmem>>) dst(%dma_wait3A_209 : memref<10240x128xf32, #tpu.memory_space<vmem_shared>>)
          %add3A_210 = arith.constant 2 : i32
          %add3A_211 = arith.addi %add3A_188, %add3A_210 : i32
          %dma_start3A_212 = arith.constant 0 : i32
          %dma_start3A_213 = tpu.memref_slice %arg10[%add3A_211, %dma_start3A_212] : memref<40x128xi32, #tpu.memory_space<vmem>> -> memref<1x128xi32, #tpu.memory_space<vmem>>
          %dma_start3A_214 = tpu.memref_squeeze %dma_start3A_213 : memref<1x128xi32, #tpu.memory_space<vmem>> -> memref<128xi32, #tpu.memory_space<vmem>>
          %dma_start3A_215 = arith.constant 0 : i32
          %dma_start3A_216 = arith.constant 0 : i32
          %dma_start3A_217 = tpu.memref_slice %arg5[%dma_start3A_215, %dma_start3A_216] : memref<10000x128xf32, #tpu.memory_space<hbm>> -> memref<10000x128xf32, #tpu.memory_space<hbm>>
          tpu.enqueue_indirect_dma source(%dma_start3A_217 : memref<10000x128xf32, #tpu.memory_space<hbm>>) target(%arg12 : memref<128x128xf32, #tpu.memory_space<vmem>>) offsets(%dma_start3A_214 : memref<128xi32, #tpu.memory_space<vmem>>) semaphore(%arg14 : memref<!tpu.dma_semaphore, #tpu.memory_space<semaphore_mem>>)
        } else {
        }
        %add3A_195 = arith.constant 1 : i32
        %add3A_196 = arith.addi %mul3A_158, %add3A_195 : i32
        %add3A_197 = arith.constant 2 : i32
        %add3A_198 = arith.addi %add3A_196, %add3A_197 : i32
        %lt3A_199 = arith.constant 40 : i32
        %lt3A_200 = arith.cmpi slt, %add3A_198, %lt3A_199 : i32
        %convert_element_type3A_201 = arith.extui %lt3A_200 : i1 to i32
        %cond3A_202 = arith.constant 0 : i32
        %cond3A_203 = arith.cmpi ne, %convert_element_type3A_201, %cond3A_202 : i32
        scf.if %cond3A_203 {
          %dma_wait3A_204 = arith.constant 0 : i32
          %dma_wait3A_205 = tpu.memref_slice %arg11[%add3A_196, %dma_wait3A_204] : memref<40x128xi32, #tpu.memory_space<vmem>> -> memref<1x128xi32, #tpu.memory_space<vmem>>
          %dma_wait3A_206 = tpu.memref_squeeze %dma_wait3A_205 : memref<1x128xi32, #tpu.memory_space<vmem>> -> memref<128xi32, #tpu.memory_space<vmem>>
          %dma_wait3A_207 = arith.constant 0 : i32
          %dma_wait3A_208 = arith.constant 0 : i32
          %dma_wait3A_209 = tpu.memref_slice %arg9[%dma_wait3A_207, %dma_wait3A_208] : memref<10240x128xf32, #tpu.memory_space<vmem_shared>> -> memref<10240x128xf32, #tpu.memory_space<vmem_shared>>
          tpu.wait_indirect_dma semaphore(%arg17 : memref<!tpu.dma_semaphore, #tpu.memory_space<semaphore_mem>>) src(%arg13 : memref<128x128xf32, #tpu.memory_space<vmem>>) dst(%dma_wait3A_209 : memref<10240x128xf32, #tpu.memory_space<vmem_shared>>)
          %add3A_210 = arith.constant 2 : i32
          %add3A_211 = arith.addi %add3A_196, %add3A_210 : i32
          %dma_start3A_212 = arith.constant 0 : i32
          %dma_start3A_213 = tpu.memref_slice %arg10[%add3A_211, %dma_start3A_212] : memref<40x128xi32, #tpu.memory_space<vmem>> -> memref<1x128xi32, #tpu.memory_space<vmem>>
          %dma_start3A_214 = tpu.memref_squeeze %dma_start3A_213 : memref<1x128xi32, #tpu.memory_space<vmem>> -> memref<128xi32, #tpu.memory_space<vmem>>
          %dma_start3A_215 = arith.constant 0 : i32
          %dma_start3A_216 = arith.constant 0 : i32
          %dma_start3A_217 = tpu.memref_slice %arg5[%dma_start3A_215, %dma_start3A_216] : memref<10000x128xf32, #tpu.memory_space<hbm>> -> memref<10000x128xf32, #tpu.memory_space<hbm>>
          tpu.enqueue_indirect_dma source(%dma_start3A_217 : memref<10000x128xf32, #tpu.memory_space<hbm>>) target(%arg13 : memref<128x128xf32, #tpu.memory_space<vmem>>) offsets(%dma_start3A_214 : memref<128xi32, #tpu.memory_space<vmem>>) semaphore(%arg15 : memref<!tpu.dma_semaphore, #tpu.memory_space<semaphore_mem>>)
        } else {
        }
      }
      %scan3A_35 = arith.constant 20 : i32
      %dma_wait3A = arith.constant 38 : i32
      %dma_wait3A_36 = arith.constant 0 : i32
      %dma_wait3A_37 = tpu.memref_slice %arg11[%dma_wait3A, %dma_wait3A_36] : memref<40x128xi32, #tpu.memory_space<vmem>> -> memref<1x128xi32, #tpu.memory_space<vmem>>
      %dma_wait3A_38 = tpu.memref_squeeze %dma_wait3A_37 : memref<1x128xi32, #tpu.memory_space<vmem>> -> memref<128xi32, #tpu.memory_space<vmem>>
      %dma_wait3A_39 = arith.constant 0 : i32
      %dma_wait3A_40 = arith.constant 0 : i32
      %dma_wait3A_41 = tpu.memref_slice %arg9[%dma_wait3A_39, %dma_wait3A_40] : memref<10240x128xf32, #tpu.memory_space<vmem_shared>> -> memref<10240x128xf32, #tpu.memory_space<vmem_shared>>
      tpu.wait_indirect_dma semaphore(%arg16 : memref<!tpu.dma_semaphore, #tpu.memory_space<semaphore_mem>>) src(%arg12 : memref<128x128xf32, #tpu.memory_space<vmem>>) dst(%dma_wait3A_41 : memref<10240x128xf32, #tpu.memory_space<vmem_shared>>)
      %dma_wait3A_42 = arith.constant 39 : i32
      %dma_wait3A_43 = arith.constant 0 : i32
      %dma_wait3A_44 = tpu.memref_slice %arg11[%dma_wait3A_42, %dma_wait3A_43] : memref<40x128xi32, #tpu.memory_space<vmem>> -> memref<1x128xi32, #tpu.memory_space<vmem>>
      %dma_wait3A_45 = tpu.memref_squeeze %dma_wait3A_44 : memref<1x128xi32, #tpu.memory_space<vmem>> -> memref<128xi32, #tpu.memory_space<vmem>>
      %dma_wait3A_46 = arith.constant 0 : i32
      %dma_wait3A_47 = arith.constant 0 : i32
      %dma_wait3A_48 = tpu.memref_slice %arg9[%dma_wait3A_46, %dma_wait3A_47] : memref<10240x128xf32, #tpu.memory_space<vmem_shared>> -> memref<10240x128xf32, #tpu.memory_space<vmem_shared>>
      tpu.wait_indirect_dma semaphore(%arg17 : memref<!tpu.dma_semaphore, #tpu.memory_space<semaphore_mem>>) src(%arg13 : memref<128x128xf32, #tpu.memory_space<vmem>>) dst(%dma_wait3A_48 : memref<10240x128xf32, #tpu.memory_space<vmem_shared>>)
      %run_scoped3A_49 = arith.constant 1 : i32
      "tpu.region"() ({
        %run_scoped3A_156 = tpu.sem_alloc : memref<!tpu.dma_semaphore, #tpu.memory_space<semaphore_mem>>
        %dma_start3A_157 = arith.constant 0 : i32
        %dma_start3A_158 = arith.constant 0 : i32
        %dma_start3A_159 = arith.constant 0 : i32
        %dma_start3A_160 = tpu.memref_slice %arg2[%arg1, %dma_start3A_157, %dma_start3A_158, %dma_start3A_159] : memref<16x2x40x128xi32, #tpu.memory_space<hbm>> -> memref<1x2x40x128xi32, #tpu.memory_space<hbm>>
        %dma_start3A_161 = tpu.memref_squeeze %dma_start3A_160 : memref<1x2x40x128xi32, #tpu.memory_space<hbm>> -> memref<2x40x128xi32, #tpu.memory_space<hbm>>
        %dma_start3A_162 = arith.constant 0 : i32
        %dma_start3A_163 = arith.constant 0 : i32
        %dma_start3A_164 = tpu.memref_slice %dma_start3A_161[%run_scoped3A_49, %dma_start3A_162, %dma_start3A_163] : memref<2x40x128xi32, #tpu.memory_space<hbm>> -> memref<1x40x128xi32, #tpu.memory_space<hbm>>
        %dma_start3A_165 = tpu.memref_squeeze %dma_start3A_164 : memref<1x40x128xi32, #tpu.memory_space<hbm>> -> memref<40x128xi32, #tpu.memory_space<hbm>>
        %dma_start3A_166 = arith.constant 0 : i32
        %dma_start3A_167 = arith.constant 0 : i32
        %dma_start3A_168 = arith.constant 0 : i32
        %dma_start3A_169 = tpu.memref_slice %arg2[%arg1, %dma_start3A_166, %dma_start3A_167, %dma_start3A_168] : memref<16x2x40x128xi32, #tpu.memory_space<hbm>> -> memref<1x2x40x128xi32, #tpu.memory_space<hbm>>
        %dma_start3A_170 = tpu.memref_squeeze %dma_start3A_169 : memref<1x2x40x128xi32, #tpu.memory_space<hbm>> -> memref<2x40x128xi32, #tpu.memory_space<hbm>>
        %dma_start3A_171 = arith.constant 0 : i32
        %dma_start3A_172 = arith.constant 0 : i32
        %dma_start3A_173 = tpu.memref_slice %dma_start3A_170[%run_scoped3A_49, %dma_start3A_171, %dma_start3A_172] : memref<2x40x128xi32, #tpu.memory_space<hbm>> -> memref<1x40x128xi32, #tpu.memory_space<hbm>>
        %dma_start3A_174 = tpu.memref_squeeze %dma_start3A_173 : memref<1x40x128xi32, #tpu.memory_space<hbm>> -> memref<40x128xi32, #tpu.memory_space<hbm>>
        tpu.enqueue_dma source(%dma_start3A_174 : memref<40x128xi32, #tpu.memory_space<hbm>>) target(%arg10 : memref<40x128xi32, #tpu.memory_space<vmem>>) target_semaphore(%run_scoped3A_156 : memref<!tpu.dma_semaphore, #tpu.memory_space<semaphore_mem>>)
        %dma_wait3A_175 = arith.constant 0 : i32
        %dma_wait3A_176 = arith.constant 0 : i32
        %dma_wait3A_177 = arith.constant 0 : i32
        %dma_wait3A_178 = tpu.memref_slice %arg2[%arg1, %dma_wait3A_175, %dma_wait3A_176, %dma_wait3A_177] : memref<16x2x40x128xi32, #tpu.memory_space<hbm>> -> memref<1x2x40x128xi32, #tpu.memory_space<hbm>>
        %dma_wait3A_179 = tpu.memref_squeeze %dma_wait3A_178 : memref<1x2x40x128xi32, #tpu.memory_space<hbm>> -> memref<2x40x128xi32, #tpu.memory_space<hbm>>
        %dma_wait3A_180 = arith.constant 0 : i32
        %dma_wait3A_181 = arith.constant 0 : i32
        %dma_wait3A_182 = tpu.memref_slice %dma_wait3A_179[%run_scoped3A_49, %dma_wait3A_180, %dma_wait3A_181] : memref<2x40x128xi32, #tpu.memory_space<hbm>> -> memref<1x40x128xi32, #tpu.memory_space<hbm>>
        %dma_wait3A_183 = tpu.memref_squeeze %dma_wait3A_182 : memref<1x40x128xi32, #tpu.memory_space<hbm>> -> memref<40x128xi32, #tpu.memory_space<hbm>>
        %dma_wait3A_184 = arith.constant 0 : i32
        %dma_wait3A_185 = arith.constant 0 : i32
        %dma_wait3A_186 = arith.constant 0 : i32
        %dma_wait3A_187 = tpu.memref_slice %arg2[%arg1, %dma_wait3A_184, %dma_wait3A_185, %dma_wait3A_186] : memref<16x2x40x128xi32, #tpu.memory_space<hbm>> -> memref<1x2x40x128xi32, #tpu.memory_space<hbm>>
        %dma_wait3A_188 = tpu.memref_squeeze %dma_wait3A_187 : memref<1x2x40x128xi32, #tpu.memory_space<hbm>> -> memref<2x40x128xi32, #tpu.memory_space<hbm>>
        %dma_wait3A_189 = arith.constant 0 : i32
        %dma_wait3A_190 = arith.constant 0 : i32
        %dma_wait3A_191 = tpu.memref_slice %dma_wait3A_188[%run_scoped3A_49, %dma_wait3A_189, %dma_wait3A_190] : memref<2x40x128xi32, #tpu.memory_space<hbm>> -> memref<1x40x128xi32, #tpu.memory_space<hbm>>
        %dma_wait3A_192 = tpu.memref_squeeze %dma_wait3A_191 : memref<1x40x128xi32, #tpu.memory_space<hbm>> -> memref<40x128xi32, #tpu.memory_space<hbm>>
        tpu.wait_dma2 semaphore(%run_scoped3A_156 : memref<!tpu.dma_semaphore, #tpu.memory_space<semaphore_mem>>) src(%dma_wait3A_192 : memref<40x128xi32, #tpu.memory_space<hbm>>) dst(%arg10 : memref<40x128xi32, #tpu.memory_space<vmem>>)
        tpu.yield
      }) : () -> ()
      %run_scoped3A_50 = arith.constant 1 : i32
      "tpu.region"() ({
        %run_scoped3A_156 = tpu.sem_alloc : memref<!tpu.dma_semaphore, #tpu.memory_space<semaphore_mem>>
        %dma_start3A_157 = arith.constant 0 : i32
        %dma_start3A_158 = arith.constant 0 : i32
        %dma_start3A_159 = arith.constant 0 : i32
        %dma_start3A_160 = tpu.memref_slice %arg3[%arg1, %dma_start3A_157, %dma_start3A_158, %dma_start3A_159] : memref<16x2x40x128xi32, #tpu.memory_space<hbm>> -> memref<1x2x40x128xi32, #tpu.memory_space<hbm>>
        %dma_start3A_161 = tpu.memref_squeeze %dma_start3A_160 : memref<1x2x40x128xi32, #tpu.memory_space<hbm>> -> memref<2x40x128xi32, #tpu.memory_space<hbm>>
        %dma_start3A_162 = arith.constant 0 : i32
        %dma_start3A_163 = arith.constant 0 : i32
        %dma_start3A_164 = tpu.memref_slice %dma_start3A_161[%run_scoped3A_50, %dma_start3A_162, %dma_start3A_163] : memref<2x40x128xi32, #tpu.memory_space<hbm>> -> memref<1x40x128xi32, #tpu.memory_space<hbm>>
        %dma_start3A_165 = tpu.memref_squeeze %dma_start3A_164 : memref<1x40x128xi32, #tpu.memory_space<hbm>> -> memref<40x128xi32, #tpu.memory_space<hbm>>
        %dma_start3A_166 = arith.constant 0 : i32
        %dma_start3A_167 = arith.constant 0 : i32
        %dma_start3A_168 = arith.constant 0 : i32
        %dma_start3A_169 = tpu.memref_slice %arg3[%arg1, %dma_start3A_166, %dma_start3A_167, %dma_start3A_168] : memref<16x2x40x128xi32, #tpu.memory_space<hbm>> -> memref<1x2x40x128xi32, #tpu.memory_space<hbm>>
        %dma_start3A_170 = tpu.memref_squeeze %dma_start3A_169 : memref<1x2x40x128xi32, #tpu.memory_space<hbm>> -> memref<2x40x128xi32, #tpu.memory_space<hbm>>
        %dma_start3A_171 = arith.constant 0 : i32
        %dma_start3A_172 = arith.constant 0 : i32
        %dma_start3A_173 = tpu.memref_slice %dma_start3A_170[%run_scoped3A_50, %dma_start3A_171, %dma_start3A_172] : memref<2x40x128xi32, #tpu.memory_space<hbm>> -> memref<1x40x128xi32, #tpu.memory_space<hbm>>
        %dma_start3A_174 = tpu.memref_squeeze %dma_start3A_173 : memref<1x40x128xi32, #tpu.memory_space<hbm>> -> memref<40x128xi32, #tpu.memory_space<hbm>>
        tpu.enqueue_dma source(%dma_start3A_174 : memref<40x128xi32, #tpu.memory_space<hbm>>) target(%arg11 : memref<40x128xi32, #tpu.memory_space<vmem>>) target_semaphore(%run_scoped3A_156 : memref<!tpu.dma_semaphore, #tpu.memory_space<semaphore_mem>>)
        %dma_wait3A_175 = arith.constant 0 : i32
        %dma_wait3A_176 = arith.constant 0 : i32
        %dma_wait3A_177 = arith.constant 0 : i32
        %dma_wait3A_178 = tpu.memref_slice %arg3[%arg1, %dma_wait3A_175, %dma_wait3A_176, %dma_wait3A_177] : memref<16x2x40x128xi32, #tpu.memory_space<hbm>> -> memref<1x2x40x128xi32, #tpu.memory_space<hbm>>
        %dma_wait3A_179 = tpu.memref_squeeze %dma_wait3A_178 : memref<1x2x40x128xi32, #tpu.memory_space<hbm>> -> memref<2x40x128xi32, #tpu.memory_space<hbm>>
        %dma_wait3A_180 = arith.constant 0 : i32
        %dma_wait3A_181 = arith.constant 0 : i32
        %dma_wait3A_182 = tpu.memref_slice %dma_wait3A_179[%run_scoped3A_50, %dma_wait3A_180, %dma_wait3A_181] : memref<2x40x128xi32, #tpu.memory_space<hbm>> -> memref<1x40x128xi32, #tpu.memory_space<hbm>>
        %dma_wait3A_183 = tpu.memref_squeeze %dma_wait3A_182 : memref<1x40x128xi32, #tpu.memory_space<hbm>> -> memref<40x128xi32, #tpu.memory_space<hbm>>
        %dma_wait3A_184 = arith.constant 0 : i32
        %dma_wait3A_185 = arith.constant 0 : i32
        %dma_wait3A_186 = arith.constant 0 : i32
        %dma_wait3A_187 = tpu.memref_slice %arg3[%arg1, %dma_wait3A_184, %dma_wait3A_185, %dma_wait3A_186] : memref<16x2x40x128xi32, #tpu.memory_space<hbm>> -> memref<1x2x40x128xi32, #tpu.memory_space<hbm>>
        %dma_wait3A_188 = tpu.memref_squeeze %dma_wait3A_187 : memref<1x2x40x128xi32, #tpu.memory_space<hbm>> -> memref<2x40x128xi32, #tpu.memory_space<hbm>>
        %dma_wait3A_189 = arith.constant 0 : i32
        %dma_wait3A_190 = arith.constant 0 : i32
        %dma_wait3A_191 = tpu.memref_slice %dma_wait3A_188[%run_scoped3A_50, %dma_wait3A_189, %dma_wait3A_190] : memref<2x40x128xi32, #tpu.memory_space<hbm>> -> memref<1x40x128xi32, #tpu.memory_space<hbm>>
        %dma_wait3A_192 = tpu.memref_squeeze %dma_wait3A_191 : memref<1x40x128xi32, #tpu.memory_space<hbm>> -> memref<40x128xi32, #tpu.memory_space<hbm>>
        tpu.wait_dma2 semaphore(%run_scoped3A_156 : memref<!tpu.dma_semaphore, #tpu.memory_space<semaphore_mem>>) src(%dma_wait3A_192 : memref<40x128xi32, #tpu.memory_space<hbm>>) dst(%arg11 : memref<40x128xi32, #tpu.memory_space<vmem>>)
        tpu.yield
      }) : () -> ()
      %dma_start3A_51 = arith.constant 0 : i32
      %dma_start3A_52 = arith.constant 0 : i32
      %dma_start3A_53 = tpu.memref_slice %arg10[%dma_start3A_51, %dma_start3A_52] : memref<40x128xi32, #tpu.memory_space<vmem>> -> memref<1x128xi32, #tpu.memory_space<vmem>>
      %dma_start3A_54 = tpu.memref_squeeze %dma_start3A_53 : memref<1x128xi32, #tpu.memory_space<vmem>> -> memref<128xi32, #tpu.memory_space<vmem>>
      %dma_start3A_55 = arith.constant 0 : i32
      %dma_start3A_56 = arith.constant 0 : i32
      %dma_start3A_57 = tpu.memref_slice %arg5[%dma_start3A_55, %dma_start3A_56] : memref<10000x128xf32, #tpu.memory_space<hbm>> -> memref<10000x128xf32, #tpu.memory_space<hbm>>
      tpu.enqueue_indirect_dma source(%dma_start3A_57 : memref<10000x128xf32, #tpu.memory_space<hbm>>) target(%arg12 : memref<128x128xf32, #tpu.memory_space<vmem>>) offsets(%dma_start3A_54 : memref<128xi32, #tpu.memory_space<vmem>>) semaphore(%arg14 : memref<!tpu.dma_semaphore, #tpu.memory_space<semaphore_mem>>)
      %dma_start3A_58 = arith.constant 1 : i32
      %dma_start3A_59 = arith.constant 0 : i32
      %dma_start3A_60 = tpu.memref_slice %arg10[%dma_start3A_58, %dma_start3A_59] : memref<40x128xi32, #tpu.memory_space<vmem>> -> memref<1x128xi32, #tpu.memory_space<vmem>>
      %dma_start3A_61 = tpu.memref_squeeze %dma_start3A_60 : memref<1x128xi32, #tpu.memory_space<vmem>> -> memref<128xi32, #tpu.memory_space<vmem>>
      %dma_start3A_62 = arith.constant 0 : i32
      %dma_start3A_63 = arith.constant 0 : i32
      %dma_start3A_64 = tpu.memref_slice %arg5[%dma_start3A_62, %dma_start3A_63] : memref<10000x128xf32, #tpu.memory_space<hbm>> -> memref<10000x128xf32, #tpu.memory_space<hbm>>
      tpu.enqueue_indirect_dma source(%dma_start3A_64 : memref<10000x128xf32, #tpu.memory_space<hbm>>) target(%arg13 : memref<128x128xf32, #tpu.memory_space<vmem>>) offsets(%dma_start3A_61 : memref<128xi32, #tpu.memory_space<vmem>>) semaphore(%arg15 : memref<!tpu.dma_semaphore, #tpu.memory_space<semaphore_mem>>)
      %scan3A_65 = arith.constant 0 : i32
      %scan3A_66 = arith.constant 0 : i32
      %scan3A_67 = arith.constant 20 : i32
      %scan3A_68 = arith.addi %scan3A_66, %scan3A_67 : i32
      %scan3A_69 = arith.constant 1 : i32
      scf.for %scan3A_156 = %scan3A_66 to %scan3A_68 step %scan3A_69  : i32 {
        %mul3A_157 = arith.constant 2 : i32
        %mul3A_158 = arith.muli %scan3A_156, %mul3A_157 : i32
        %add3A_159 = arith.constant 0 : i32
        %add3A_160 = arith.addi %mul3A_158, %add3A_159 : i32
        %dma_wait3A_161 = arith.constant 0 : i32
        %dma_wait3A_162 = tpu.memref_slice %arg10[%add3A_160, %dma_wait3A_161] : memref<40x128xi32, #tpu.memory_space<vmem>> -> memref<1x128xi32, #tpu.memory_space<vmem>>
        %dma_wait3A_163 = tpu.memref_squeeze %dma_wait3A_162 : memref<1x128xi32, #tpu.memory_space<vmem>> -> memref<128xi32, #tpu.memory_space<vmem>>
        %dma_wait3A_164 = arith.constant 0 : i32
        %dma_wait3A_165 = arith.constant 0 : i32
        %dma_wait3A_166 = tpu.memref_slice %arg5[%dma_wait3A_164, %dma_wait3A_165] : memref<10000x128xf32, #tpu.memory_space<hbm>> -> memref<10000x128xf32, #tpu.memory_space<hbm>>
        tpu.wait_indirect_dma semaphore(%arg14 : memref<!tpu.dma_semaphore, #tpu.memory_space<semaphore_mem>>) src(%dma_wait3A_166 : memref<10000x128xf32, #tpu.memory_space<hbm>>) dst(%arg12 : memref<128x128xf32, #tpu.memory_space<vmem>>)
        %dma_start3A_167 = arith.constant 0 : i32
        %dma_start3A_168 = tpu.memref_slice %arg11[%add3A_160, %dma_start3A_167] : memref<40x128xi32, #tpu.memory_space<vmem>> -> memref<1x128xi32, #tpu.memory_space<vmem>>
        %dma_start3A_169 = tpu.memref_squeeze %dma_start3A_168 : memref<1x128xi32, #tpu.memory_space<vmem>> -> memref<128xi32, #tpu.memory_space<vmem>>
        %dma_start3A_170 = arith.constant 0 : i32
        %dma_start3A_171 = arith.constant 0 : i32
        %dma_start3A_172 = tpu.memref_slice %arg9[%dma_start3A_170, %dma_start3A_171] : memref<10240x128xf32, #tpu.memory_space<vmem_shared>> -> memref<10240x128xf32, #tpu.memory_space<vmem_shared>>
        tpu.enqueue_indirect_dma source(%arg12 : memref<128x128xf32, #tpu.memory_space<vmem>>) target(%dma_start3A_172 : memref<10240x128xf32, #tpu.memory_space<vmem_shared>>) offsets(%dma_start3A_169 : memref<128xi32, #tpu.memory_space<vmem>>) semaphore(%arg16 : memref<!tpu.dma_semaphore, #tpu.memory_space<semaphore_mem>>) {add = true}
        %add3A_173 = arith.constant 1 : i32
        %add3A_174 = arith.addi %mul3A_158, %add3A_173 : i32
        %dma_wait3A_175 = arith.constant 0 : i32
        %dma_wait3A_176 = tpu.memref_slice %arg10[%add3A_174, %dma_wait3A_175] : memref<40x128xi32, #tpu.memory_space<vmem>> -> memref<1x128xi32, #tpu.memory_space<vmem>>
        %dma_wait3A_177 = tpu.memref_squeeze %dma_wait3A_176 : memref<1x128xi32, #tpu.memory_space<vmem>> -> memref<128xi32, #tpu.memory_space<vmem>>
        %dma_wait3A_178 = arith.constant 0 : i32
        %dma_wait3A_179 = arith.constant 0 : i32
        %dma_wait3A_180 = tpu.memref_slice %arg5[%dma_wait3A_178, %dma_wait3A_179] : memref<10000x128xf32, #tpu.memory_space<hbm>> -> memref<10000x128xf32, #tpu.memory_space<hbm>>
        tpu.wait_indirect_dma semaphore(%arg15 : memref<!tpu.dma_semaphore, #tpu.memory_space<semaphore_mem>>) src(%dma_wait3A_180 : memref<10000x128xf32, #tpu.memory_space<hbm>>) dst(%arg13 : memref<128x128xf32, #tpu.memory_space<vmem>>)
        %dma_start3A_181 = arith.constant 0 : i32
        %dma_start3A_182 = tpu.memref_slice %arg11[%add3A_174, %dma_start3A_181] : memref<40x128xi32, #tpu.memory_space<vmem>> -> memref<1x128xi32, #tpu.memory_space<vmem>>
        %dma_start3A_183 = tpu.memref_squeeze %dma_start3A_182 : memref<1x128xi32, #tpu.memory_space<vmem>> -> memref<128xi32, #tpu.memory_space<vmem>>
        %dma_start3A_184 = arith.constant 0 : i32
        %dma_start3A_185 = arith.constant 0 : i32
        %dma_start3A_186 = tpu.memref_slice %arg9[%dma_start3A_184, %dma_start3A_185] : memref<10240x128xf32, #tpu.memory_space<vmem_shared>> -> memref<10240x128xf32, #tpu.memory_space<vmem_shared>>
        tpu.enqueue_indirect_dma source(%arg13 : memref<128x128xf32, #tpu.memory_space<vmem>>) target(%dma_start3A_186 : memref<10240x128xf32, #tpu.memory_space<vmem_shared>>) offsets(%dma_start3A_183 : memref<128xi32, #tpu.memory_space<vmem>>) semaphore(%arg17 : memref<!tpu.dma_semaphore, #tpu.memory_space<semaphore_mem>>) {add = true}
        %add3A_187 = arith.constant 0 : i32
        %add3A_188 = arith.addi %mul3A_158, %add3A_187 : i32
        %add3A_189 = arith.constant 2 : i32
        %add3A_190 = arith.addi %add3A_188, %add3A_189 : i32
        %lt3A = arith.constant 40 : i32
        %lt3A_191 = arith.cmpi slt, %add3A_190, %lt3A : i32
        %convert_element_type3A_192 = arith.extui %lt3A_191 : i1 to i32
        %cond3A_193 = arith.constant 0 : i32
        %cond3A_194 = arith.cmpi ne, %convert_element_type3A_192, %cond3A_193 : i32
        scf.if %cond3A_194 {
          %dma_wait3A_204 = arith.constant 0 : i32
          %dma_wait3A_205 = tpu.memref_slice %arg11[%add3A_188, %dma_wait3A_204] : memref<40x128xi32, #tpu.memory_space<vmem>> -> memref<1x128xi32, #tpu.memory_space<vmem>>
          %dma_wait3A_206 = tpu.memref_squeeze %dma_wait3A_205 : memref<1x128xi32, #tpu.memory_space<vmem>> -> memref<128xi32, #tpu.memory_space<vmem>>
          %dma_wait3A_207 = arith.constant 0 : i32
          %dma_wait3A_208 = arith.constant 0 : i32
          %dma_wait3A_209 = tpu.memref_slice %arg9[%dma_wait3A_207, %dma_wait3A_208] : memref<10240x128xf32, #tpu.memory_space<vmem_shared>> -> memref<10240x128xf32, #tpu.memory_space<vmem_shared>>
          tpu.wait_indirect_dma semaphore(%arg16 : memref<!tpu.dma_semaphore, #tpu.memory_space<semaphore_mem>>) src(%arg12 : memref<128x128xf32, #tpu.memory_space<vmem>>) dst(%dma_wait3A_209 : memref<10240x128xf32, #tpu.memory_space<vmem_shared>>)
          %add3A_210 = arith.constant 2 : i32
          %add3A_211 = arith.addi %add3A_188, %add3A_210 : i32
          %dma_start3A_212 = arith.constant 0 : i32
          %dma_start3A_213 = tpu.memref_slice %arg10[%add3A_211, %dma_start3A_212] : memref<40x128xi32, #tpu.memory_space<vmem>> -> memref<1x128xi32, #tpu.memory_space<vmem>>
          %dma_start3A_214 = tpu.memref_squeeze %dma_start3A_213 : memref<1x128xi32, #tpu.memory_space<vmem>> -> memref<128xi32, #tpu.memory_space<vmem>>
          %dma_start3A_215 = arith.constant 0 : i32
          %dma_start3A_216 = arith.constant 0 : i32
          %dma_start3A_217 = tpu.memref_slice %arg5[%dma_start3A_215, %dma_start3A_216] : memref<10000x128xf32, #tpu.memory_space<hbm>> -> memref<10000x128xf32, #tpu.memory_space<hbm>>
          tpu.enqueue_indirect_dma source(%dma_start3A_217 : memref<10000x128xf32, #tpu.memory_space<hbm>>) target(%arg12 : memref<128x128xf32, #tpu.memory_space<vmem>>) offsets(%dma_start3A_214 : memref<128xi32, #tpu.memory_space<vmem>>) semaphore(%arg14 : memref<!tpu.dma_semaphore, #tpu.memory_space<semaphore_mem>>)
        } else {
        }
        %add3A_195 = arith.constant 1 : i32
        %add3A_196 = arith.addi %mul3A_158, %add3A_195 : i32
        %add3A_197 = arith.constant 2 : i32
        %add3A_198 = arith.addi %add3A_196, %add3A_197 : i32
        %lt3A_199 = arith.constant 40 : i32
        %lt3A_200 = arith.cmpi slt, %add3A_198, %lt3A_199 : i32
        %convert_element_type3A_201 = arith.extui %lt3A_200 : i1 to i32
        %cond3A_202 = arith.constant 0 : i32
        %cond3A_203 = arith.cmpi ne, %convert_element_type3A_201, %cond3A_202 : i32
        scf.if %cond3A_203 {
          %dma_wait3A_204 = arith.constant 0 : i32
          %dma_wait3A_205 = tpu.memref_slice %arg11[%add3A_196, %dma_wait3A_204] : memref<40x128xi32, #tpu.memory_space<vmem>> -> memref<1x128xi32, #tpu.memory_space<vmem>>
          %dma_wait3A_206 = tpu.memref_squeeze %dma_wait3A_205 : memref<1x128xi32, #tpu.memory_space<vmem>> -> memref<128xi32, #tpu.memory_space<vmem>>
          %dma_wait3A_207 = arith.constant 0 : i32
          %dma_wait3A_208 = arith.constant 0 : i32
          %dma_wait3A_209 = tpu.memref_slice %arg9[%dma_wait3A_207, %dma_wait3A_208] : memref<10240x128xf32, #tpu.memory_space<vmem_shared>> -> memref<10240x128xf32, #tpu.memory_space<vmem_shared>>
          tpu.wait_indirect_dma semaphore(%arg17 : memref<!tpu.dma_semaphore, #tpu.memory_space<semaphore_mem>>) src(%arg13 : memref<128x128xf32, #tpu.memory_space<vmem>>) dst(%dma_wait3A_209 : memref<10240x128xf32, #tpu.memory_space<vmem_shared>>)
          %add3A_210 = arith.constant 2 : i32
          %add3A_211 = arith.addi %add3A_196, %add3A_210 : i32
          %dma_start3A_212 = arith.constant 0 : i32
          %dma_start3A_213 = tpu.memref_slice %arg10[%add3A_211, %dma_start3A_212] : memref<40x128xi32, #tpu.memory_space<vmem>> -> memref<1x128xi32, #tpu.memory_space<vmem>>
          %dma_start3A_214 = tpu.memref_squeeze %dma_start3A_213 : memref<1x128xi32, #tpu.memory_space<vmem>> -> memref<128xi32, #tpu.memory_space<vmem>>
          %dma_start3A_215 = arith.constant 0 : i32
          %dma_start3A_216 = arith.constant 0 : i32
          %dma_start3A_217 = tpu.memref_slice %arg5[%dma_start3A_215, %dma_start3A_216] : memref<10000x128xf32, #tpu.memory_space<hbm>> -> memref<10000x128xf32, #tpu.memory_space<hbm>>
          tpu.enqueue_indirect_dma source(%dma_start3A_217 : memref<10000x128xf32, #tpu.memory_space<hbm>>) target(%arg13 : memref<128x128xf32, #tpu.memory_space<vmem>>) offsets(%dma_start3A_214 : memref<128xi32, #tpu.memory_space<vmem>>) semaphore(%arg15 : memref<!tpu.dma_semaphore, #tpu.memory_space<semaphore_mem>>)
        } else {
        }
      }
      %scan3A_70 = arith.constant 20 : i32
      %dma_wait3A_71 = arith.constant 38 : i32
      %dma_wait3A_72 = arith.constant 0 : i32
      %dma_wait3A_73 = tpu.memref_slice %arg11[%dma_wait3A_71, %dma_wait3A_72] : memref<40x128xi32, #tpu.memory_space<vmem>> -> memref<1x128xi32, #tpu.memory_space<vmem>>
      %dma_wait3A_74 = tpu.memref_squeeze %dma_wait3A_73 : memref<1x128xi32, #tpu.memory_space<vmem>> -> memref<128xi32, #tpu.memory_space<vmem>>
      %dma_wait3A_75 = arith.constant 0 : i32
      %dma_wait3A_76 = arith.constant 0 : i32
      %dma_wait3A_77 = tpu.memref_slice %arg9[%dma_wait3A_75, %dma_wait3A_76] : memref<10240x128xf32, #tpu.memory_space<vmem_shared>> -> memref<10240x128xf32, #tpu.memory_space<vmem_shared>>
      tpu.wait_indirect_dma semaphore(%arg16 : memref<!tpu.dma_semaphore, #tpu.memory_space<semaphore_mem>>) src(%arg12 : memref<128x128xf32, #tpu.memory_space<vmem>>) dst(%dma_wait3A_77 : memref<10240x128xf32, #tpu.memory_space<vmem_shared>>)
      %dma_wait3A_78 = arith.constant 39 : i32
      %dma_wait3A_79 = arith.constant 0 : i32
      %dma_wait3A_80 = tpu.memref_slice %arg11[%dma_wait3A_78, %dma_wait3A_79] : memref<40x128xi32, #tpu.memory_space<vmem>> -> memref<1x128xi32, #tpu.memory_space<vmem>>
      %dma_wait3A_81 = tpu.memref_squeeze %dma_wait3A_80 : memref<1x128xi32, #tpu.memory_space<vmem>> -> memref<128xi32, #tpu.memory_space<vmem>>
      %dma_wait3A_82 = arith.constant 0 : i32
      %dma_wait3A_83 = arith.constant 0 : i32
      %dma_wait3A_84 = tpu.memref_slice %arg9[%dma_wait3A_82, %dma_wait3A_83] : memref<10240x128xf32, #tpu.memory_space<vmem_shared>> -> memref<10240x128xf32, #tpu.memory_space<vmem_shared>>
      tpu.wait_indirect_dma semaphore(%arg17 : memref<!tpu.dma_semaphore, #tpu.memory_space<semaphore_mem>>) src(%arg13 : memref<128x128xf32, #tpu.memory_space<vmem>>) dst(%dma_wait3A_84 : memref<10240x128xf32, #tpu.memory_space<vmem_shared>>)
      %barrier3A_85 = arith.constant 0 : index
      tpu.barrier barrier_id(%barrier3A_85)
      %add3A_86 = arith.constant 0 : i32
      %add3A_87 = arith.addi %mul3A_0, %add3A_86 : i32
      "tpu.region"() ({
        %run_scoped3A_156 = tpu.sem_alloc : memref<!tpu.dma_semaphore, #tpu.memory_space<semaphore_mem>>
        %dma_start3A_157 = arith.constant 0 : i32
        %dma_start3A_158 = tpu.memref_slice %arg9[%add3A_87, %dma_start3A_157] : memref<10240x128xf32, #tpu.memory_space<vmem_shared>> -> memref<128x128xf32, #tpu.memory_space<vmem_shared>>
        %dma_start3A_159 = arith.constant 0 : i32
        %dma_start3A_160 = tpu.memref_slice %arg9[%add3A_87, %dma_start3A_159] : memref<10240x128xf32, #tpu.memory_space<vmem_shared>> -> memref<128x128xf32, #tpu.memory_space<vmem_shared>>
        tpu.enqueue_dma source(%dma_start3A_160 : memref<128x128xf32, #tpu.memory_space<vmem_shared>>) target(%arg12 : memref<128x128xf32, #tpu.memory_space<vmem>>) target_semaphore(%run_scoped3A_156 : memref<!tpu.dma_semaphore, #tpu.memory_space<semaphore_mem>>)
        %dma_wait3A_161 = arith.constant 0 : i32
        %dma_wait3A_162 = tpu.memref_slice %arg9[%add3A_87, %dma_wait3A_161] : memref<10240x128xf32, #tpu.memory_space<vmem_shared>> -> memref<128x128xf32, #tpu.memory_space<vmem_shared>>
        %dma_wait3A_163 = arith.constant 0 : i32
        %dma_wait3A_164 = tpu.memref_slice %arg9[%add3A_87, %dma_wait3A_163] : memref<10240x128xf32, #tpu.memory_space<vmem_shared>> -> memref<128x128xf32, #tpu.memory_space<vmem_shared>>
        tpu.wait_dma2 semaphore(%run_scoped3A_156 : memref<!tpu.dma_semaphore, #tpu.memory_space<semaphore_mem>>) src(%dma_wait3A_164 : memref<128x128xf32, #tpu.memory_space<vmem_shared>>) dst(%arg12 : memref<128x128xf32, #tpu.memory_space<vmem>>)
        tpu.yield
      }) : () -> ()
      %add3A_88 = arith.constant 0 : i32
      %add3A_89 = arith.addi %mul3A_0, %add3A_88 : i32
      %dma_start3A_90 = arith.constant 0 : i32
      %dma_start3A_91 = tpu.memref_slice %arg8[%add3A_89, %dma_start3A_90] : memref<10240x128xf32, #tpu.memory_space<hbm>> -> memref<128x128xf32, #tpu.memory_space<hbm>>
      %dma_start3A_92 = arith.constant 0 : i32
      %dma_start3A_93 = tpu.memref_slice %arg8[%add3A_89, %dma_start3A_92] : memref<10240x128xf32, #tpu.memory_space<hbm>> -> memref<128x128xf32, #tpu.memory_space<hbm>>
      tpu.enqueue_dma source(%arg12 : memref<128x128xf32, #tpu.memory_space<vmem>>) target(%dma_start3A_93 : memref<128x128xf32, #tpu.memory_space<hbm>>) target_semaphore(%arg14 : memref<!tpu.dma_semaphore, #tpu.memory_space<semaphore_mem>>)
      %add3A_94 = arith.constant 128 : i32
      %add3A_95 = arith.addi %mul3A_0, %add3A_94 : i32
      "tpu.region"() ({
        %run_scoped3A_156 = tpu.sem_alloc : memref<!tpu.dma_semaphore, #tpu.memory_space<semaphore_mem>>
        %dma_start3A_157 = arith.constant 0 : i32
        %dma_start3A_158 = tpu.memref_slice %arg9[%add3A_95, %dma_start3A_157] : memref<10240x128xf32, #tpu.memory_space<vmem_shared>> -> memref<128x128xf32, #tpu.memory_space<vmem_shared>>
        %dma_start3A_159 = arith.constant 0 : i32
        %dma_start3A_160 = tpu.memref_slice %arg9[%add3A_95, %dma_start3A_159] : memref<10240x128xf32, #tpu.memory_space<vmem_shared>> -> memref<128x128xf32, #tpu.memory_space<vmem_shared>>
        tpu.enqueue_dma source(%dma_start3A_160 : memref<128x128xf32, #tpu.memory_space<vmem_shared>>) target(%arg13 : memref<128x128xf32, #tpu.memory_space<vmem>>) target_semaphore(%run_scoped3A_156 : memref<!tpu.dma_semaphore, #tpu.memory_space<semaphore_mem>>)
        %dma_wait3A_161 = arith.constant 0 : i32
        %dma_wait3A_162 = tpu.memref_slice %arg9[%add3A_95, %dma_wait3A_161] : memref<10240x128xf32, #tpu.memory_space<vmem_shared>> -> memref<128x128xf32, #tpu.memory_space<vmem_shared>>
        %dma_wait3A_163 = arith.constant 0 : i32
        %dma_wait3A_164 = tpu.memref_slice %arg9[%add3A_95, %dma_wait3A_163] : memref<10240x128xf32, #tpu.memory_space<vmem_shared>> -> memref<128x128xf32, #tpu.memory_space<vmem_shared>>
        tpu.wait_dma2 semaphore(%run_scoped3A_156 : memref<!tpu.dma_semaphore, #tpu.memory_space<semaphore_mem>>) src(%dma_wait3A_164 : memref<128x128xf32, #tpu.memory_space<vmem_shared>>) dst(%arg13 : memref<128x128xf32, #tpu.memory_space<vmem>>)
        tpu.yield
      }) : () -> ()
      %add3A_96 = arith.constant 128 : i32
      %add3A_97 = arith.addi %mul3A_0, %add3A_96 : i32
      %dma_start3A_98 = arith.constant 0 : i32
      %dma_start3A_99 = tpu.memref_slice %arg8[%add3A_97, %dma_start3A_98] : memref<10240x128xf32, #tpu.memory_space<hbm>> -> memref<128x128xf32, #tpu.memory_space<hbm>>
      %dma_start3A_100 = arith.constant 0 : i32
      %dma_start3A_101 = tpu.memref_slice %arg8[%add3A_97, %dma_start3A_100] : memref<10240x128xf32, #tpu.memory_space<hbm>> -> memref<128x128xf32, #tpu.memory_space<hbm>>
      tpu.enqueue_dma source(%arg13 : memref<128x128xf32, #tpu.memory_space<vmem>>) target(%dma_start3A_101 : memref<128x128xf32, #tpu.memory_space<hbm>>) target_semaphore(%arg15 : memref<!tpu.dma_semaphore, #tpu.memory_space<semaphore_mem>>)
      %add3A_102 = arith.constant 0 : i32
      %add3A_103 = arith.addi %mul3A_0, %add3A_102 : i32
      %dma_wait3A_104 = arith.constant 0 : i32
      %dma_wait3A_105 = tpu.memref_slice %arg8[%add3A_103, %dma_wait3A_104] : memref<10240x128xf32, #tpu.memory_space<hbm>> -> memref<128x128xf32, #tpu.memory_space<hbm>>
      %dma_wait3A_106 = arith.constant 0 : i32
      %dma_wait3A_107 = tpu.memref_slice %arg8[%add3A_103, %dma_wait3A_106] : memref<10240x128xf32, #tpu.memory_space<hbm>> -> memref<128x128xf32, #tpu.memory_space<hbm>>
      tpu.wait_dma2 semaphore(%arg14 : memref<!tpu.dma_semaphore, #tpu.memory_space<semaphore_mem>>) src(%arg12 : memref<128x128xf32, #tpu.memory_space<vmem>>) dst(%dma_wait3A_107 : memref<128x128xf32, #tpu.memory_space<hbm>>)
      %add3A_108 = arith.constant 256 : i32
      %add3A_109 = arith.addi %mul3A_0, %add3A_108 : i32
      "tpu.region"() ({
        %run_scoped3A_156 = tpu.sem_alloc : memref<!tpu.dma_semaphore, #tpu.memory_space<semaphore_mem>>
        %dma_start3A_157 = arith.constant 0 : i32
        %dma_start3A_158 = tpu.memref_slice %arg9[%add3A_109, %dma_start3A_157] : memref<10240x128xf32, #tpu.memory_space<vmem_shared>> -> memref<128x128xf32, #tpu.memory_space<vmem_shared>>
        %dma_start3A_159 = arith.constant 0 : i32
        %dma_start3A_160 = tpu.memref_slice %arg9[%add3A_109, %dma_start3A_159] : memref<10240x128xf32, #tpu.memory_space<vmem_shared>> -> memref<128x128xf32, #tpu.memory_space<vmem_shared>>
        tpu.enqueue_dma source(%dma_start3A_160 : memref<128x128xf32, #tpu.memory_space<vmem_shared>>) target(%arg12 : memref<128x128xf32, #tpu.memory_space<vmem>>) target_semaphore(%run_scoped3A_156 : memref<!tpu.dma_semaphore, #tpu.memory_space<semaphore_mem>>)
        %dma_wait3A_161 = arith.constant 0 : i32
        %dma_wait3A_162 = tpu.memref_slice %arg9[%add3A_109, %dma_wait3A_161] : memref<10240x128xf32, #tpu.memory_space<vmem_shared>> -> memref<128x128xf32, #tpu.memory_space<vmem_shared>>
        %dma_wait3A_163 = arith.constant 0 : i32
        %dma_wait3A_164 = tpu.memref_slice %arg9[%add3A_109, %dma_wait3A_163] : memref<10240x128xf32, #tpu.memory_space<vmem_shared>> -> memref<128x128xf32, #tpu.memory_space<vmem_shared>>
        tpu.wait_dma2 semaphore(%run_scoped3A_156 : memref<!tpu.dma_semaphore, #tpu.memory_space<semaphore_mem>>) src(%dma_wait3A_164 : memref<128x128xf32, #tpu.memory_space<vmem_shared>>) dst(%arg12 : memref<128x128xf32, #tpu.memory_space<vmem>>)
        tpu.yield
      }) : () -> ()
      %add3A_110 = arith.constant 256 : i32
      %add3A_111 = arith.addi %mul3A_0, %add3A_110 : i32
      %dma_start3A_112 = arith.constant 0 : i32
      %dma_start3A_113 = tpu.memref_slice %arg8[%add3A_111, %dma_start3A_112] : memref<10240x128xf32, #tpu.memory_space<hbm>> -> memref<128x128xf32, #tpu.memory_space<hbm>>
      %dma_start3A_114 = arith.constant 0 : i32
      %dma_start3A_115 = tpu.memref_slice %arg8[%add3A_111, %dma_start3A_114] : memref<10240x128xf32, #tpu.memory_space<hbm>> -> memref<128x128xf32, #tpu.memory_space<hbm>>
      tpu.enqueue_dma source(%arg12 : memref<128x128xf32, #tpu.memory_space<vmem>>) target(%dma_start3A_115 : memref<128x128xf32, #tpu.memory_space<hbm>>) target_semaphore(%arg14 : memref<!tpu.dma_semaphore, #tpu.memory_space<semaphore_mem>>)
      %add3A_116 = arith.constant 128 : i32
      %add3A_117 = arith.addi %mul3A_0, %add3A_116 : i32
      %dma_wait3A_118 = arith.constant 0 : i32
      %dma_wait3A_119 = tpu.memref_slice %arg8[%add3A_117, %dma_wait3A_118] : memref<10240x128xf32, #tpu.memory_space<hbm>> -> memref<128x128xf32, #tpu.memory_space<hbm>>
      %dma_wait3A_120 = arith.constant 0 : i32
      %dma_wait3A_121 = tpu.memref_slice %arg8[%add3A_117, %dma_wait3A_120] : memref<10240x128xf32, #tpu.memory_space<hbm>> -> memref<128x128xf32, #tpu.memory_space<hbm>>
      tpu.wait_dma2 semaphore(%arg15 : memref<!tpu.dma_semaphore, #tpu.memory_space<semaphore_mem>>) src(%arg13 : memref<128x128xf32, #tpu.memory_space<vmem>>) dst(%dma_wait3A_121 : memref<128x128xf32, #tpu.memory_space<hbm>>)
      %add3A_122 = arith.constant 384 : i32
      %add3A_123 = arith.addi %mul3A_0, %add3A_122 : i32
      "tpu.region"() ({
        %run_scoped3A_156 = tpu.sem_alloc : memref<!tpu.dma_semaphore, #tpu.memory_space<semaphore_mem>>
        %dma_start3A_157 = arith.constant 0 : i32
        %dma_start3A_158 = tpu.memref_slice %arg9[%add3A_123, %dma_start3A_157] : memref<10240x128xf32, #tpu.memory_space<vmem_shared>> -> memref<128x128xf32, #tpu.memory_space<vmem_shared>>
        %dma_start3A_159 = arith.constant 0 : i32
        %dma_start3A_160 = tpu.memref_slice %arg9[%add3A_123, %dma_start3A_159] : memref<10240x128xf32, #tpu.memory_space<vmem_shared>> -> memref<128x128xf32, #tpu.memory_space<vmem_shared>>
        tpu.enqueue_dma source(%dma_start3A_160 : memref<128x128xf32, #tpu.memory_space<vmem_shared>>) target(%arg13 : memref<128x128xf32, #tpu.memory_space<vmem>>) target_semaphore(%run_scoped3A_156 : memref<!tpu.dma_semaphore, #tpu.memory_space<semaphore_mem>>)
        %dma_wait3A_161 = arith.constant 0 : i32
        %dma_wait3A_162 = tpu.memref_slice %arg9[%add3A_123, %dma_wait3A_161] : memref<10240x128xf32, #tpu.memory_space<vmem_shared>> -> memref<128x128xf32, #tpu.memory_space<vmem_shared>>
        %dma_wait3A_163 = arith.constant 0 : i32
        %dma_wait3A_164 = tpu.memref_slice %arg9[%add3A_123, %dma_wait3A_163] : memref<10240x128xf32, #tpu.memory_space<vmem_shared>> -> memref<128x128xf32, #tpu.memory_space<vmem_shared>>
        tpu.wait_dma2 semaphore(%run_scoped3A_156 : memref<!tpu.dma_semaphore, #tpu.memory_space<semaphore_mem>>) src(%dma_wait3A_164 : memref<128x128xf32, #tpu.memory_space<vmem_shared>>) dst(%arg13 : memref<128x128xf32, #tpu.memory_space<vmem>>)
        tpu.yield
      }) : () -> ()
      %add3A_124 = arith.constant 384 : i32
      %add3A_125 = arith.addi %mul3A_0, %add3A_124 : i32
      %dma_start3A_126 = arith.constant 0 : i32
      %dma_start3A_127 = tpu.memref_slice %arg8[%add3A_125, %dma_start3A_126] : memref<10240x128xf32, #tpu.memory_space<hbm>> -> memref<128x128xf32, #tpu.memory_space<hbm>>
      %dma_start3A_128 = arith.constant 0 : i32
      %dma_start3A_129 = tpu.memref_slice %arg8[%add3A_125, %dma_start3A_128] : memref<10240x128xf32, #tpu.memory_space<hbm>> -> memref<128x128xf32, #tpu.memory_space<hbm>>
      tpu.enqueue_dma source(%arg13 : memref<128x128xf32, #tpu.memory_space<vmem>>) target(%dma_start3A_129 : memref<128x128xf32, #tpu.memory_space<hbm>>) target_semaphore(%arg15 : memref<!tpu.dma_semaphore, #tpu.memory_space<semaphore_mem>>)
      %add3A_130 = arith.constant 256 : i32
      %add3A_131 = arith.addi %mul3A_0, %add3A_130 : i32
      %dma_wait3A_132 = arith.constant 0 : i32
      %dma_wait3A_133 = tpu.memref_slice %arg8[%add3A_131, %dma_wait3A_132] : memref<10240x128xf32, #tpu.memory_space<hbm>> -> memref<128x128xf32, #tpu.memory_space<hbm>>
      %dma_wait3A_134 = arith.constant 0 : i32
      %dma_wait3A_135 = tpu.memref_slice %arg8[%add3A_131, %dma_wait3A_134] : memref<10240x128xf32, #tpu.memory_space<hbm>> -> memref<128x128xf32, #tpu.memory_space<hbm>>
      tpu.wait_dma2 semaphore(%arg14 : memref<!tpu.dma_semaphore, #tpu.memory_space<semaphore_mem>>) src(%arg12 : memref<128x128xf32, #tpu.memory_space<vmem>>) dst(%dma_wait3A_135 : memref<128x128xf32, #tpu.memory_space<hbm>>)
      %add3A_136 = arith.constant 512 : i32
      %add3A_137 = arith.addi %mul3A_0, %add3A_136 : i32
      "tpu.region"() ({
        %run_scoped3A_156 = tpu.sem_alloc : memref<!tpu.dma_semaphore, #tpu.memory_space<semaphore_mem>>
        %dma_start3A_157 = arith.constant 0 : i32
        %dma_start3A_158 = tpu.memref_slice %arg9[%add3A_137, %dma_start3A_157] : memref<10240x128xf32, #tpu.memory_space<vmem_shared>> -> memref<128x128xf32, #tpu.memory_space<vmem_shared>>
        %dma_start3A_159 = arith.constant 0 : i32
        %dma_start3A_160 = tpu.memref_slice %arg9[%add3A_137, %dma_start3A_159] : memref<10240x128xf32, #tpu.memory_space<vmem_shared>> -> memref<128x128xf32, #tpu.memory_space<vmem_shared>>
        tpu.enqueue_dma source(%dma_start3A_160 : memref<128x128xf32, #tpu.memory_space<vmem_shared>>) target(%arg12 : memref<128x128xf32, #tpu.memory_space<vmem>>) target_semaphore(%run_scoped3A_156 : memref<!tpu.dma_semaphore, #tpu.memory_space<semaphore_mem>>)
        %dma_wait3A_161 = arith.constant 0 : i32
        %dma_wait3A_162 = tpu.memref_slice %arg9[%add3A_137, %dma_wait3A_161] : memref<10240x128xf32, #tpu.memory_space<vmem_shared>> -> memref<128x128xf32, #tpu.memory_space<vmem_shared>>
        %dma_wait3A_163 = arith.constant 0 : i32
        %dma_wait3A_164 = tpu.memref_slice %arg9[%add3A_137, %dma_wait3A_163] : memref<10240x128xf32, #tpu.memory_space<vmem_shared>> -> memref<128x128xf32, #tpu.memory_space<vmem_shared>>
        tpu.wait_dma2 semaphore(%run_scoped3A_156 : memref<!tpu.dma_semaphore, #tpu.memory_space<semaphore_mem>>) src(%dma_wait3A_164 : memref<128x128xf32, #tpu.memory_space<vmem_shared>>) dst(%arg12 : memref<128x128xf32, #tpu.memory_space<vmem>>)
        tpu.yield
      }) : () -> ()
      %add3A_138 = arith.constant 512 : i32
      %add3A_139 = arith.addi %mul3A_0, %add3A_138 : i32
      %dma_start3A_140 = arith.constant 0 : i32
      %dma_start3A_141 = tpu.memref_slice %arg8[%add3A_139, %dma_start3A_140] : memref<10240x128xf32, #tpu.memory_space<hbm>> -> memref<128x128xf32, #tpu.memory_space<hbm>>
      %dma_start3A_142 = arith.constant 0 : i32
      %dma_start3A_143 = tpu.memref_slice %arg8[%add3A_139, %dma_start3A_142] : memref<10240x128xf32, #tpu.memory_space<hbm>> -> memref<128x128xf32, #tpu.memory_space<hbm>>
      tpu.enqueue_dma source(%arg12 : memref<128x128xf32, #tpu.memory_space<vmem>>) target(%dma_start3A_143 : memref<128x128xf32, #tpu.memory_space<hbm>>) target_semaphore(%arg14 : memref<!tpu.dma_semaphore, #tpu.memory_space<semaphore_mem>>)
      %add3A_144 = arith.constant 384 : i32
      %add3A_145 = arith.addi %mul3A_0, %add3A_144 : i32
      %dma_wait3A_146 = arith.constant 0 : i32
      %dma_wait3A_147 = tpu.memref_slice %arg8[%add3A_145, %dma_wait3A_146] : memref<10240x128xf32, #tpu.memory_space<hbm>> -> memref<128x128xf32, #tpu.memory_space<hbm>>
      %dma_wait3A_148 = arith.constant 0 : i32
      %dma_wait3A_149 = tpu.memref_slice %arg8[%add3A_145, %dma_wait3A_148] : memref<10240x128xf32, #tpu.memory_space<hbm>> -> memref<128x128xf32, #tpu.memory_space<hbm>>
      tpu.wait_dma2 semaphore(%arg15 : memref<!tpu.dma_semaphore, #tpu.memory_space<semaphore_mem>>) src(%arg13 : memref<128x128xf32, #tpu.memory_space<vmem>>) dst(%dma_wait3A_149 : memref<128x128xf32, #tpu.memory_space<hbm>>)
      %add3A_150 = arith.constant 512 : i32
      %add3A_151 = arith.addi %mul3A_0, %add3A_150 : i32
      %dma_wait3A_152 = arith.constant 0 : i32
      %dma_wait3A_153 = tpu.memref_slice %arg8[%add3A_151, %dma_wait3A_152] : memref<10240x128xf32, #tpu.memory_space<hbm>> -> memref<128x128xf32, #tpu.memory_space<hbm>>
      %dma_wait3A_154 = arith.constant 0 : i32
      %dma_wait3A_155 = tpu.memref_slice %arg8[%add3A_151, %dma_wait3A_154] : memref<10240x128xf32, #tpu.memory_space<hbm>> -> memref<128x128xf32, #tpu.memory_space<hbm>>
      tpu.wait_dma2 semaphore(%arg14 : memref<!tpu.dma_semaphore, #tpu.memory_space<semaphore_mem>>) src(%arg12 : memref<128x128xf32, #tpu.memory_space<vmem>>) dst(%dma_wait3A_155 : memref<128x128xf32, #tpu.memory_space<hbm>>)
    } else {
    }
    return
  }
}

module attributes {stable_mosaic.version = 14 : i64} {
  func.func @_tc0_body(%arg0: i32, %arg1: memref<1000x256xf32, #tpu.memory_space<vmem>>, %arg2: memref<256x256xf32, #tpu.memory_space<vmem>>, %arg3: memref<1x256xf32, #tpu.memory_space<vmem>>, %arg4: memref<1000x256xf32, #tpu.memory_space<vmem>>) attributes {dimension_semantics = [#tpu.dimension_semantics<arbitrary>], iteration_bounds = array<i64: 10>, scalar_prefetch = 0 : i64, scratch_operands = 0 : i64, tpu.core_type = #tpu.core_type<tc>, window_params = [{transform_indices = @transform_0, window_bounds = array<i64: 1000, 256>}, {pipeline_mode = #tpu.pipeline_mode<synchronous>, transform_indices = @transform_1, window_bounds = array<i64: 256, 256>}, {pipeline_mode = #tpu.pipeline_mode<synchronous>, transform_indices = @transform_2, window_bounds = array<i64: 1, 256>}, {transform_indices = @transform_3, window_bounds = array<i64: 1000, 256>}]} {
    %get3A = arith.constant 0 : index
    %get3A_0 = arith.constant 0 : index
    %get3A_1 = vector.load %arg1[%get3A, %get3A_0] : memref<1000x256xf32, #tpu.memory_space<vmem>>, vector<1000x256xf32>
    %get3A_2 = arith.constant 0 : index
    %get3A_3 = arith.constant 0 : index
    %get3A_4 = vector.load %arg2[%get3A_2, %get3A_3] : memref<256x256xf32, #tpu.memory_space<vmem>>, vector<256x256xf32>
    %dot_general3A = arith.constant dense<0.000000e+00> : vector<1000x256xf32>
    %dot_general3A_5 = tpu.matmul %get3A_1, %get3A_4, %dot_general3A {dimension_numbers = #tpu.dot_dimension_numbers<[1], [1], [0], [0], [0, 0, 1, 0], [], []>, transpose_lhs_hint = false} : vector<1000x256xf32>, vector<256x256xf32>, vector<1000x256xf32> -> vector<1000x256xf32>
    %get3A_6 = arith.constant 0 : index
    %get3A_7 = arith.constant 0 : index
    %get3A_8 = vector.load %arg3[%get3A_6, %get3A_7] : memref<1x256xf32, #tpu.memory_space<vmem>>, vector<1x256xf32>
    %add3A = vector.broadcast %get3A_8 : vector<1x256xf32> to vector<1000x256xf32>
    %add3A_9 = arith.addf %dot_general3A_5, %add3A : vector<1000x256xf32>
    %max3A = arith.constant 0.000000e+00 : f32
    %max3A_10 = vector.broadcast %max3A : f32 to vector<1000x256xf32>
    %max3A_11 = arith.maximumf %add3A_9, %max3A_10 : vector<1000x256xf32>
    %swap3A = arith.constant 0 : index
    %swap3A_12 = arith.constant 0 : index
    %swap3A_13 = vector.load %arg4[%swap3A, %swap3A_12] : memref<1000x256xf32, #tpu.memory_space<vmem>>, vector<1000x256xf32>
    tpu.vector_store %arg4[%swap3A, %swap3A_12], %max3A_11 {strides = array<i32>} : memref<1000x256xf32, #tpu.memory_space<vmem>>, vector<1000x256xf32>,
    return
  }
  func.func @transform_0(%arg0: i32) -> (i32, i32) {
    %c0_i32 = arith.constant 0 : i32
    %c0_i32_0 = arith.constant 0 : i32
    return %arg0, %c0_i32 : i32, i32
  }
  func.func @transform_1(%arg0: i32) -> (i32, i32) {
    %c0_i32 = arith.constant 0 : i32
    %c0_i32_0 = arith.constant 0 : i32
    %c0_i32_1 = arith.constant 0 : i32
    return %c0_i32, %c0_i32_0 : i32, i32
  }
  func.func @transform_2(%arg0: i32) -> (i32, i32) {
    %c0_i32 = arith.constant 0 : i32
    %c0_i32_0 = arith.constant 0 : i32
    %c0_i32_1 = arith.constant 0 : i32
    return %c0_i32, %c0_i32_0 : i32, i32
  }
  func.func @transform_3(%arg0: i32) -> (i32, i32) {
    %c0_i32 = arith.constant 0 : i32
    %c0_i32_0 = arith.constant 0 : i32
    return %arg0, %c0_i32 : i32, i32
  }
}

module attributes {stable_mosaic.version = 14 : i64} {
  func.func @_tc1_body(%arg0: i32, %arg1: memref<1000x256xf32, #tpu.memory_space<vmem>>, %arg2: memref<256x256xf32, #tpu.memory_space<vmem>>, %arg3: memref<1000x128xf32, #tpu.memory_space<vmem>>, %arg4: memref<1000x128xf32, #tpu.memory_space<vmem>>, %arg5: memref<1000x128xf32, #tpu.memory_space<vmem>>, %arg6: memref<1000x128xf32, #tpu.memory_space<vmem>>) attributes {dimension_semantics = [#tpu.dimension_semantics<arbitrary>], iteration_bounds = array<i64: 10>, scalar_prefetch = 0 : i64, scratch_operands = 0 : i64, tpu.core_type = #tpu.core_type<tc>, window_params = [{transform_indices = @transform_0, window_bounds = array<i64: 1000, 256>}, {pipeline_mode = #tpu.pipeline_mode<synchronous>, transform_indices = @transform_1, window_bounds = array<i64: 256, 256>}, {transform_indices = @transform_2, window_bounds = array<i64: 1000, 128>}, {transform_indices = @transform_3, window_bounds = array<i64: 1000, 128>}, {transform_indices = @transform_4, window_bounds = array<i64: 1000, 128>}, {transform_indices = @transform_5, window_bounds = array<i64: 1000, 128>}]} {
    %get3A = arith.constant 0 : index
    %get3A_0 = arith.constant 0 : index
    %get3A_1 = vector.load %arg3[%get3A, %get3A_0] : memref<1000x128xf32, #tpu.memory_space<vmem>>, vector<1000x128xf32>
    %get3A_2 = arith.constant 0 : index
    %get3A_3 = arith.constant 0 : index
    %get3A_4 = vector.load %arg4[%get3A_2, %get3A_3] : memref<1000x128xf32, #tpu.memory_space<vmem>>, vector<1000x128xf32>
    %slice3A = vector.extract_strided_slice %get3A_1 {offsets = [0, 0], sizes = [1000, 1], strides = [1, 1]} : vector<1000x128xf32> to vector<1000x1xf32>
    %slice3A_5 = vector.extract_strided_slice %get3A_4 {offsets = [0, 0], sizes = [1000, 1], strides = [1, 1]} : vector<1000x128xf32> to vector<1000x1xf32>
    %add3A = arith.addf %slice3A, %slice3A_5 : vector<1000x1xf32>
    %add3A_6 = arith.constant 1.000000e+00 : f32
    %add3A_7 = vector.broadcast %add3A_6 : f32 to vector<1000x1xf32>
    %add3A_8 = arith.addf %add3A, %add3A_7 : vector<1000x1xf32>
    %rsqrt3A = math.rsqrt %add3A_8 : vector<1000x1xf32>
    %get3A_9 = arith.constant 0 : index
    %get3A_10 = arith.constant 0 : index
    %get3A_11 = vector.load %arg1[%get3A_9, %get3A_10] : memref<1000x256xf32, #tpu.memory_space<vmem>>, vector<1000x256xf32>
    %get3A_12 = arith.constant 0 : index
    %get3A_13 = arith.constant 0 : index
    %get3A_14 = vector.load %arg2[%get3A_12, %get3A_13] : memref<256x256xf32, #tpu.memory_space<vmem>>, vector<256x256xf32>
    %dot_general3A = arith.constant dense<0.000000e+00> : vector<1000x256xf32>
    %dot_general3A_15 = tpu.matmul %get3A_11, %get3A_14, %dot_general3A {dimension_numbers = #tpu.dot_dimension_numbers<[1], [1], [0], [0], [0, 0, 1, 0], [], []>, transpose_lhs_hint = false} : vector<1000x256xf32>, vector<256x256xf32>, vector<1000x256xf32> -> vector<1000x256xf32>
    %mul3A = vector.broadcast %rsqrt3A : vector<1000x1xf32> to vector<1000x256xf32>
    %mul3A_16 = arith.mulf %dot_general3A_15, %mul3A : vector<1000x256xf32>
    %slice3A_17 = vector.extract_strided_slice %mul3A_16 {offsets = [0, 0], sizes = [1000, 128], strides = [1, 1]} : vector<1000x256xf32> to vector<1000x128xf32>
    %swap3A = arith.constant 0 : index
    %swap3A_18 = arith.constant 0 : index
    %swap3A_19 = vector.load %arg5[%swap3A, %swap3A_18] : memref<1000x128xf32, #tpu.memory_space<vmem>>, vector<1000x128xf32>
    tpu.vector_store %arg5[%swap3A, %swap3A_18], %slice3A_17 {strides = array<i32>} : memref<1000x128xf32, #tpu.memory_space<vmem>>, vector<1000x128xf32>,
    %slice3A_20 = vector.extract_strided_slice %mul3A_16 {offsets = [0, 128], sizes = [1000, 128], strides = [1, 1]} : vector<1000x256xf32> to vector<1000x128xf32>
    %swap3A_21 = arith.constant 0 : index
    %swap3A_22 = arith.constant 0 : index
    %swap3A_23 = vector.load %arg6[%swap3A_21, %swap3A_22] : memref<1000x128xf32, #tpu.memory_space<vmem>>, vector<1000x128xf32>
    tpu.vector_store %arg6[%swap3A_21, %swap3A_22], %slice3A_20 {strides = array<i32>} : memref<1000x128xf32, #tpu.memory_space<vmem>>, vector<1000x128xf32>,
    return
  }
  func.func @transform_0(%arg0: i32) -> (i32, i32) {
    %c0_i32 = arith.constant 0 : i32
    %c0_i32_0 = arith.constant 0 : i32
    return %arg0, %c0_i32 : i32, i32
  }
  func.func @transform_1(%arg0: i32) -> (i32, i32) {
    %c0_i32 = arith.constant 0 : i32
    %c0_i32_0 = arith.constant 0 : i32
    %c0_i32_1 = arith.constant 0 : i32
    return %c0_i32, %c0_i32_0 : i32, i32
  }
  func.func @transform_2(%arg0: i32) -> (i32, i32) {
    %c0_i32 = arith.constant 0 : i32
    %c0_i32_0 = arith.constant 0 : i32
    return %arg0, %c0_i32 : i32, i32
  }
  func.func @transform_3(%arg0: i32) -> (i32, i32) {
    %c0_i32 = arith.constant 0 : i32
    %c0_i32_0 = arith.constant 0 : i32
    return %arg0, %c0_i32 : i32, i32
  }
  func.func @transform_4(%arg0: i32) -> (i32, i32) {
    %c0_i32 = arith.constant 0 : i32
    %c0_i32_0 = arith.constant 0 : i32
    return %arg0, %c0_i32 : i32, i32
  }
  func.func @transform_5(%arg0: i32) -> (i32, i32) {
    %c0_i32 = arith.constant 0 : i32
    %c0_i32_0 = arith.constant 0 : i32
    return %arg0, %c0_i32 : i32, i32
  }
}

module attributes {stable_mosaic.version = 14 : i64} {
  func.func @_tc2_body(%arg0: i32, %arg1: memref<1000x128xf32, #tpu.memory_space<vmem>>, %arg2: memref<1000x128xf32, #tpu.memory_space<vmem>>, %arg3: memref<1000x128xf32, #tpu.memory_space<vmem>>, %arg4: memref<1000x128xf32, #tpu.memory_space<vmem>>, %arg5: memref<1x256xf32, #tpu.memory_space<vmem>>, %arg6: memref<256x256xf32, #tpu.memory_space<vmem>>, %arg7: memref<1000x128xf32, #tpu.memory_space<vmem>>, %arg8: memref<1000x128xf32, #tpu.memory_space<vmem>>, %arg9: memref<1000x128xf32, #tpu.memory_space<vmem>>, %arg10: memref<1000x128xf32, #tpu.memory_space<vmem>>) attributes {dimension_semantics = [#tpu.dimension_semantics<arbitrary>], iteration_bounds = array<i64: 10>, scalar_prefetch = 0 : i64, scratch_operands = 0 : i64, tpu.core_type = #tpu.core_type<tc>, window_params = [{transform_indices = @transform_0, window_bounds = array<i64: 1000, 128>}, {transform_indices = @transform_1, window_bounds = array<i64: 1000, 128>}, {transform_indices = @transform_2, window_bounds = array<i64: 1000, 128>}, {transform_indices = @transform_3, window_bounds = array<i64: 1000, 128>}, {pipeline_mode = #tpu.pipeline_mode<synchronous>, transform_indices = @transform_4, window_bounds = array<i64: 1, 256>}, {pipeline_mode = #tpu.pipeline_mode<synchronous>, transform_indices = @transform_5, window_bounds = array<i64: 256, 256>}, {transform_indices = @transform_6, window_bounds = array<i64: 1000, 128>}, {transform_indices = @transform_7, window_bounds = array<i64: 1000, 128>}, {transform_indices = @transform_8, window_bounds = array<i64: 1000, 128>}, {transform_indices = @transform_9, window_bounds = array<i64: 1000, 128>}]} {
    %get3A = arith.constant 0 : index
    %get3A_0 = arith.constant 0 : index
    %get3A_1 = vector.load %arg7[%get3A, %get3A_0] : memref<1000x128xf32, #tpu.memory_space<vmem>>, vector<1000x128xf32>
    %get3A_2 = arith.constant 0 : index
    %get3A_3 = arith.constant 0 : index
    %get3A_4 = vector.load %arg8[%get3A_2, %get3A_3] : memref<1000x128xf32, #tpu.memory_space<vmem>>, vector<1000x128xf32>
    %slice3A = vector.extract_strided_slice %get3A_1 {offsets = [0, 0], sizes = [1000, 1], strides = [1, 1]} : vector<1000x128xf32> to vector<1000x1xf32>
    %slice3A_5 = vector.extract_strided_slice %get3A_4 {offsets = [0, 0], sizes = [1000, 1], strides = [1, 1]} : vector<1000x128xf32> to vector<1000x1xf32>
    %add3A = arith.addf %slice3A, %slice3A_5 : vector<1000x1xf32>
    %add3A_6 = arith.constant 1.000000e+00 : f32
    %add3A_7 = vector.broadcast %add3A_6 : f32 to vector<1000x1xf32>
    %add3A_8 = arith.addf %add3A, %add3A_7 : vector<1000x1xf32>
    %rsqrt3A = math.rsqrt %add3A_8 : vector<1000x1xf32>
    %get3A_9 = arith.constant 0 : index
    %get3A_10 = arith.constant 0 : index
    %get3A_11 = vector.load %arg1[%get3A_9, %get3A_10] : memref<1000x128xf32, #tpu.memory_space<vmem>>, vector<1000x128xf32>
    %get3A_12 = arith.constant 0 : index
    %get3A_13 = arith.constant 0 : index
    %get3A_14 = vector.load %arg2[%get3A_12, %get3A_13] : memref<1000x128xf32, #tpu.memory_space<vmem>>, vector<1000x128xf32>
    %concatenate3A = tpu.concatenate %get3A_11, %get3A_14 in 1 : vector<1000x128xf32>, vector<1000x128xf32> -> vector<1000x256xf32>
    %get3A_15 = arith.constant 0 : index
    %get3A_16 = arith.constant 0 : index
    %get3A_17 = vector.load %arg3[%get3A_15, %get3A_16] : memref<1000x128xf32, #tpu.memory_space<vmem>>, vector<1000x128xf32>
    %get3A_18 = arith.constant 0 : index
    %get3A_19 = arith.constant 0 : index
    %get3A_20 = vector.load %arg4[%get3A_18, %get3A_19] : memref<1000x128xf32, #tpu.memory_space<vmem>>, vector<1000x128xf32>
    %concatenate3A_21 = tpu.concatenate %get3A_17, %get3A_20 in 1 : vector<1000x128xf32>, vector<1000x128xf32> -> vector<1000x256xf32>
    %add3A_22 = arith.addf %concatenate3A, %concatenate3A_21 : vector<1000x256xf32>
    %mul3A = vector.broadcast %rsqrt3A : vector<1000x1xf32> to vector<1000x256xf32>
    %mul3A_23 = arith.mulf %mul3A, %add3A_22 : vector<1000x256xf32>
    %get3A_24 = arith.constant 0 : index
    %get3A_25 = arith.constant 0 : index
    %get3A_26 = vector.load %arg5[%get3A_24, %get3A_25] : memref<1x256xf32, #tpu.memory_space<vmem>>, vector<1x256xf32>
    %add3A_27 = vector.broadcast %get3A_26 : vector<1x256xf32> to vector<1000x256xf32>
    %add3A_28 = arith.addf %mul3A_23, %add3A_27 : vector<1000x256xf32>
    %max3A = arith.constant 0.000000e+00 : f32
    %max3A_29 = vector.broadcast %max3A : f32 to vector<1000x256xf32>
    %max3A_30 = arith.maximumf %add3A_28, %max3A_29 : vector<1000x256xf32>
    %get3A_31 = arith.constant 0 : index
    %get3A_32 = arith.constant 0 : index
    %get3A_33 = vector.load %arg6[%get3A_31, %get3A_32] : memref<256x256xf32, #tpu.memory_space<vmem>>, vector<256x256xf32>
    %dot_general3A = arith.constant dense<0.000000e+00> : vector<1000x256xf32>
    %dot_general3A_34 = tpu.matmul %max3A_30, %get3A_33, %dot_general3A {dimension_numbers = #tpu.dot_dimension_numbers<[1], [1], [0], [0], [0, 0, 1, 0], [], []>, transpose_lhs_hint = false} : vector<1000x256xf32>, vector<256x256xf32>, vector<1000x256xf32> -> vector<1000x256xf32>
    %mul3A_35 = vector.broadcast %rsqrt3A : vector<1000x1xf32> to vector<1000x256xf32>
    %mul3A_36 = arith.mulf %dot_general3A_34, %mul3A_35 : vector<1000x256xf32>
    %slice3A_37 = vector.extract_strided_slice %mul3A_36 {offsets = [0, 0], sizes = [1000, 128], strides = [1, 1]} : vector<1000x256xf32> to vector<1000x128xf32>
    %swap3A = arith.constant 0 : index
    %swap3A_38 = arith.constant 0 : index
    %swap3A_39 = vector.load %arg9[%swap3A, %swap3A_38] : memref<1000x128xf32, #tpu.memory_space<vmem>>, vector<1000x128xf32>
    tpu.vector_store %arg9[%swap3A, %swap3A_38], %slice3A_37 {strides = array<i32>} : memref<1000x128xf32, #tpu.memory_space<vmem>>, vector<1000x128xf32>,
    %slice3A_40 = vector.extract_strided_slice %mul3A_36 {offsets = [0, 128], sizes = [1000, 128], strides = [1, 1]} : vector<1000x256xf32> to vector<1000x128xf32>
    %swap3A_41 = arith.constant 0 : index
    %swap3A_42 = arith.constant 0 : index
    %swap3A_43 = vector.load %arg10[%swap3A_41, %swap3A_42] : memref<1000x128xf32, #tpu.memory_space<vmem>>, vector<1000x128xf32>
    tpu.vector_store %arg10[%swap3A_41, %swap3A_42], %slice3A_40 {strides = array<i32>} : memref<1000x128xf32, #tpu.memory_space<vmem>>, vector<1000x128xf32>,
    return
  }
  func.func @transform_0(%arg0: i32) -> (i32, i32) {
    %c0_i32 = arith.constant 0 : i32
    %c0_i32_0 = arith.constant 0 : i32
    return %arg0, %c0_i32 : i32, i32
  }
  func.func @transform_1(%arg0: i32) -> (i32, i32) {
    %c0_i32 = arith.constant 0 : i32
    %c0_i32_0 = arith.constant 0 : i32
    return %arg0, %c0_i32 : i32, i32
  }
  func.func @transform_2(%arg0: i32) -> (i32, i32) {
    %c0_i32 = arith.constant 0 : i32
    %c0_i32_0 = arith.constant 0 : i32
    return %arg0, %c0_i32 : i32, i32
  }
  func.func @transform_3(%arg0: i32) -> (i32, i32) {
    %c0_i32 = arith.constant 0 : i32
    %c0_i32_0 = arith.constant 0 : i32
    return %arg0, %c0_i32 : i32, i32
  }
  func.func @transform_4(%arg0: i32) -> (i32, i32) {
    %c0_i32 = arith.constant 0 : i32
    %c0_i32_0 = arith.constant 0 : i32
    %c0_i32_1 = arith.constant 0 : i32
    return %c0_i32, %c0_i32_0 : i32, i32
  }
  func.func @transform_5(%arg0: i32) -> (i32, i32) {
    %c0_i32 = arith.constant 0 : i32
    %c0_i32_0 = arith.constant 0 : i32
    %c0_i32_1 = arith.constant 0 : i32
    return %c0_i32, %c0_i32_0 : i32, i32
  }
  func.func @transform_6(%arg0: i32) -> (i32, i32) {
    %c0_i32 = arith.constant 0 : i32
    %c0_i32_0 = arith.constant 0 : i32
    return %arg0, %c0_i32 : i32, i32
  }
  func.func @transform_7(%arg0: i32) -> (i32, i32) {
    %c0_i32 = arith.constant 0 : i32
    %c0_i32_0 = arith.constant 0 : i32
    return %arg0, %c0_i32 : i32, i32
  }
  func.func @transform_8(%arg0: i32) -> (i32, i32) {
    %c0_i32 = arith.constant 0 : i32
    %c0_i32_0 = arith.constant 0 : i32
    return %arg0, %c0_i32 : i32, i32
  }
  func.func @transform_9(%arg0: i32) -> (i32, i32) {
    %c0_i32 = arith.constant 0 : i32
    %c0_i32_0 = arith.constant 0 : i32
    return %arg0, %c0_i32 : i32, i32
  }
}

module attributes {stable_mosaic.version = 14 : i64} {
  func.func @_tc3_body(%arg0: i32, %arg1: memref<1000x128xf32, #tpu.memory_space<vmem>>, %arg2: memref<1000x128xf32, #tpu.memory_space<vmem>>, %arg3: memref<1000x128xf32, #tpu.memory_space<vmem>>, %arg4: memref<1000x128xf32, #tpu.memory_space<vmem>>, %arg5: memref<1x256xf32, #tpu.memory_space<vmem>>, %arg6: memref<128x256xf32, #tpu.memory_space<vmem>>, %arg7: memref<1x1xf32, #tpu.memory_space<vmem>>, %arg8: memref<1000x128xf32, #tpu.memory_space<vmem>>, %arg9: memref<1000x128xf32, #tpu.memory_space<vmem>>, %arg10: memref<1000x128xf32, #tpu.memory_space<vmem>>) attributes {dimension_semantics = [#tpu.dimension_semantics<arbitrary>], iteration_bounds = array<i64: 10>, scalar_prefetch = 0 : i64, scratch_operands = 0 : i64, tpu.core_type = #tpu.core_type<tc>, window_params = [{transform_indices = @transform_0, window_bounds = array<i64: 1000, 128>}, {transform_indices = @transform_1, window_bounds = array<i64: 1000, 128>}, {transform_indices = @transform_2, window_bounds = array<i64: 1000, 128>}, {transform_indices = @transform_3, window_bounds = array<i64: 1000, 128>}, {pipeline_mode = #tpu.pipeline_mode<synchronous>, transform_indices = @transform_4, window_bounds = array<i64: 1, 256>}, {pipeline_mode = #tpu.pipeline_mode<synchronous>, transform_indices = @transform_5, window_bounds = array<i64: 128, 256>}, {pipeline_mode = #tpu.pipeline_mode<synchronous>, transform_indices = @transform_6, window_bounds = array<i64: 1, 1>}, {transform_indices = @transform_7, window_bounds = array<i64: 1000, 128>}, {transform_indices = @transform_8, window_bounds = array<i64: 1000, 128>}, {transform_indices = @transform_9, window_bounds = array<i64: 1000, 128>}]} {
    %get3A = arith.constant 0 : index
    %get3A_0 = arith.constant 0 : index
    %get3A_1 = vector.load %arg8[%get3A, %get3A_0] : memref<1000x128xf32, #tpu.memory_space<vmem>>, vector<1000x128xf32>
    %get3A_2 = arith.constant 0 : index
    %get3A_3 = arith.constant 0 : index
    %get3A_4 = vector.load %arg9[%get3A_2, %get3A_3] : memref<1000x128xf32, #tpu.memory_space<vmem>>, vector<1000x128xf32>
    %slice3A = vector.extract_strided_slice %get3A_1 {offsets = [0, 0], sizes = [1000, 1], strides = [1, 1]} : vector<1000x128xf32> to vector<1000x1xf32>
    %slice3A_5 = vector.extract_strided_slice %get3A_4 {offsets = [0, 0], sizes = [1000, 1], strides = [1, 1]} : vector<1000x128xf32> to vector<1000x1xf32>
    %add3A = arith.addf %slice3A, %slice3A_5 : vector<1000x1xf32>
    %add3A_6 = arith.constant 1.000000e+00 : f32
    %add3A_7 = vector.broadcast %add3A_6 : f32 to vector<1000x1xf32>
    %add3A_8 = arith.addf %add3A, %add3A_7 : vector<1000x1xf32>
    %rsqrt3A = math.rsqrt %add3A_8 : vector<1000x1xf32>
    %get3A_9 = arith.constant 0 : index
    %get3A_10 = arith.constant 0 : index
    %get3A_11 = vector.load %arg1[%get3A_9, %get3A_10] : memref<1000x128xf32, #tpu.memory_space<vmem>>, vector<1000x128xf32>
    %get3A_12 = arith.constant 0 : index
    %get3A_13 = arith.constant 0 : index
    %get3A_14 = vector.load %arg2[%get3A_12, %get3A_13] : memref<1000x128xf32, #tpu.memory_space<vmem>>, vector<1000x128xf32>
    %concatenate3A = tpu.concatenate %get3A_11, %get3A_14 in 1 : vector<1000x128xf32>, vector<1000x128xf32> -> vector<1000x256xf32>
    %get3A_15 = arith.constant 0 : index
    %get3A_16 = arith.constant 0 : index
    %get3A_17 = vector.load %arg3[%get3A_15, %get3A_16] : memref<1000x128xf32, #tpu.memory_space<vmem>>, vector<1000x128xf32>
    %get3A_18 = arith.constant 0 : index
    %get3A_19 = arith.constant 0 : index
    %get3A_20 = vector.load %arg4[%get3A_18, %get3A_19] : memref<1000x128xf32, #tpu.memory_space<vmem>>, vector<1000x128xf32>
    %concatenate3A_21 = tpu.concatenate %get3A_17, %get3A_20 in 1 : vector<1000x128xf32>, vector<1000x128xf32> -> vector<1000x256xf32>
    %add3A_22 = arith.addf %concatenate3A, %concatenate3A_21 : vector<1000x256xf32>
    %mul3A = vector.broadcast %rsqrt3A : vector<1000x1xf32> to vector<1000x256xf32>
    %mul3A_23 = arith.mulf %mul3A, %add3A_22 : vector<1000x256xf32>
    %get3A_24 = arith.constant 0 : index
    %get3A_25 = arith.constant 0 : index
    %get3A_26 = vector.load %arg5[%get3A_24, %get3A_25] : memref<1x256xf32, #tpu.memory_space<vmem>>, vector<1x256xf32>
    %add3A_27 = vector.broadcast %get3A_26 : vector<1x256xf32> to vector<1000x256xf32>
    %add3A_28 = arith.addf %mul3A_23, %add3A_27 : vector<1000x256xf32>
    %max3A = arith.constant 0.000000e+00 : f32
    %max3A_29 = vector.broadcast %max3A : f32 to vector<1000x256xf32>
    %max3A_30 = arith.maximumf %add3A_28, %max3A_29 : vector<1000x256xf32>
    %get3A_31 = arith.constant 0 : index
    %get3A_32 = arith.constant 0 : index
    %get3A_33 = vector.load %arg6[%get3A_31, %get3A_32] : memref<128x256xf32, #tpu.memory_space<vmem>>, vector<128x256xf32>
    %dot_general3A = arith.constant dense<0.000000e+00> : vector<1000x128xf32>
    %dot_general3A_34 = tpu.matmul %max3A_30, %get3A_33, %dot_general3A {dimension_numbers = #tpu.dot_dimension_numbers<[1], [1], [0], [0], [0, 0, 1, 0], [], []>, transpose_lhs_hint = false} : vector<1000x256xf32>, vector<128x256xf32>, vector<1000x128xf32> -> vector<1000x128xf32>
    %get3A_35 = arith.constant 0 : index
    %get3A_36 = arith.constant 0 : index
    %get3A_37 = vector.load %arg7[%get3A_35, %get3A_36] : memref<1x1xf32, #tpu.memory_space<vmem>>, vector<1x1xf32>
    %get3A_38 = vector.extract %get3A_37[0, 0] : f32 from vector<1x1xf32>
    %add3A_39 = vector.broadcast %get3A_38 : f32 to vector<1000x128xf32>
    %add3A_40 = arith.addf %dot_general3A_34, %add3A_39 : vector<1000x128xf32>
    %swap3A = arith.constant 0 : index
    %swap3A_41 = arith.constant 0 : index
    %swap3A_42 = vector.load %arg10[%swap3A, %swap3A_41] : memref<1000x128xf32, #tpu.memory_space<vmem>>, vector<1000x128xf32>
    tpu.vector_store %arg10[%swap3A, %swap3A_41], %add3A_40 {strides = array<i32>} : memref<1000x128xf32, #tpu.memory_space<vmem>>, vector<1000x128xf32>,
    return
  }
  func.func @transform_0(%arg0: i32) -> (i32, i32) {
    %c0_i32 = arith.constant 0 : i32
    %c0_i32_0 = arith.constant 0 : i32
    return %arg0, %c0_i32 : i32, i32
  }
  func.func @transform_1(%arg0: i32) -> (i32, i32) {
    %c0_i32 = arith.constant 0 : i32
    %c0_i32_0 = arith.constant 0 : i32
    return %arg0, %c0_i32 : i32, i32
  }
  func.func @transform_2(%arg0: i32) -> (i32, i32) {
    %c0_i32 = arith.constant 0 : i32
    %c0_i32_0 = arith.constant 0 : i32
    return %arg0, %c0_i32 : i32, i32
  }
  func.func @transform_3(%arg0: i32) -> (i32, i32) {
    %c0_i32 = arith.constant 0 : i32
    %c0_i32_0 = arith.constant 0 : i32
    return %arg0, %c0_i32 : i32, i32
  }
  func.func @transform_4(%arg0: i32) -> (i32, i32) {
    %c0_i32 = arith.constant 0 : i32
    %c0_i32_0 = arith.constant 0 : i32
    %c0_i32_1 = arith.constant 0 : i32
    return %c0_i32, %c0_i32_0 : i32, i32
  }
  func.func @transform_5(%arg0: i32) -> (i32, i32) {
    %c0_i32 = arith.constant 0 : i32
    %c0_i32_0 = arith.constant 0 : i32
    %c0_i32_1 = arith.constant 0 : i32
    return %c0_i32, %c0_i32_0 : i32, i32
  }
  func.func @transform_6(%arg0: i32) -> (i32, i32) {
    %c0_i32 = arith.constant 0 : i32
    %c0_i32_0 = arith.constant 0 : i32
    %c0_i32_1 = arith.constant 0 : i32
    return %c0_i32, %c0_i32_0 : i32, i32
  }
  func.func @transform_7(%arg0: i32) -> (i32, i32) {
    %c0_i32 = arith.constant 0 : i32
    %c0_i32_0 = arith.constant 0 : i32
    return %arg0, %c0_i32 : i32, i32
  }
  func.func @transform_8(%arg0: i32) -> (i32, i32) {
    %c0_i32 = arith.constant 0 : i32
    %c0_i32_0 = arith.constant 0 : i32
    return %arg0, %c0_i32 : i32, i32
  }
  func.func @transform_9(%arg0: i32) -> (i32, i32) {
    %c0_i32 = arith.constant 0 : i32
    %c0_i32_0 = arith.constant 0 : i32
    return %arg0, %c0_i32 : i32, i32
  }
}

</mosaic_0001>

<sc_bundles>
// kernel: kernel.12.cloned.1.call-start
scs
__scs_entry_jumppad:
0x0: {  	(pc) =	sbr.rel $0x88, $3  }
0x1: {  	(tag) =	ssettag $0x0;
	lr =	simm.s32 $0x1  }
0x2: {  	[smem:$0x3F97] =	sst lr;
	_ =	strace $0xD0000000  }
0x3: {  	_ = 	snop  }
0x4: {  	_ = 	snop  }
0x5: {  	_ = 	snop  }
0x6: {  	_ = 	snop  }
0x7: {  	_ = 	snop  }
__scs_overlays_trampoline_lowered:
0x8: {  	[smem:$0x3FA6] =	sst s0  }
0x9: {  	[smem:$0x3FA7] =	sst s1  }
0xa: {  	[smem:$0x3FA8] =	sst s2  }
0xb: {  	[smem:$0x3FA9] =	sst s3  }
0xc: {  	[smem:$0x3FAA] =	sst s4  }
0xd: {  	[smem:$0x3FAB] =	sst s5  }
0xe: {  	[smem:$0x3FAC] =	sst s6  }
0xf: {  	[smem:$0x3FAD] =	sst s7  }
0x10: {  	[smem:$0x3FAE] =	sst s8  }
0x11: {  	[smem:$0x3FAF] =	sst s9;
	s0 =	simm.s32 @!p0 $0x0  }
0x12: {  	s1 =	sld [smem:$0x3F95];
	s0 =	simm.s32 @p0 $0x1  }
0x13: {  	[smem:$0x3FB0] =	sst s0;
	s0 =	simm.s32 @!p1 $0x0  }
0x14: {  	s2 =	sld [smem:$0x3F94];
	s0 =	simm.s32 @p1 $0x1  }
0x15: {  	[smem:$0x3FB1] =	sst s0;
	s0 =	simm.s32 @!p2 $0x0  }
0x16: {  	s3 =	sld [smem:$0x3FDB];
	s0 =	simm.s32 @p2 $0x1  }
0x17: {  	s4 =	simm.s32 $0x1BF5;
	[smem:$0x3FB3] =	sst s0  }
0x18: {  	s0 =	sld [smem:$0x3F96];
	_ =	swait.ge [sflag:s4], $0x0  }
0x19: {  	s7 =	sld [smem:$0x3F97]  }
0x1a: {  	s8 =	sadd.s32 $0xFFFFE003, lr  }
0x1b: {  	s9 =	sadd.s32 $0xFFFFFEF7, lr;
	s5 =	simm.s32 $0xFFFFFFFF;
	p2 =	slt.u32 s8, $0xFFFFF086  }
0x1c: {  	p1 =	slt.u32 s9, $0xF7A;
	s5 =	simm.s32 @!p2 $0x0  }
0x1d: {  	s5 =	simm.s32 @p1 $0x1;
	p0 =	seq.s32 s7, s2  }
0x1e: {  	s7 =	smul.u32 @!p0 $0xF7A, s2;
	p2 =	seq.s32 @!p0 s5, $0x0  }
0x1f: {  	s9 =	smul.u32 $0xF7A, s1;
	s8 =	simm.s32 @!p0 $0x1BF5;
	p2 =	por !p2, p0  }
0x20: {  	[sflag:s8] =	ssyncset.s32 @!p0 $0xFFFFF086;
	s6 =	sadd.s32 @!p0 s3, s7;
	s7 =	simm.s32 @!p0 $0x108  }
0x21: {  	s3 =	sadd.s32 s3, s9;
	s6 =	sadd.s32 @!p0 $0x88, s6;
	s7 =	simm.s32 @p2 $0x1082  }
0x22: {  	[simem:s7], [sflag:s8] =	dma.local @!p0 [hbm:s6], $0xF7A  }
0x23: {  	s9 =	sor.u32 $0xD0000000, s2;
	s6 =	simm.s32 $0x108;
	_ =	swait.ge @!p0 [sflag:s8], $0x0  }
0x24: {  	s3 =	sadd.s32 $0x88, s3;
	s6 =	simm.s32 @!p1 $0x1082;
	[sflag:s4] =	ssyncset.s32 $0xFFFFF086  }
0x25: {  	[simem:s6], [sflag:s4] =	dma.local [hbm:s3], $0xF7A  }
0x26: {  	[smem:$0x3F97] =	sst s1;
	(tag) =	ssettag s2;
	_ =	strace s9  }
0x27: {  	s1 =	sld [smem:$0x3FA7]  }
0x28: {  	s2 =	sld [smem:$0x3FA8]  }
0x29: {  	s4 =	sld [smem:$0x3FAA]  }
0x2a: {  	p0 =	seq.s32 s5, $0x0;
	s5 =	sld [smem:$0x3FAB]  }
0x2b: {  	s6 =	sld [smem:$0x3FAC]  }
0x2c: {  	s7 =	sld [smem:$0x3FAD]  }
0x2d: {  	s3 =	simm.s32 $0x108;
	s8 =	sld [smem:$0x3FAE]  }
0x2e: {  	s3 =	simm.s32 @!p0 $0x1082;
	s9 =	sld [smem:$0x3FAF]  }
0x2f: {  	lr =	sadd.s32 s0, s3;
	s0 =	sld [smem:$0x3FA6]  }
0x30: {  	s3 =	sld [smem:$0x3FA9]  }
0x31: {  	[smem:$0x3FB2] =	sst s10  }
0x32: {  	s10 =	sld [smem:$0x3FB0];
	_ =	sdelay $0x3  }
0x33: {  	p0 =	seq.s32 s10, $0x1;
	s10 =	sld [smem:$0x3FB2];
	_ =	sdelay $0x3  }
0x34: {  	[smem:$0x3FB2] =	sst s10  }
0x35: {  	s10 =	sld [smem:$0x3FB1];
	_ =	sdelay $0x3  }
0x36: {  	p1 =	seq.s32 s10, $0x1;
	s10 =	sld [smem:$0x3FB2];
	_ =	sdelay $0x3  }
0x37: {  	[smem:$0x3FB2] =	sst s10  }
0x38: {  	s10 =	sld [smem:$0x3FB3]  }
0x39: {  	_ = 	snop;
	(pc) =	sbr.ind lr, $3  }
0x3a: {  	_ = 	snop  }
0x3b: {  	_ = 	snop  }
0x3c: {  	p2 =	seq.s32 s10, $0x1;
	s10 =	sld [smem:$0x3FB2]  }
0x3d: {  	_ =	shalt  }
0x3e: {  	_ =	shalt  }
0x3f: {  	_ =	shalt  }
0x40: {  	_ =	shalt  }
0x41: {  	_ =	shalt  }
0x42: {  	_ =	shalt  }
0x43: {  	_ =	shalt  }
0x44: {  	_ =	shalt  }
0x45: {  	_ =	shalt  }
0x46: {  	_ =	shalt  }
0x47: {  	_ =	shalt  }
0x48: {  	_ =	shalt  }
0x49: {  	_ =	shalt  }
0x4a: {  	_ =	shalt  }
0x4b: {  	_ =	shalt  }
0x4c: {  	_ =	shalt  }
0x4d: {  	_ =	shalt  }
0x4e: {  	_ =	shalt  }
0x4f: {  	_ =	shalt  }
0x50: {  	_ =	shalt  }
0x51: {  	_ =	shalt  }
0x52: {  	_ =	shalt  }
0x53: {  	_ =	shalt  }
0x54: {  	_ =	shalt  }
0x55: {  	_ =	shalt  }
0x56: {  	_ =	shalt  }
0x57: {  	_ =	shalt  }
0x58: {  	_ =	shalt  }
0x59: {  	_ =	shalt  }
0x5a: {  	_ =	shalt  }
0x5b: {  	_ =	shalt  }
0x5c: {  	_ =	shalt  }
0x5d: {  	_ =	shalt  }
0x5e: {  	_ =	shalt  }
0x5f: {  	_ =	shalt  }
0x60: {  	_ =	shalt  }
0x61: {  	_ =	shalt  }
0x62: {  	_ =	shalt  }
0x63: {  	_ =	shalt  }
0x64: {  	_ =	shalt  }
0x65: {  	_ =	shalt  }
0x66: {  	_ =	shalt  }
0x67: {  	_ =	shalt  }
0x68: {  	_ =	shalt  }
0x69: {  	_ =	shalt  }
0x6a: {  	_ =	shalt  }
0x6b: {  	_ =	shalt  }
0x6c: {  	_ =	shalt  }
0x6d: {  	_ =	shalt  }
0x6e: {  	_ =	shalt  }
0x6f: {  	_ =	shalt  }
0x70: {  	_ =	shalt  }
0x71: {  	_ =	shalt  }
0x72: {  	_ =	shalt  }
0x73: {  	_ =	shalt  }
0x74: {  	_ =	shalt  }
0x75: {  	_ =	shalt  }
0x76: {  	_ =	shalt  }
0x77: {  	_ =	shalt  }
0x78: {  	_ =	shalt  }
0x79: {  	_ =	shalt  }
0x7a: {  	_ =	shalt  }
0x7b: {  	_ =	shalt  }
0x7c: {  	_ =	shalt  }
0x7d: {  	_ =	shalt  }
0x7e: {  	_ =	shalt  }
0x7f: {  	_ =	shalt  }
0x80: {  	_ =	shalt  }
0x81: {  	_ =	shalt  }
0x82: {  	_ =	shalt  }
0x83: {  	_ =	shalt  }
0x84: {  	_ =	shalt  }
0x85: {  	_ =	shalt  }
0x86: {  	_ =	shalt  }
0x87: {  	_ =	shalt  }
.Lfunc_end0:
.L_simem_size_0:
called_computation.1_lowered:
.L_overlay_start_0:
0x88: {  	s2 =	sld [smem:$0x3FD9]  }
0x89: {  	s3 =	sld [smem:$0x3FFE];
	_ =	sdelay $0x1  }
0x8a: {  	s1 =	srdreg.scid  }
0x8b: {  	s0 =	sand.u32 $0x1, s1  }
0x8c: {  	s16 =	sshll.u32 s0, $0xA;
	s2 =	sadd.s32 s3, s2  }
0x8d: {  	s2 =	sadd.s32 s2, s16  }
0x8e: {  	[smem:$0x3FBE] =	sst s2  }
0x8f: {  	_ = 	snop  }
0x90: {  	(tm) =	ssettm $0x1  }
0x91: {  	s17 =	sld [smem:$0x3FFB];
	_ =	sdelay $0x3  }
0x92: {  	_ =	strace s17  }
0x93: {  	s2 =	sld [smem:$0x3FFC];
	_ =	sdelay $0x3  }
0x94: {  	_ =	strace s2  }
0x95: {  	s2 =	sld [smem:$0x3FFD];
	_ =	sdelay $0x3  }
0x96: {  	_ =	strace s2  }
0x97: {  	_ =	strace $0x8FFFFFFF  }
0x98: {  	s18 =	sld [smem:$0x3FDB];
	_ =	sdelay $0x1  }
0x99: {  	s19 =	simm.s32 $_scs_section_size  }
0x9a: {  	s4 =	simm.s32 $_size__tile_overlayer_lowered;
	s5 =	simm.s32 $_tile_overlayer_lowered  }
0x9b: {  	s22 =	simm.s32 $0x1BFF;
	s21 =	sshll.u32 s5, $0x1;
	s2 =	sadd.s32 s19, s18  }
0x9c: {  	s6 =	simm.s32 $0x0;
	s20 =	sshll.u32 s4, $0x1;
	s4 =	sadd.s32 s21, s2  }
0x9d: {  	[timem:s6], [sflag:s22] =	dma.local [hbm:s4], s20  }
0x9e: {  	_ =	swait.ge [sflag:s22], s20  }
0x9f: {  	s3 =	ssub.s32 $0x0, s20;
	[sflag:s22] =	ssyncset.done $0x0  }
0xa0: {  	[sflag:s22] =	ssyncadd.s32 s3;
	_ =	sdelay $0x1  }
0xa1: {  	s23 =	simm.s32 $0x1B8B  }
0xa2: {  	_ =	swait.ge [sflag:s23], $0x1  }
0xa3: {  	[sflag:s23] =	ssyncset.done $0x0  }
0xa4: {  	s25 =	simm.s32 $0x1B8E;
	s24 =	sld [smem:$0x3FFE];
	[sflag:s23] =	ssyncadd.s32 $0xFFFFFFFF  }
0xa5: {  	s26 =	simm.s32 $execute0_lowered;
	[smem:$0x3FD2] =	sst s25  }
0xa6: {  	s4 =	sshll.u32 s26, $0x1;
	_ =	strace $0x80000049;
	[dreg:$0x1] =	wrdreg $0xFFFFFFFF  }
0xa7: {  	s28 =	simm.s32 $_size_execute0_lowered;
	s2 =	sadd.s32 s2, s4;
	[dreg:$0x0] =	wrdreg $0x0  }
0xa8: {  	s4 =	sshll.u32 s28, $0x1;
	[dreg:$0x2] =	wrdreg s2  }
0xa9: {  	[dreg:$0x3] =	wrdreg s4  }
0xaa: {  	[dreg:$0x4] =	wrdreg $0xC0  }
0xab: {  	_ =	task [dreg:s6], $0x5FFFF  }
0xac: {  	[dreg:$0x1] =	wrdreg $0xFFFFFFFF  }
0xad: {  	[dreg:$0x0] =	wrdreg $0x60  }
0xae: {  	[dreg:$0x2] =	wrdreg s24  }
0xaf: {  	[dreg:$0x3] =	wrdreg $0x0  }
0xb0: {  	[dreg:$0x4] =	wrdreg $0x9  }
0xb1: {  	_ =	task.clear_ibuf [dreg:s6], $0x5FFFF;
	_ =	strace $0x90000049  }
0xb2: {  	s29 =	simm.s32 $0x9;
	_ =	strace $0x8000004B  }
0xb3: {  	_ =	swait.ge [sflag:s29], $0x1  }
0xb4: {  	[sflag:s29] =	ssyncadd.s32 $0xFFFFFFFF  }
0xb5: {  	_ =	strace $0x9000004B  }
0xb6: {  	_ =	sfence  }
0xb7: {  	s30 =	sld [smem:$0x0];
	_ =	sdelay $0x2  }
0xb8: {  	s31 =	sshll.u32 s1, $0xD;
	s1 =	sshrl.u32 s1, $0x2  }
0xb9: {  	s3 =	sand.u32 $0x4000, s31;
	s1 =	sadd.s32 s1, s30  }
0xba: {  	s0 =	sor.u32 s3, s0;
	s1 =	sshll.u32 s1, $0x11  }
0xbb: {  	s0 =	sor.u32 s1, s0  }
0xbc: {  	s0 =	sadd.s32 $0x8F2B, s0  }
0xbd: {  	[sflag:s0] =	ssyncadd.remote.s32 $0x1  }
0xbe: {  	_ =	sfence.sel $0xFFFF  }
0xbf: {  	[dreg:$0x0] =	wrdreg $0xFFFFFFFF;
	(pc) =	sbr.abs _section_cstart, $3  }
0xc0: {  	[dreg:$0x1] =	wrdreg $0xFFFFFFFF  }
0xc1: {  	_ =	task.clear_ibuf [dreg:s6], $0x2FFFF;
	_ =	strace $0x9FFFFFFF  }
0xc2: {  	(tm) =	ssettm $0x7FFFFFFF  }
0xc3: {  	_ =	shalt  }
tec
execute0_lowered:
.L_overlay_start_1:
0x0: {  	(tag) =	ssettag $0x1  }
0x1: {  	s0 =	rddreg [dreg:$0x0]  }
0x2: {  	s2 =	rddreg [dreg:$0x1]  }
0x3: {  	s18 =	stileid.u32;
	s3 =	simm.s32 $0x0;
	s6 =	srdreg.scid  }
0x4: {  	s28 =	simm.s32 $0x14080;
	s29 =	simm.s32 $0x1A800;
	s30 =	simm.s32 $0x1  }
0x5: {  	s31 =	simm.s32 $0x2;
	s1 =	smul.u32 $0x500, s18;
	[smem:$0x7FF] =	sst s3  }
0x6: {  	s4 =	sadd.s32 $0x5F600, s0;
	s5 =	sadd.s32 $0x86800, s0;
	s7 =	smul.u32 $0x280, s18  }
0x7: {  	s8 =	sadd.s32 $0x9600, s0;
	s6 =	sand.u32 $0x1, s6;
	s20 =	smul.u32 $0x50000, s18  }
0x8: {  	s9 =	sadd.s32 $0xADA00, s0;
	_ =	strace $0x8000004A;
	[dreg:$0x3] =	wrdreg s8  }
0x9: {  	s25 =	smul.u32 $0x2800, s18;
	[dreg:$0x4] =	wrdreg s9;
	s21 =	ssub.s32 $0x2, s6  }
0xa: {  	p0 =	seq.s32 s6, $0x1;
	s6 =	simm.s32 $0x0;
	s1 =	sadd.s32 s1, s0  }
0xb: {  	s0 =	sadd.s32 $0xD5A00, s0;
	s22 =	sshrl.u32 s21, $0x1;
	s8 =	sshrl.u32 s20, $0x2  }
0xc: {  	s16 =	sadd.s32 $0x80, s7;
	s24 =	sadd.s32 $0x100, s7;
	[dreg:$0x6] =	wrdreg s25  }
0xd: {  	s17 =	sadd.s32 $0x180, s7;
	s7 =	sadd.s32 $0x200, s7;
	[dreg:$0x5] =	wrdreg s0  }
0xe: {  	s0 =	ssub.s32 s21, s22;
	s9 =	sadd.s32 s8, s2;
	s23 =	sshll.u32 s16, $0x7  }
0xf: {  	s11 =	sshll.u32 s24, $0x7;
	s12 =	sshll.u32 s17, $0x7;
	s13 =	sshll.u32 s7, $0x7  }
0x10: {  	s14 =	sadd.s32 $0x5A600, s1;
	s15 =	sadd.s32 $0x4600, s1;
	s26 =	sshll.u32 s16, $0x4  }
0x11: {  	s18 =	sshll.u32 s24, $0x4;
	s19 =	sshll.u32 s17, $0x4;
	s20 =	sshll.u32 s7, $0x4  }
.Ltmp0:
0x12: {  	s22 =	simm.s32 $0x16800;
	s24 =	simm.s32 $0x14000;
	(pc) =	sbr.rel .LBB2_1-.Ltmp0, $4  }
0x13: {  	s1 =	simm.s32 $0x4;
	s7 =	simm.s32 $0x16700;
	s8 =	simm.s32 $0x16780  }
0x14: {  	s10 =	sadd.s32 s23, s2;
	s11 =	sadd.s32 s11, s2;
	s12 =	sadd.s32 s12, s2  }
0x15: {  	s13 =	sadd.s32 s13, s2;
	[dreg:$0x7] =	wrdreg s26;
	s21 =	smax.u32 s0, $0x1  }
0x16: {  	s23 =	simm.s32 $0x5;
	s26 =	simm.s32 $0x80;
	s0 =	simm.s32 $0x3  }
.LBB2_11:
0x17: {  	[tilespmem:s29], [sflag:$0x2] =	stream.indirect.gather [hbm4b:s5+s26], $0x80, s17, s26, $0xb8;
	[tilespmem:$0x1E800] =	vst v63  }
0x18: {  	s16 =	rddreg [dreg:$0x5]  }
.LBB2_12:
0x19: {  	_ =	swait.ge [sflag:s30], $0x4000  }
0x1a: {  	[sflag:s30] =	ssyncset.done $0x0  }
0x1b: {  	[sflag:s30] =	ssyncadd.s32 $0xFFFFC000  }
0x1c: {  	[spmem:s2] =	stream.indirect.scatter.add.f32 [tilespmem:s22], [sflag:$0x3], $0x80, s7, s26, $0xb8;
	[tilespmem:$0x1E800] =	vst v63  }
0x1d: {  	_ =	swait.ge [sflag:s31], $0x4000  }
0x1e: {  	[sflag:s31] =	ssyncset.done $0x0  }
0x1f: {  	[sflag:s31] =	ssyncadd.s32 $0xFFFFC000  }
0x20: {  	[spmem:s2] =	stream.indirect.scatter.add.f32 [tilespmem:s29], [sflag:$0x4], $0x80, s8, s26, $0xb8;
	[tilespmem:$0x1E800] =	vst v63  }
0x21: {  	_ =	swait.ge [sflag:s0], $0x4000  }
0x22: {  	[sflag:s0] =	ssyncset.done $0x0  }
0x23: {  	[sflag:s0] =	ssyncadd.s32 $0xFFFFC000  }
0x24: {  	_ =	swait.ge [sflag:s1], $0x4000  }
0x25: {  	[sflag:s1] =	ssyncset.done $0x0  }
0x26: {  	[sflag:s1] =	ssyncadd.s32 $0xFFFFC000  }
0x27: {  	[bflag:$0x0] =	sbarrier.arrive $0xFFFF  }
0x28: {  	[tilespmem:s22], [sflag:$0x5] =	stream.linear.gather [spmem:s9], $0x4000, $0x38;
	[tilespmem:$0x1E800] =	vst v63  }
0x29: {  	_ =	swait.ge [sflag:s23], $0x4000  }
0x2a: {  	[sflag:s23] =	ssyncset.done $0x0;
	s17 =	rddreg [dreg:$0x6]  }
0x2b: {  	s17 =	sadd.s32 s16, s17;
	[sflag:s23] =	ssyncadd.s32 $0xFFFFC000  }
0x2c: {  	[hbm4b:s17+s3] =	stream.linear.scatter [tilespmem:s22], [sflag:$0x1], $0x4000, $0x38;
	[tilespmem:$0x1E800] =	vst v63  }
0x2d: {  	_ = 	snop  }
0x2e: {  	[tilespmem:s29], [sflag:$0x5] =	stream.linear.gather [spmem:s10], $0x4000, $0x38;
	[tilespmem:$0x1E800] =	vst v63  }
0x2f: {  	_ =	swait.ge [sflag:s23], $0x4000  }
0x30: {  	[sflag:s23] =	ssyncset.done $0x0;
	s25 =	rddreg [dreg:$0x7]  }
0x31: {  	s17 =	sadd.s32 s16, s25;
	[sflag:s23] =	ssyncadd.s32 $0xFFFFC000  }
0x32: {  	[hbm4b:s17+s3] =	stream.linear.scatter [tilespmem:s29], [sflag:$0x2], $0x4000, $0x38;
	[tilespmem:$0x1E800] =	vst v63  }
0x33: {  	_ =	swait.ge [sflag:s30], $0x4000  }
0x34: {  	[sflag:s30] =	ssyncset.done $0x0  }
0x35: {  	[sflag:s30] =	ssyncadd.s32 $0xFFFFC000  }
0x36: {  	[tilespmem:s22], [sflag:$0x5] =	stream.linear.gather [spmem:s11], $0x4000, $0x38;
	[tilespmem:$0x1E800] =	vst v63  }
0x37: {  	_ =	swait.ge [sflag:s23], $0x4000  }
0x38: {  	[sflag:s23] =	ssyncset.done $0x0  }
0x39: {  	s25 =	sadd.s32 s16, s18;
	[sflag:s23] =	ssyncadd.s32 $0xFFFFC000  }
0x3a: {  	[hbm4b:s25+s3] =	stream.linear.scatter [tilespmem:s22], [sflag:$0x1], $0x4000, $0x38;
	[tilespmem:$0x1E800] =	vst v63  }
0x3b: {  	_ =	swait.ge [sflag:s31], $0x4000  }
0x3c: {  	[sflag:s31] =	ssyncset.done $0x0  }
0x3d: {  	[sflag:s31] =	ssyncadd.s32 $0xFFFFC000  }
0x3e: {  	[tilespmem:s29], [sflag:$0x5] =	stream.linear.gather [spmem:s12], $0x4000, $0x38;
	[tilespmem:$0x1E800] =	vst v63  }
0x3f: {  	_ =	swait.ge [sflag:s23], $0x4000  }
0x40: {  	[sflag:s23] =	ssyncset.done $0x0  }
0x41: {  	s25 =	sadd.s32 s16, s19;
	[sflag:s23] =	ssyncadd.s32 $0xFFFFC000  }
0x42: {  	[hbm4b:s25+s3] =	stream.linear.scatter [tilespmem:s29], [sflag:$0x2], $0x4000, $0x38;
	[tilespmem:$0x1E800] =	vst v63  }
0x43: {  	_ =	swait.ge [sflag:s30], $0x4000  }
0x44: {  	[sflag:s30] =	ssyncset.done $0x0  }
0x45: {  	[sflag:s30] =	ssyncadd.s32 $0xFFFFC000  }
0x46: {  	[tilespmem:s22], [sflag:$0x5] =	stream.linear.gather [spmem:s13], $0x4000, $0x38;
	[tilespmem:$0x1E800] =	vst v63  }
0x47: {  	_ =	swait.ge [sflag:s23], $0x4000  }
0x48: {  	[sflag:s23] =	ssyncset.done $0x0  }
0x49: {  	s6 =	sadd.s32 $0x1, s6;
	s25 =	sadd.s32 s16, s20;
	[sflag:s23] =	ssyncadd.s32 $0xFFFFC000  }
0x4a: {  	[hbm4b:s25+s3] =	stream.linear.scatter [tilespmem:s22], [sflag:$0x1], $0x4000, $0x38;
	[tilespmem:$0x1E800] =	vst v63  }
0x4b: {  	p1 =	sne.s32 s6, s21;
	_ =	swait.ge [sflag:s31], $0x4000  }
.Ltmp1:
0x4c: {  	[sflag:s31] =	ssyncset.done $0x0;
	(pc) =	sbr.rel @!p1 .LBB2_13-.Ltmp1, $4  }
0x4d: {  	[sflag:s31] =	ssyncadd.s32 $0xFFFFC000  }
0x4e: {  	_ =	swait.ge [sflag:s30], $0x4000  }
0x4f: {  	[sflag:s30] =	ssyncset.done $0x0  }
0x50: {  	[sflag:s30] =	ssyncadd.s32 $0xFFFFC000  }
.LBB2_1:
0x51: {  	s16 =	rddreg [dreg:$0x3]  }
0x52: {  	[tilespmem:s22], [sflag:$0x5] =	stream.linear.gather [hbm4b:s16+s3], $0x4000, $0x38;
	[tilespmem:$0x1E800] =	vst v63  }
0x53: {  	_ =	swait.ge [sflag:s23], $0x4000  }
0x54: {  	[sflag:s23] =	ssyncset.done $0x0  }
0x55: {  	[sflag:s23] =	ssyncadd.s32 $0xFFFFC000  }
0x56: {  	[spmem:s9] =	stream.linear.scatter [tilespmem:s22], [sflag:$0x5], $0x4000, $0x38;
	[tilespmem:$0x1E800] =	vst v63  }
0x57: {  	_ =	swait.ge [sflag:s23], $0x4000  }
0x58: {  	[sflag:s23] =	ssyncset.done $0x0  }
0x59: {  	[sflag:s23] =	ssyncadd.s32 $0xFFFFC000  }
0x5a: {  	[spmem:s10] =	stream.linear.scatter [tilespmem:s22], [sflag:$0x5], $0x4000, $0x38;
	[tilespmem:$0x1E800] =	vst v63  }
0x5b: {  	_ =	swait.ge [sflag:s23], $0x4000  }
0x5c: {  	[sflag:s23] =	ssyncset.done $0x0  }
0x5d: {  	[sflag:s23] =	ssyncadd.s32 $0xFFFFC000  }
0x5e: {  	[spmem:s11] =	stream.linear.scatter [tilespmem:s22], [sflag:$0x5], $0x4000, $0x38;
	[tilespmem:$0x1E800] =	vst v63  }
0x5f: {  	_ =	swait.ge [sflag:s23], $0x4000  }
0x60: {  	[sflag:s23] =	ssyncset.done $0x0  }
0x61: {  	[sflag:s23] =	ssyncadd.s32 $0xFFFFC000  }
0x62: {  	[spmem:s12] =	stream.linear.scatter [tilespmem:s22], [sflag:$0x5], $0x4000, $0x38;
	[tilespmem:$0x1E800] =	vst v63  }
0x63: {  	_ =	swait.ge [sflag:s23], $0x4000  }
0x64: {  	[sflag:s23] =	ssyncset.done $0x0  }
0x65: {  	[sflag:s23] =	ssyncadd.s32 $0xFFFFC000  }
0x66: {  	[spmem:s13] =	stream.linear.scatter [tilespmem:s22], [sflag:$0x5], $0x4000, $0x38;
	[tilespmem:$0x1E800] =	vst v63  }
0x67: {  	_ =	swait.ge [sflag:s23], $0x4000  }
0x68: {  	[sflag:s23] =	ssyncset.done $0x0  }
0x69: {  	[sflag:s23] =	ssyncadd.s32 $0xFFFFC000  }
0x6a: {  	[bflag:$0x0] =	sbarrier.arrive $0xFFFF  }
0x6b: {  	[tilespmem:s24], [sflag:$0x5] =	stream.linear.gather [hbm4b:s14+s3], $0x1400, $0x38;
	[tilespmem:$0x1E800] =	vst v63  }
0x6c: {  	_ =	swait.ge [sflag:s23], $0x1400  }
0x6d: {  	[sflag:s23] =	ssyncset.done $0x0  }
.Ltmp2:
0x6e: {  	s25 =	simm.s32 $0x15400;
	[sflag:s23] =	ssyncadd.s32 $0xFFFFEC00;
	(pc) =	sbr.rel @!p0 .LBB2_2-.Ltmp2, $4  }
0x6f: {  	[tilespmem:s25], [sflag:$0x5] =	stream.linear.gather [hbm4b:s15+s3], $0x1400, $0x38;
	[tilespmem:$0x1E800] =	vst v63  }
0x70: {  	_ =	swait.ge [sflag:s23], $0x1400  }
0x71: {  	[sflag:s23] =	ssyncset.done $0x0  }
0x72: {  	[sflag:s23] =	ssyncadd.s32 $0xFFFFEC00  }
0x73: {  	[tilespmem:s22], [sflag:$0x1] =	stream.indirect.gather [hbm4b:s5+s26], $0x80, s24, s26, $0xb8;
	[tilespmem:$0x1E800] =	vst v63  }
0x74: {  	_ = 	snop  }
0x75: {  	[tilespmem:s29], [sflag:$0x2] =	stream.indirect.gather [hbm4b:s5+s26], $0x80, s28, s26, $0xb8;
	[tilespmem:$0x1E800] =	vst v63  }
0x76: {  	_ =	swait.ge [sflag:s30], $0x4000  }
0x77: {  	[sflag:s30] =	ssyncset.done $0x0  }
0x78: {  	s16 =	simm.s32 $0x15400;
	[sflag:s30] =	ssyncadd.s32 $0xFFFFC000  }
0x79: {  	[spmem:s2] =	stream.indirect.scatter.add.f32 [tilespmem:s22], [sflag:$0x3], $0x80, s16, s26, $0xb8;
	[tilespmem:$0x1E800] =	vst v63  }
0x7a: {  	_ =	swait.ge [sflag:s31], $0x4000  }
0x7b: {  	[sflag:s31] =	ssyncset.done $0x0  }
0x7c: {  	s17 =	simm.s32 $0x15480;
	[sflag:s31] =	ssyncadd.s32 $0xFFFFC000  }
0x7d: {  	[spmem:s2] =	stream.indirect.scatter.add.f32 [tilespmem:s29], [sflag:$0x4], $0x80, s17, s26, $0xb8;
	[tilespmem:$0x1E800] =	vst v63  }
0x7e: {  	_ =	swait.ge [sflag:s0], $0x4000  }
0x7f: {  	[sflag:s0] =	ssyncset.done $0x0  }
0x80: {  	s25 =	simm.s32 $0x14100;
	[sflag:s0] =	ssyncadd.s32 $0xFFFFC000  }
0x81: {  	[tilespmem:s22], [sflag:$0x1] =	stream.indirect.gather [hbm4b:s5+s26], $0x80, s25, s26, $0xb8;
	[tilespmem:$0x1E800] =	vst v63  }
0x82: {  	_ =	swait.ge [sflag:s1], $0x4000  }
0x83: {  	[sflag:s1] =	ssyncset.done $0x0  }
0x84: {  	s16 =	simm.s32 $0x400;
	s17 =	simm.s32 $0x14180;
	[sflag:s1] =	ssyncadd.s32 $0xFFFFC000  }
.LBB2_8:
0x85: {  	[tilespmem:s29], [sflag:$0x2] =	stream.indirect.gather [hbm4b:s5+s26], $0x80, s17, s26, $0xb8;
	[tilespmem:$0x1E800] =	vst v63  }
0x86: {  	s17 =	smov.u32 s16  }
0x87: {  	p1 =	sne.s32 s16, $0x4800;
	s16 =	sadd.s32 $0x400, s16;
	_ =	swait.ge [sflag:s30], $0x4000  }
0x88: {  	s17 =	sshra.s32 s17, $0x2;
	[sflag:s30] =	ssyncset.done $0x0  }
0x89: {  	s25 =	sadd.s32 $0x15400, s17;
	[sflag:s30] =	ssyncadd.s32 $0xFFFFC000  }
0x8a: {  	[spmem:s2] =	stream.indirect.scatter.add.f32 [tilespmem:s22], [sflag:$0x3], $0x80, s25, s26, $0xb8;
	[tilespmem:$0x1E800] =	vst v63  }
0x8b: {  	_ =	swait.ge [sflag:s31], $0x4000  }
0x8c: {  	[sflag:s31] =	ssyncset.done $0x0  }
0x8d: {  	s25 =	sadd.s32 $0x15480, s17;
	[sflag:s31] =	ssyncadd.s32 $0xFFFFC000  }
0x8e: {  	[spmem:s2] =	stream.indirect.scatter.add.f32 [tilespmem:s29], [sflag:$0x4], $0x80, s25, s26, $0xb8;
	[tilespmem:$0x1E800] =	vst v63  }
0x8f: {  	_ =	swait.ge [sflag:s0], $0x4000  }
0x90: {  	[sflag:s0] =	ssyncset.done $0x0  }
.Ltmp3:
0x91: {  	s25 =	sadd.s32 $0x14100, s17;
	[sflag:s0] =	ssyncadd.s32 $0xFFFFC000;
	(pc) =	sbr.rel @p1 .LBB2_8-.Ltmp3, $4  }
0x92: {  	[tilespmem:s22], [sflag:$0x1] =	stream.indirect.gather [hbm4b:s5+s26], $0x80, s25, s26, $0xb8;
	[tilespmem:$0x1E800] =	vst v63  }
0x93: {  	_ =	swait.ge [sflag:s1], $0x4000  }
0x94: {  	[sflag:s1] =	ssyncset.done $0x0  }
0x95: {  	s17 =	sadd.s32 $0x14180, s17;
	[sflag:s1] =	ssyncadd.s32 $0xFFFFC000  }
0x96: {  	[tilespmem:s29], [sflag:$0x2] =	stream.indirect.gather [hbm4b:s5+s26], $0x80, s17, s26, $0xb8;
	[tilespmem:$0x1E800] =	vst v63  }
0x97: {  	_ =	swait.ge [sflag:s30], $0x4000  }
0x98: {  	[sflag:s30] =	ssyncset.done $0x0  }
0x99: {  	[sflag:s30] =	ssyncadd.s32 $0xFFFFC000  }
0x9a: {  	[spmem:s2] =	stream.indirect.scatter.add.f32 [tilespmem:s22], [sflag:$0x3], $0x80, s7, s26, $0xb8;
	[tilespmem:$0x1E800] =	vst v63  }
0x9b: {  	_ =	swait.ge [sflag:s31], $0x4000  }
0x9c: {  	[sflag:s31] =	ssyncset.done $0x0  }
0x9d: {  	[sflag:s31] =	ssyncadd.s32 $0xFFFFC000  }
0x9e: {  	[spmem:s2] =	stream.indirect.scatter.add.f32 [tilespmem:s29], [sflag:$0x4], $0x80, s8, s26, $0xb8;
	[tilespmem:$0x1E800] =	vst v63  }
0x9f: {  	_ =	swait.ge [sflag:s0], $0x4000  }
0xa0: {  	[sflag:s0] =	ssyncset.done $0x0  }
0xa1: {  	[sflag:s0] =	ssyncadd.s32 $0xFFFFC000  }
0xa2: {  	_ =	swait.ge [sflag:s1], $0x4000  }
0xa3: {  	[sflag:s1] =	ssyncset.done $0x0  }
0xa4: {  	s16 =	sadd.s32 $0x280, s14;
	s17 =	simm.s32 $0x0;
	[sflag:s1] =	ssyncadd.s32 $0xFFFFC000  }
0xa5: {  	[tilespmem:s24], [sflag:$0x5] =	stream.linear.gather [hbm4b:s16+s17], $0x1400, $0x38;
	[tilespmem:$0x1E800] =	vst v63  }
0xa6: {  	_ =	swait.ge [sflag:s23], $0x1400  }
0xa7: {  	[sflag:s23] =	ssyncset.done $0x0  }
0xa8: {  	s25 =	simm.s32 $0x15400;
	s16 =	sadd.s32 $0x280, s15;
	[sflag:s23] =	ssyncadd.s32 $0xFFFFEC00  }
0xa9: {  	[tilespmem:s25], [sflag:$0x5] =	stream.linear.gather [hbm4b:s16+s17], $0x1400, $0x38;
	[tilespmem:$0x1E800] =	vst v63  }
0xaa: {  	_ =	swait.ge [sflag:s23], $0x1400  }
0xab: {  	[sflag:s23] =	ssyncset.done $0x0  }
0xac: {  	[sflag:s23] =	ssyncadd.s32 $0xFFFFEC00  }
0xad: {  	[tilespmem:s22], [sflag:$0x1] =	stream.indirect.gather [hbm4b:s5+s26], $0x80, s24, s26, $0xb8;
	[tilespmem:$0x1E800] =	vst v63  }
0xae: {  	_ = 	snop  }
0xaf: {  	[tilespmem:s29], [sflag:$0x2] =	stream.indirect.gather [hbm4b:s5+s26], $0x80, s28, s26, $0xb8;
	[tilespmem:$0x1E800] =	vst v63  }
0xb0: {  	_ =	swait.ge [sflag:s30], $0x4000  }
0xb1: {  	[sflag:s30] =	ssyncset.done $0x0  }
0xb2: {  	s25 =	simm.s32 $0x15400;
	[sflag:s30] =	ssyncadd.s32 $0xFFFFC000  }
0xb3: {  	[spmem:s2] =	stream.indirect.scatter.add.f32 [tilespmem:s22], [sflag:$0x3], $0x80, s25, s26, $0xb8;
	[tilespmem:$0x1E800] =	vst v63  }
0xb4: {  	_ =	swait.ge [sflag:s31], $0x4000  }
0xb5: {  	[sflag:s31] =	ssyncset.done $0x0  }
0xb6: {  	s17 =	simm.s32 $0x15480;
	[sflag:s31] =	ssyncadd.s32 $0xFFFFC000  }
0xb7: {  	[spmem:s2] =	stream.indirect.scatter.add.f32 [tilespmem:s29], [sflag:$0x4], $0x80, s17, s26, $0xb8;
	[tilespmem:$0x1E800] =	vst v63  }
0xb8: {  	_ =	swait.ge [sflag:s0], $0x4000  }
0xb9: {  	[sflag:s0] =	ssyncset.done $0x0  }
0xba: {  	s25 =	simm.s32 $0x14100;
	[sflag:s0] =	ssyncadd.s32 $0xFFFFC000  }
0xbb: {  	[tilespmem:s22], [sflag:$0x1] =	stream.indirect.gather [hbm4b:s5+s26], $0x80, s25, s26, $0xb8;
	[tilespmem:$0x1E800] =	vst v63  }
0xbc: {  	_ =	swait.ge [sflag:s1], $0x4000  }
0xbd: {  	[sflag:s1] =	ssyncset.done $0x0  }
0xbe: {  	s16 =	simm.s32 $0x400;
	s17 =	simm.s32 $0x14180;
	[sflag:s1] =	ssyncadd.s32 $0xFFFFC000  }
.LBB2_10:
0xbf: {  	[tilespmem:s29], [sflag:$0x2] =	stream.indirect.gather [hbm4b:s5+s26], $0x80, s17, s26, $0xb8;
	[tilespmem:$0x1E800] =	vst v63  }
0xc0: {  	s17 =	smov.u32 s16  }
0xc1: {  	p1 =	sne.s32 s16, $0x4800;
	s16 =	sadd.s32 $0x400, s16;
	_ =	swait.ge [sflag:s30], $0x4000  }
0xc2: {  	s17 =	sshra.s32 s17, $0x2;
	[sflag:s30] =	ssyncset.done $0x0  }
0xc3: {  	s25 =	sadd.s32 $0x15400, s17;
	[sflag:s30] =	ssyncadd.s32 $0xFFFFC000  }
0xc4: {  	[spmem:s2] =	stream.indirect.scatter.add.f32 [tilespmem:s22], [sflag:$0x3], $0x80, s25, s26, $0xb8;
	[tilespmem:$0x1E800] =	vst v63  }
0xc5: {  	_ =	swait.ge [sflag:s31], $0x4000  }
0xc6: {  	[sflag:s31] =	ssyncset.done $0x0  }
0xc7: {  	s25 =	sadd.s32 $0x15480, s17;
	[sflag:s31] =	ssyncadd.s32 $0xFFFFC000  }
0xc8: {  	[spmem:s2] =	stream.indirect.scatter.add.f32 [tilespmem:s29], [sflag:$0x4], $0x80, s25, s26, $0xb8;
	[tilespmem:$0x1E800] =	vst v63  }
0xc9: {  	_ =	swait.ge [sflag:s0], $0x4000  }
0xca: {  	[sflag:s0] =	ssyncset.done $0x0  }
.Ltmp4:
0xcb: {  	s25 =	sadd.s32 $0x14100, s17;
	[sflag:s0] =	ssyncadd.s32 $0xFFFFC000;
	(pc) =	sbr.rel @p1 .LBB2_10-.Ltmp4, $4  }
0xcc: {  	[tilespmem:s22], [sflag:$0x1] =	stream.indirect.gather [hbm4b:s5+s26], $0x80, s25, s26, $0xb8;
	[tilespmem:$0x1E800] =	vst v63  }
0xcd: {  	_ =	swait.ge [sflag:s1], $0x4000  }
0xce: {  	[sflag:s1] =	ssyncset.done $0x0  }
0xcf: {  	s17 =	sadd.s32 $0x14180, s17;
	[sflag:s1] =	ssyncadd.s32 $0xFFFFC000  }
.Ltmp5:
0xd0: {  	_ = 	snop;
	(pc) =	sbr.rel .LBB2_11-.Ltmp5, $1  }
0xd1: {  	_ =	sdelay $0x3  }
.LBB2_2:
0xd2: {  	[tilespmem:s22], [sflag:$0x1] =	stream.indirect.gather [hbm4b:s4+s26], $0x80, s24, s26, $0xb8;
	[tilespmem:$0x1E800] =	vst v63  }
0xd3: {  	_ = 	snop  }
0xd4: {  	[tilespmem:s29], [sflag:$0x2] =	stream.indirect.gather [hbm4b:s4+s26], $0x80, s28, s26, $0xb8;
	[tilespmem:$0x1E800] =	vst v63  }
0xd5: {  	_ =	swait.ge [sflag:s30], $0x4000  }
0xd6: {  	[sflag:s30] =	ssyncset.done $0x0  }
0xd7: {  	s16 =	simm.s32 $0x15400;
	[sflag:s30] =	ssyncadd.s32 $0xFFFFC000  }
0xd8: {  	[spmem:s2] =	stream.indirect.scatter.add.f32 [tilespmem:s22], [sflag:$0x3], $0x80, s16, s26, $0xb8;
	[tilespmem:$0x1E800] =	vst v63  }
0xd9: {  	_ =	swait.ge [sflag:s31], $0x4000  }
0xda: {  	[sflag:s31] =	ssyncset.done $0x0  }
0xdb: {  	s17 =	simm.s32 $0x15480;
	[sflag:s31] =	ssyncadd.s32 $0xFFFFC000  }
0xdc: {  	[spmem:s2] =	stream.indirect.scatter.add.f32 [tilespmem:s29], [sflag:$0x4], $0x80, s17, s26, $0xb8;
	[tilespmem:$0x1E800] =	vst v63  }
0xdd: {  	_ =	swait.ge [sflag:s0], $0x4000  }
0xde: {  	[sflag:s0] =	ssyncset.done $0x0  }
0xdf: {  	s25 =	simm.s32 $0x14100;
	[sflag:s0] =	ssyncadd.s32 $0xFFFFC000  }
0xe0: {  	[tilespmem:s22], [sflag:$0x1] =	stream.indirect.gather [hbm4b:s4+s26], $0x80, s25, s26, $0xb8;
	[tilespmem:$0x1E800] =	vst v63  }
0xe1: {  	_ =	swait.ge [sflag:s1], $0x4000  }
0xe2: {  	[sflag:s1] =	ssyncset.done $0x0  }
0xe3: {  	s16 =	simm.s32 $0x400;
	s17 =	simm.s32 $0x14180;
	[sflag:s1] =	ssyncadd.s32 $0xFFFFC000  }
.LBB2_3:
0xe4: {  	[tilespmem:s29], [sflag:$0x2] =	stream.indirect.gather [hbm4b:s4+s26], $0x80, s17, s26, $0xb8;
	[tilespmem:$0x1E800] =	vst v63  }
0xe5: {  	s17 =	smov.u32 s16  }
0xe6: {  	p1 =	sne.s32 s16, $0x4800;
	s16 =	sadd.s32 $0x400, s16;
	_ =	swait.ge [sflag:s30], $0x4000  }
0xe7: {  	s17 =	sshra.s32 s17, $0x2;
	[sflag:s30] =	ssyncset.done $0x0  }
0xe8: {  	s25 =	sadd.s32 $0x15400, s17;
	[sflag:s30] =	ssyncadd.s32 $0xFFFFC000  }
0xe9: {  	[spmem:s2] =	stream.indirect.scatter.add.f32 [tilespmem:s22], [sflag:$0x3], $0x80, s25, s26, $0xb8;
	[tilespmem:$0x1E800] =	vst v63  }
0xea: {  	_ =	swait.ge [sflag:s31], $0x4000  }
0xeb: {  	[sflag:s31] =	ssyncset.done $0x0  }
0xec: {  	s25 =	sadd.s32 $0x15480, s17;
	[sflag:s31] =	ssyncadd.s32 $0xFFFFC000  }
0xed: {  	[spmem:s2] =	stream.indirect.scatter.add.f32 [tilespmem:s29], [sflag:$0x4], $0x80, s25, s26, $0xb8;
	[tilespmem:$0x1E800] =	vst v63  }
0xee: {  	_ =	swait.ge [sflag:s0], $0x4000  }
0xef: {  	[sflag:s0] =	ssyncset.done $0x0  }
.Ltmp6:
0xf0: {  	s25 =	sadd.s32 $0x14100, s17;
	[sflag:s0] =	ssyncadd.s32 $0xFFFFC000;
	(pc) =	sbr.rel @p1 .LBB2_3-.Ltmp6, $4  }
0xf1: {  	[tilespmem:s22], [sflag:$0x1] =	stream.indirect.gather [hbm4b:s4+s26], $0x80, s25, s26, $0xb8;
	[tilespmem:$0x1E800] =	vst v63  }
0xf2: {  	_ =	swait.ge [sflag:s1], $0x4000  }
0xf3: {  	[sflag:s1] =	ssyncset.done $0x0  }
0xf4: {  	s17 =	sadd.s32 $0x14180, s17;
	[sflag:s1] =	ssyncadd.s32 $0xFFFFC000  }
0xf5: {  	[tilespmem:s29], [sflag:$0x2] =	stream.indirect.gather [hbm4b:s4+s26], $0x80, s17, s26, $0xb8;
	[tilespmem:$0x1E800] =	vst v63  }
0xf6: {  	_ =	swait.ge [sflag:s30], $0x4000  }
0xf7: {  	[sflag:s30] =	ssyncset.done $0x0  }
0xf8: {  	[sflag:s30] =	ssyncadd.s32 $0xFFFFC000  }
0xf9: {  	[spmem:s2] =	stream.indirect.scatter.add.f32 [tilespmem:s22], [sflag:$0x3], $0x80, s7, s26, $0xb8;
	[tilespmem:$0x1E800] =	vst v63  }
0xfa: {  	_ =	swait.ge [sflag:s31], $0x4000  }
0xfb: {  	[sflag:s31] =	ssyncset.done $0x0  }
0xfc: {  	[sflag:s31] =	ssyncadd.s32 $0xFFFFC000  }
0xfd: {  	[spmem:s2] =	stream.indirect.scatter.add.f32 [tilespmem:s29], [sflag:$0x4], $0x80, s8, s26, $0xb8;
	[tilespmem:$0x1E800] =	vst v63  }
0xfe: {  	_ =	swait.ge [sflag:s0], $0x4000  }
0xff: {  	[sflag:s0] =	ssyncset.done $0x0  }
0x100: {  	[sflag:s0] =	ssyncadd.s32 $0xFFFFC000  }
0x101: {  	_ =	swait.ge [sflag:s1], $0x4000  }
0x102: {  	[sflag:s1] =	ssyncset.done $0x0  }
0x103: {  	s16 =	sadd.s32 $0x280, s14;
	s17 =	simm.s32 $0x0;
	[sflag:s1] =	ssyncadd.s32 $0xFFFFC000  }
0x104: {  	[tilespmem:s24], [sflag:$0x5] =	stream.linear.gather [hbm4b:s16+s17], $0x1400, $0x38;
	[tilespmem:$0x1E800] =	vst v63  }
0x105: {  	_ =	swait.ge [sflag:s23], $0x1400  }
0x106: {  	[sflag:s23] =	ssyncset.done $0x0  }
0x107: {  	s25 =	simm.s32 $0x15400;
	s16 =	sadd.s32 $0x280, s15;
	[sflag:s23] =	ssyncadd.s32 $0xFFFFEC00  }
0x108: {  	[tilespmem:s25], [sflag:$0x5] =	stream.linear.gather [hbm4b:s16+s17], $0x1400, $0x38;
	[tilespmem:$0x1E800] =	vst v63  }
0x109: {  	_ =	swait.ge [sflag:s23], $0x1400  }
0x10a: {  	[sflag:s23] =	ssyncset.done $0x0  }
0x10b: {  	[sflag:s23] =	ssyncadd.s32 $0xFFFFEC00  }
0x10c: {  	[tilespmem:s22], [sflag:$0x1] =	stream.indirect.gather [hbm4b:s4+s26], $0x80, s24, s26, $0xb8;
	[tilespmem:$0x1E800] =	vst v63  }
0x10d: {  	_ = 	snop  }
0x10e: {  	[tilespmem:s29], [sflag:$0x2] =	stream.indirect.gather [hbm4b:s4+s26], $0x80, s28, s26, $0xb8;
	[tilespmem:$0x1E800] =	vst v63  }
0x10f: {  	_ =	swait.ge [sflag:s30], $0x4000  }
0x110: {  	[sflag:s30] =	ssyncset.done $0x0  }
0x111: {  	s25 =	simm.s32 $0x15400;
	[sflag:s30] =	ssyncadd.s32 $0xFFFFC000  }
0x112: {  	[spmem:s2] =	stream.indirect.scatter.add.f32 [tilespmem:s22], [sflag:$0x3], $0x80, s25, s26, $0xb8;
	[tilespmem:$0x1E800] =	vst v63  }
0x113: {  	_ =	swait.ge [sflag:s31], $0x4000  }
0x114: {  	[sflag:s31] =	ssyncset.done $0x0  }
0x115: {  	s17 =	simm.s32 $0x15480;
	[sflag:s31] =	ssyncadd.s32 $0xFFFFC000  }
0x116: {  	[spmem:s2] =	stream.indirect.scatter.add.f32 [tilespmem:s29], [sflag:$0x4], $0x80, s17, s26, $0xb8;
	[tilespmem:$0x1E800] =	vst v63  }
0x117: {  	_ =	swait.ge [sflag:s0], $0x4000  }
0x118: {  	[sflag:s0] =	ssyncset.done $0x0  }
0x119: {  	s25 =	simm.s32 $0x14100;
	[sflag:s0] =	ssyncadd.s32 $0xFFFFC000  }
0x11a: {  	[tilespmem:s22], [sflag:$0x1] =	stream.indirect.gather [hbm4b:s4+s26], $0x80, s25, s26, $0xb8;
	[tilespmem:$0x1E800] =	vst v63  }
0x11b: {  	_ =	swait.ge [sflag:s1], $0x4000  }
0x11c: {  	[sflag:s1] =	ssyncset.done $0x0  }
0x11d: {  	s16 =	simm.s32 $0x400;
	s17 =	simm.s32 $0x14180;
	[sflag:s1] =	ssyncadd.s32 $0xFFFFC000  }
.LBB2_5:
0x11e: {  	[tilespmem:s29], [sflag:$0x2] =	stream.indirect.gather [hbm4b:s4+s26], $0x80, s17, s26, $0xb8;
	[tilespmem:$0x1E800] =	vst v63  }
0x11f: {  	s17 =	smov.u32 s16  }
0x120: {  	p1 =	seq.s32 s16, $0x4800;
	s16 =	sadd.s32 $0x400, s16;
	_ =	swait.ge [sflag:s30], $0x4000  }
0x121: {  	s17 =	sshra.s32 s17, $0x2;
	[sflag:s30] =	ssyncset.done $0x0  }
0x122: {  	s25 =	sadd.s32 $0x15400, s17;
	[sflag:s30] =	ssyncadd.s32 $0xFFFFC000  }
0x123: {  	[spmem:s2] =	stream.indirect.scatter.add.f32 [tilespmem:s22], [sflag:$0x3], $0x80, s25, s26, $0xb8;
	[tilespmem:$0x1E800] =	vst v63  }
0x124: {  	_ =	swait.ge [sflag:s31], $0x4000  }
0x125: {  	[sflag:s31] =	ssyncset.done $0x0  }
0x126: {  	s25 =	sadd.s32 $0x15480, s17;
	[sflag:s31] =	ssyncadd.s32 $0xFFFFC000  }
0x127: {  	[spmem:s2] =	stream.indirect.scatter.add.f32 [tilespmem:s29], [sflag:$0x4], $0x80, s25, s26, $0xb8;
	[tilespmem:$0x1E800] =	vst v63  }
0x128: {  	_ =	swait.ge [sflag:s0], $0x4000  }
0x129: {  	[sflag:s0] =	ssyncset.done $0x0  }
.Ltmp7:
0x12a: {  	s25 =	sadd.s32 $0x14100, s17;
	[sflag:s0] =	ssyncadd.s32 $0xFFFFC000;
	(pc) =	sbr.rel @!p1 .LBB2_5-.Ltmp7, $4  }
0x12b: {  	[tilespmem:s22], [sflag:$0x1] =	stream.indirect.gather [hbm4b:s4+s26], $0x80, s25, s26, $0xb8;
	[tilespmem:$0x1E800] =	vst v63  }
0x12c: {  	_ =	swait.ge [sflag:s1], $0x4000  }
0x12d: {  	[sflag:s1] =	ssyncset.done $0x0  }
0x12e: {  	s17 =	sadd.s32 $0x14180, s17;
	[sflag:s1] =	ssyncadd.s32 $0xFFFFC000  }
.Ltmp8:
0x12f: {  	(pc) =	sbr.rel .LBB2_12-.Ltmp8, $3  }
0x130: {  	_ =	sdelay $0x1  }
0x131: {  	[tilespmem:s29], [sflag:$0x2] =	stream.indirect.gather [hbm4b:s4+s26], $0x80, s17, s26, $0xb8;
	[tilespmem:$0x1E800] =	vst v63  }
0x132: {  	s16 =	rddreg [dreg:$0x4]  }
.LBB2_13:
0x133: {  	_ =	sfence.sel $0x180000  }
0x134: {  	[bflag:$0x0] =	sbarrier.arrive $0xFFFF  }
0x135: {  	_ =	strace $0x9000004A  }
0x136: {  	s0 =	stileid.u32;
	[bflag:$0x2] =	sbarrier.arrive $0xFFFF  }
0x137: {  	p0 =	sne.s32 s0, $0x0;
	s0 =	rddreg [dreg:$0x2]  }
0x138: {  	s0 =	sadd.s32 @!p0 $0x100000, s0  }
0x139: {  	[sflag:s0] =	ssyncadd.tile.s32 @!p0 $0x1;
	_ =	shalt  }
.Lfunc_end2:
_tile_overlayer_lowered:
.L_overlay_start_2:
0x13a: {  	(tag) =	ssettag $0x2  }
0x13b: {  	s0 =	rddreg [dreg:$0x0];
	s2 =	stileid.u32  }
0x13c: {  	s1 =	rddreg [dreg:$0x1];
	p0 =	sne.s32 s2, $0x0  }
0x13d: {  	s3 =	rddreg [dreg:$0x2];
	[bflag:$0x3] =	sbarrier.arrive $0xFFFF;
	s2 =	simm.s32 @!p0 $0x1C05  }
0x13e: {  	[timem:s3], [sflag:s2] =	dma.local @!p0 [hbm:s0], s1  }
0x13f: {  	s0 =	simm.s32 @!p0 $0x5  }
0x140: {  	_ =	swait.ge @!p0 [sflag:s0], s1  }
0x141: {  	s1 =	ssub.s32 @!p0 $0x0, s1;
	[sflag:s0] =	ssyncset.done @!p0 $0x0  }
0x142: {  	[sflag:s0] =	ssyncadd.s32 @!p0 s1  }
0x143: {  	[bflag:$0x3] =	sbarrier.arrive $0xFFFF  }
0x144: {  	_ =	shalt  }

// kernel: kernel.15.cloned.1.call-start
scs
__scs_entry_jumppad:
0x0: {  	(pc) =	sbr.rel $0x88, $3  }
0x1: {  	(tag) =	ssettag $0x0;
	lr =	simm.s32 $0x1  }
0x2: {  	[smem:$0x3F97] =	sst lr;
	_ =	strace $0xD0000000  }
0x3: {  	_ = 	snop  }
0x4: {  	_ = 	snop  }
0x5: {  	_ = 	snop  }
0x6: {  	_ = 	snop  }
0x7: {  	_ = 	snop  }
__scs_overlays_trampoline_lowered:
0x8: {  	[smem:$0x3FA6] =	sst s0  }
0x9: {  	[smem:$0x3FA7] =	sst s1  }
0xa: {  	[smem:$0x3FA8] =	sst s2  }
0xb: {  	[smem:$0x3FA9] =	sst s3  }
0xc: {  	[smem:$0x3FAA] =	sst s4  }
0xd: {  	[smem:$0x3FAB] =	sst s5  }
0xe: {  	[smem:$0x3FAC] =	sst s6  }
0xf: {  	[smem:$0x3FAD] =	sst s7  }
0x10: {  	[smem:$0x3FAE] =	sst s8  }
0x11: {  	[smem:$0x3FAF] =	sst s9;
	s0 =	simm.s32 @!p0 $0x0  }
0x12: {  	s1 =	sld [smem:$0x3F95];
	s0 =	simm.s32 @p0 $0x1  }
0x13: {  	[smem:$0x3FB0] =	sst s0;
	s0 =	simm.s32 @!p1 $0x0  }
0x14: {  	s2 =	sld [smem:$0x3F94];
	s0 =	simm.s32 @p1 $0x1  }
0x15: {  	[smem:$0x3FB1] =	sst s0;
	s0 =	simm.s32 @!p2 $0x0  }
0x16: {  	s3 =	sld [smem:$0x3FDB];
	s0 =	simm.s32 @p2 $0x1  }
0x17: {  	s4 =	simm.s32 $0x1BF5;
	[smem:$0x3FB3] =	sst s0  }
0x18: {  	s0 =	sld [smem:$0x3F96];
	_ =	swait.ge [sflag:s4], $0x0  }
0x19: {  	s7 =	sld [smem:$0x3F97]  }
0x1a: {  	s8 =	sadd.s32 $0xFFFFE003, lr  }
0x1b: {  	s9 =	sadd.s32 $0xFFFFFEF7, lr;
	s5 =	simm.s32 $0xFFFFFFFF;
	p2 =	slt.u32 s8, $0xFFFFF086  }
0x1c: {  	p1 =	slt.u32 s9, $0xF7A;
	s5 =	simm.s32 @!p2 $0x0  }
0x1d: {  	s5 =	simm.s32 @p1 $0x1;
	p0 =	seq.s32 s7, s2  }
0x1e: {  	s7 =	smul.u32 @!p0 $0xF7A, s2;
	p2 =	seq.s32 @!p0 s5, $0x0  }
0x1f: {  	s9 =	smul.u32 $0xF7A, s1;
	s8 =	simm.s32 @!p0 $0x1BF5;
	p2 =	por !p2, p0  }
0x20: {  	[sflag:s8] =	ssyncset.s32 @!p0 $0xFFFFF086;
	s6 =	sadd.s32 @!p0 s3, s7;
	s7 =	simm.s32 @!p0 $0x108  }
0x21: {  	s3 =	sadd.s32 s3, s9;
	s6 =	sadd.s32 @!p0 $0x88, s6;
	s7 =	simm.s32 @p2 $0x1082  }
0x22: {  	[simem:s7], [sflag:s8] =	dma.local @!p0 [hbm:s6], $0xF7A  }
0x23: {  	s9 =	sor.u32 $0xD0000000, s2;
	s6 =	simm.s32 $0x108;
	_ =	swait.ge @!p0 [sflag:s8], $0x0  }
0x24: {  	s3 =	sadd.s32 $0x88, s3;
	s6 =	simm.s32 @!p1 $0x1082;
	[sflag:s4] =	ssyncset.s32 $0xFFFFF086  }
0x25: {  	[simem:s6], [sflag:s4] =	dma.local [hbm:s3], $0xF7A  }
0x26: {  	[smem:$0x3F97] =	sst s1;
	(tag) =	ssettag s2;
	_ =	strace s9  }
0x27: {  	s1 =	sld [smem:$0x3FA7]  }
0x28: {  	s2 =	sld [smem:$0x3FA8]  }
0x29: {  	s4 =	sld [smem:$0x3FAA]  }
0x2a: {  	p0 =	seq.s32 s5, $0x0;
	s5 =	sld [smem:$0x3FAB]  }
0x2b: {  	s6 =	sld [smem:$0x3FAC]  }
0x2c: {  	s7 =	sld [smem:$0x3FAD]  }
0x2d: {  	s3 =	simm.s32 $0x108;
	s8 =	sld [smem:$0x3FAE]  }
0x2e: {  	s3 =	simm.s32 @!p0 $0x1082;
	s9 =	sld [smem:$0x3FAF]  }
0x2f: {  	lr =	sadd.s32 s0, s3;
	s0 =	sld [smem:$0x3FA6]  }
0x30: {  	s3 =	sld [smem:$0x3FA9]  }
0x31: {  	[smem:$0x3FB2] =	sst s10  }
0x32: {  	s10 =	sld [smem:$0x3FB0];
	_ =	sdelay $0x3  }
0x33: {  	p0 =	seq.s32 s10, $0x1;
	s10 =	sld [smem:$0x3FB2];
	_ =	sdelay $0x3  }
0x34: {  	[smem:$0x3FB2] =	sst s10  }
0x35: {  	s10 =	sld [smem:$0x3FB1];
	_ =	sdelay $0x3  }
0x36: {  	p1 =	seq.s32 s10, $0x1;
	s10 =	sld [smem:$0x3FB2];
	_ =	sdelay $0x3  }
0x37: {  	[smem:$0x3FB2] =	sst s10  }
0x38: {  	s10 =	sld [smem:$0x3FB3]  }
0x39: {  	_ = 	snop;
	(pc) =	sbr.ind lr, $3  }
0x3a: {  	_ = 	snop  }
0x3b: {  	_ = 	snop  }
0x3c: {  	p2 =	seq.s32 s10, $0x1;
	s10 =	sld [smem:$0x3FB2]  }
0x3d: {  	_ =	shalt  }
0x3e: {  	_ =	shalt  }
0x3f: {  	_ =	shalt  }
0x40: {  	_ =	shalt  }
0x41: {  	_ =	shalt  }
0x42: {  	_ =	shalt  }
0x43: {  	_ =	shalt  }
0x44: {  	_ =	shalt  }
0x45: {  	_ =	shalt  }
0x46: {  	_ =	shalt  }
0x47: {  	_ =	shalt  }
0x48: {  	_ =	shalt  }
0x49: {  	_ =	shalt  }
0x4a: {  	_ =	shalt  }
0x4b: {  	_ =	shalt  }
0x4c: {  	_ =	shalt  }
0x4d: {  	_ =	shalt  }
0x4e: {  	_ =	shalt  }
0x4f: {  	_ =	shalt  }
0x50: {  	_ =	shalt  }
0x51: {  	_ =	shalt  }
0x52: {  	_ =	shalt  }
0x53: {  	_ =	shalt  }
0x54: {  	_ =	shalt  }
0x55: {  	_ =	shalt  }
0x56: {  	_ =	shalt  }
0x57: {  	_ =	shalt  }
0x58: {  	_ =	shalt  }
0x59: {  	_ =	shalt  }
0x5a: {  	_ =	shalt  }
0x5b: {  	_ =	shalt  }
0x5c: {  	_ =	shalt  }
0x5d: {  	_ =	shalt  }
0x5e: {  	_ =	shalt  }
0x5f: {  	_ =	shalt  }
0x60: {  	_ =	shalt  }
0x61: {  	_ =	shalt  }
0x62: {  	_ =	shalt  }
0x63: {  	_ =	shalt  }
0x64: {  	_ =	shalt  }
0x65: {  	_ =	shalt  }
0x66: {  	_ =	shalt  }
0x67: {  	_ =	shalt  }
0x68: {  	_ =	shalt  }
0x69: {  	_ =	shalt  }
0x6a: {  	_ =	shalt  }
0x6b: {  	_ =	shalt  }
0x6c: {  	_ =	shalt  }
0x6d: {  	_ =	shalt  }
0x6e: {  	_ =	shalt  }
0x6f: {  	_ =	shalt  }
0x70: {  	_ =	shalt  }
0x71: {  	_ =	shalt  }
0x72: {  	_ =	shalt  }
0x73: {  	_ =	shalt  }
0x74: {  	_ =	shalt  }
0x75: {  	_ =	shalt  }
0x76: {  	_ =	shalt  }
0x77: {  	_ =	shalt  }
0x78: {  	_ =	shalt  }
0x79: {  	_ =	shalt  }
0x7a: {  	_ =	shalt  }
0x7b: {  	_ =	shalt  }
0x7c: {  	_ =	shalt  }
0x7d: {  	_ =	shalt  }
0x7e: {  	_ =	shalt  }
0x7f: {  	_ =	shalt  }
0x80: {  	_ =	shalt  }
0x81: {  	_ =	shalt  }
0x82: {  	_ =	shalt  }
0x83: {  	_ =	shalt  }
0x84: {  	_ =	shalt  }
0x85: {  	_ =	shalt  }
0x86: {  	_ =	shalt  }
0x87: {  	_ =	shalt  }
.Lfunc_end0:
.L_simem_size_0:
called_computation.2_lowered:
.L_overlay_start_0:
0x88: {  	s2 =	sld [smem:$0x3FD9]  }
0x89: {  	s3 =	sld [smem:$0x3FFE];
	_ =	sdelay $0x1  }
0x8a: {  	s1 =	srdreg.scid  }
0x8b: {  	s0 =	sand.u32 $0x1, s1  }
0x8c: {  	s16 =	sshll.u32 s0, $0xA;
	s2 =	sadd.s32 s3, s2  }
0x8d: {  	s2 =	sadd.s32 s2, s16  }
0x8e: {  	[smem:$0x3FBE] =	sst s2  }
0x8f: {  	_ = 	snop  }
0x90: {  	(tm) =	ssettm $0x1  }
0x91: {  	s17 =	sld [smem:$0x3FFB];
	_ =	sdelay $0x3  }
0x92: {  	_ =	strace s17  }
0x93: {  	s2 =	sld [smem:$0x3FFC];
	_ =	sdelay $0x3  }
0x94: {  	_ =	strace s2  }
0x95: {  	s2 =	sld [smem:$0x3FFD];
	_ =	sdelay $0x3  }
0x96: {  	_ =	strace s2  }
0x97: {  	_ =	strace $0x8FFFFFFF  }
0x98: {  	s18 =	sld [smem:$0x3FDB];
	_ =	sdelay $0x1  }
0x99: {  	s19 =	simm.s32 $_scs_section_size  }
0x9a: {  	s4 =	simm.s32 $_size__tile_overlayer_lowered;
	s5 =	simm.s32 $_tile_overlayer_lowered  }
0x9b: {  	s22 =	simm.s32 $0x1BFF;
	s21 =	sshll.u32 s5, $0x1;
	s2 =	sadd.s32 s19, s18  }
0x9c: {  	s6 =	simm.s32 $0x0;
	s20 =	sshll.u32 s4, $0x1;
	s4 =	sadd.s32 s21, s2  }
0x9d: {  	[timem:s6], [sflag:s22] =	dma.local [hbm:s4], s20  }
0x9e: {  	_ =	swait.ge [sflag:s22], s20  }
0x9f: {  	s3 =	ssub.s32 $0x0, s20;
	[sflag:s22] =	ssyncset.done $0x0  }
0xa0: {  	[sflag:s22] =	ssyncadd.s32 s3;
	_ =	sdelay $0x1  }
0xa1: {  	s23 =	simm.s32 $0x1B8B  }
0xa2: {  	_ =	swait.ge [sflag:s23], $0x1  }
0xa3: {  	[sflag:s23] =	ssyncset.done $0x0  }
0xa4: {  	s25 =	simm.s32 $0x1B8E;
	s24 =	sld [smem:$0x3FFE];
	[sflag:s23] =	ssyncadd.s32 $0xFFFFFFFF  }
0xa5: {  	s26 =	simm.s32 $execute0_lowered;
	[smem:$0x3FD2] =	sst s25  }
0xa6: {  	s4 =	sshll.u32 s26, $0x1;
	_ =	strace $0x8000004C;
	[dreg:$0x1] =	wrdreg $0xFFFFFFFF  }
0xa7: {  	s28 =	simm.s32 $_size_execute0_lowered;
	s2 =	sadd.s32 s2, s4;
	[dreg:$0x0] =	wrdreg $0x0  }
0xa8: {  	s4 =	sshll.u32 s28, $0x1;
	[dreg:$0x2] =	wrdreg s2  }
0xa9: {  	[dreg:$0x3] =	wrdreg s4  }
0xaa: {  	[dreg:$0x4] =	wrdreg $0xC0  }
0xab: {  	_ =	task [dreg:s6], $0x5FFFF  }
0xac: {  	[dreg:$0x1] =	wrdreg $0xFFFFFFFF  }
0xad: {  	[dreg:$0x0] =	wrdreg $0x60  }
0xae: {  	[dreg:$0x2] =	wrdreg s24  }
0xaf: {  	[dreg:$0x3] =	wrdreg $0x0  }
0xb0: {  	[dreg:$0x4] =	wrdreg $0x9  }
0xb1: {  	_ =	task.clear_ibuf [dreg:s6], $0x5FFFF;
	_ =	strace $0x9000004C  }
0xb2: {  	s29 =	simm.s32 $0x9;
	_ =	strace $0x8000004E  }
0xb3: {  	_ =	swait.ge [sflag:s29], $0x1  }
0xb4: {  	[sflag:s29] =	ssyncadd.s32 $0xFFFFFFFF  }
0xb5: {  	_ =	strace $0x9000004E  }
0xb6: {  	_ =	sfence  }
0xb7: {  	s30 =	sld [smem:$0x0];
	_ =	sdelay $0x2  }
0xb8: {  	s31 =	sshll.u32 s1, $0xD;
	s1 =	sshrl.u32 s1, $0x2  }
0xb9: {  	s3 =	sand.u32 $0x4000, s31;
	s1 =	sadd.s32 s1, s30  }
0xba: {  	s0 =	sor.u32 s3, s0;
	s1 =	sshll.u32 s1, $0x11  }
0xbb: {  	s0 =	sor.u32 s1, s0  }
0xbc: {  	s0 =	sadd.s32 $0x8F2B, s0  }
0xbd: {  	[sflag:s0] =	ssyncadd.remote.s32 $0x1  }
0xbe: {  	_ =	sfence.sel $0xFFFF  }
0xbf: {  	[dreg:$0x0] =	wrdreg $0xFFFFFFFF;
	(pc) =	sbr.abs _section_cstart, $3  }
0xc0: {  	[dreg:$0x1] =	wrdreg $0xFFFFFFFF  }
0xc1: {  	_ =	task.clear_ibuf [dreg:s6], $0x2FFFF;
	_ =	strace $0x9FFFFFFF  }
0xc2: {  	(tm) =	ssettm $0x7FFFFFFF  }
0xc3: {  	_ =	shalt  }
tec
execute0_lowered:
.L_overlay_start_1:
0x0: {  	(tag) =	ssettag $0x1  }
0x1: {  	s0 =	rddreg [dreg:$0x0]  }
0x2: {  	s2 =	rddreg [dreg:$0x1]  }
0x3: {  	s18 =	stileid.u32;
	s3 =	simm.s32 $0x0;
	s6 =	srdreg.scid  }
0x4: {  	s28 =	simm.s32 $0x14080;
	s29 =	simm.s32 $0x1A800;
	s30 =	simm.s32 $0x1  }
0x5: {  	s31 =	simm.s32 $0x2;
	s1 =	smul.u32 $0x500, s18;
	[smem:$0x7FF] =	sst s3  }
0x6: {  	s4 =	sadd.s32 $0x5F600, s0;
	s5 =	sadd.s32 $0x86800, s0;
	s7 =	smul.u32 $0x280, s18  }
0x7: {  	s8 =	sadd.s32 $0x9600, s0;
	s6 =	sand.u32 $0x1, s6;
	s20 =	smul.u32 $0x50000, s18  }
0x8: {  	s9 =	sadd.s32 $0xADA00, s0;
	_ =	strace $0x8000004D;
	[dreg:$0x3] =	wrdreg s8  }
0x9: {  	s25 =	smul.u32 $0x2800, s18;
	[dreg:$0x4] =	wrdreg s9;
	s21 =	ssub.s32 $0x2, s6  }
0xa: {  	p0 =	seq.s32 s6, $0x1;
	s6 =	simm.s32 $0x0;
	s1 =	sadd.s32 s1, s0  }
0xb: {  	s0 =	sadd.s32 $0xD5A00, s0;
	s22 =	sshrl.u32 s21, $0x1;
	s8 =	sshrl.u32 s20, $0x2  }
0xc: {  	s16 =	sadd.s32 $0x80, s7;
	s24 =	sadd.s32 $0x100, s7;
	[dreg:$0x6] =	wrdreg s25  }
0xd: {  	s17 =	sadd.s32 $0x180, s7;
	s7 =	sadd.s32 $0x200, s7;
	[dreg:$0x5] =	wrdreg s0  }
0xe: {  	s0 =	ssub.s32 s21, s22;
	s9 =	sadd.s32 s8, s2;
	s23 =	sshll.u32 s16, $0x7  }
0xf: {  	s11 =	sshll.u32 s24, $0x7;
	s12 =	sshll.u32 s17, $0x7;
	s13 =	sshll.u32 s7, $0x7  }
0x10: {  	s14 =	sadd.s32 $0x5A600, s1;
	s15 =	sadd.s32 $0x4600, s1;
	s26 =	sshll.u32 s16, $0x4  }
0x11: {  	s18 =	sshll.u32 s24, $0x4;
	s19 =	sshll.u32 s17, $0x4;
	s20 =	sshll.u32 s7, $0x4  }
.Ltmp0:
0x12: {  	s22 =	simm.s32 $0x16800;
	s24 =	simm.s32 $0x14000;
	(pc) =	sbr.rel .LBB2_1-.Ltmp0, $4  }
0x13: {  	s1 =	simm.s32 $0x4;
	s7 =	simm.s32 $0x16700;
	s8 =	simm.s32 $0x16780  }
0x14: {  	s10 =	sadd.s32 s23, s2;
	s11 =	sadd.s32 s11, s2;
	s12 =	sadd.s32 s12, s2  }
0x15: {  	s13 =	sadd.s32 s13, s2;
	[dreg:$0x7] =	wrdreg s26;
	s21 =	smax.u32 s0, $0x1  }
0x16: {  	s23 =	simm.s32 $0x5;
	s26 =	simm.s32 $0x80;
	s0 =	simm.s32 $0x3  }
.LBB2_11:
0x17: {  	[tilespmem:s29], [sflag:$0x2] =	stream.indirect.gather [hbm4b:s5+s26], $0x80, s17, s26, $0xb8;
	[tilespmem:$0x1E800] =	vst v63  }
0x18: {  	s16 =	rddreg [dreg:$0x5]  }
.LBB2_12:
0x19: {  	_ =	swait.ge [sflag:s30], $0x4000  }
0x1a: {  	[sflag:s30] =	ssyncset.done $0x0  }
0x1b: {  	[sflag:s30] =	ssyncadd.s32 $0xFFFFC000  }
0x1c: {  	[spmem:s2] =	stream.indirect.scatter.add.f32 [tilespmem:s22], [sflag:$0x3], $0x80, s7, s26, $0xb8;
	[tilespmem:$0x1E800] =	vst v63  }
0x1d: {  	_ =	swait.ge [sflag:s31], $0x4000  }
0x1e: {  	[sflag:s31] =	ssyncset.done $0x0  }
0x1f: {  	[sflag:s31] =	ssyncadd.s32 $0xFFFFC000  }
0x20: {  	[spmem:s2] =	stream.indirect.scatter.add.f32 [tilespmem:s29], [sflag:$0x4], $0x80, s8, s26, $0xb8;
	[tilespmem:$0x1E800] =	vst v63  }
0x21: {  	_ =	swait.ge [sflag:s0], $0x4000  }
0x22: {  	[sflag:s0] =	ssyncset.done $0x0  }
0x23: {  	[sflag:s0] =	ssyncadd.s32 $0xFFFFC000  }
0x24: {  	_ =	swait.ge [sflag:s1], $0x4000  }
0x25: {  	[sflag:s1] =	ssyncset.done $0x0  }
0x26: {  	[sflag:s1] =	ssyncadd.s32 $0xFFFFC000  }
0x27: {  	[bflag:$0x0] =	sbarrier.arrive $0xFFFF  }
0x28: {  	[tilespmem:s22], [sflag:$0x5] =	stream.linear.gather [spmem:s9], $0x4000, $0x38;
	[tilespmem:$0x1E800] =	vst v63  }
0x29: {  	_ =	swait.ge [sflag:s23], $0x4000  }
0x2a: {  	[sflag:s23] =	ssyncset.done $0x0;
	s17 =	rddreg [dreg:$0x6]  }
0x2b: {  	s17 =	sadd.s32 s16, s17;
	[sflag:s23] =	ssyncadd.s32 $0xFFFFC000  }
0x2c: {  	[hbm4b:s17+s3] =	stream.linear.scatter [tilespmem:s22], [sflag:$0x1], $0x4000, $0x38;
	[tilespmem:$0x1E800] =	vst v63  }
0x2d: {  	_ = 	snop  }
0x2e: {  	[tilespmem:s29], [sflag:$0x5] =	stream.linear.gather [spmem:s10], $0x4000, $0x38;
	[tilespmem:$0x1E800] =	vst v63  }
0x2f: {  	_ =	swait.ge [sflag:s23], $0x4000  }
0x30: {  	[sflag:s23] =	ssyncset.done $0x0;
	s25 =	rddreg [dreg:$0x7]  }
0x31: {  	s17 =	sadd.s32 s16, s25;
	[sflag:s23] =	ssyncadd.s32 $0xFFFFC000  }
0x32: {  	[hbm4b:s17+s3] =	stream.linear.scatter [tilespmem:s29], [sflag:$0x2], $0x4000, $0x38;
	[tilespmem:$0x1E800] =	vst v63  }
0x33: {  	_ =	swait.ge [sflag:s30], $0x4000  }
0x34: {  	[sflag:s30] =	ssyncset.done $0x0  }
0x35: {  	[sflag:s30] =	ssyncadd.s32 $0xFFFFC000  }
0x36: {  	[tilespmem:s22], [sflag:$0x5] =	stream.linear.gather [spmem:s11], $0x4000, $0x38;
	[tilespmem:$0x1E800] =	vst v63  }
0x37: {  	_ =	swait.ge [sflag:s23], $0x4000  }
0x38: {  	[sflag:s23] =	ssyncset.done $0x0  }
0x39: {  	s25 =	sadd.s32 s16, s18;
	[sflag:s23] =	ssyncadd.s32 $0xFFFFC000  }
0x3a: {  	[hbm4b:s25+s3] =	stream.linear.scatter [tilespmem:s22], [sflag:$0x1], $0x4000, $0x38;
	[tilespmem:$0x1E800] =	vst v63  }
0x3b: {  	_ =	swait.ge [sflag:s31], $0x4000  }
0x3c: {  	[sflag:s31] =	ssyncset.done $0x0  }
0x3d: {  	[sflag:s31] =	ssyncadd.s32 $0xFFFFC000  }
0x3e: {  	[tilespmem:s29], [sflag:$0x5] =	stream.linear.gather [spmem:s12], $0x4000, $0x38;
	[tilespmem:$0x1E800] =	vst v63  }
0x3f: {  	_ =	swait.ge [sflag:s23], $0x4000  }
0x40: {  	[sflag:s23] =	ssyncset.done $0x0  }
0x41: {  	s25 =	sadd.s32 s16, s19;
	[sflag:s23] =	ssyncadd.s32 $0xFFFFC000  }
0x42: {  	[hbm4b:s25+s3] =	stream.linear.scatter [tilespmem:s29], [sflag:$0x2], $0x4000, $0x38;
	[tilespmem:$0x1E800] =	vst v63  }
0x43: {  	_ =	swait.ge [sflag:s30], $0x4000  }
0x44: {  	[sflag:s30] =	ssyncset.done $0x0  }
0x45: {  	[sflag:s30] =	ssyncadd.s32 $0xFFFFC000  }
0x46: {  	[tilespmem:s22], [sflag:$0x5] =	stream.linear.gather [spmem:s13], $0x4000, $0x38;
	[tilespmem:$0x1E800] =	vst v63  }
0x47: {  	_ =	swait.ge [sflag:s23], $0x4000  }
0x48: {  	[sflag:s23] =	ssyncset.done $0x0  }
0x49: {  	s6 =	sadd.s32 $0x1, s6;
	s25 =	sadd.s32 s16, s20;
	[sflag:s23] =	ssyncadd.s32 $0xFFFFC000  }
0x4a: {  	[hbm4b:s25+s3] =	stream.linear.scatter [tilespmem:s22], [sflag:$0x1], $0x4000, $0x38;
	[tilespmem:$0x1E800] =	vst v63  }
0x4b: {  	p1 =	sne.s32 s6, s21;
	_ =	swait.ge [sflag:s31], $0x4000  }
.Ltmp1:
0x4c: {  	[sflag:s31] =	ssyncset.done $0x0;
	(pc) =	sbr.rel @!p1 .LBB2_13-.Ltmp1, $4  }
0x4d: {  	[sflag:s31] =	ssyncadd.s32 $0xFFFFC000  }
0x4e: {  	_ =	swait.ge [sflag:s30], $0x4000  }
0x4f: {  	[sflag:s30] =	ssyncset.done $0x0  }
0x50: {  	[sflag:s30] =	ssyncadd.s32 $0xFFFFC000  }
.LBB2_1:
0x51: {  	s16 =	rddreg [dreg:$0x3]  }
0x52: {  	[tilespmem:s22], [sflag:$0x5] =	stream.linear.gather [hbm4b:s16+s3], $0x4000, $0x38;
	[tilespmem:$0x1E800] =	vst v63  }
0x53: {  	_ =	swait.ge [sflag:s23], $0x4000  }
0x54: {  	[sflag:s23] =	ssyncset.done $0x0  }
0x55: {  	[sflag:s23] =	ssyncadd.s32 $0xFFFFC000  }
0x56: {  	[spmem:s9] =	stream.linear.scatter [tilespmem:s22], [sflag:$0x5], $0x4000, $0x38;
	[tilespmem:$0x1E800] =	vst v63  }
0x57: {  	_ =	swait.ge [sflag:s23], $0x4000  }
0x58: {  	[sflag:s23] =	ssyncset.done $0x0  }
0x59: {  	[sflag:s23] =	ssyncadd.s32 $0xFFFFC000  }
0x5a: {  	[spmem:s10] =	stream.linear.scatter [tilespmem:s22], [sflag:$0x5], $0x4000, $0x38;
	[tilespmem:$0x1E800] =	vst v63  }
0x5b: {  	_ =	swait.ge [sflag:s23], $0x4000  }
0x5c: {  	[sflag:s23] =	ssyncset.done $0x0  }
0x5d: {  	[sflag:s23] =	ssyncadd.s32 $0xFFFFC000  }
0x5e: {  	[spmem:s11] =	stream.linear.scatter [tilespmem:s22], [sflag:$0x5], $0x4000, $0x38;
	[tilespmem:$0x1E800] =	vst v63  }
0x5f: {  	_ =	swait.ge [sflag:s23], $0x4000  }
0x60: {  	[sflag:s23] =	ssyncset.done $0x0  }
0x61: {  	[sflag:s23] =	ssyncadd.s32 $0xFFFFC000  }
0x62: {  	[spmem:s12] =	stream.linear.scatter [tilespmem:s22], [sflag:$0x5], $0x4000, $0x38;
	[tilespmem:$0x1E800] =	vst v63  }
0x63: {  	_ =	swait.ge [sflag:s23], $0x4000  }
0x64: {  	[sflag:s23] =	ssyncset.done $0x0  }
0x65: {  	[sflag:s23] =	ssyncadd.s32 $0xFFFFC000  }
0x66: {  	[spmem:s13] =	stream.linear.scatter [tilespmem:s22], [sflag:$0x5], $0x4000, $0x38;
	[tilespmem:$0x1E800] =	vst v63  }
0x67: {  	_ =	swait.ge [sflag:s23], $0x4000  }
0x68: {  	[sflag:s23] =	ssyncset.done $0x0  }
0x69: {  	[sflag:s23] =	ssyncadd.s32 $0xFFFFC000  }
0x6a: {  	[bflag:$0x0] =	sbarrier.arrive $0xFFFF  }
0x6b: {  	[tilespmem:s24], [sflag:$0x5] =	stream.linear.gather [hbm4b:s14+s3], $0x1400, $0x38;
	[tilespmem:$0x1E800] =	vst v63  }
0x6c: {  	_ =	swait.ge [sflag:s23], $0x1400  }
0x6d: {  	[sflag:s23] =	ssyncset.done $0x0  }
.Ltmp2:
0x6e: {  	s25 =	simm.s32 $0x15400;
	[sflag:s23] =	ssyncadd.s32 $0xFFFFEC00;
	(pc) =	sbr.rel @!p0 .LBB2_2-.Ltmp2, $4  }
0x6f: {  	[tilespmem:s25], [sflag:$0x5] =	stream.linear.gather [hbm4b:s15+s3], $0x1400, $0x38;
	[tilespmem:$0x1E800] =	vst v63  }
0x70: {  	_ =	swait.ge [sflag:s23], $0x1400  }
0x71: {  	[sflag:s23] =	ssyncset.done $0x0  }
0x72: {  	[sflag:s23] =	ssyncadd.s32 $0xFFFFEC00  }
0x73: {  	[tilespmem:s22], [sflag:$0x1] =	stream.indirect.gather [hbm4b:s5+s26], $0x80, s24, s26, $0xb8;
	[tilespmem:$0x1E800] =	vst v63  }
0x74: {  	_ = 	snop  }
0x75: {  	[tilespmem:s29], [sflag:$0x2] =	stream.indirect.gather [hbm4b:s5+s26], $0x80, s28, s26, $0xb8;
	[tilespmem:$0x1E800] =	vst v63  }
0x76: {  	_ =	swait.ge [sflag:s30], $0x4000  }
0x77: {  	[sflag:s30] =	ssyncset.done $0x0  }
0x78: {  	s16 =	simm.s32 $0x15400;
	[sflag:s30] =	ssyncadd.s32 $0xFFFFC000  }
0x79: {  	[spmem:s2] =	stream.indirect.scatter.add.f32 [tilespmem:s22], [sflag:$0x3], $0x80, s16, s26, $0xb8;
	[tilespmem:$0x1E800] =	vst v63  }
0x7a: {  	_ =	swait.ge [sflag:s31], $0x4000  }
0x7b: {  	[sflag:s31] =	ssyncset.done $0x0  }
0x7c: {  	s17 =	simm.s32 $0x15480;
	[sflag:s31] =	ssyncadd.s32 $0xFFFFC000  }
0x7d: {  	[spmem:s2] =	stream.indirect.scatter.add.f32 [tilespmem:s29], [sflag:$0x4], $0x80, s17, s26, $0xb8;
	[tilespmem:$0x1E800] =	vst v63  }
0x7e: {  	_ =	swait.ge [sflag:s0], $0x4000  }
0x7f: {  	[sflag:s0] =	ssyncset.done $0x0  }
0x80: {  	s25 =	simm.s32 $0x14100;
	[sflag:s0] =	ssyncadd.s32 $0xFFFFC000  }
0x81: {  	[tilespmem:s22], [sflag:$0x1] =	stream.indirect.gather [hbm4b:s5+s26], $0x80, s25, s26, $0xb8;
	[tilespmem:$0x1E800] =	vst v63  }
0x82: {  	_ =	swait.ge [sflag:s1], $0x4000  }
0x83: {  	[sflag:s1] =	ssyncset.done $0x0  }
0x84: {  	s16 =	simm.s32 $0x400;
	s17 =	simm.s32 $0x14180;
	[sflag:s1] =	ssyncadd.s32 $0xFFFFC000  }
.LBB2_8:
0x85: {  	[tilespmem:s29], [sflag:$0x2] =	stream.indirect.gather [hbm4b:s5+s26], $0x80, s17, s26, $0xb8;
	[tilespmem:$0x1E800] =	vst v63  }
0x86: {  	s17 =	smov.u32 s16  }
0x87: {  	p1 =	sne.s32 s16, $0x4800;
	s16 =	sadd.s32 $0x400, s16;
	_ =	swait.ge [sflag:s30], $0x4000  }
0x88: {  	s17 =	sshra.s32 s17, $0x2;
	[sflag:s30] =	ssyncset.done $0x0  }
0x89: {  	s25 =	sadd.s32 $0x15400, s17;
	[sflag:s30] =	ssyncadd.s32 $0xFFFFC000  }
0x8a: {  	[spmem:s2] =	stream.indirect.scatter.add.f32 [tilespmem:s22], [sflag:$0x3], $0x80, s25, s26, $0xb8;
	[tilespmem:$0x1E800] =	vst v63  }
0x8b: {  	_ =	swait.ge [sflag:s31], $0x4000  }
0x8c: {  	[sflag:s31] =	ssyncset.done $0x0  }
0x8d: {  	s25 =	sadd.s32 $0x15480, s17;
	[sflag:s31] =	ssyncadd.s32 $0xFFFFC000  }
0x8e: {  	[spmem:s2] =	stream.indirect.scatter.add.f32 [tilespmem:s29], [sflag:$0x4], $0x80, s25, s26, $0xb8;
	[tilespmem:$0x1E800] =	vst v63  }
0x8f: {  	_ =	swait.ge [sflag:s0], $0x4000  }
0x90: {  	[sflag:s0] =	ssyncset.done $0x0  }
.Ltmp3:
0x91: {  	s25 =	sadd.s32 $0x14100, s17;
	[sflag:s0] =	ssyncadd.s32 $0xFFFFC000;
	(pc) =	sbr.rel @p1 .LBB2_8-.Ltmp3, $4  }
0x92: {  	[tilespmem:s22], [sflag:$0x1] =	stream.indirect.gather [hbm4b:s5+s26], $0x80, s25, s26, $0xb8;
	[tilespmem:$0x1E800] =	vst v63  }
0x93: {  	_ =	swait.ge [sflag:s1], $0x4000  }
0x94: {  	[sflag:s1] =	ssyncset.done $0x0  }
0x95: {  	s17 =	sadd.s32 $0x14180, s17;
	[sflag:s1] =	ssyncadd.s32 $0xFFFFC000  }
0x96: {  	[tilespmem:s29], [sflag:$0x2] =	stream.indirect.gather [hbm4b:s5+s26], $0x80, s17, s26, $0xb8;
	[tilespmem:$0x1E800] =	vst v63  }
0x97: {  	_ =	swait.ge [sflag:s30], $0x4000  }
0x98: {  	[sflag:s30] =	ssyncset.done $0x0  }
0x99: {  	[sflag:s30] =	ssyncadd.s32 $0xFFFFC000  }
0x9a: {  	[spmem:s2] =	stream.indirect.scatter.add.f32 [tilespmem:s22], [sflag:$0x3], $0x80, s7, s26, $0xb8;
	[tilespmem:$0x1E800] =	vst v63  }
0x9b: {  	_ =	swait.ge [sflag:s31], $0x4000  }
0x9c: {  	[sflag:s31] =	ssyncset.done $0x0  }
0x9d: {  	[sflag:s31] =	ssyncadd.s32 $0xFFFFC000  }
0x9e: {  	[spmem:s2] =	stream.indirect.scatter.add.f32 [tilespmem:s29], [sflag:$0x4], $0x80, s8, s26, $0xb8;
	[tilespmem:$0x1E800] =	vst v63  }
0x9f: {  	_ =	swait.ge [sflag:s0], $0x4000  }
0xa0: {  	[sflag:s0] =	ssyncset.done $0x0  }
0xa1: {  	[sflag:s0] =	ssyncadd.s32 $0xFFFFC000  }
0xa2: {  	_ =	swait.ge [sflag:s1], $0x4000  }
0xa3: {  	[sflag:s1] =	ssyncset.done $0x0  }
0xa4: {  	s16 =	sadd.s32 $0x280, s14;
	s17 =	simm.s32 $0x0;
	[sflag:s1] =	ssyncadd.s32 $0xFFFFC000  }
0xa5: {  	[tilespmem:s24], [sflag:$0x5] =	stream.linear.gather [hbm4b:s16+s17], $0x1400, $0x38;
	[tilespmem:$0x1E800] =	vst v63  }
0xa6: {  	_ =	swait.ge [sflag:s23], $0x1400  }
0xa7: {  	[sflag:s23] =	ssyncset.done $0x0  }
0xa8: {  	s25 =	simm.s32 $0x15400;
	s16 =	sadd.s32 $0x280, s15;
	[sflag:s23] =	ssyncadd.s32 $0xFFFFEC00  }
0xa9: {  	[tilespmem:s25], [sflag:$0x5] =	stream.linear.gather [hbm4b:s16+s17], $0x1400, $0x38;
	[tilespmem:$0x1E800] =	vst v63  }
0xaa: {  	_ =	swait.ge [sflag:s23], $0x1400  }
0xab: {  	[sflag:s23] =	ssyncset.done $0x0  }
0xac: {  	[sflag:s23] =	ssyncadd.s32 $0xFFFFEC00  }
0xad: {  	[tilespmem:s22], [sflag:$0x1] =	stream.indirect.gather [hbm4b:s5+s26], $0x80, s24, s26, $0xb8;
	[tilespmem:$0x1E800] =	vst v63  }
0xae: {  	_ = 	snop  }
0xaf: {  	[tilespmem:s29], [sflag:$0x2] =	stream.indirect.gather [hbm4b:s5+s26], $0x80, s28, s26, $0xb8;
	[tilespmem:$0x1E800] =	vst v63  }
0xb0: {  	_ =	swait.ge [sflag:s30], $0x4000  }
0xb1: {  	[sflag:s30] =	ssyncset.done $0x0  }
0xb2: {  	s25 =	simm.s32 $0x15400;
	[sflag:s30] =	ssyncadd.s32 $0xFFFFC000  }
0xb3: {  	[spmem:s2] =	stream.indirect.scatter.add.f32 [tilespmem:s22], [sflag:$0x3], $0x80, s25, s26, $0xb8;
	[tilespmem:$0x1E800] =	vst v63  }
0xb4: {  	_ =	swait.ge [sflag:s31], $0x4000  }
0xb5: {  	[sflag:s31] =	ssyncset.done $0x0  }
0xb6: {  	s17 =	simm.s32 $0x15480;
	[sflag:s31] =	ssyncadd.s32 $0xFFFFC000  }
0xb7: {  	[spmem:s2] =	stream.indirect.scatter.add.f32 [tilespmem:s29], [sflag:$0x4], $0x80, s17, s26, $0xb8;
	[tilespmem:$0x1E800] =	vst v63  }
0xb8: {  	_ =	swait.ge [sflag:s0], $0x4000  }
0xb9: {  	[sflag:s0] =	ssyncset.done $0x0  }
0xba: {  	s25 =	simm.s32 $0x14100;
	[sflag:s0] =	ssyncadd.s32 $0xFFFFC000  }
0xbb: {  	[tilespmem:s22], [sflag:$0x1] =	stream.indirect.gather [hbm4b:s5+s26], $0x80, s25, s26, $0xb8;
	[tilespmem:$0x1E800] =	vst v63  }
0xbc: {  	_ =	swait.ge [sflag:s1], $0x4000  }
0xbd: {  	[sflag:s1] =	ssyncset.done $0x0  }
0xbe: {  	s16 =	simm.s32 $0x400;
	s17 =	simm.s32 $0x14180;
	[sflag:s1] =	ssyncadd.s32 $0xFFFFC000  }
.LBB2_10:
0xbf: {  	[tilespmem:s29], [sflag:$0x2] =	stream.indirect.gather [hbm4b:s5+s26], $0x80, s17, s26, $0xb8;
	[tilespmem:$0x1E800] =	vst v63  }
0xc0: {  	s17 =	smov.u32 s16  }
0xc1: {  	p1 =	sne.s32 s16, $0x4800;
	s16 =	sadd.s32 $0x400, s16;
	_ =	swait.ge [sflag:s30], $0x4000  }
0xc2: {  	s17 =	sshra.s32 s17, $0x2;
	[sflag:s30] =	ssyncset.done $0x0  }
0xc3: {  	s25 =	sadd.s32 $0x15400, s17;
	[sflag:s30] =	ssyncadd.s32 $0xFFFFC000  }
0xc4: {  	[spmem:s2] =	stream.indirect.scatter.add.f32 [tilespmem:s22], [sflag:$0x3], $0x80, s25, s26, $0xb8;
	[tilespmem:$0x1E800] =	vst v63  }
0xc5: {  	_ =	swait.ge [sflag:s31], $0x4000  }
0xc6: {  	[sflag:s31] =	ssyncset.done $0x0  }
0xc7: {  	s25 =	sadd.s32 $0x15480, s17;
	[sflag:s31] =	ssyncadd.s32 $0xFFFFC000  }
0xc8: {  	[spmem:s2] =	stream.indirect.scatter.add.f32 [tilespmem:s29], [sflag:$0x4], $0x80, s25, s26, $0xb8;
	[tilespmem:$0x1E800] =	vst v63  }
0xc9: {  	_ =	swait.ge [sflag:s0], $0x4000  }
0xca: {  	[sflag:s0] =	ssyncset.done $0x0  }
.Ltmp4:
0xcb: {  	s25 =	sadd.s32 $0x14100, s17;
	[sflag:s0] =	ssyncadd.s32 $0xFFFFC000;
	(pc) =	sbr.rel @p1 .LBB2_10-.Ltmp4, $4  }
0xcc: {  	[tilespmem:s22], [sflag:$0x1] =	stream.indirect.gather [hbm4b:s5+s26], $0x80, s25, s26, $0xb8;
	[tilespmem:$0x1E800] =	vst v63  }
0xcd: {  	_ =	swait.ge [sflag:s1], $0x4000  }
0xce: {  	[sflag:s1] =	ssyncset.done $0x0  }
0xcf: {  	s17 =	sadd.s32 $0x14180, s17;
	[sflag:s1] =	ssyncadd.s32 $0xFFFFC000  }
.Ltmp5:
0xd0: {  	_ = 	snop;
	(pc) =	sbr.rel .LBB2_11-.Ltmp5, $1  }
0xd1: {  	_ =	sdelay $0x3  }
.LBB2_2:
0xd2: {  	[tilespmem:s22], [sflag:$0x1] =	stream.indirect.gather [hbm4b:s4+s26], $0x80, s24, s26, $0xb8;
	[tilespmem:$0x1E800] =	vst v63  }
0xd3: {  	_ = 	snop  }
0xd4: {  	[tilespmem:s29], [sflag:$0x2] =	stream.indirect.gather [hbm4b:s4+s26], $0x80, s28, s26, $0xb8;
	[tilespmem:$0x1E800] =	vst v63  }
0xd5: {  	_ =	swait.ge [sflag:s30], $0x4000  }
0xd6: {  	[sflag:s30] =	ssyncset.done $0x0  }
0xd7: {  	s16 =	simm.s32 $0x15400;
	[sflag:s30] =	ssyncadd.s32 $0xFFFFC000  }
0xd8: {  	[spmem:s2] =	stream.indirect.scatter.add.f32 [tilespmem:s22], [sflag:$0x3], $0x80, s16, s26, $0xb8;
	[tilespmem:$0x1E800] =	vst v63  }
0xd9: {  	_ =	swait.ge [sflag:s31], $0x4000  }
0xda: {  	[sflag:s31] =	ssyncset.done $0x0  }
0xdb: {  	s17 =	simm.s32 $0x15480;
	[sflag:s31] =	ssyncadd.s32 $0xFFFFC000  }
0xdc: {  	[spmem:s2] =	stream.indirect.scatter.add.f32 [tilespmem:s29], [sflag:$0x4], $0x80, s17, s26, $0xb8;
	[tilespmem:$0x1E800] =	vst v63  }
0xdd: {  	_ =	swait.ge [sflag:s0], $0x4000  }
0xde: {  	[sflag:s0] =	ssyncset.done $0x0  }
0xdf: {  	s25 =	simm.s32 $0x14100;
	[sflag:s0] =	ssyncadd.s32 $0xFFFFC000  }
0xe0: {  	[tilespmem:s22], [sflag:$0x1] =	stream.indirect.gather [hbm4b:s4+s26], $0x80, s25, s26, $0xb8;
	[tilespmem:$0x1E800] =	vst v63  }
0xe1: {  	_ =	swait.ge [sflag:s1], $0x4000  }
0xe2: {  	[sflag:s1] =	ssyncset.done $0x0  }
0xe3: {  	s16 =	simm.s32 $0x400;
	s17 =	simm.s32 $0x14180;
	[sflag:s1] =	ssyncadd.s32 $0xFFFFC000  }
.LBB2_3:
0xe4: {  	[tilespmem:s29], [sflag:$0x2] =	stream.indirect.gather [hbm4b:s4+s26], $0x80, s17, s26, $0xb8;
	[tilespmem:$0x1E800] =	vst v63  }
0xe5: {  	s17 =	smov.u32 s16  }
0xe6: {  	p1 =	sne.s32 s16, $0x4800;
	s16 =	sadd.s32 $0x400, s16;
	_ =	swait.ge [sflag:s30], $0x4000  }
0xe7: {  	s17 =	sshra.s32 s17, $0x2;
	[sflag:s30] =	ssyncset.done $0x0  }
0xe8: {  	s25 =	sadd.s32 $0x15400, s17;
	[sflag:s30] =	ssyncadd.s32 $0xFFFFC000  }
0xe9: {  	[spmem:s2] =	stream.indirect.scatter.add.f32 [tilespmem:s22], [sflag:$0x3], $0x80, s25, s26, $0xb8;
	[tilespmem:$0x1E800] =	vst v63  }
0xea: {  	_ =	swait.ge [sflag:s31], $0x4000  }
0xeb: {  	[sflag:s31] =	ssyncset.done $0x0  }
0xec: {  	s25 =	sadd.s32 $0x15480, s17;
	[sflag:s31] =	ssyncadd.s32 $0xFFFFC000  }
0xed: {  	[spmem:s2] =	stream.indirect.scatter.add.f32 [tilespmem:s29], [sflag:$0x4], $0x80, s25, s26, $0xb8;
	[tilespmem:$0x1E800] =	vst v63  }
0xee: {  	_ =	swait.ge [sflag:s0], $0x4000  }
0xef: {  	[sflag:s0] =	ssyncset.done $0x0  }
.Ltmp6:
0xf0: {  	s25 =	sadd.s32 $0x14100, s17;
	[sflag:s0] =	ssyncadd.s32 $0xFFFFC000;
	(pc) =	sbr.rel @p1 .LBB2_3-.Ltmp6, $4  }
0xf1: {  	[tilespmem:s22], [sflag:$0x1] =	stream.indirect.gather [hbm4b:s4+s26], $0x80, s25, s26, $0xb8;
	[tilespmem:$0x1E800] =	vst v63  }
0xf2: {  	_ =	swait.ge [sflag:s1], $0x4000  }
0xf3: {  	[sflag:s1] =	ssyncset.done $0x0  }
0xf4: {  	s17 =	sadd.s32 $0x14180, s17;
	[sflag:s1] =	ssyncadd.s32 $0xFFFFC000  }
0xf5: {  	[tilespmem:s29], [sflag:$0x2] =	stream.indirect.gather [hbm4b:s4+s26], $0x80, s17, s26, $0xb8;
	[tilespmem:$0x1E800] =	vst v63  }
0xf6: {  	_ =	swait.ge [sflag:s30], $0x4000  }
0xf7: {  	[sflag:s30] =	ssyncset.done $0x0  }
0xf8: {  	[sflag:s30] =	ssyncadd.s32 $0xFFFFC000  }
0xf9: {  	[spmem:s2] =	stream.indirect.scatter.add.f32 [tilespmem:s22], [sflag:$0x3], $0x80, s7, s26, $0xb8;
	[tilespmem:$0x1E800] =	vst v63  }
0xfa: {  	_ =	swait.ge [sflag:s31], $0x4000  }
0xfb: {  	[sflag:s31] =	ssyncset.done $0x0  }
0xfc: {  	[sflag:s31] =	ssyncadd.s32 $0xFFFFC000  }
0xfd: {  	[spmem:s2] =	stream.indirect.scatter.add.f32 [tilespmem:s29], [sflag:$0x4], $0x80, s8, s26, $0xb8;
	[tilespmem:$0x1E800] =	vst v63  }
0xfe: {  	_ =	swait.ge [sflag:s0], $0x4000  }
0xff: {  	[sflag:s0] =	ssyncset.done $0x0  }
0x100: {  	[sflag:s0] =	ssyncadd.s32 $0xFFFFC000  }
0x101: {  	_ =	swait.ge [sflag:s1], $0x4000  }
0x102: {  	[sflag:s1] =	ssyncset.done $0x0  }
0x103: {  	s16 =	sadd.s32 $0x280, s14;
	s17 =	simm.s32 $0x0;
	[sflag:s1] =	ssyncadd.s32 $0xFFFFC000  }
0x104: {  	[tilespmem:s24], [sflag:$0x5] =	stream.linear.gather [hbm4b:s16+s17], $0x1400, $0x38;
	[tilespmem:$0x1E800] =	vst v63  }
0x105: {  	_ =	swait.ge [sflag:s23], $0x1400  }
0x106: {  	[sflag:s23] =	ssyncset.done $0x0  }
0x107: {  	s25 =	simm.s32 $0x15400;
	s16 =	sadd.s32 $0x280, s15;
	[sflag:s23] =	ssyncadd.s32 $0xFFFFEC00  }
0x108: {  	[tilespmem:s25], [sflag:$0x5] =	stream.linear.gather [hbm4b:s16+s17], $0x1400, $0x38;
	[tilespmem:$0x1E800] =	vst v63  }
0x109: {  	_ =	swait.ge [sflag:s23], $0x1400  }
0x10a: {  	[sflag:s23] =	ssyncset.done $0x0  }
0x10b: {  	[sflag:s23] =	ssyncadd.s32 $0xFFFFEC00  }
0x10c: {  	[tilespmem:s22], [sflag:$0x1] =	stream.indirect.gather [hbm4b:s4+s26], $0x80, s24, s26, $0xb8;
	[tilespmem:$0x1E800] =	vst v63  }
0x10d: {  	_ = 	snop  }
0x10e: {  	[tilespmem:s29], [sflag:$0x2] =	stream.indirect.gather [hbm4b:s4+s26], $0x80, s28, s26, $0xb8;
	[tilespmem:$0x1E800] =	vst v63  }
0x10f: {  	_ =	swait.ge [sflag:s30], $0x4000  }
0x110: {  	[sflag:s30] =	ssyncset.done $0x0  }
0x111: {  	s25 =	simm.s32 $0x15400;
	[sflag:s30] =	ssyncadd.s32 $0xFFFFC000  }
0x112: {  	[spmem:s2] =	stream.indirect.scatter.add.f32 [tilespmem:s22], [sflag:$0x3], $0x80, s25, s26, $0xb8;
	[tilespmem:$0x1E800] =	vst v63  }
0x113: {  	_ =	swait.ge [sflag:s31], $0x4000  }
0x114: {  	[sflag:s31] =	ssyncset.done $0x0  }
0x115: {  	s17 =	simm.s32 $0x15480;
	[sflag:s31] =	ssyncadd.s32 $0xFFFFC000  }
0x116: {  	[spmem:s2] =	stream.indirect.scatter.add.f32 [tilespmem:s29], [sflag:$0x4], $0x80, s17, s26, $0xb8;
	[tilespmem:$0x1E800] =	vst v63  }
0x117: {  	_ =	swait.ge [sflag:s0], $0x4000  }
0x118: {  	[sflag:s0] =	ssyncset.done $0x0  }
0x119: {  	s25 =	simm.s32 $0x14100;
	[sflag:s0] =	ssyncadd.s32 $0xFFFFC000  }
0x11a: {  	[tilespmem:s22], [sflag:$0x1] =	stream.indirect.gather [hbm4b:s4+s26], $0x80, s25, s26, $0xb8;
	[tilespmem:$0x1E800] =	vst v63  }
0x11b: {  	_ =	swait.ge [sflag:s1], $0x4000  }
0x11c: {  	[sflag:s1] =	ssyncset.done $0x0  }
0x11d: {  	s16 =	simm.s32 $0x400;
	s17 =	simm.s32 $0x14180;
	[sflag:s1] =	ssyncadd.s32 $0xFFFFC000  }
.LBB2_5:
0x11e: {  	[tilespmem:s29], [sflag:$0x2] =	stream.indirect.gather [hbm4b:s4+s26], $0x80, s17, s26, $0xb8;
	[tilespmem:$0x1E800] =	vst v63  }
0x11f: {  	s17 =	smov.u32 s16  }
0x120: {  	p1 =	seq.s32 s16, $0x4800;
	s16 =	sadd.s32 $0x400, s16;
	_ =	swait.ge [sflag:s30], $0x4000  }
0x121: {  	s17 =	sshra.s32 s17, $0x2;
	[sflag:s30] =	ssyncset.done $0x0  }
0x122: {  	s25 =	sadd.s32 $0x15400, s17;
	[sflag:s30] =	ssyncadd.s32 $0xFFFFC000  }
0x123: {  	[spmem:s2] =	stream.indirect.scatter.add.f32 [tilespmem:s22], [sflag:$0x3], $0x80, s25, s26, $0xb8;
	[tilespmem:$0x1E800] =	vst v63  }
0x124: {  	_ =	swait.ge [sflag:s31], $0x4000  }
0x125: {  	[sflag:s31] =	ssyncset.done $0x0  }
0x126: {  	s25 =	sadd.s32 $0x15480, s17;
	[sflag:s31] =	ssyncadd.s32 $0xFFFFC000  }
0x127: {  	[spmem:s2] =	stream.indirect.scatter.add.f32 [tilespmem:s29], [sflag:$0x4], $0x80, s25, s26, $0xb8;
	[tilespmem:$0x1E800] =	vst v63  }
0x128: {  	_ =	swait.ge [sflag:s0], $0x4000  }
0x129: {  	[sflag:s0] =	ssyncset.done $0x0  }
.Ltmp7:
0x12a: {  	s25 =	sadd.s32 $0x14100, s17;
	[sflag:s0] =	ssyncadd.s32 $0xFFFFC000;
	(pc) =	sbr.rel @!p1 .LBB2_5-.Ltmp7, $4  }
0x12b: {  	[tilespmem:s22], [sflag:$0x1] =	stream.indirect.gather [hbm4b:s4+s26], $0x80, s25, s26, $0xb8;
	[tilespmem:$0x1E800] =	vst v63  }
0x12c: {  	_ =	swait.ge [sflag:s1], $0x4000  }
0x12d: {  	[sflag:s1] =	ssyncset.done $0x0  }
0x12e: {  	s17 =	sadd.s32 $0x14180, s17;
	[sflag:s1] =	ssyncadd.s32 $0xFFFFC000  }
.Ltmp8:
0x12f: {  	(pc) =	sbr.rel .LBB2_12-.Ltmp8, $3  }
0x130: {  	_ =	sdelay $0x1  }
0x131: {  	[tilespmem:s29], [sflag:$0x2] =	stream.indirect.gather [hbm4b:s4+s26], $0x80, s17, s26, $0xb8;
	[tilespmem:$0x1E800] =	vst v63  }
0x132: {  	s16 =	rddreg [dreg:$0x4]  }
.LBB2_13:
0x133: {  	_ =	sfence.sel $0x180000  }
0x134: {  	[bflag:$0x0] =	sbarrier.arrive $0xFFFF  }
0x135: {  	_ =	strace $0x9000004D  }
0x136: {  	s0 =	stileid.u32;
	[bflag:$0x2] =	sbarrier.arrive $0xFFFF  }
0x137: {  	p0 =	sne.s32 s0, $0x0;
	s0 =	rddreg [dreg:$0x2]  }
0x138: {  	s0 =	sadd.s32 @!p0 $0x100000, s0  }
0x139: {  	[sflag:s0] =	ssyncadd.tile.s32 @!p0 $0x1;
	_ =	shalt  }
.Lfunc_end2:
_tile_overlayer_lowered:
.L_overlay_start_2:
0x13a: {  	(tag) =	ssettag $0x2  }
0x13b: {  	s0 =	rddreg [dreg:$0x0];
	s2 =	stileid.u32  }
0x13c: {  	s1 =	rddreg [dreg:$0x1];
	p0 =	sne.s32 s2, $0x0  }
0x13d: {  	s3 =	rddreg [dreg:$0x2];
	[bflag:$0x3] =	sbarrier.arrive $0xFFFF;
	s2 =	simm.s32 @!p0 $0x1C05  }
0x13e: {  	[timem:s3], [sflag:s2] =	dma.local @!p0 [hbm:s0], s1  }
0x13f: {  	s0 =	simm.s32 @!p0 $0x5  }
0x140: {  	_ =	swait.ge @!p0 [sflag:s0], s1  }
0x141: {  	s1 =	ssub.s32 @!p0 $0x0, s1;
	[sflag:s0] =	ssyncset.done @!p0 $0x0  }
0x142: {  	[sflag:s0] =	ssyncadd.s32 @!p0 s1  }
0x143: {  	[bflag:$0x3] =	sbarrier.arrive $0xFFFF  }
0x144: {  	_ =	shalt  }

// kernel: kernel.9.cloned.1.call-start
scs
__scs_entry_jumppad:
0x0: {  	(pc) =	sbr.rel $0x88, $3  }
0x1: {  	(tag) =	ssettag $0x0;
	lr =	simm.s32 $0x1  }
0x2: {  	[smem:$0x3F97] =	sst lr;
	_ =	strace $0xD0000000  }
0x3: {  	_ = 	snop  }
0x4: {  	_ = 	snop  }
0x5: {  	_ = 	snop  }
0x6: {  	_ = 	snop  }
0x7: {  	_ = 	snop  }
__scs_overlays_trampoline_lowered:
0x8: {  	[smem:$0x3FA6] =	sst s0  }
0x9: {  	[smem:$0x3FA7] =	sst s1  }
0xa: {  	[smem:$0x3FA8] =	sst s2  }
0xb: {  	[smem:$0x3FA9] =	sst s3  }
0xc: {  	[smem:$0x3FAA] =	sst s4  }
0xd: {  	[smem:$0x3FAB] =	sst s5  }
0xe: {  	[smem:$0x3FAC] =	sst s6  }
0xf: {  	[smem:$0x3FAD] =	sst s7  }
0x10: {  	[smem:$0x3FAE] =	sst s8  }
0x11: {  	[smem:$0x3FAF] =	sst s9;
	s0 =	simm.s32 @!p0 $0x0  }
0x12: {  	s1 =	sld [smem:$0x3F95];
	s0 =	simm.s32 @p0 $0x1  }
0x13: {  	[smem:$0x3FB0] =	sst s0;
	s0 =	simm.s32 @!p1 $0x0  }
0x14: {  	s2 =	sld [smem:$0x3F94];
	s0 =	simm.s32 @p1 $0x1  }
0x15: {  	[smem:$0x3FB1] =	sst s0;
	s0 =	simm.s32 @!p2 $0x0  }
0x16: {  	s3 =	sld [smem:$0x3FDB];
	s0 =	simm.s32 @p2 $0x1  }
0x17: {  	s4 =	simm.s32 $0x1BF5;
	[smem:$0x3FB3] =	sst s0  }
0x18: {  	s0 =	sld [smem:$0x3F96];
	_ =	swait.ge [sflag:s4], $0x0  }
0x19: {  	s7 =	sld [smem:$0x3F97]  }
0x1a: {  	s8 =	sadd.s32 $0xFFFFE003, lr  }
0x1b: {  	s9 =	sadd.s32 $0xFFFFFEF7, lr;
	s5 =	simm.s32 $0xFFFFFFFF;
	p2 =	slt.u32 s8, $0xFFFFF086  }
0x1c: {  	p1 =	slt.u32 s9, $0xF7A;
	s5 =	simm.s32 @!p2 $0x0  }
0x1d: {  	s5 =	simm.s32 @p1 $0x1;
	p0 =	seq.s32 s7, s2  }
0x1e: {  	s7 =	smul.u32 @!p0 $0xF7A, s2;
	p2 =	seq.s32 @!p0 s5, $0x0  }
0x1f: {  	s9 =	smul.u32 $0xF7A, s1;
	s8 =	simm.s32 @!p0 $0x1BF5;
	p2 =	por !p2, p0  }
0x20: {  	[sflag:s8] =	ssyncset.s32 @!p0 $0xFFFFF086;
	s6 =	sadd.s32 @!p0 s3, s7;
	s7 =	simm.s32 @!p0 $0x108  }
0x21: {  	s3 =	sadd.s32 s3, s9;
	s6 =	sadd.s32 @!p0 $0x88, s6;
	s7 =	simm.s32 @p2 $0x1082  }
0x22: {  	[simem:s7], [sflag:s8] =	dma.local @!p0 [hbm:s6], $0xF7A  }
0x23: {  	s9 =	sor.u32 $0xD0000000, s2;
	s6 =	simm.s32 $0x108;
	_ =	swait.ge @!p0 [sflag:s8], $0x0  }
0x24: {  	s3 =	sadd.s32 $0x88, s3;
	s6 =	simm.s32 @!p1 $0x1082;
	[sflag:s4] =	ssyncset.s32 $0xFFFFF086  }
0x25: {  	[simem:s6], [sflag:s4] =	dma.local [hbm:s3], $0xF7A  }
0x26: {  	[smem:$0x3F97] =	sst s1;
	(tag) =	ssettag s2;
	_ =	strace s9  }
0x27: {  	s1 =	sld [smem:$0x3FA7]  }
0x28: {  	s2 =	sld [smem:$0x3FA8]  }
0x29: {  	s4 =	sld [smem:$0x3FAA]  }
0x2a: {  	p0 =	seq.s32 s5, $0x0;
	s5 =	sld [smem:$0x3FAB]  }
0x2b: {  	s6 =	sld [smem:$0x3FAC]  }
0x2c: {  	s7 =	sld [smem:$0x3FAD]  }
0x2d: {  	s3 =	simm.s32 $0x108;
	s8 =	sld [smem:$0x3FAE]  }
0x2e: {  	s3 =	simm.s32 @!p0 $0x1082;
	s9 =	sld [smem:$0x3FAF]  }
0x2f: {  	lr =	sadd.s32 s0, s3;
	s0 =	sld [smem:$0x3FA6]  }
0x30: {  	s3 =	sld [smem:$0x3FA9]  }
0x31: {  	[smem:$0x3FB2] =	sst s10  }
0x32: {  	s10 =	sld [smem:$0x3FB0];
	_ =	sdelay $0x3  }
0x33: {  	p0 =	seq.s32 s10, $0x1;
	s10 =	sld [smem:$0x3FB2];
	_ =	sdelay $0x3  }
0x34: {  	[smem:$0x3FB2] =	sst s10  }
0x35: {  	s10 =	sld [smem:$0x3FB1];
	_ =	sdelay $0x3  }
0x36: {  	p1 =	seq.s32 s10, $0x1;
	s10 =	sld [smem:$0x3FB2];
	_ =	sdelay $0x3  }
0x37: {  	[smem:$0x3FB2] =	sst s10  }
0x38: {  	s10 =	sld [smem:$0x3FB3]  }
0x39: {  	_ = 	snop;
	(pc) =	sbr.ind lr, $3  }
0x3a: {  	_ = 	snop  }
0x3b: {  	_ = 	snop  }
0x3c: {  	p2 =	seq.s32 s10, $0x1;
	s10 =	sld [smem:$0x3FB2]  }
0x3d: {  	_ =	shalt  }
0x3e: {  	_ =	shalt  }
0x3f: {  	_ =	shalt  }
0x40: {  	_ =	shalt  }
0x41: {  	_ =	shalt  }
0x42: {  	_ =	shalt  }
0x43: {  	_ =	shalt  }
0x44: {  	_ =	shalt  }
0x45: {  	_ =	shalt  }
0x46: {  	_ =	shalt  }
0x47: {  	_ =	shalt  }
0x48: {  	_ =	shalt  }
0x49: {  	_ =	shalt  }
0x4a: {  	_ =	shalt  }
0x4b: {  	_ =	shalt  }
0x4c: {  	_ =	shalt  }
0x4d: {  	_ =	shalt  }
0x4e: {  	_ =	shalt  }
0x4f: {  	_ =	shalt  }
0x50: {  	_ =	shalt  }
0x51: {  	_ =	shalt  }
0x52: {  	_ =	shalt  }
0x53: {  	_ =	shalt  }
0x54: {  	_ =	shalt  }
0x55: {  	_ =	shalt  }
0x56: {  	_ =	shalt  }
0x57: {  	_ =	shalt  }
0x58: {  	_ =	shalt  }
0x59: {  	_ =	shalt  }
0x5a: {  	_ =	shalt  }
0x5b: {  	_ =	shalt  }
0x5c: {  	_ =	shalt  }
0x5d: {  	_ =	shalt  }
0x5e: {  	_ =	shalt  }
0x5f: {  	_ =	shalt  }
0x60: {  	_ =	shalt  }
0x61: {  	_ =	shalt  }
0x62: {  	_ =	shalt  }
0x63: {  	_ =	shalt  }
0x64: {  	_ =	shalt  }
0x65: {  	_ =	shalt  }
0x66: {  	_ =	shalt  }
0x67: {  	_ =	shalt  }
0x68: {  	_ =	shalt  }
0x69: {  	_ =	shalt  }
0x6a: {  	_ =	shalt  }
0x6b: {  	_ =	shalt  }
0x6c: {  	_ =	shalt  }
0x6d: {  	_ =	shalt  }
0x6e: {  	_ =	shalt  }
0x6f: {  	_ =	shalt  }
0x70: {  	_ =	shalt  }
0x71: {  	_ =	shalt  }
0x72: {  	_ =	shalt  }
0x73: {  	_ =	shalt  }
0x74: {  	_ =	shalt  }
0x75: {  	_ =	shalt  }
0x76: {  	_ =	shalt  }
0x77: {  	_ =	shalt  }
0x78: {  	_ =	shalt  }
0x79: {  	_ =	shalt  }
0x7a: {  	_ =	shalt  }
0x7b: {  	_ =	shalt  }
0x7c: {  	_ =	shalt  }
0x7d: {  	_ =	shalt  }
0x7e: {  	_ =	shalt  }
0x7f: {  	_ =	shalt  }
0x80: {  	_ =	shalt  }
0x81: {  	_ =	shalt  }
0x82: {  	_ =	shalt  }
0x83: {  	_ =	shalt  }
0x84: {  	_ =	shalt  }
0x85: {  	_ =	shalt  }
0x86: {  	_ =	shalt  }
0x87: {  	_ =	shalt  }
.Lfunc_end0:
.L_simem_size_0:
called_computation_lowered:
.L_overlay_start_0:
0x88: {  	s2 =	sld [smem:$0x3FD9]  }
0x89: {  	s3 =	sld [smem:$0x3FFE];
	_ =	sdelay $0x1  }
0x8a: {  	s1 =	srdreg.scid  }
0x8b: {  	s0 =	sand.u32 $0x1, s1  }
0x8c: {  	s16 =	sshll.u32 s0, $0xA;
	s2 =	sadd.s32 s3, s2  }
0x8d: {  	s2 =	sadd.s32 s2, s16  }
0x8e: {  	[smem:$0x3FBE] =	sst s2  }
0x8f: {  	_ = 	snop  }
0x90: {  	(tm) =	ssettm $0x1  }
0x91: {  	s17 =	sld [smem:$0x3FFB];
	_ =	sdelay $0x3  }
0x92: {  	_ =	strace s17  }
0x93: {  	s2 =	sld [smem:$0x3FFC];
	_ =	sdelay $0x3  }
0x94: {  	_ =	strace s2  }
0x95: {  	s2 =	sld [smem:$0x3FFD];
	_ =	sdelay $0x3  }
0x96: {  	_ =	strace s2  }
0x97: {  	_ =	strace $0x8FFFFFFF  }
0x98: {  	s18 =	sld [smem:$0x3FDB];
	_ =	sdelay $0x1  }
0x99: {  	s19 =	simm.s32 $_scs_section_size  }
0x9a: {  	s4 =	simm.s32 $_size__tile_overlayer_lowered;
	s5 =	simm.s32 $_tile_overlayer_lowered  }
0x9b: {  	s22 =	simm.s32 $0x1BFF;
	s21 =	sshll.u32 s5, $0x1;
	s2 =	sadd.s32 s19, s18  }
0x9c: {  	s6 =	simm.s32 $0x0;
	s20 =	sshll.u32 s4, $0x1;
	s4 =	sadd.s32 s21, s2  }
0x9d: {  	[timem:s6], [sflag:s22] =	dma.local [hbm:s4], s20  }
0x9e: {  	_ =	swait.ge [sflag:s22], s20  }
0x9f: {  	s3 =	ssub.s32 $0x0, s20;
	[sflag:s22] =	ssyncset.done $0x0  }
0xa0: {  	[sflag:s22] =	ssyncadd.s32 s3;
	_ =	sdelay $0x1  }
0xa1: {  	s23 =	simm.s32 $0x1B8B  }
0xa2: {  	_ =	swait.ge [sflag:s23], $0x1  }
0xa3: {  	[sflag:s23] =	ssyncset.done $0x0  }
0xa4: {  	s25 =	simm.s32 $0x1B8E;
	s24 =	sld [smem:$0x3FFE];
	[sflag:s23] =	ssyncadd.s32 $0xFFFFFFFF  }
0xa5: {  	s26 =	simm.s32 $execute0_lowered;
	[smem:$0x3FD2] =	sst s25  }
0xa6: {  	s4 =	sshll.u32 s26, $0x1;
	_ =	strace $0x80000046;
	[dreg:$0x1] =	wrdreg $0xFFFFFFFF  }
0xa7: {  	s28 =	simm.s32 $_size_execute0_lowered;
	s2 =	sadd.s32 s2, s4;
	[dreg:$0x0] =	wrdreg $0x0  }
0xa8: {  	s4 =	sshll.u32 s28, $0x1;
	[dreg:$0x2] =	wrdreg s2  }
0xa9: {  	[dreg:$0x3] =	wrdreg s4  }
0xaa: {  	[dreg:$0x4] =	wrdreg $0xC0  }
0xab: {  	_ =	task [dreg:s6], $0x5FFFF  }
0xac: {  	[dreg:$0x1] =	wrdreg $0xFFFFFFFF  }
0xad: {  	[dreg:$0x0] =	wrdreg $0x60  }
0xae: {  	[dreg:$0x2] =	wrdreg s24  }
0xaf: {  	[dreg:$0x3] =	wrdreg $0x0  }
0xb0: {  	[dreg:$0x4] =	wrdreg $0x9  }
0xb1: {  	_ =	task.clear_ibuf [dreg:s6], $0x5FFFF;
	_ =	strace $0x90000046  }
0xb2: {  	s29 =	simm.s32 $0x9;
	_ =	strace $0x80000048  }
0xb3: {  	_ =	swait.ge [sflag:s29], $0x1  }
0xb4: {  	[sflag:s29] =	ssyncadd.s32 $0xFFFFFFFF  }
0xb5: {  	_ =	strace $0x90000048  }
0xb6: {  	_ =	sfence  }
0xb7: {  	s30 =	sld [smem:$0x0];
	_ =	sdelay $0x2  }
0xb8: {  	s31 =	sshll.u32 s1, $0xD;
	s1 =	sshrl.u32 s1, $0x2  }
0xb9: {  	s3 =	sand.u32 $0x4000, s31;
	s1 =	sadd.s32 s1, s30  }
0xba: {  	s0 =	sor.u32 s3, s0;
	s1 =	sshll.u32 s1, $0x11  }
0xbb: {  	s0 =	sor.u32 s1, s0  }
0xbc: {  	s0 =	sadd.s32 $0x8F2B, s0  }
0xbd: {  	[sflag:s0] =	ssyncadd.remote.s32 $0x1  }
0xbe: {  	_ =	sfence.sel $0xFFFF  }
0xbf: {  	[dreg:$0x0] =	wrdreg $0xFFFFFFFF;
	(pc) =	sbr.abs _section_cstart, $3  }
0xc0: {  	[dreg:$0x1] =	wrdreg $0xFFFFFFFF  }
0xc1: {  	_ =	task.clear_ibuf [dreg:s6], $0x2FFFF;
	_ =	strace $0x9FFFFFFF  }
0xc2: {  	(tm) =	ssettm $0x7FFFFFFF  }
0xc3: {  	_ =	shalt  }
tec
execute0_lowered:
.L_overlay_start_1:
0x0: {  	(tag) =	ssettag $0x1  }
0x1: {  	s0 =	srdreg.scid;
	s6 =	rddreg [dreg:$0x0]  }
0x2: {  	s2 =	rddreg [dreg:$0x1];
	s1 =	stileid.u32;
	s3 =	simm.s32 $0x0  }
0x3: {  	s7 =	sand.u32 $0x1, s0;
	s0 =	rddreg [dreg:$0x2];
	s10 =	smul.u32 $0x280, s1  }
0x4: {  	[smem:$0x7FF] =	sst s3;
	s11 =	smul.u32 $0x50000, s1  }
0x5: {  	s5 =	sadd.s32 $0x9600, s6;
	s18 =	smul.u32 $0x2800, s1;
	s4 =	sshll.u32 s7, $0x4  }
0x6: {  	_ =	strace $0x80000047;
	s8 =	smul.u32 $0x28000, s7;
	s7 =	ssub.s32 $0x2, s7  }
0x7: {  	s4 =	sor.u32 s1, s4;
	s25 =	sshrl.u32 s7, $0x1;
	s13 =	sadd.s32 $0x80, s10  }
0x8: {  	s26 =	sshrl.u32 s11, $0x2;
	s15 =	sadd.s32 $0x100, s10;
	s16 =	sadd.s32 $0x180, s10  }
0x9: {  	s17 =	sadd.s32 $0x200, s10;
	s4 =	smul.u32 $0x280, s4;
	s12 =	sadd.s32 s8, s6  }
0xa: {  	s14 =	ssub.s32 s7, s25;
	s28 =	sshll.u32 s13, $0x7;
	s7 =	sadd.s32 s26, s2  }
0xb: {  	s29 =	sshll.u32 s15, $0x7;
	s30 =	sshll.u32 s16, $0x7;
	s31 =	sshll.u32 s17, $0x7  }
0xc: {  	s19 =	sshll.u32 s13, $0x4;
	s20 =	sshll.u32 s15, $0x4;
	s21 =	sshll.u32 s16, $0x4  }
0xd: {  	s23 =	sshll.u32 s17, $0x4;
	s13 =	simm.s32 $0x14000;
	s15 =	simm.s32 $0x15400  }
0xe: {  	s16 =	simm.s32 $0x19400;
	s17 =	simm.s32 $0x80;
	s8 =	sadd.s32 s28, s2  }
0xf: {  	s10 =	sadd.s32 s30, s2;
	s11 =	sadd.s32 s31, s2;
	s22 =	sadd.s32 $0xA600, s12  }
0x10: {  	s12 =	smax.u32 s14, $0x1;
	s14 =	simm.s32 $0x1;
	s9 =	sadd.s32 s4, s6  }
0x11: {  	s4 =	sadd.s32 $0x9E00, s6;
	s18 =	sadd.s32 s18, s22;
	s19 =	sadd.s32 s19, s22  }
0x12: {  	s20 =	sadd.s32 s20, s22;
	s21 =	sadd.s32 s21, s22;
	s22 =	sadd.s32 s23, s22  }
0x13: {  	s23 =	simm.s32 $0x0;
	s6 =	sadd.s32 $0x4600, s9;
	s9 =	sadd.s32 s29, s2  }
.LBB2_1:
0x14: {  	[tilespmem:s13], [sflag:$0x1] =	stream.linear.gather [hbm4b:s6+s3], $0x1400, $0x38;
	[tilespmem:$0x1D400] =	vst v63  }
0x15: {  	_ =	swait.ge [sflag:s14], $0x1400  }
0x16: {  	[sflag:s14] =	ssyncset.done $0x0  }
0x17: {  	[sflag:s14] =	ssyncadd.s32 $0xFFFFEC00  }
0x18: {  	[tilespmem:s15], [sflag:$0x1] =	stream.linear.gather [hbm4b:s4+s3], $0x4000, $0x38;
	[tilespmem:$0x1D400] =	vst v63  }
0x19: {  	_ =	swait.ge [sflag:s14], $0x4000  }
0x1a: {  	[sflag:s14] =	ssyncset.done $0x0  }
0x1b: {  	[sflag:s14] =	ssyncadd.s32 $0xFFFFC000  }
0x1c: {  	[tilespmem:s16], [sflag:$0x1] =	stream.linear.gather [hbm4b:s5+s3], $0x4000, $0x38;
	[tilespmem:$0x1D400] =	vst v63  }
0x1d: {  	_ =	swait.ge [sflag:s14], $0x4000  }
0x1e: {  	[sflag:s14] =	ssyncset.done $0x0  }
0x1f: {  	[sflag:s14] =	ssyncadd.s32 $0xFFFFC000  }
0x20: {  	[spmem:s7] =	stream.linear.scatter [tilespmem:s16], [sflag:$0x1], $0x4000, $0x38;
	[tilespmem:$0x1D400] =	vst v63  }
0x21: {  	_ =	swait.ge [sflag:s14], $0x4000  }
0x22: {  	[sflag:s14] =	ssyncset.done $0x0  }
0x23: {  	[sflag:s14] =	ssyncadd.s32 $0xFFFFC000  }
0x24: {  	[spmem:s8] =	stream.linear.scatter [tilespmem:s16], [sflag:$0x1], $0x4000, $0x38;
	[tilespmem:$0x1D400] =	vst v63  }
0x25: {  	_ =	swait.ge [sflag:s14], $0x4000  }
0x26: {  	[sflag:s14] =	ssyncset.done $0x0  }
0x27: {  	[sflag:s14] =	ssyncadd.s32 $0xFFFFC000  }
0x28: {  	[spmem:s9] =	stream.linear.scatter [tilespmem:s16], [sflag:$0x1], $0x4000, $0x38;
	[tilespmem:$0x1D400] =	vst v63  }
0x29: {  	_ =	swait.ge [sflag:s14], $0x4000  }
0x2a: {  	[sflag:s14] =	ssyncset.done $0x0  }
0x2b: {  	[sflag:s14] =	ssyncadd.s32 $0xFFFFC000  }
0x2c: {  	[spmem:s10] =	stream.linear.scatter [tilespmem:s16], [sflag:$0x1], $0x4000, $0x38;
	[tilespmem:$0x1D400] =	vst v63  }
0x2d: {  	_ =	swait.ge [sflag:s14], $0x4000  }
0x2e: {  	[sflag:s14] =	ssyncset.done $0x0  }
0x2f: {  	[sflag:s14] =	ssyncadd.s32 $0xFFFFC000  }
0x30: {  	[spmem:s11] =	stream.linear.scatter [tilespmem:s16], [sflag:$0x1], $0x4000, $0x38;
	[tilespmem:$0x1D400] =	vst v63  }
0x31: {  	_ =	swait.ge [sflag:s14], $0x4000  }
0x32: {  	[sflag:s14] =	ssyncset.done $0x0  }
0x33: {  	[sflag:s14] =	ssyncadd.s32 $0xFFFFC000  }
0x34: {  	s24 =	simm.s32 $0x14000;
	[bflag:$0x0] =	sbarrier.arrive $0xFFFF  }
0x35: {  	[spmem:s2] =	stream.indirect.scatter.add.f32 [tilespmem:s15], [sflag:$0x1], $0x80, s24, s17, $0xb8;
	[tilespmem:$0x1D400] =	vst v63  }
0x36: {  	s24 =	simm.s32 $0x200;
	_ =	swait.ge [sflag:s14], $0x4000  }
.LBB2_2:
0x37: {  	s25 =	sshra.s32 s24, $0x2;
	[sflag:s14] =	ssyncset.done $0x0;
	p0 =	sne.s32 s24, $0x4E00  }
.Ltmp0:
0x38: {  	s25 =	sadd.s32 $0x14000, s25;
	[sflag:s14] =	ssyncadd.s32 $0xFFFFC000;
	(pc) =	sbr.rel @p0 .LBB2_2-.Ltmp0, $3  }
0x39: {  	[spmem:s2] =	stream.indirect.scatter.add.f32 [tilespmem:s15], [sflag:$0x1], $0x80, s25, s17, $0xb8;
	[tilespmem:$0x1D400] =	vst v63  }
0x3a: {  	s24 =	sadd.s32 $0x200, s24;
	_ =	sdelay $0x1  }
0x3b: {  	_ =	swait.ge [sflag:s14], $0x4000  }
0x3c: {  	[sflag:s14] =	ssyncset.done $0x0  }
0x3d: {  	[sflag:s14] =	ssyncadd.s32 $0xFFFFC000  }
0x3e: {  	[bflag:$0x0] =	sbarrier.arrive $0xFFFF  }
0x3f: {  	[tilespmem:s16], [sflag:$0x1] =	stream.linear.gather [spmem:s7], $0x4000, $0x38;
	[tilespmem:$0x1D400] =	vst v63  }
0x40: {  	_ =	swait.ge [sflag:s14], $0x4000  }
0x41: {  	[sflag:s14] =	ssyncset.done $0x0  }
0x42: {  	[sflag:s14] =	ssyncadd.s32 $0xFFFFC000  }
0x43: {  	[hbm4b:s18+s3] =	stream.linear.scatter [tilespmem:s16], [sflag:$0x1], $0x4000, $0x38;
	[tilespmem:$0x1D400] =	vst v63  }
0x44: {  	_ =	swait.ge [sflag:s14], $0x4000  }
0x45: {  	[sflag:s14] =	ssyncset.done $0x0  }
0x46: {  	[sflag:s14] =	ssyncadd.s32 $0xFFFFC000  }
0x47: {  	[tilespmem:s16], [sflag:$0x1] =	stream.linear.gather [spmem:s8], $0x4000, $0x38;
	[tilespmem:$0x1D400] =	vst v63  }
0x48: {  	_ =	swait.ge [sflag:s14], $0x4000  }
0x49: {  	[sflag:s14] =	ssyncset.done $0x0  }
0x4a: {  	[sflag:s14] =	ssyncadd.s32 $0xFFFFC000  }
0x4b: {  	[hbm4b:s19+s3] =	stream.linear.scatter [tilespmem:s16], [sflag:$0x1], $0x4000, $0x38;
	[tilespmem:$0x1D400] =	vst v63  }
0x4c: {  	_ =	swait.ge [sflag:s14], $0x4000  }
0x4d: {  	[sflag:s14] =	ssyncset.done $0x0  }
0x4e: {  	[sflag:s14] =	ssyncadd.s32 $0xFFFFC000  }
0x4f: {  	[tilespmem:s16], [sflag:$0x1] =	stream.linear.gather [spmem:s9], $0x4000, $0x38;
	[tilespmem:$0x1D400] =	vst v63  }
0x50: {  	_ =	swait.ge [sflag:s14], $0x4000  }
0x51: {  	[sflag:s14] =	ssyncset.done $0x0  }
0x52: {  	[sflag:s14] =	ssyncadd.s32 $0xFFFFC000  }
0x53: {  	[hbm4b:s20+s3] =	stream.linear.scatter [tilespmem:s16], [sflag:$0x1], $0x4000, $0x38;
	[tilespmem:$0x1D400] =	vst v63  }
0x54: {  	_ =	swait.ge [sflag:s14], $0x4000  }
0x55: {  	[sflag:s14] =	ssyncset.done $0x0  }
0x56: {  	[sflag:s14] =	ssyncadd.s32 $0xFFFFC000  }
0x57: {  	[tilespmem:s16], [sflag:$0x1] =	stream.linear.gather [spmem:s10], $0x4000, $0x38;
	[tilespmem:$0x1D400] =	vst v63  }
0x58: {  	_ =	swait.ge [sflag:s14], $0x4000  }
0x59: {  	[sflag:s14] =	ssyncset.done $0x0  }
0x5a: {  	[sflag:s14] =	ssyncadd.s32 $0xFFFFC000  }
0x5b: {  	[hbm4b:s21+s3] =	stream.linear.scatter [tilespmem:s16], [sflag:$0x1], $0x4000, $0x38;
	[tilespmem:$0x1D400] =	vst v63  }
0x5c: {  	_ =	swait.ge [sflag:s14], $0x4000  }
0x5d: {  	[sflag:s14] =	ssyncset.done $0x0  }
0x5e: {  	[sflag:s14] =	ssyncadd.s32 $0xFFFFC000  }
0x5f: {  	[tilespmem:s16], [sflag:$0x1] =	stream.linear.gather [spmem:s11], $0x4000, $0x38;
	[tilespmem:$0x1D400] =	vst v63  }
0x60: {  	s23 =	sadd.s32 $0x1, s23;
	_ =	swait.ge [sflag:s14], $0x4000  }
0x61: {  	p0 =	sne.s32 s23, s12;
	[sflag:s14] =	ssyncset.done $0x0  }
.Ltmp1:
0x62: {  	[sflag:s14] =	ssyncadd.s32 $0xFFFFC000;
	(pc) =	sbr.rel @p0 .LBB2_1-.Ltmp1, $4  }
0x63: {  	[hbm4b:s22+s3] =	stream.linear.scatter [tilespmem:s16], [sflag:$0x1], $0x4000, $0x38;
	[tilespmem:$0x1D400] =	vst v63  }
0x64: {  	_ =	swait.ge [sflag:s14], $0x4000  }
0x65: {  	[sflag:s14] =	ssyncset.done $0x0  }
0x66: {  	[sflag:s14] =	ssyncadd.s32 $0xFFFFC000  }
0x67: {  	_ =	sfence.sel $0x180000  }
0x68: {  	[bflag:$0x0] =	sbarrier.arrive $0xFFFF  }
0x69: {  	p0 =	sne.s32 s1, $0x0;
	_ =	strace $0x90000047  }
0x6a: {  	s0 =	sadd.s32 @!p0 $0x100000, s0;
	[bflag:$0x2] =	sbarrier.arrive $0xFFFF  }
0x6b: {  	[sflag:s0] =	ssyncadd.tile.s32 @!p0 $0x1;
	_ =	shalt  }
.Lfunc_end2:
_tile_overlayer_lowered:
.L_overlay_start_2:
0x6c: {  	(tag) =	ssettag $0x2  }
0x6d: {  	s0 =	rddreg [dreg:$0x0];
	s2 =	stileid.u32  }
0x6e: {  	s1 =	rddreg [dreg:$0x1];
	p0 =	sne.s32 s2, $0x0  }
0x6f: {  	s3 =	rddreg [dreg:$0x2];
	[bflag:$0x3] =	sbarrier.arrive $0xFFFF;
	s2 =	simm.s32 @!p0 $0x1C01  }
0x70: {  	[timem:s3], [sflag:s2] =	dma.local @!p0 [hbm:s0], s1  }
0x71: {  	s0 =	simm.s32 @!p0 $0x1  }
0x72: {  	_ =	swait.ge @!p0 [sflag:s0], s1  }
0x73: {  	s1 =	ssub.s32 @!p0 $0x0, s1;
	[sflag:s0] =	ssyncset.done @!p0 $0x0  }
0x74: {  	[sflag:s0] =	ssyncadd.s32 @!p0 s1  }
0x75: {  	[bflag:$0x3] =	sbarrier.arrive $0xFFFF  }
0x76: {  	_ =	shalt  }

</sc_bundles>
